<compile_context>
chip_gen: v7x
topology: tpu7x:2x2x1
jax: 0.10.2.dev20260603
libtpu: 0.0.44.dev20260713+nightly
codegen_flags: <defaults>
</compile_context>

<pallas_src>
import jax
import jax.numpy as jnp
from jax import lax
from jax.experimental import pallas as pl
from jax.experimental.pallas import tpu as pltpu
from jax.experimental.pallas import tpu_sc as plsc

N_NODES = 10000
D_FEAT = 128
HIDDEN = 16
FOLD = 8
NPAD = 10240
NF = NPAD // FOLD
NF_REAL = N_NODES // FOLD
N_TRASH = NPAD - N_NODES

NC = 2
NS = 16
CHUNK = 128
TOTAL_CHUNKS = 2500
NBUF = 8
PREFETCH = 7
MAXG = 10
BIG_TILES = 24
MAXCH = MAXG * NBUF
LEFT0 = (BIG_TILES * MAXG + (NC * NS - BIG_TILES) * (MAXG - 1)) * NBUF
NLEFT = TOTAL_CHUNKS - LEFT0
ROWS_PER_TILE = NPAD // NS

_MESH = plsc.VectorSubcoreMesh(
    core_axis_name="c", subcore_axis_name="s", num_cores=NC, num_subcores=NS
)


def _segsum_body(tab_hbm, zeros_hbm, edges_hbm, out_hbm,
                 sidx, didx, rows, acc, gsems, ssems):
    c = lax.axis_index("c")
    s = lax.axis_index("s")
    wid = c * NS + s
    r0 = s * ROWS_PER_TILE

    @pl.when(c == 0)
    def _():
        pltpu.sync_copy(tab_hbm.at[pl.ds(r0, ROWS_PER_TILE)],
                        acc.at[pl.ds(r0, ROWS_PER_TILE)])

    @pl.when(c == 1)
    def _():
        pltpu.sync_copy(zeros_hbm.at[pl.ds(r0, ROWS_PER_TILE)],
                        acc.at[pl.ds(r0, ROWS_PER_TILE)])

    base = NBUF * ((MAXG - 1) * wid + jnp.minimum(wid, BIG_TILES))
    nch = NBUF * ((MAXG - 1) + jnp.where(wid < BIG_TILES, 1, 0))

    @pl.when(wid < BIG_TILES)
    def _():
        pltpu.sync_copy(edges_hbm.at[0, pl.ds(base, MAXCH)], sidx)
        pltpu.sync_copy(edges_hbm.at[1, pl.ds(base, MAXCH)], didx)

    @pl.when(wid >= BIG_TILES)
    def _():
        pltpu.sync_copy(edges_hbm.at[0, pl.ds(base, MAXCH - NBUF)],
                        sidx.at[pl.ds(0, MAXCH - NBUF)])
        pltpu.sync_copy(edges_hbm.at[1, pl.ds(base, MAXCH - NBUF)],
                        didx.at[pl.ds(0, MAXCH - NBUF)])

    @pl.when(wid == NC * NS - 1)
    def _():
        pltpu.sync_copy(edges_hbm.at[0, pl.ds(LEFT0, NLEFT)],
                        sidx.at[pl.ds(MAXCH - NBUF, NLEFT)])
        pltpu.sync_copy(edges_hbm.at[1, pl.ds(LEFT0, NLEFT)],
                        didx.at[pl.ds(MAXCH - NBUF, NLEFT)])

    plsc.subcore_barrier()

    @pl.when(wid == NC * NS - 1)
    def _():
        for k in range(NLEFT):
            pltpu.async_copy(tab_hbm.at[sidx.at[MAXCH - NBUF + k]],
                             rows[0], gsems[0]).wait()
            pltpu.sync_copy(rows[0], acc.at[didx.at[MAXCH - NBUF + k]],
                            add=True)

    for b in range(PREFETCH):
        pltpu.async_copy(tab_hbm.at[sidx.at[b]], rows[b], gsems[b])

    def step(i, carry):
        for b in range(NBUF):
            j = i * NBUF + b
            pltpu.make_async_copy(tab_hbm.at[sidx.at[j]], rows[b],
                                  gsems[b]).wait()
            pltpu.async_copy(rows[b], acc.at[didx.at[j]], ssems[b], add=True)

            bn = (b + PREFETCH) % NBUF

            @pl.when(j >= NBUF - PREFETCH)
            def _():
                pltpu.make_async_copy(rows[bn], acc.at[didx.at[0]],
                                      ssems[bn]).wait()

            @pl.when(j + PREFETCH < nch)
            def _():
                pltpu.async_copy(tab_hbm.at[sidx.at[j + PREFETCH]], rows[bn],
                                 gsems[bn])
        return carry

    lax.fori_loop(0, nch // NBUF, step, 0)

    for b in range(PREFETCH, NBUF):
        pltpu.make_async_copy(rows[b], acc.at[didx.at[0]], ssems[b]).wait()

    plsc.subcore_barrier()
    pltpu.sync_copy(acc.at[pl.ds(r0, ROWS_PER_TILE)],
                    out_hbm.at[c, pl.ds(r0, ROWS_PER_TILE)])


_segsum = pl.kernel(
    _segsum_body,
    out_type=jax.ShapeDtypeStruct((NC, NPAD, HIDDEN), jnp.float32),
    mesh=_MESH,
    scratch_types=[
        pltpu.VMEM((MAXCH, CHUNK), jnp.int32),
        pltpu.VMEM((MAXCH, CHUNK), jnp.int32),
        tuple(pltpu.VMEM((CHUNK, HIDDEN), jnp.float32)
              for _ in range(NBUF)),
        pltpu.VMEM_SHARED((NPAD, HIDDEN), jnp.float32),
        tuple(pltpu.SemaphoreType.DMA for _ in range(NBUF)),
        tuple(pltpu.SemaphoreType.DMA for _ in range(NBUF)),
    ],
    compiler_params=pltpu.CompilerParams(use_tc_tiling_on_sc=False),
)


def _fold16(v128):
    out = v128[0:16]
    for i in range(1, FOLD):
        out = out + v128[16 * i:16 * (i + 1)]
    return out


def _proj_body(x_ref, w_ref, o_ref):
    o_ref[pl.ds(0, N_NODES), :] = jnp.dot(
        x_ref[...], w_ref[...], preferred_element_type=jnp.float32)
    o_ref[pl.ds(N_NODES, NPAD - N_NODES), :] = jnp.zeros(
        (NPAD - N_NODES, HIDDEN), jnp.float32)


def _mid_body(agg_ref, b1a_ref, w1bbd_ref, b1b_ref, gamma_ref,
              beta_ref, w2bd_ref, o_ref):
    pre = agg_ref[0] + agg_ref[1] + b1a_ref[...]
    a = jnp.maximum(pre, 0.0)
    h = jnp.dot(a, w1bbd_ref[...], preferred_element_type=jnp.float32) \
        + b1b_ref[...]
    v = (jnp.dot(jnp.maximum(b1a_ref[...], 0.0), w1bbd_ref[...],
                 preferred_element_type=jnp.float32) + b1b_ref[...])[0]
    s16 = _fold16(jnp.sum(h, axis=0))
    q16 = _fold16(jnp.sum(h * h, axis=0))
    v16 = v[0:16]
    mean16 = (s16 - N_TRASH * v16) / N_NODES
    var16 = (q16 - N_TRASH * v16 * v16) / N_NODES - mean16 * mean16
    mean = jnp.concatenate([mean16] * FOLD)
    rstd = jnp.concatenate([lax.rsqrt(var16 + 1e-5)] * FOLD)
    hn = (h - mean) * rstd * gamma_ref[...] + beta_ref[...]
    hn = jnp.maximum(hn, 0.0)
    o_ref[...] = jnp.dot(hn, w2bd_ref[...],
                         preferred_element_type=jnp.float32)


def _post_body(agg_ref, b2_ref, o_ref):
    tf = agg_ref[0] + agg_ref[1] + b2_ref[...]
    outs = []
    for i in range(FOLD):
        t = tf[:, 16 * i:16 * (i + 1)]
        m = jnp.max(t, axis=1, keepdims=True)
        lse = jnp.log(jnp.sum(jnp.exp(t - m), axis=1, keepdims=True))
        outs.append(t - m - lse)
    o_ref[...] = jnp.concatenate(outs, axis=1)


def kernel(x, edge_index, W1a, b1a, W1b, b1b, gamma, beta, W2, b2):
    edges3 = edge_index.astype(jnp.int32).reshape(2, TOTAL_CHUNKS, CHUNK)
    zeros_tab = jnp.zeros((NPAD, HIDDEN), jnp.float32)
    eye8 = jnp.eye(FOLD, dtype=jnp.float32)
    w1b_bd = jnp.kron(eye8, W1b)
    w2_bd = jnp.kron(eye8, W2)
    b1a8 = jnp.tile(b1a, FOLD).reshape(1, FOLD * HIDDEN)
    b1b8 = jnp.tile(b1b, FOLD).reshape(1, FOLD * HIDDEN)
    gamma8 = jnp.tile(gamma, FOLD).reshape(1, FOLD * HIDDEN)
    beta8 = jnp.tile(beta, FOLD).reshape(1, FOLD * HIDDEN)
    b28 = jnp.tile(b2, FOLD).reshape(1, FOLD * HIDDEN)

    y0t = pl.pallas_call(
        _proj_body,
        out_shape=jax.ShapeDtypeStruct((NPAD, HIDDEN), jnp.float32),
    )(x, W1a)

    agg1 = _segsum(y0t, zeros_tab, edges3)

    z0f = pl.pallas_call(
        _mid_body,
        out_shape=jax.ShapeDtypeStruct((NF, FOLD * HIDDEN), jnp.float32),
    )(agg1.reshape(2, NF, FOLD * HIDDEN), b1a8, w1b_bd, b1b8, gamma8,
      beta8, w2_bd)

    agg2 = _segsum(z0f.reshape(NPAD, HIDDEN), zeros_tab, edges3)

    outf = pl.pallas_call(
        _post_body,
        out_shape=jax.ShapeDtypeStruct((NF, FOLD * HIDDEN), jnp.float32),
    )(agg2.reshape(2, NF, FOLD * HIDDEN), b28)
    return outf.reshape(NPAD, HIDDEN)[:N_NODES]

# --- scband reference (transcript-rebuilt; emitter-appended) ---
"""Pipeline reference for scband-gin-63900523430529 (READ-ONLY COPY).

The authoritative reference and input builder live on the scoring server;
editing this copy changes nothing except your own understanding.
"""

import jax, jax.numpy as jnp
import numpy as np

N_NODES = 10000
N_EDGES = 320000
D_FEAT = 128
HIDDEN = 16
N_CLASSES = 16


def setup_inputs(seed: int = 0) -> dict:
    key = jax.random.key(seed)
    ks = jax.random.split(key, 12)
    x = jax.random.normal(ks[0], (N_NODES, D_FEAT), dtype=jnp.float32)
    edge_index = jax.random.randint(ks[1], (2, N_EDGES), 0, N_NODES, dtype=jnp.int64)
    # GINConv1 MLP: Linear(128->16), ReLU, Linear(16->16)
    W1a = jax.random.normal(ks[2], (D_FEAT, HIDDEN), dtype=jnp.float32) * (1.0 / np.sqrt(D_FEAT))
    b1a = jnp.zeros((HIDDEN,), dtype=jnp.float32)
    W1b = jax.random.normal(ks[3], (HIDDEN, HIDDEN), dtype=jnp.float32) * (1.0 / np.sqrt(HIDDEN))
    b1b = jnp.zeros((HIDDEN,), dtype=jnp.float32)
    # BatchNorm1d(16) affine params
    gamma = jnp.ones((HIDDEN,), dtype=jnp.float32)
    beta = jnp.zeros((HIDDEN,), dtype=jnp.float32)
    # GINConv2 MLP: Linear(16->num_classes)
    W2 = jax.random.normal(ks[4], (HIDDEN, N_CLASSES), dtype=jnp.float32) * (1.0 / np.sqrt(HIDDEN))
    b2 = jnp.zeros((N_CLASSES,), dtype=jnp.float32)
    return {"x": x, "edge_index": edge_index, "W1a": W1a, "b1a": b1a,
            "W1b": W1b, "b1b": b1b, "gamma": gamma, "beta": beta,
            "W2": W2, "b2": b2}


def _gin_aggregate(x, src, dst, num_nodes):
    # GINConv with eps=0: (1+eps)*x_i + sum_{j in N(i)} x_j
    msgs = jnp.take(x, src, axis=0)
    agg = jax.ops.segment_sum(msgs, dst, num_segments=num_nodes)
    return x + agg


def reference(x, edge_index, W1a, b1a, W1b, b1b, gamma, beta, W2, b2):
    n = x.shape[0]
    src = edge_index[0]
    dst = edge_index[1]
    # conv1: GINConv(Sequential(Linear, ReLU, Linear))
    h = _gin_aggregate(x, src, dst, n)
    h = jnp.maximum(h @ W1a + b1a, 0.0)
    h = h @ W1b + b1b
    # bn1 (training-mode batch statistics, eps=1e-5)
    mean = jnp.mean(h, axis=0, keepdims=True)
    var = jnp.var(h, axis=0, keepdims=True)
    h = (h - mean) / jnp.sqrt(var + 1e-5) * gamma + beta
    # relu (dropout treated as identity / eval)
    h = jnp.maximum(h, 0.0)
    # conv2: GINConv(Sequential(Linear))
    h = _gin_aggregate(h, src, dst, n)
    h = h @ W2 + b2
    return jax.nn.log_softmax(h, axis=1)

if __name__ == "__main__":
    import jax
    _d = setup_inputs()
    print(jax.jit(kernel)(*tuple(_d.values())))

</pallas_src>

<mosaic_0001>
#map = affine_map<(d0, d1) -> (0, 0)>
#map1 = affine_map<(d0, d1) -> (0, 0, 0)>
module attributes {stable_mosaic.version = 14 : i64} {
  func.func @_segsum_body(%arg0: i32, %arg1: i32, %arg2: memref<10240x16xf32, #tpu.memory_space<hbm>>, %arg3: memref<10240x16xf32, #tpu.memory_space<hbm>>, %arg4: memref<2x2500x128xi32, #tpu.memory_space<hbm>>, %arg5: memref<2x10240x16xf32, #tpu.memory_space<hbm>>, %arg6: memref<80x128xi32, #tpu.memory_space<vmem>>, %arg7: memref<80x128xi32, #tpu.memory_space<vmem>>, %arg8: memref<128x16xf32, #tpu.memory_space<vmem>>, %arg9: memref<128x16xf32, #tpu.memory_space<vmem>>, %arg10: memref<128x16xf32, #tpu.memory_space<vmem>>, %arg11: memref<128x16xf32, #tpu.memory_space<vmem>>, %arg12: memref<128x16xf32, #tpu.memory_space<vmem>>, %arg13: memref<128x16xf32, #tpu.memory_space<vmem>>, %arg14: memref<128x16xf32, #tpu.memory_space<vmem>>, %arg15: memref<128x16xf32, #tpu.memory_space<vmem>>, %arg16: memref<10240x16xf32, #tpu.memory_space<vmem_shared>>, %arg17: memref<!tpu.dma_semaphore, #tpu.memory_space<semaphore_mem>>, %arg18: memref<!tpu.dma_semaphore, #tpu.memory_space<semaphore_mem>>, %arg19: memref<!tpu.dma_semaphore, #tpu.memory_space<semaphore_mem>>, %arg20: memref<!tpu.dma_semaphore, #tpu.memory_space<semaphore_mem>>, %arg21: memref<!tpu.dma_semaphore, #tpu.memory_space<semaphore_mem>>, %arg22: memref<!tpu.dma_semaphore, #tpu.memory_space<semaphore_mem>>, %arg23: memref<!tpu.dma_semaphore, #tpu.memory_space<semaphore_mem>>, %arg24: memref<!tpu.dma_semaphore, #tpu.memory_space<semaphore_mem>>, %arg25: memref<!tpu.dma_semaphore, #tpu.memory_space<semaphore_mem>>, %arg26: memref<!tpu.dma_semaphore, #tpu.memory_space<semaphore_mem>>, %arg27: memref<!tpu.dma_semaphore, #tpu.memory_space<semaphore_mem>>, %arg28: memref<!tpu.dma_semaphore, #tpu.memory_space<semaphore_mem>>, %arg29: memref<!tpu.dma_semaphore, #tpu.memory_space<semaphore_mem>>, %arg30: memref<!tpu.dma_semaphore, #tpu.memory_space<semaphore_mem>>, %arg31: memref<!tpu.dma_semaphore, #tpu.memory_space<semaphore_mem>>, %arg32: memref<!tpu.dma_semaphore, #tpu.memory_space<semaphore_mem>>) attributes {dimension_semantics = [#tpu.dimension_semantics<core_parallel>, #tpu.dimension_semantics<subcore_parallel>], iteration_bounds = array<i64: 2, 16>, scalar_prefetch = 0 : i64, scratch_operands = 27 : i64, tpu.core_type = #tpu.core_type<sc_vector_subcore>, window_params = [{transform_indices = #map}, {transform_indices = #map}, {transform_indices = #map1}, {transform_indices = #map1}]} {
    %mul3A = arith.constant 16 : i32
    %mul3A_0 = arith.muli %arg0, %mul3A : i32
    %add3A = arith.addi %mul3A_0, %arg1 : i32
    %mul3A_1 = arith.constant 640 : i32
    %mul3A_2 = arith.muli %arg1, %mul3A_1 : i32
    %eq3A = arith.constant 0 : i32
    %eq3A_3 = arith.cmpi eq, %arg0, %eq3A : i32
    %convert_element_type3A = arith.extui %eq3A_3 : i1 to i32
    %cond3A = arith.constant 0 : i32
    %cond3A_4 = arith.cmpi ne, %convert_element_type3A, %cond3A : i32
    scf.if %cond3A_4 {
      "tpu.region"() ({
        %run_scoped3A = tpu.sem_alloc : memref<!tpu.dma_semaphore, #tpu.memory_space<semaphore_mem>>
        %dma_start3A_123 = arith.constant 0 : i32
        %dma_start3A_124 = tpu.memref_slice %arg16[%mul3A_2, %dma_start3A_123] : memref<10240x16xf32, #tpu.memory_space<vmem_shared>> -> memref<640x16xf32, #tpu.memory_space<vmem_shared>>
        %dma_start3A_125 = arith.constant 0 : i32
        %dma_start3A_126 = tpu.memref_slice %arg2[%mul3A_2, %dma_start3A_125] : memref<10240x16xf32, #tpu.memory_space<hbm>> -> memref<640x16xf32, #tpu.memory_space<hbm>>
        tpu.enqueue_dma source(%dma_start3A_126 : memref<640x16xf32, #tpu.memory_space<hbm>>) target(%dma_start3A_124 : memref<640x16xf32, #tpu.memory_space<vmem_shared>>) target_semaphore(%run_scoped3A : memref<!tpu.dma_semaphore, #tpu.memory_space<semaphore_mem>>)
        %dma_wait3A_127 = arith.constant 0 : i32
        %dma_wait3A_128 = tpu.memref_slice %arg16[%mul3A_2, %dma_wait3A_127] : memref<10240x16xf32, #tpu.memory_space<vmem_shared>> -> memref<640x16xf32, #tpu.memory_space<vmem_shared>>
        %dma_wait3A_129 = arith.constant 0 : i32
        %dma_wait3A_130 = tpu.memref_slice %arg2[%mul3A_2, %dma_wait3A_129] : memref<10240x16xf32, #tpu.memory_space<hbm>> -> memref<640x16xf32, #tpu.memory_space<hbm>>
        tpu.wait_dma2 semaphore(%run_scoped3A : memref<!tpu.dma_semaphore, #tpu.memory_space<semaphore_mem>>) src(%dma_wait3A_130 : memref<640x16xf32, #tpu.memory_space<hbm>>) dst(%dma_wait3A_128 : memref<640x16xf32, #tpu.memory_space<vmem_shared>>)
        tpu.yield
      }) : () -> ()
    } else {
    }
    %eq3A_5 = arith.constant 1 : i32
    %eq3A_6 = arith.cmpi eq, %arg0, %eq3A_5 : i32
    %convert_element_type3A_7 = arith.extui %eq3A_6 : i1 to i32
    %cond3A_8 = arith.constant 0 : i32
    %cond3A_9 = arith.cmpi ne, %convert_element_type3A_7, %cond3A_8 : i32
    scf.if %cond3A_9 {
      "tpu.region"() ({
        %run_scoped3A = tpu.sem_alloc : memref<!tpu.dma_semaphore, #tpu.memory_space<semaphore_mem>>
        %dma_start3A_123 = arith.constant 0 : i32
        %dma_start3A_124 = tpu.memref_slice %arg16[%mul3A_2, %dma_start3A_123] : memref<10240x16xf32, #tpu.memory_space<vmem_shared>> -> memref<640x16xf32, #tpu.memory_space<vmem_shared>>
        %dma_start3A_125 = arith.constant 0 : i32
        %dma_start3A_126 = tpu.memref_slice %arg3[%mul3A_2, %dma_start3A_125] : memref<10240x16xf32, #tpu.memory_space<hbm>> -> memref<640x16xf32, #tpu.memory_space<hbm>>
        tpu.enqueue_dma source(%dma_start3A_126 : memref<640x16xf32, #tpu.memory_space<hbm>>) target(%dma_start3A_124 : memref<640x16xf32, #tpu.memory_space<vmem_shared>>) target_semaphore(%run_scoped3A : memref<!tpu.dma_semaphore, #tpu.memory_space<semaphore_mem>>)
        %dma_wait3A_127 = arith.constant 0 : i32
        %dma_wait3A_128 = tpu.memref_slice %arg16[%mul3A_2, %dma_wait3A_127] : memref<10240x16xf32, #tpu.memory_space<vmem_shared>> -> memref<640x16xf32, #tpu.memory_space<vmem_shared>>
        %dma_wait3A_129 = arith.constant 0 : i32
        %dma_wait3A_130 = tpu.memref_slice %arg3[%mul3A_2, %dma_wait3A_129] : memref<10240x16xf32, #tpu.memory_space<hbm>> -> memref<640x16xf32, #tpu.memory_space<hbm>>
        tpu.wait_dma2 semaphore(%run_scoped3A : memref<!tpu.dma_semaphore, #tpu.memory_space<semaphore_mem>>) src(%dma_wait3A_130 : memref<640x16xf32, #tpu.memory_space<hbm>>) dst(%dma_wait3A_128 : memref<640x16xf32, #tpu.memory_space<vmem_shared>>)
        tpu.yield
      }) : () -> ()
    } else {
    }
    %mul3A_10 = arith.constant 9 : i32
    %mul3A_11 = arith.muli %mul3A_10, %add3A : i32
    %min3A = arith.constant 24 : i32
    %min3A_12 = arith.minsi %add3A, %min3A : i32
    %add3A_13 = arith.addi %mul3A_11, %min3A_12 : i32
    %mul3A_14 = arith.constant 8 : i32
    %mul3A_15 = arith.muli %mul3A_14, %add3A_13 : i32
    %lt3A = arith.constant 24 : i32
    %lt3A_16 = arith.cmpi slt, %add3A, %lt3A : i32
    %jit3A = arith.constant 1 : i32
    %jit3A_17 = arith.constant 0 : i32
    %select_n3A = arith.select %lt3A_16, %jit3A, %jit3A_17 : i32
    %add3A_18 = arith.constant 9 : i32
    %add3A_19 = arith.addi %add3A_18, %select_n3A : i32
    %mul3A_20 = arith.constant 8 : i32
    %mul3A_21 = arith.muli %mul3A_20, %add3A_19 : i32
    %lt3A_22 = arith.constant 24 : i32
    %lt3A_23 = arith.cmpi slt, %add3A, %lt3A_22 : i32
    %convert_element_type3A_24 = arith.extui %lt3A_23 : i1 to i32
    %cond3A_25 = arith.constant 0 : i32
    %cond3A_26 = arith.cmpi ne, %convert_element_type3A_24, %cond3A_25 : i32
    scf.if %cond3A_26 {
      %run_scoped3A = arith.constant 0 : i32
      "tpu.region"() ({
        %run_scoped3A_124 = tpu.sem_alloc : memref<!tpu.dma_semaphore, #tpu.memory_space<semaphore_mem>>
        %dma_start3A_125 = arith.constant 0 : i32
        %dma_start3A_126 = tpu.memref_slice %arg4[%run_scoped3A, %mul3A_15, %dma_start3A_125] : memref<2x2500x128xi32, #tpu.memory_space<hbm>> -> memref<1x80x128xi32, #tpu.memory_space<hbm>>
        %dma_start3A_127 = tpu.memref_squeeze %dma_start3A_126 : memref<1x80x128xi32, #tpu.memory_space<hbm>> -> memref<80x128xi32, #tpu.memory_space<hbm>>
        %dma_start3A_128 = arith.constant 0 : i32
        %dma_start3A_129 = tpu.memref_slice %arg4[%run_scoped3A, %mul3A_15, %dma_start3A_128] : memref<2x2500x128xi32, #tpu.memory_space<hbm>> -> memref<1x80x128xi32, #tpu.memory_space<hbm>>
        %dma_start3A_130 = tpu.memref_squeeze %dma_start3A_129 : memref<1x80x128xi32, #tpu.memory_space<hbm>> -> memref<80x128xi32, #tpu.memory_space<hbm>>
        tpu.enqueue_dma source(%dma_start3A_130 : memref<80x128xi32, #tpu.memory_space<hbm>>) target(%arg6 : memref<80x128xi32, #tpu.memory_space<vmem>>) target_semaphore(%run_scoped3A_124 : memref<!tpu.dma_semaphore, #tpu.memory_space<semaphore_mem>>)
        %dma_wait3A_131 = arith.constant 0 : i32
        %dma_wait3A_132 = tpu.memref_slice %arg4[%run_scoped3A, %mul3A_15, %dma_wait3A_131] : memref<2x2500x128xi32, #tpu.memory_space<hbm>> -> memref<1x80x128xi32, #tpu.memory_space<hbm>>
        %dma_wait3A_133 = tpu.memref_squeeze %dma_wait3A_132 : memref<1x80x128xi32, #tpu.memory_space<hbm>> -> memref<80x128xi32, #tpu.memory_space<hbm>>
        %dma_wait3A_134 = arith.constant 0 : i32
        %dma_wait3A_135 = tpu.memref_slice %arg4[%run_scoped3A, %mul3A_15, %dma_wait3A_134] : memref<2x2500x128xi32, #tpu.memory_space<hbm>> -> memref<1x80x128xi32, #tpu.memory_space<hbm>>
        %dma_wait3A_136 = tpu.memref_squeeze %dma_wait3A_135 : memref<1x80x128xi32, #tpu.memory_space<hbm>> -> memref<80x128xi32, #tpu.memory_space<hbm>>
        tpu.wait_dma2 semaphore(%run_scoped3A_124 : memref<!tpu.dma_semaphore, #tpu.memory_space<semaphore_mem>>) src(%dma_wait3A_136 : memref<80x128xi32, #tpu.memory_space<hbm>>) dst(%arg6 : memref<80x128xi32, #tpu.memory_space<vmem>>)
        tpu.yield
      }) : () -> ()
      %run_scoped3A_123 = arith.constant 1 : i32
      "tpu.region"() ({
        %run_scoped3A_124 = tpu.sem_alloc : memref<!tpu.dma_semaphore, #tpu.memory_space<semaphore_mem>>
        %dma_start3A_125 = arith.constant 0 : i32
        %dma_start3A_126 = tpu.memref_slice %arg4[%run_scoped3A_123, %mul3A_15, %dma_start3A_125] : memref<2x2500x128xi32, #tpu.memory_space<hbm>> -> memref<1x80x128xi32, #tpu.memory_space<hbm>>
        %dma_start3A_127 = tpu.memref_squeeze %dma_start3A_126 : memref<1x80x128xi32, #tpu.memory_space<hbm>> -> memref<80x128xi32, #tpu.memory_space<hbm>>
        %dma_start3A_128 = arith.constant 0 : i32
        %dma_start3A_129 = tpu.memref_slice %arg4[%run_scoped3A_123, %mul3A_15, %dma_start3A_128] : memref<2x2500x128xi32, #tpu.memory_space<hbm>> -> memref<1x80x128xi32, #tpu.memory_space<hbm>>
        %dma_start3A_130 = tpu.memref_squeeze %dma_start3A_129 : memref<1x80x128xi32, #tpu.memory_space<hbm>> -> memref<80x128xi32, #tpu.memory_space<hbm>>
        tpu.enqueue_dma source(%dma_start3A_130 : memref<80x128xi32, #tpu.memory_space<hbm>>) target(%arg7 : memref<80x128xi32, #tpu.memory_space<vmem>>) target_semaphore(%run_scoped3A_124 : memref<!tpu.dma_semaphore, #tpu.memory_space<semaphore_mem>>)
        %dma_wait3A_131 = arith.constant 0 : i32
        %dma_wait3A_132 = tpu.memref_slice %arg4[%run_scoped3A_123, %mul3A_15, %dma_wait3A_131] : memref<2x2500x128xi32, #tpu.memory_space<hbm>> -> memref<1x80x128xi32, #tpu.memory_space<hbm>>
        %dma_wait3A_133 = tpu.memref_squeeze %dma_wait3A_132 : memref<1x80x128xi32, #tpu.memory_space<hbm>> -> memref<80x128xi32, #tpu.memory_space<hbm>>
        %dma_wait3A_134 = arith.constant 0 : i32
        %dma_wait3A_135 = tpu.memref_slice %arg4[%run_scoped3A_123, %mul3A_15, %dma_wait3A_134] : memref<2x2500x128xi32, #tpu.memory_space<hbm>> -> memref<1x80x128xi32, #tpu.memory_space<hbm>>
        %dma_wait3A_136 = tpu.memref_squeeze %dma_wait3A_135 : memref<1x80x128xi32, #tpu.memory_space<hbm>> -> memref<80x128xi32, #tpu.memory_space<hbm>>
        tpu.wait_dma2 semaphore(%run_scoped3A_124 : memref<!tpu.dma_semaphore, #tpu.memory_space<semaphore_mem>>) src(%dma_wait3A_136 : memref<80x128xi32, #tpu.memory_space<hbm>>) dst(%arg7 : memref<80x128xi32, #tpu.memory_space<vmem>>)
        tpu.yield
      }) : () -> ()
    } else {
    }
    %ge3A = arith.constant 24 : i32
    %ge3A_27 = arith.cmpi sge, %add3A, %ge3A : i32
    %convert_element_type3A_28 = arith.extui %ge3A_27 : i1 to i32
    %cond3A_29 = arith.constant 0 : i32
    %cond3A_30 = arith.cmpi ne, %convert_element_type3A_28, %cond3A_29 : i32
    scf.if %cond3A_30 {
      %run_scoped3A = arith.constant 0 : i32
      "tpu.region"() ({
        %run_scoped3A_124 = tpu.sem_alloc : memref<!tpu.dma_semaphore, #tpu.memory_space<semaphore_mem>>
        %dma_start3A_125 = arith.constant 0 : i32
        %dma_start3A_126 = arith.constant 0 : i32
        %dma_start3A_127 = tpu.memref_slice %arg6[%dma_start3A_125, %dma_start3A_126] : memref<80x128xi32, #tpu.memory_space<vmem>> -> memref<72x128xi32, #tpu.memory_space<vmem>>
        %dma_start3A_128 = arith.constant 0 : i32
        %dma_start3A_129 = tpu.memref_slice %arg4[%run_scoped3A, %mul3A_15, %dma_start3A_128] : memref<2x2500x128xi32, #tpu.memory_space<hbm>> -> memref<1x72x128xi32, #tpu.memory_space<hbm>>
        %dma_start3A_130 = tpu.memref_squeeze %dma_start3A_129 : memref<1x72x128xi32, #tpu.memory_space<hbm>> -> memref<72x128xi32, #tpu.memory_space<hbm>>
        %dma_start3A_131 = arith.constant 0 : i32
        %dma_start3A_132 = arith.constant 0 : i32
        %dma_start3A_133 = tpu.memref_slice %arg6[%dma_start3A_131, %dma_start3A_132] : memref<80x128xi32, #tpu.memory_space<vmem>> -> memref<72x128xi32, #tpu.memory_space<vmem>>
        %dma_start3A_134 = arith.constant 0 : i32
        %dma_start3A_135 = tpu.memref_slice %arg4[%run_scoped3A, %mul3A_15, %dma_start3A_134] : memref<2x2500x128xi32, #tpu.memory_space<hbm>> -> memref<1x72x128xi32, #tpu.memory_space<hbm>>
        %dma_start3A_136 = tpu.memref_squeeze %dma_start3A_135 : memref<1x72x128xi32, #tpu.memory_space<hbm>> -> memref<72x128xi32, #tpu.memory_space<hbm>>
        tpu.enqueue_dma source(%dma_start3A_136 : memref<72x128xi32, #tpu.memory_space<hbm>>) target(%dma_start3A_133 : memref<72x128xi32, #tpu.memory_space<vmem>>) target_semaphore(%run_scoped3A_124 : memref<!tpu.dma_semaphore, #tpu.memory_space<semaphore_mem>>)
        %dma_wait3A_137 = arith.constant 0 : i32
        %dma_wait3A_138 = arith.constant 0 : i32
        %dma_wait3A_139 = tpu.memref_slice %arg6[%dma_wait3A_137, %dma_wait3A_138] : memref<80x128xi32, #tpu.memory_space<vmem>> -> memref<72x128xi32, #tpu.memory_space<vmem>>
        %dma_wait3A_140 = arith.constant 0 : i32
        %dma_wait3A_141 = tpu.memref_slice %arg4[%run_scoped3A, %mul3A_15, %dma_wait3A_140] : memref<2x2500x128xi32, #tpu.memory_space<hbm>> -> memref<1x72x128xi32, #tpu.memory_space<hbm>>
        %dma_wait3A_142 = tpu.memref_squeeze %dma_wait3A_141 : memref<1x72x128xi32, #tpu.memory_space<hbm>> -> memref<72x128xi32, #tpu.memory_space<hbm>>
        %dma_wait3A_143 = arith.constant 0 : i32
        %dma_wait3A_144 = arith.constant 0 : i32
        %dma_wait3A_145 = tpu.memref_slice %arg6[%dma_wait3A_143, %dma_wait3A_144] : memref<80x128xi32, #tpu.memory_space<vmem>> -> memref<72x128xi32, #tpu.memory_space<vmem>>
        %dma_wait3A_146 = arith.constant 0 : i32
        %dma_wait3A_147 = tpu.memref_slice %arg4[%run_scoped3A, %mul3A_15, %dma_wait3A_146] : memref<2x2500x128xi32, #tpu.memory_space<hbm>> -> memref<1x72x128xi32, #tpu.memory_space<hbm>>
        %dma_wait3A_148 = tpu.memref_squeeze %dma_wait3A_147 : memref<1x72x128xi32, #tpu.memory_space<hbm>> -> memref<72x128xi32, #tpu.memory_space<hbm>>
        tpu.wait_dma2 semaphore(%run_scoped3A_124 : memref<!tpu.dma_semaphore, #tpu.memory_space<semaphore_mem>>) src(%dma_wait3A_148 : memref<72x128xi32, #tpu.memory_space<hbm>>) dst(%dma_wait3A_145 : memref<72x128xi32, #tpu.memory_space<vmem>>)
        tpu.yield
      }) : () -> ()
      %run_scoped3A_123 = arith.constant 1 : i32
      "tpu.region"() ({
        %run_scoped3A_124 = tpu.sem_alloc : memref<!tpu.dma_semaphore, #tpu.memory_space<semaphore_mem>>
        %dma_start3A_125 = arith.constant 0 : i32
        %dma_start3A_126 = arith.constant 0 : i32
        %dma_start3A_127 = tpu.memref_slice %arg7[%dma_start3A_125, %dma_start3A_126] : memref<80x128xi32, #tpu.memory_space<vmem>> -> memref<72x128xi32, #tpu.memory_space<vmem>>
        %dma_start3A_128 = arith.constant 0 : i32
        %dma_start3A_129 = tpu.memref_slice %arg4[%run_scoped3A_123, %mul3A_15, %dma_start3A_128] : memref<2x2500x128xi32, #tpu.memory_space<hbm>> -> memref<1x72x128xi32, #tpu.memory_space<hbm>>
        %dma_start3A_130 = tpu.memref_squeeze %dma_start3A_129 : memref<1x72x128xi32, #tpu.memory_space<hbm>> -> memref<72x128xi32, #tpu.memory_space<hbm>>
        %dma_start3A_131 = arith.constant 0 : i32
        %dma_start3A_132 = arith.constant 0 : i32
        %dma_start3A_133 = tpu.memref_slice %arg7[%dma_start3A_131, %dma_start3A_132] : memref<80x128xi32, #tpu.memory_space<vmem>> -> memref<72x128xi32, #tpu.memory_space<vmem>>
        %dma_start3A_134 = arith.constant 0 : i32
        %dma_start3A_135 = tpu.memref_slice %arg4[%run_scoped3A_123, %mul3A_15, %dma_start3A_134] : memref<2x2500x128xi32, #tpu.memory_space<hbm>> -> memref<1x72x128xi32, #tpu.memory_space<hbm>>
        %dma_start3A_136 = tpu.memref_squeeze %dma_start3A_135 : memref<1x72x128xi32, #tpu.memory_space<hbm>> -> memref<72x128xi32, #tpu.memory_space<hbm>>
        tpu.enqueue_dma source(%dma_start3A_136 : memref<72x128xi32, #tpu.memory_space<hbm>>) target(%dma_start3A_133 : memref<72x128xi32, #tpu.memory_space<vmem>>) target_semaphore(%run_scoped3A_124 : memref<!tpu.dma_semaphore, #tpu.memory_space<semaphore_mem>>)
        %dma_wait3A_137 = arith.constant 0 : i32
        %dma_wait3A_138 = arith.constant 0 : i32
        %dma_wait3A_139 = tpu.memref_slice %arg7[%dma_wait3A_137, %dma_wait3A_138] : memref<80x128xi32, #tpu.memory_space<vmem>> -> memref<72x128xi32, #tpu.memory_space<vmem>>
        %dma_wait3A_140 = arith.constant 0 : i32
        %dma_wait3A_141 = tpu.memref_slice %arg4[%run_scoped3A_123, %mul3A_15, %dma_wait3A_140] : memref<2x2500x128xi32, #tpu.memory_space<hbm>> -> memref<1x72x128xi32, #tpu.memory_space<hbm>>
        %dma_wait3A_142 = tpu.memref_squeeze %dma_wait3A_141 : memref<1x72x128xi32, #tpu.memory_space<hbm>> -> memref<72x128xi32, #tpu.memory_space<hbm>>
        %dma_wait3A_143 = arith.constant 0 : i32
        %dma_wait3A_144 = arith.constant 0 : i32
        %dma_wait3A_145 = tpu.memref_slice %arg7[%dma_wait3A_143, %dma_wait3A_144] : memref<80x128xi32, #tpu.memory_space<vmem>> -> memref<72x128xi32, #tpu.memory_space<vmem>>
        %dma_wait3A_146 = arith.constant 0 : i32
        %dma_wait3A_147 = tpu.memref_slice %arg4[%run_scoped3A_123, %mul3A_15, %dma_wait3A_146] : memref<2x2500x128xi32, #tpu.memory_space<hbm>> -> memref<1x72x128xi32, #tpu.memory_space<hbm>>
        %dma_wait3A_148 = tpu.memref_squeeze %dma_wait3A_147 : memref<1x72x128xi32, #tpu.memory_space<hbm>> -> memref<72x128xi32, #tpu.memory_space<hbm>>
        tpu.wait_dma2 semaphore(%run_scoped3A_124 : memref<!tpu.dma_semaphore, #tpu.memory_space<semaphore_mem>>) src(%dma_wait3A_148 : memref<72x128xi32, #tpu.memory_space<hbm>>) dst(%dma_wait3A_145 : memref<72x128xi32, #tpu.memory_space<vmem>>)
        tpu.yield
      }) : () -> ()
    } else {
    }
    %eq3A_31 = arith.constant 31 : i32
    %eq3A_32 = arith.cmpi eq, %add3A, %eq3A_31 : i32
    %convert_element_type3A_33 = arith.extui %eq3A_32 : i1 to i32
    %cond3A_34 = arith.constant 0 : i32
    %cond3A_35 = arith.cmpi ne, %convert_element_type3A_33, %cond3A_34 : i32
    scf.if %cond3A_35 {
      %run_scoped3A = arith.constant 0 : i32
      "tpu.region"() ({
        %run_scoped3A_124 = tpu.sem_alloc : memref<!tpu.dma_semaphore, #tpu.memory_space<semaphore_mem>>
        %dma_start3A_125 = arith.constant 72 : i32
        %dma_start3A_126 = arith.constant 0 : i32
        %dma_start3A_127 = tpu.memref_slice %arg6[%dma_start3A_125, %dma_start3A_126] : memref<80x128xi32, #tpu.memory_space<vmem>> -> memref<4x128xi32, #tpu.memory_space<vmem>>
        %dma_start3A_128 = arith.constant 2496 : i32
        %dma_start3A_129 = arith.constant 0 : i32
        %dma_start3A_130 = tpu.memref_slice %arg4[%run_scoped3A, %dma_start3A_128, %dma_start3A_129] : memref<2x2500x128xi32, #tpu.memory_space<hbm>> -> memref<1x4x128xi32, #tpu.memory_space<hbm>>
        %dma_start3A_131 = tpu.memref_squeeze %dma_start3A_130 : memref<1x4x128xi32, #tpu.memory_space<hbm>> -> memref<4x128xi32, #tpu.memory_space<hbm>>
        %dma_start3A_132 = arith.constant 72 : i32
        %dma_start3A_133 = arith.constant 0 : i32
        %dma_start3A_134 = tpu.memref_slice %arg6[%dma_start3A_132, %dma_start3A_133] : memref<80x128xi32, #tpu.memory_space<vmem>> -> memref<4x128xi32, #tpu.memory_space<vmem>>
        %dma_start3A_135 = arith.constant 2496 : i32
        %dma_start3A_136 = arith.constant 0 : i32
        %dma_start3A_137 = tpu.memref_slice %arg4[%run_scoped3A, %dma_start3A_135, %dma_start3A_136] : memref<2x2500x128xi32, #tpu.memory_space<hbm>> -> memref<1x4x128xi32, #tpu.memory_space<hbm>>
        %dma_start3A_138 = tpu.memref_squeeze %dma_start3A_137 : memref<1x4x128xi32, #tpu.memory_space<hbm>> -> memref<4x128xi32, #tpu.memory_space<hbm>>
        tpu.enqueue_dma source(%dma_start3A_138 : memref<4x128xi32, #tpu.memory_space<hbm>>) target(%dma_start3A_134 : memref<4x128xi32, #tpu.memory_space<vmem>>) target_semaphore(%run_scoped3A_124 : memref<!tpu.dma_semaphore, #tpu.memory_space<semaphore_mem>>)
        %dma_wait3A_139 = arith.constant 72 : i32
        %dma_wait3A_140 = arith.constant 0 : i32
        %dma_wait3A_141 = tpu.memref_slice %arg6[%dma_wait3A_139, %dma_wait3A_140] : memref<80x128xi32, #tpu.memory_space<vmem>> -> memref<4x128xi32, #tpu.memory_space<vmem>>
        %dma_wait3A_142 = arith.constant 2496 : i32
        %dma_wait3A_143 = arith.constant 0 : i32
        %dma_wait3A_144 = tpu.memref_slice %arg4[%run_scoped3A, %dma_wait3A_142, %dma_wait3A_143] : memref<2x2500x128xi32, #tpu.memory_space<hbm>> -> memref<1x4x128xi32, #tpu.memory_space<hbm>>
        %dma_wait3A_145 = tpu.memref_squeeze %dma_wait3A_144 : memref<1x4x128xi32, #tpu.memory_space<hbm>> -> memref<4x128xi32, #tpu.memory_space<hbm>>
        %dma_wait3A_146 = arith.constant 72 : i32
        %dma_wait3A_147 = arith.constant 0 : i32
        %dma_wait3A_148 = tpu.memref_slice %arg6[%dma_wait3A_146, %dma_wait3A_147] : memref<80x128xi32, #tpu.memory_space<vmem>> -> memref<4x128xi32, #tpu.memory_space<vmem>>
        %dma_wait3A_149 = arith.constant 2496 : i32
        %dma_wait3A_150 = arith.constant 0 : i32
        %dma_wait3A_151 = tpu.memref_slice %arg4[%run_scoped3A, %dma_wait3A_149, %dma_wait3A_150] : memref<2x2500x128xi32, #tpu.memory_space<hbm>> -> memref<1x4x128xi32, #tpu.memory_space<hbm>>
        %dma_wait3A_152 = tpu.memref_squeeze %dma_wait3A_151 : memref<1x4x128xi32, #tpu.memory_space<hbm>> -> memref<4x128xi32, #tpu.memory_space<hbm>>
        tpu.wait_dma2 semaphore(%run_scoped3A_124 : memref<!tpu.dma_semaphore, #tpu.memory_space<semaphore_mem>>) src(%dma_wait3A_152 : memref<4x128xi32, #tpu.memory_space<hbm>>) dst(%dma_wait3A_148 : memref<4x128xi32, #tpu.memory_space<vmem>>)
        tpu.yield
      }) : () -> ()
      %run_scoped3A_123 = arith.constant 1 : i32
      "tpu.region"() ({
        %run_scoped3A_124 = tpu.sem_alloc : memref<!tpu.dma_semaphore, #tpu.memory_space<semaphore_mem>>
        %dma_start3A_125 = arith.constant 72 : i32
        %dma_start3A_126 = arith.constant 0 : i32
        %dma_start3A_127 = tpu.memref_slice %arg7[%dma_start3A_125, %dma_start3A_126] : memref<80x128xi32, #tpu.memory_space<vmem>> -> memref<4x128xi32, #tpu.memory_space<vmem>>
        %dma_start3A_128 = arith.constant 2496 : i32
        %dma_start3A_129 = arith.constant 0 : i32
        %dma_start3A_130 = tpu.memref_slice %arg4[%run_scoped3A_123, %dma_start3A_128, %dma_start3A_129] : memref<2x2500x128xi32, #tpu.memory_space<hbm>> -> memref<1x4x128xi32, #tpu.memory_space<hbm>>
        %dma_start3A_131 = tpu.memref_squeeze %dma_start3A_130 : memref<1x4x128xi32, #tpu.memory_space<hbm>> -> memref<4x128xi32, #tpu.memory_space<hbm>>
        %dma_start3A_132 = arith.constant 72 : i32
        %dma_start3A_133 = arith.constant 0 : i32
        %dma_start3A_134 = tpu.memref_slice %arg7[%dma_start3A_132, %dma_start3A_133] : memref<80x128xi32, #tpu.memory_space<vmem>> -> memref<4x128xi32, #tpu.memory_space<vmem>>
        %dma_start3A_135 = arith.constant 2496 : i32
        %dma_start3A_136 = arith.constant 0 : i32
        %dma_start3A_137 = tpu.memref_slice %arg4[%run_scoped3A_123, %dma_start3A_135, %dma_start3A_136] : memref<2x2500x128xi32, #tpu.memory_space<hbm>> -> memref<1x4x128xi32, #tpu.memory_space<hbm>>
        %dma_start3A_138 = tpu.memref_squeeze %dma_start3A_137 : memref<1x4x128xi32, #tpu.memory_space<hbm>> -> memref<4x128xi32, #tpu.memory_space<hbm>>
        tpu.enqueue_dma source(%dma_start3A_138 : memref<4x128xi32, #tpu.memory_space<hbm>>) target(%dma_start3A_134 : memref<4x128xi32, #tpu.memory_space<vmem>>) target_semaphore(%run_scoped3A_124 : memref<!tpu.dma_semaphore, #tpu.memory_space<semaphore_mem>>)
        %dma_wait3A_139 = arith.constant 72 : i32
        %dma_wait3A_140 = arith.constant 0 : i32
        %dma_wait3A_141 = tpu.memref_slice %arg7[%dma_wait3A_139, %dma_wait3A_140] : memref<80x128xi32, #tpu.memory_space<vmem>> -> memref<4x128xi32, #tpu.memory_space<vmem>>
        %dma_wait3A_142 = arith.constant 2496 : i32
        %dma_wait3A_143 = arith.constant 0 : i32
        %dma_wait3A_144 = tpu.memref_slice %arg4[%run_scoped3A_123, %dma_wait3A_142, %dma_wait3A_143] : memref<2x2500x128xi32, #tpu.memory_space<hbm>> -> memref<1x4x128xi32, #tpu.memory_space<hbm>>
        %dma_wait3A_145 = tpu.memref_squeeze %dma_wait3A_144 : memref<1x4x128xi32, #tpu.memory_space<hbm>> -> memref<4x128xi32, #tpu.memory_space<hbm>>
        %dma_wait3A_146 = arith.constant 72 : i32
        %dma_wait3A_147 = arith.constant 0 : i32
        %dma_wait3A_148 = tpu.memref_slice %arg7[%dma_wait3A_146, %dma_wait3A_147] : memref<80x128xi32, #tpu.memory_space<vmem>> -> memref<4x128xi32, #tpu.memory_space<vmem>>
        %dma_wait3A_149 = arith.constant 2496 : i32
        %dma_wait3A_150 = arith.constant 0 : i32
        %dma_wait3A_151 = tpu.memref_slice %arg4[%run_scoped3A_123, %dma_wait3A_149, %dma_wait3A_150] : memref<2x2500x128xi32, #tpu.memory_space<hbm>> -> memref<1x4x128xi32, #tpu.memory_space<hbm>>
        %dma_wait3A_152 = tpu.memref_squeeze %dma_wait3A_151 : memref<1x4x128xi32, #tpu.memory_space<hbm>> -> memref<4x128xi32, #tpu.memory_space<hbm>>
        tpu.wait_dma2 semaphore(%run_scoped3A_124 : memref<!tpu.dma_semaphore, #tpu.memory_space<semaphore_mem>>) src(%dma_wait3A_152 : memref<4x128xi32, #tpu.memory_space<hbm>>) dst(%dma_wait3A_148 : memref<4x128xi32, #tpu.memory_space<vmem>>)
        tpu.yield
      }) : () -> ()
    } else {
    }
    %barrier3A = arith.constant 0 : index
    tpu.barrier barrier_id(%barrier3A)
    %eq3A_36 = arith.constant 31 : i32
    %eq3A_37 = arith.cmpi eq, %add3A, %eq3A_36 : i32
    %convert_element_type3A_38 = arith.extui %eq3A_37 : i1 to i32
    %cond3A_39 = arith.constant 0 : i32
    %cond3A_40 = arith.cmpi ne, %convert_element_type3A_38, %cond3A_39 : i32
    scf.if %cond3A_40 {
      %dma_start3A_123 = arith.constant 72 : i32
      %dma_start3A_124 = arith.constant 0 : i32
      %dma_start3A_125 = tpu.memref_slice %arg6[%dma_start3A_123, %dma_start3A_124] : memref<80x128xi32, #tpu.memory_space<vmem>> -> memref<1x128xi32, #tpu.memory_space<vmem>>
      %dma_start3A_126 = tpu.memref_squeeze %dma_start3A_125 : memref<1x128xi32, #tpu.memory_space<vmem>> -> memref<128xi32, #tpu.memory_space<vmem>>
      %dma_start3A_127 = arith.constant 0 : i32
      %dma_start3A_128 = arith.constant 0 : i32
      %dma_start3A_129 = tpu.memref_slice %arg2[%dma_start3A_127, %dma_start3A_128] : memref<10240x16xf32, #tpu.memory_space<hbm>> -> memref<10240x16xf32, #tpu.memory_space<hbm>>
      tpu.enqueue_indirect_dma source(%dma_start3A_129 : memref<10240x16xf32, #tpu.memory_space<hbm>>) target(%arg8 : memref<128x16xf32, #tpu.memory_space<vmem>>) offsets(%dma_start3A_126 : memref<128xi32, #tpu.memory_space<vmem>>) semaphore(%arg17 : memref<!tpu.dma_semaphore, #tpu.memory_space<semaphore_mem>>)
      %dma_wait3A_130 = arith.constant 72 : i32
      %dma_wait3A_131 = arith.constant 0 : i32
      %dma_wait3A_132 = tpu.memref_slice %arg6[%dma_wait3A_130, %dma_wait3A_131] : memref<80x128xi32, #tpu.memory_space<vmem>> -> memref<1x128xi32, #tpu.memory_space<vmem>>
      %dma_wait3A_133 = tpu.memref_squeeze %dma_wait3A_132 : memref<1x128xi32, #tpu.memory_space<vmem>> -> memref<128xi32, #tpu.memory_space<vmem>>
      %dma_wait3A_134 = arith.constant 0 : i32
      %dma_wait3A_135 = arith.constant 0 : i32
      %dma_wait3A_136 = tpu.memref_slice %arg2[%dma_wait3A_134, %dma_wait3A_135] : memref<10240x16xf32, #tpu.memory_space<hbm>> -> memref<10240x16xf32, #tpu.memory_space<hbm>>
      tpu.wait_indirect_dma semaphore(%arg17 : memref<!tpu.dma_semaphore, #tpu.memory_space<semaphore_mem>>) src(%dma_wait3A_136 : memref<10240x16xf32, #tpu.memory_space<hbm>>) dst(%arg8 : memref<128x16xf32, #tpu.memory_space<vmem>>)
      %run_scoped3A = arith.constant 72 : i32
      "tpu.region"() ({
        %run_scoped3A_182 = tpu.sem_alloc : memref<!tpu.dma_semaphore, #tpu.memory_space<semaphore_mem>>
        %dma_start3A_183 = arith.constant 0 : i32
        %dma_start3A_184 = tpu.memref_slice %arg7[%run_scoped3A, %dma_start3A_183] : memref<80x128xi32, #tpu.memory_space<vmem>> -> memref<1x128xi32, #tpu.memory_space<vmem>>
        %dma_start3A_185 = tpu.memref_squeeze %dma_start3A_184 : memref<1x128xi32, #tpu.memory_space<vmem>> -> memref<128xi32, #tpu.memory_space<vmem>>
        %dma_start3A_186 = arith.constant 0 : i32
        %dma_start3A_187 = arith.constant 0 : i32
        %dma_start3A_188 = tpu.memref_slice %arg16[%dma_start3A_186, %dma_start3A_187] : memref<10240x16xf32, #tpu.memory_space<vmem_shared>> -> memref<10240x16xf32, #tpu.memory_space<vmem_shared>>
        tpu.enqueue_indirect_dma source(%arg8 : memref<128x16xf32, #tpu.memory_space<vmem>>) target(%dma_start3A_188 : memref<10240x16xf32, #tpu.memory_space<vmem_shared>>) offsets(%dma_start3A_185 : memref<128xi32, #tpu.memory_space<vmem>>) semaphore(%run_scoped3A_182 : memref<!tpu.dma_semaphore, #tpu.memory_space<semaphore_mem>>) {add = true}
        %dma_wait3A_189 = arith.constant 0 : i32
        %dma_wait3A_190 = tpu.memref_slice %arg7[%run_scoped3A, %dma_wait3A_189] : memref<80x128xi32, #tpu.memory_space<vmem>> -> memref<1x128xi32, #tpu.memory_space<vmem>>
        %dma_wait3A_191 = tpu.memref_squeeze %dma_wait3A_190 : memref<1x128xi32, #tpu.memory_space<vmem>> -> memref<128xi32, #tpu.memory_space<vmem>>
        %dma_wait3A_192 = arith.constant 0 : i32
        %dma_wait3A_193 = arith.constant 0 : i32
        %dma_wait3A_194 = tpu.memref_slice %arg16[%dma_wait3A_192, %dma_wait3A_193] : memref<10240x16xf32, #tpu.memory_space<vmem_shared>> -> memref<10240x16xf32, #tpu.memory_space<vmem_shared>>
        tpu.wait_indirect_dma semaphore(%run_scoped3A_182 : memref<!tpu.dma_semaphore, #tpu.memory_space<semaphore_mem>>) src(%arg8 : memref<128x16xf32, #tpu.memory_space<vmem>>) dst(%dma_wait3A_194 : memref<10240x16xf32, #tpu.memory_space<vmem_shared>>)
        tpu.yield
      }) : () -> ()
      %dma_start3A_137 = arith.constant 73 : i32
      %dma_start3A_138 = arith.constant 0 : i32
      %dma_start3A_139 = tpu.memref_slice %arg6[%dma_start3A_137, %dma_start3A_138] : memref<80x128xi32, #tpu.memory_space<vmem>> -> memref<1x128xi32, #tpu.memory_space<vmem>>
      %dma_start3A_140 = tpu.memref_squeeze %dma_start3A_139 : memref<1x128xi32, #tpu.memory_space<vmem>> -> memref<128xi32, #tpu.memory_space<vmem>>
      %dma_start3A_141 = arith.constant 0 : i32
      %dma_start3A_142 = arith.constant 0 : i32
      %dma_start3A_143 = tpu.memref_slice %arg2[%dma_start3A_141, %dma_start3A_142] : memref<10240x16xf32, #tpu.memory_space<hbm>> -> memref<10240x16xf32, #tpu.memory_space<hbm>>
      tpu.enqueue_indirect_dma source(%dma_start3A_143 : memref<10240x16xf32, #tpu.memory_space<hbm>>) target(%arg8 : memref<128x16xf32, #tpu.memory_space<vmem>>) offsets(%dma_start3A_140 : memref<128xi32, #tpu.memory_space<vmem>>) semaphore(%arg17 : memref<!tpu.dma_semaphore, #tpu.memory_space<semaphore_mem>>)
      %dma_wait3A_144 = arith.constant 73 : i32
      %dma_wait3A_145 = arith.constant 0 : i32
      %dma_wait3A_146 = tpu.memref_slice %arg6[%dma_wait3A_144, %dma_wait3A_145] : memref<80x128xi32, #tpu.memory_space<vmem>> -> memref<1x128xi32, #tpu.memory_space<vmem>>
      %dma_wait3A_147 = tpu.memref_squeeze %dma_wait3A_146 : memref<1x128xi32, #tpu.memory_space<vmem>> -> memref<128xi32, #tpu.memory_space<vmem>>
      %dma_wait3A_148 = arith.constant 0 : i32
      %dma_wait3A_149 = arith.constant 0 : i32
      %dma_wait3A_150 = tpu.memref_slice %arg2[%dma_wait3A_148, %dma_wait3A_149] : memref<10240x16xf32, #tpu.memory_space<hbm>> -> memref<10240x16xf32, #tpu.memory_space<hbm>>
      tpu.wait_indirect_dma semaphore(%arg17 : memref<!tpu.dma_semaphore, #tpu.memory_space<semaphore_mem>>) src(%dma_wait3A_150 : memref<10240x16xf32, #tpu.memory_space<hbm>>) dst(%arg8 : memref<128x16xf32, #tpu.memory_space<vmem>>)
      %run_scoped3A_151 = arith.constant 73 : i32
      "tpu.region"() ({
        %run_scoped3A_182 = tpu.sem_alloc : memref<!tpu.dma_semaphore, #tpu.memory_space<semaphore_mem>>
        %dma_start3A_183 = arith.constant 0 : i32
        %dma_start3A_184 = tpu.memref_slice %arg7[%run_scoped3A_151, %dma_start3A_183] : memref<80x128xi32, #tpu.memory_space<vmem>> -> memref<1x128xi32, #tpu.memory_space<vmem>>
        %dma_start3A_185 = tpu.memref_squeeze %dma_start3A_184 : memref<1x128xi32, #tpu.memory_space<vmem>> -> memref<128xi32, #tpu.memory_space<vmem>>
        %dma_start3A_186 = arith.constant 0 : i32
        %dma_start3A_187 = arith.constant 0 : i32
        %dma_start3A_188 = tpu.memref_slice %arg16[%dma_start3A_186, %dma_start3A_187] : memref<10240x16xf32, #tpu.memory_space<vmem_shared>> -> memref<10240x16xf32, #tpu.memory_space<vmem_shared>>
        tpu.enqueue_indirect_dma source(%arg8 : memref<128x16xf32, #tpu.memory_space<vmem>>) target(%dma_start3A_188 : memref<10240x16xf32, #tpu.memory_space<vmem_shared>>) offsets(%dma_start3A_185 : memref<128xi32, #tpu.memory_space<vmem>>) semaphore(%run_scoped3A_182 : memref<!tpu.dma_semaphore, #tpu.memory_space<semaphore_mem>>) {add = true}
        %dma_wait3A_189 = arith.constant 0 : i32
        %dma_wait3A_190 = tpu.memref_slice %arg7[%run_scoped3A_151, %dma_wait3A_189] : memref<80x128xi32, #tpu.memory_space<vmem>> -> memref<1x128xi32, #tpu.memory_space<vmem>>
        %dma_wait3A_191 = tpu.memref_squeeze %dma_wait3A_190 : memref<1x128xi32, #tpu.memory_space<vmem>> -> memref<128xi32, #tpu.memory_space<vmem>>
        %dma_wait3A_192 = arith.constant 0 : i32
        %dma_wait3A_193 = arith.constant 0 : i32
        %dma_wait3A_194 = tpu.memref_slice %arg16[%dma_wait3A_192, %dma_wait3A_193] : memref<10240x16xf32, #tpu.memory_space<vmem_shared>> -> memref<10240x16xf32, #tpu.memory_space<vmem_shared>>
        tpu.wait_indirect_dma semaphore(%run_scoped3A_182 : memref<!tpu.dma_semaphore, #tpu.memory_space<semaphore_mem>>) src(%arg8 : memref<128x16xf32, #tpu.memory_space<vmem>>) dst(%dma_wait3A_194 : memref<10240x16xf32, #tpu.memory_space<vmem_shared>>)
        tpu.yield
      }) : () -> ()
      %dma_start3A_152 = arith.constant 74 : i32
      %dma_start3A_153 = arith.constant 0 : i32
      %dma_start3A_154 = tpu.memref_slice %arg6[%dma_start3A_152, %dma_start3A_153] : memref<80x128xi32, #tpu.memory_space<vmem>> -> memref<1x128xi32, #tpu.memory_space<vmem>>
      %dma_start3A_155 = tpu.memref_squeeze %dma_start3A_154 : memref<1x128xi32, #tpu.memory_space<vmem>> -> memref<128xi32, #tpu.memory_space<vmem>>
      %dma_start3A_156 = arith.constant 0 : i32
      %dma_start3A_157 = arith.constant 0 : i32
      %dma_start3A_158 = tpu.memref_slice %arg2[%dma_start3A_156, %dma_start3A_157] : memref<10240x16xf32, #tpu.memory_space<hbm>> -> memref<10240x16xf32, #tpu.memory_space<hbm>>
      tpu.enqueue_indirect_dma source(%dma_start3A_158 : memref<10240x16xf32, #tpu.memory_space<hbm>>) target(%arg8 : memref<128x16xf32, #tpu.memory_space<vmem>>) offsets(%dma_start3A_155 : memref<128xi32, #tpu.memory_space<vmem>>) semaphore(%arg17 : memref<!tpu.dma_semaphore, #tpu.memory_space<semaphore_mem>>)
      %dma_wait3A_159 = arith.constant 74 : i32
      %dma_wait3A_160 = arith.constant 0 : i32
      %dma_wait3A_161 = tpu.memref_slice %arg6[%dma_wait3A_159, %dma_wait3A_160] : memref<80x128xi32, #tpu.memory_space<vmem>> -> memref<1x128xi32, #tpu.memory_space<vmem>>
      %dma_wait3A_162 = tpu.memref_squeeze %dma_wait3A_161 : memref<1x128xi32, #tpu.memory_space<vmem>> -> memref<128xi32, #tpu.memory_space<vmem>>
      %dma_wait3A_163 = arith.constant 0 : i32
      %dma_wait3A_164 = arith.constant 0 : i32
      %dma_wait3A_165 = tpu.memref_slice %arg2[%dma_wait3A_163, %dma_wait3A_164] : memref<10240x16xf32, #tpu.memory_space<hbm>> -> memref<10240x16xf32, #tpu.memory_space<hbm>>
      tpu.wait_indirect_dma semaphore(%arg17 : memref<!tpu.dma_semaphore, #tpu.memory_space<semaphore_mem>>) src(%dma_wait3A_165 : memref<10240x16xf32, #tpu.memory_space<hbm>>) dst(%arg8 : memref<128x16xf32, #tpu.memory_space<vmem>>)
      %run_scoped3A_166 = arith.constant 74 : i32
      "tpu.region"() ({
        %run_scoped3A_182 = tpu.sem_alloc : memref<!tpu.dma_semaphore, #tpu.memory_space<semaphore_mem>>
        %dma_start3A_183 = arith.constant 0 : i32
        %dma_start3A_184 = tpu.memref_slice %arg7[%run_scoped3A_166, %dma_start3A_183] : memref<80x128xi32, #tpu.memory_space<vmem>> -> memref<1x128xi32, #tpu.memory_space<vmem>>
        %dma_start3A_185 = tpu.memref_squeeze %dma_start3A_184 : memref<1x128xi32, #tpu.memory_space<vmem>> -> memref<128xi32, #tpu.memory_space<vmem>>
        %dma_start3A_186 = arith.constant 0 : i32
        %dma_start3A_187 = arith.constant 0 : i32
        %dma_start3A_188 = tpu.memref_slice %arg16[%dma_start3A_186, %dma_start3A_187] : memref<10240x16xf32, #tpu.memory_space<vmem_shared>> -> memref<10240x16xf32, #tpu.memory_space<vmem_shared>>
        tpu.enqueue_indirect_dma source(%arg8 : memref<128x16xf32, #tpu.memory_space<vmem>>) target(%dma_start3A_188 : memref<10240x16xf32, #tpu.memory_space<vmem_shared>>) offsets(%dma_start3A_185 : memref<128xi32, #tpu.memory_space<vmem>>) semaphore(%run_scoped3A_182 : memref<!tpu.dma_semaphore, #tpu.memory_space<semaphore_mem>>) {add = true}
        %dma_wait3A_189 = arith.constant 0 : i32
        %dma_wait3A_190 = tpu.memref_slice %arg7[%run_scoped3A_166, %dma_wait3A_189] : memref<80x128xi32, #tpu.memory_space<vmem>> -> memref<1x128xi32, #tpu.memory_space<vmem>>
        %dma_wait3A_191 = tpu.memref_squeeze %dma_wait3A_190 : memref<1x128xi32, #tpu.memory_space<vmem>> -> memref<128xi32, #tpu.memory_space<vmem>>
        %dma_wait3A_192 = arith.constant 0 : i32
        %dma_wait3A_193 = arith.constant 0 : i32
        %dma_wait3A_194 = tpu.memref_slice %arg16[%dma_wait3A_192, %dma_wait3A_193] : memref<10240x16xf32, #tpu.memory_space<vmem_shared>> -> memref<10240x16xf32, #tpu.memory_space<vmem_shared>>
        tpu.wait_indirect_dma semaphore(%run_scoped3A_182 : memref<!tpu.dma_semaphore, #tpu.memory_space<semaphore_mem>>) src(%arg8 : memref<128x16xf32, #tpu.memory_space<vmem>>) dst(%dma_wait3A_194 : memref<10240x16xf32, #tpu.memory_space<vmem_shared>>)
        tpu.yield
      }) : () -> ()
      %dma_start3A_167 = arith.constant 75 : i32
      %dma_start3A_168 = arith.constant 0 : i32
      %dma_start3A_169 = tpu.memref_slice %arg6[%dma_start3A_167, %dma_start3A_168] : memref<80x128xi32, #tpu.memory_space<vmem>> -> memref<1x128xi32, #tpu.memory_space<vmem>>
      %dma_start3A_170 = tpu.memref_squeeze %dma_start3A_169 : memref<1x128xi32, #tpu.memory_space<vmem>> -> memref<128xi32, #tpu.memory_space<vmem>>
      %dma_start3A_171 = arith.constant 0 : i32
      %dma_start3A_172 = arith.constant 0 : i32
      %dma_start3A_173 = tpu.memref_slice %arg2[%dma_start3A_171, %dma_start3A_172] : memref<10240x16xf32, #tpu.memory_space<hbm>> -> memref<10240x16xf32, #tpu.memory_space<hbm>>
      tpu.enqueue_indirect_dma source(%dma_start3A_173 : memref<10240x16xf32, #tpu.memory_space<hbm>>) target(%arg8 : memref<128x16xf32, #tpu.memory_space<vmem>>) offsets(%dma_start3A_170 : memref<128xi32, #tpu.memory_space<vmem>>) semaphore(%arg17 : memref<!tpu.dma_semaphore, #tpu.memory_space<semaphore_mem>>)
      %dma_wait3A_174 = arith.constant 75 : i32
      %dma_wait3A_175 = arith.constant 0 : i32
      %dma_wait3A_176 = tpu.memref_slice %arg6[%dma_wait3A_174, %dma_wait3A_175] : memref<80x128xi32, #tpu.memory_space<vmem>> -> memref<1x128xi32, #tpu.memory_space<vmem>>
      %dma_wait3A_177 = tpu.memref_squeeze %dma_wait3A_176 : memref<1x128xi32, #tpu.memory_space<vmem>> -> memref<128xi32, #tpu.memory_space<vmem>>
      %dma_wait3A_178 = arith.constant 0 : i32
      %dma_wait3A_179 = arith.constant 0 : i32
      %dma_wait3A_180 = tpu.memref_slice %arg2[%dma_wait3A_178, %dma_wait3A_179] : memref<10240x16xf32, #tpu.memory_space<hbm>> -> memref<10240x16xf32, #tpu.memory_space<hbm>>
      tpu.wait_indirect_dma semaphore(%arg17 : memref<!tpu.dma_semaphore, #tpu.memory_space<semaphore_mem>>) src(%dma_wait3A_180 : memref<10240x16xf32, #tpu.memory_space<hbm>>) dst(%arg8 : memref<128x16xf32, #tpu.memory_space<vmem>>)
      %run_scoped3A_181 = arith.constant 75 : i32
      "tpu.region"() ({
        %run_scoped3A_182 = tpu.sem_alloc : memref<!tpu.dma_semaphore, #tpu.memory_space<semaphore_mem>>
        %dma_start3A_183 = arith.constant 0 : i32
        %dma_start3A_184 = tpu.memref_slice %arg7[%run_scoped3A_181, %dma_start3A_183] : memref<80x128xi32, #tpu.memory_space<vmem>> -> memref<1x128xi32, #tpu.memory_space<vmem>>
        %dma_start3A_185 = tpu.memref_squeeze %dma_start3A_184 : memref<1x128xi32, #tpu.memory_space<vmem>> -> memref<128xi32, #tpu.memory_space<vmem>>
        %dma_start3A_186 = arith.constant 0 : i32
        %dma_start3A_187 = arith.constant 0 : i32
        %dma_start3A_188 = tpu.memref_slice %arg16[%dma_start3A_186, %dma_start3A_187] : memref<10240x16xf32, #tpu.memory_space<vmem_shared>> -> memref<10240x16xf32, #tpu.memory_space<vmem_shared>>
        tpu.enqueue_indirect_dma source(%arg8 : memref<128x16xf32, #tpu.memory_space<vmem>>) target(%dma_start3A_188 : memref<10240x16xf32, #tpu.memory_space<vmem_shared>>) offsets(%dma_start3A_185 : memref<128xi32, #tpu.memory_space<vmem>>) semaphore(%run_scoped3A_182 : memref<!tpu.dma_semaphore, #tpu.memory_space<semaphore_mem>>) {add = true}
        %dma_wait3A_189 = arith.constant 0 : i32
        %dma_wait3A_190 = tpu.memref_slice %arg7[%run_scoped3A_181, %dma_wait3A_189] : memref<80x128xi32, #tpu.memory_space<vmem>> -> memref<1x128xi32, #tpu.memory_space<vmem>>
        %dma_wait3A_191 = tpu.memref_squeeze %dma_wait3A_190 : memref<1x128xi32, #tpu.memory_space<vmem>> -> memref<128xi32, #tpu.memory_space<vmem>>
        %dma_wait3A_192 = arith.constant 0 : i32
        %dma_wait3A_193 = arith.constant 0 : i32
        %dma_wait3A_194 = tpu.memref_slice %arg16[%dma_wait3A_192, %dma_wait3A_193] : memref<10240x16xf32, #tpu.memory_space<vmem_shared>> -> memref<10240x16xf32, #tpu.memory_space<vmem_shared>>
        tpu.wait_indirect_dma semaphore(%run_scoped3A_182 : memref<!tpu.dma_semaphore, #tpu.memory_space<semaphore_mem>>) src(%arg8 : memref<128x16xf32, #tpu.memory_space<vmem>>) dst(%dma_wait3A_194 : memref<10240x16xf32, #tpu.memory_space<vmem_shared>>)
        tpu.yield
      }) : () -> ()
    } else {
    }
    %dma_start3A = arith.constant 0 : i32
    %dma_start3A_41 = arith.constant 0 : i32
    %dma_start3A_42 = tpu.memref_slice %arg6[%dma_start3A, %dma_start3A_41] : memref<80x128xi32, #tpu.memory_space<vmem>> -> memref<1x128xi32, #tpu.memory_space<vmem>>
    %dma_start3A_43 = tpu.memref_squeeze %dma_start3A_42 : memref<1x128xi32, #tpu.memory_space<vmem>> -> memref<128xi32, #tpu.memory_space<vmem>>
    %dma_start3A_44 = arith.constant 0 : i32
    %dma_start3A_45 = arith.constant 0 : i32
    %dma_start3A_46 = tpu.memref_slice %arg2[%dma_start3A_44, %dma_start3A_45] : memref<10240x16xf32, #tpu.memory_space<hbm>> -> memref<10240x16xf32, #tpu.memory_space<hbm>>
    tpu.enqueue_indirect_dma source(%dma_start3A_46 : memref<10240x16xf32, #tpu.memory_space<hbm>>) target(%arg8 : memref<128x16xf32, #tpu.memory_space<vmem>>) offsets(%dma_start3A_43 : memref<128xi32, #tpu.memory_space<vmem>>) semaphore(%arg17 : memref<!tpu.dma_semaphore, #tpu.memory_space<semaphore_mem>>)
    %dma_start3A_47 = arith.constant 1 : i32
    %dma_start3A_48 = arith.constant 0 : i32
    %dma_start3A_49 = tpu.memref_slice %arg6[%dma_start3A_47, %dma_start3A_48] : memref<80x128xi32, #tpu.memory_space<vmem>> -> memref<1x128xi32, #tpu.memory_space<vmem>>
    %dma_start3A_50 = tpu.memref_squeeze %dma_start3A_49 : memref<1x128xi32, #tpu.memory_space<vmem>> -> memref<128xi32, #tpu.memory_space<vmem>>
    %dma_start3A_51 = arith.constant 0 : i32
    %dma_start3A_52 = arith.constant 0 : i32
    %dma_start3A_53 = tpu.memref_slice %arg2[%dma_start3A_51, %dma_start3A_52] : memref<10240x16xf32, #tpu.memory_space<hbm>> -> memref<10240x16xf32, #tpu.memory_space<hbm>>
    tpu.enqueue_indirect_dma source(%dma_start3A_53 : memref<10240x16xf32, #tpu.memory_space<hbm>>) target(%arg9 : memref<128x16xf32, #tpu.memory_space<vmem>>) offsets(%dma_start3A_50 : memref<128xi32, #tpu.memory_space<vmem>>) semaphore(%arg18 : memref<!tpu.dma_semaphore, #tpu.memory_space<semaphore_mem>>)
    %dma_start3A_54 = arith.constant 2 : i32
    %dma_start3A_55 = arith.constant 0 : i32
    %dma_start3A_56 = tpu.memref_slice %arg6[%dma_start3A_54, %dma_start3A_55] : memref<80x128xi32, #tpu.memory_space<vmem>> -> memref<1x128xi32, #tpu.memory_space<vmem>>
    %dma_start3A_57 = tpu.memref_squeeze %dma_start3A_56 : memref<1x128xi32, #tpu.memory_space<vmem>> -> memref<128xi32, #tpu.memory_space<vmem>>
    %dma_start3A_58 = arith.constant 0 : i32
    %dma_start3A_59 = arith.constant 0 : i32
    %dma_start3A_60 = tpu.memref_slice %arg2[%dma_start3A_58, %dma_start3A_59] : memref<10240x16xf32, #tpu.memory_space<hbm>> -> memref<10240x16xf32, #tpu.memory_space<hbm>>
    tpu.enqueue_indirect_dma source(%dma_start3A_60 : memref<10240x16xf32, #tpu.memory_space<hbm>>) target(%arg10 : memref<128x16xf32, #tpu.memory_space<vmem>>) offsets(%dma_start3A_57 : memref<128xi32, #tpu.memory_space<vmem>>) semaphore(%arg19 : memref<!tpu.dma_semaphore, #tpu.memory_space<semaphore_mem>>)
    %dma_start3A_61 = arith.constant 3 : i32
    %dma_start3A_62 = arith.constant 0 : i32
    %dma_start3A_63 = tpu.memref_slice %arg6[%dma_start3A_61, %dma_start3A_62] : memref<80x128xi32, #tpu.memory_space<vmem>> -> memref<1x128xi32, #tpu.memory_space<vmem>>
    %dma_start3A_64 = tpu.memref_squeeze %dma_start3A_63 : memref<1x128xi32, #tpu.memory_space<vmem>> -> memref<128xi32, #tpu.memory_space<vmem>>
    %dma_start3A_65 = arith.constant 0 : i32
    %dma_start3A_66 = arith.constant 0 : i32
    %dma_start3A_67 = tpu.memref_slice %arg2[%dma_start3A_65, %dma_start3A_66] : memref<10240x16xf32, #tpu.memory_space<hbm>> -> memref<10240x16xf32, #tpu.memory_space<hbm>>
    tpu.enqueue_indirect_dma source(%dma_start3A_67 : memref<10240x16xf32, #tpu.memory_space<hbm>>) target(%arg11 : memref<128x16xf32, #tpu.memory_space<vmem>>) offsets(%dma_start3A_64 : memref<128xi32, #tpu.memory_space<vmem>>) semaphore(%arg20 : memref<!tpu.dma_semaphore, #tpu.memory_space<semaphore_mem>>)
    %dma_start3A_68 = arith.constant 4 : i32
    %dma_start3A_69 = arith.constant 0 : i32
    %dma_start3A_70 = tpu.memref_slice %arg6[%dma_start3A_68, %dma_start3A_69] : memref<80x128xi32, #tpu.memory_space<vmem>> -> memref<1x128xi32, #tpu.memory_space<vmem>>
    %dma_start3A_71 = tpu.memref_squeeze %dma_start3A_70 : memref<1x128xi32, #tpu.memory_space<vmem>> -> memref<128xi32, #tpu.memory_space<vmem>>
    %dma_start3A_72 = arith.constant 0 : i32
    %dma_start3A_73 = arith.constant 0 : i32
    %dma_start3A_74 = tpu.memref_slice %arg2[%dma_start3A_72, %dma_start3A_73] : memref<10240x16xf32, #tpu.memory_space<hbm>> -> memref<10240x16xf32, #tpu.memory_space<hbm>>
    tpu.enqueue_indirect_dma source(%dma_start3A_74 : memref<10240x16xf32, #tpu.memory_space<hbm>>) target(%arg12 : memref<128x16xf32, #tpu.memory_space<vmem>>) offsets(%dma_start3A_71 : memref<128xi32, #tpu.memory_space<vmem>>) semaphore(%arg21 : memref<!tpu.dma_semaphore, #tpu.memory_space<semaphore_mem>>)
    %dma_start3A_75 = arith.constant 5 : i32
    %dma_start3A_76 = arith.constant 0 : i32
    %dma_start3A_77 = tpu.memref_slice %arg6[%dma_start3A_75, %dma_start3A_76] : memref<80x128xi32, #tpu.memory_space<vmem>> -> memref<1x128xi32, #tpu.memory_space<vmem>>
    %dma_start3A_78 = tpu.memref_squeeze %dma_start3A_77 : memref<1x128xi32, #tpu.memory_space<vmem>> -> memref<128xi32, #tpu.memory_space<vmem>>
    %dma_start3A_79 = arith.constant 0 : i32
    %dma_start3A_80 = arith.constant 0 : i32
    %dma_start3A_81 = tpu.memref_slice %arg2[%dma_start3A_79, %dma_start3A_80] : memref<10240x16xf32, #tpu.memory_space<hbm>> -> memref<10240x16xf32, #tpu.memory_space<hbm>>
    tpu.enqueue_indirect_dma source(%dma_start3A_81 : memref<10240x16xf32, #tpu.memory_space<hbm>>) target(%arg13 : memref<128x16xf32, #tpu.memory_space<vmem>>) offsets(%dma_start3A_78 : memref<128xi32, #tpu.memory_space<vmem>>) semaphore(%arg22 : memref<!tpu.dma_semaphore, #tpu.memory_space<semaphore_mem>>)
    %dma_start3A_82 = arith.constant 6 : i32
    %dma_start3A_83 = arith.constant 0 : i32
    %dma_start3A_84 = tpu.memref_slice %arg6[%dma_start3A_82, %dma_start3A_83] : memref<80x128xi32, #tpu.memory_space<vmem>> -> memref<1x128xi32, #tpu.memory_space<vmem>>
    %dma_start3A_85 = tpu.memref_squeeze %dma_start3A_84 : memref<1x128xi32, #tpu.memory_space<vmem>> -> memref<128xi32, #tpu.memory_space<vmem>>
    %dma_start3A_86 = arith.constant 0 : i32
    %dma_start3A_87 = arith.constant 0 : i32
    %dma_start3A_88 = tpu.memref_slice %arg2[%dma_start3A_86, %dma_start3A_87] : memref<10240x16xf32, #tpu.memory_space<hbm>> -> memref<10240x16xf32, #tpu.memory_space<hbm>>
    tpu.enqueue_indirect_dma source(%dma_start3A_88 : memref<10240x16xf32, #tpu.memory_space<hbm>>) target(%arg14 : memref<128x16xf32, #tpu.memory_space<vmem>>) offsets(%dma_start3A_85 : memref<128xi32, #tpu.memory_space<vmem>>) semaphore(%arg23 : memref<!tpu.dma_semaphore, #tpu.memory_space<semaphore_mem>>)
    %jit3A_89 = arith.constant 8 : i32
    %div3A = arith.divsi %mul3A_21, %jit3A_89 : i32
    %sign3A = arith.constant 0 : i32
    %sign3A_90 = arith.cmpi sgt, %mul3A_21, %sign3A : i32
    %sign3A_91 = arith.extui %sign3A_90 : i1 to i32
    %sign3A_92 = arith.constant 0 : i32
    %sign3A_93 = arith.cmpi slt, %mul3A_21, %sign3A_92 : i32
    %sign3A_94 = arith.extui %sign3A_93 : i1 to i32
    %sign3A_95 = arith.subi %sign3A_91, %sign3A_94 : i32
    %sign3A_96 = arith.constant 0 : i32
    %sign3A_97 = arith.cmpi sgt, %jit3A_89, %sign3A_96 : i32
    %sign3A_98 = arith.extui %sign3A_97 : i1 to i32
    %sign3A_99 = arith.constant 0 : i32
    %sign3A_100 = arith.cmpi slt, %jit3A_89, %sign3A_99 : i32
    %sign3A_101 = arith.extui %sign3A_100 : i1 to i32
    %sign3A_102 = arith.subi %sign3A_98, %sign3A_101 : i32
    %ne3A = arith.cmpi ne, %sign3A_95, %sign3A_102 : i32
    %rem3A = arith.remsi %mul3A_21, %jit3A_89 : i32
    %ne3A_103 = arith.constant 0 : i32
    %ne3A_104 = arith.cmpi ne, %rem3A, %ne3A_103 : i32
    %and3A = arith.andi %ne3A, %ne3A_104 : i1
    %sub3A = arith.constant 1 : i32
    %sub3A_105 = arith.subi %div3A, %sub3A : i32
    %select_n3A_106 = arith.select %and3A, %sub3A_105, %div3A : i32
    %while3A = arith.constant 0 : i32
    %while3A_107 = arith.constant 0 : i32
    %while3A_108 = arith.subi %select_n3A_106, %while3A_107 : i32
    %while3A_109 = arith.addi %while3A_107, %while3A_108 : i32
    %while3A_110 = arith.constant 1 : i32
    %while3A_111 = arith.divsi %while3A_108, %while3A_110 : i32
    %while3A_112 = arith.muli %while3A_111, %while3A_110 : i32
    %while3A_113 = arith.addi %while3A_107, %while3A_112 : i32
    %while3A_114 = arith.constant 1 : i32
    scf.for %while3A_123 = %while3A_107 to %while3A_113 step %while3A_114  : i32 {
      %mul3A_124 = arith.constant 8 : i32
      %mul3A_125 = arith.muli %while3A_123, %mul3A_124 : i32
      %add3A_126 = arith.constant 0 : i32
      %add3A_127 = arith.addi %mul3A_125, %add3A_126 : i32
      %dma_wait3A_128 = arith.constant 0 : i32
      %dma_wait3A_129 = tpu.memref_slice %arg6[%add3A_127, %dma_wait3A_128] : memref<80x128xi32, #tpu.memory_space<vmem>> -> memref<1x128xi32, #tpu.memory_space<vmem>>
      %dma_wait3A_130 = tpu.memref_squeeze %dma_wait3A_129 : memref<1x128xi32, #tpu.memory_space<vmem>> -> memref<128xi32, #tpu.memory_space<vmem>>
      %dma_wait3A_131 = arith.constant 0 : i32
      %dma_wait3A_132 = arith.constant 0 : i32
      %dma_wait3A_133 = tpu.memref_slice %arg2[%dma_wait3A_131, %dma_wait3A_132] : memref<10240x16xf32, #tpu.memory_space<hbm>> -> memref<10240x16xf32, #tpu.memory_space<hbm>>
      tpu.wait_indirect_dma semaphore(%arg17 : memref<!tpu.dma_semaphore, #tpu.memory_space<semaphore_mem>>) src(%dma_wait3A_133 : memref<10240x16xf32, #tpu.memory_space<hbm>>) dst(%arg8 : memref<128x16xf32, #tpu.memory_space<vmem>>)
      %dma_start3A_134 = arith.constant 0 : i32
      %dma_start3A_135 = tpu.memref_slice %arg7[%add3A_127, %dma_start3A_134] : memref<80x128xi32, #tpu.memory_space<vmem>> -> memref<1x128xi32, #tpu.memory_space<vmem>>
      %dma_start3A_136 = tpu.memref_squeeze %dma_start3A_135 : memref<1x128xi32, #tpu.memory_space<vmem>> -> memref<128xi32, #tpu.memory_space<vmem>>
      %dma_start3A_137 = arith.constant 0 : i32
      %dma_start3A_138 = arith.constant 0 : i32
      %dma_start3A_139 = tpu.memref_slice %arg16[%dma_start3A_137, %dma_start3A_138] : memref<10240x16xf32, #tpu.memory_space<vmem_shared>> -> memref<10240x16xf32, #tpu.memory_space<vmem_shared>>
      tpu.enqueue_indirect_dma source(%arg8 : memref<128x16xf32, #tpu.memory_space<vmem>>) target(%dma_start3A_139 : memref<10240x16xf32, #tpu.memory_space<vmem_shared>>) offsets(%dma_start3A_136 : memref<128xi32, #tpu.memory_space<vmem>>) semaphore(%arg25 : memref<!tpu.dma_semaphore, #tpu.memory_space<semaphore_mem>>) {add = true}
      %ge3A_140 = arith.constant 1 : i32
      %ge3A_141 = arith.cmpi sge, %add3A_127, %ge3A_140 : i32
      %convert_element_type3A_142 = arith.extui %ge3A_141 : i1 to i32
      %cond3A_143 = arith.constant 0 : i32
      %cond3A_144 = arith.cmpi ne, %convert_element_type3A_142, %cond3A_143 : i32
      scf.if %cond3A_144 {
        %dma_wait3A_340 = arith.constant 0 : i32
        %dma_wait3A_341 = arith.constant 0 : i32
        %dma_wait3A_342 = tpu.memref_slice %arg7[%dma_wait3A_340, %dma_wait3A_341] : memref<80x128xi32, #tpu.memory_space<vmem>> -> memref<1x128xi32, #tpu.memory_space<vmem>>
        %dma_wait3A_343 = tpu.memref_squeeze %dma_wait3A_342 : memref<1x128xi32, #tpu.memory_space<vmem>> -> memref<128xi32, #tpu.memory_space<vmem>>
        %dma_wait3A_344 = arith.constant 0 : i32
        %dma_wait3A_345 = arith.constant 0 : i32
        %dma_wait3A_346 = tpu.memref_slice %arg16[%dma_wait3A_344, %dma_wait3A_345] : memref<10240x16xf32, #tpu.memory_space<vmem_shared>> -> memref<10240x16xf32, #tpu.memory_space<vmem_shared>>
        tpu.wait_indirect_dma semaphore(%arg32 : memref<!tpu.dma_semaphore, #tpu.memory_space<semaphore_mem>>) src(%arg15 : memref<128x16xf32, #tpu.memory_space<vmem>>) dst(%dma_wait3A_346 : memref<10240x16xf32, #tpu.memory_space<vmem_shared>>)
      } else {
      }
      %add3A_145 = arith.constant 7 : i32
      %add3A_146 = arith.addi %add3A_127, %add3A_145 : i32
      %lt3A_147 = arith.cmpi slt, %add3A_146, %mul3A_21 : i32
      %convert_element_type3A_148 = arith.extui %lt3A_147 : i1 to i32
      %cond3A_149 = arith.constant 0 : i32
      %cond3A_150 = arith.cmpi ne, %convert_element_type3A_148, %cond3A_149 : i32
      scf.if %cond3A_150 {
        %add3A_340 = arith.constant 7 : i32
        %add3A_341 = arith.addi %add3A_127, %add3A_340 : i32
        %dma_start3A_342 = arith.constant 0 : i32
        %dma_start3A_343 = tpu.memref_slice %arg6[%add3A_341, %dma_start3A_342] : memref<80x128xi32, #tpu.memory_space<vmem>> -> memref<1x128xi32, #tpu.memory_space<vmem>>
        %dma_start3A_344 = tpu.memref_squeeze %dma_start3A_343 : memref<1x128xi32, #tpu.memory_space<vmem>> -> memref<128xi32, #tpu.memory_space<vmem>>
        %dma_start3A_345 = arith.constant 0 : i32
        %dma_start3A_346 = arith.constant 0 : i32
        %dma_start3A_347 = tpu.memref_slice %arg2[%dma_start3A_345, %dma_start3A_346] : memref<10240x16xf32, #tpu.memory_space<hbm>> -> memref<10240x16xf32, #tpu.memory_space<hbm>>
        tpu.enqueue_indirect_dma source(%dma_start3A_347 : memref<10240x16xf32, #tpu.memory_space<hbm>>) target(%arg15 : memref<128x16xf32, #tpu.memory_space<vmem>>) offsets(%dma_start3A_344 : memref<128xi32, #tpu.memory_space<vmem>>) semaphore(%arg24 : memref<!tpu.dma_semaphore, #tpu.memory_space<semaphore_mem>>)
      } else {
      }
      %mul3A_151 = arith.constant 8 : i32
      %mul3A_152 = arith.muli %while3A_123, %mul3A_151 : i32
      %add3A_153 = arith.constant 1 : i32
      %add3A_154 = arith.addi %mul3A_152, %add3A_153 : i32
      %dma_wait3A_155 = arith.constant 0 : i32
      %dma_wait3A_156 = tpu.memref_slice %arg6[%add3A_154, %dma_wait3A_155] : memref<80x128xi32, #tpu.memory_space<vmem>> -> memref<1x128xi32, #tpu.memory_space<vmem>>
      %dma_wait3A_157 = tpu.memref_squeeze %dma_wait3A_156 : memref<1x128xi32, #tpu.memory_space<vmem>> -> memref<128xi32, #tpu.memory_space<vmem>>
      %dma_wait3A_158 = arith.constant 0 : i32
      %dma_wait3A_159 = arith.constant 0 : i32
      %dma_wait3A_160 = tpu.memref_slice %arg2[%dma_wait3A_158, %dma_wait3A_159] : memref<10240x16xf32, #tpu.memory_space<hbm>> -> memref<10240x16xf32, #tpu.memory_space<hbm>>
      tpu.wait_indirect_dma semaphore(%arg18 : memref<!tpu.dma_semaphore, #tpu.memory_space<semaphore_mem>>) src(%dma_wait3A_160 : memref<10240x16xf32, #tpu.memory_space<hbm>>) dst(%arg9 : memref<128x16xf32, #tpu.memory_space<vmem>>)
      %dma_start3A_161 = arith.constant 0 : i32
      %dma_start3A_162 = tpu.memref_slice %arg7[%add3A_154, %dma_start3A_161] : memref<80x128xi32, #tpu.memory_space<vmem>> -> memref<1x128xi32, #tpu.memory_space<vmem>>
      %dma_start3A_163 = tpu.memref_squeeze %dma_start3A_162 : memref<1x128xi32, #tpu.memory_space<vmem>> -> memref<128xi32, #tpu.memory_space<vmem>>
      %dma_start3A_164 = arith.constant 0 : i32
      %dma_start3A_165 = arith.constant 0 : i32
      %dma_start3A_166 = tpu.memref_slice %arg16[%dma_start3A_164, %dma_start3A_165] : memref<10240x16xf32, #tpu.memory_space<vmem_shared>> -> memref<10240x16xf32, #tpu.memory_space<vmem_shared>>
      tpu.enqueue_indirect_dma source(%arg9 : memref<128x16xf32, #tpu.memory_space<vmem>>) target(%dma_start3A_166 : memref<10240x16xf32, #tpu.memory_space<vmem_shared>>) offsets(%dma_start3A_163 : memref<128xi32, #tpu.memory_space<vmem>>) semaphore(%arg26 : memref<!tpu.dma_semaphore, #tpu.memory_space<semaphore_mem>>) {add = true}
      %ge3A_167 = arith.constant 1 : i32
      %ge3A_168 = arith.cmpi sge, %add3A_154, %ge3A_167 : i32
      %convert_element_type3A_169 = arith.extui %ge3A_168 : i1 to i32
      %cond3A_170 = arith.constant 0 : i32
      %cond3A_171 = arith.cmpi ne, %convert_element_type3A_169, %cond3A_170 : i32
      scf.if %cond3A_171 {
        %dma_wait3A_340 = arith.constant 0 : i32
        %dma_wait3A_341 = arith.constant 0 : i32
        %dma_wait3A_342 = tpu.memref_slice %arg7[%dma_wait3A_340, %dma_wait3A_341] : memref<80x128xi32, #tpu.memory_space<vmem>> -> memref<1x128xi32, #tpu.memory_space<vmem>>
        %dma_wait3A_343 = tpu.memref_squeeze %dma_wait3A_342 : memref<1x128xi32, #tpu.memory_space<vmem>> -> memref<128xi32, #tpu.memory_space<vmem>>
        %dma_wait3A_344 = arith.constant 0 : i32
        %dma_wait3A_345 = arith.constant 0 : i32
        %dma_wait3A_346 = tpu.memref_slice %arg16[%dma_wait3A_344, %dma_wait3A_345] : memref<10240x16xf32, #tpu.memory_space<vmem_shared>> -> memref<10240x16xf32, #tpu.memory_space<vmem_shared>>
        tpu.wait_indirect_dma semaphore(%arg25 : memref<!tpu.dma_semaphore, #tpu.memory_space<semaphore_mem>>) src(%arg8 : memref<128x16xf32, #tpu.memory_space<vmem>>) dst(%dma_wait3A_346 : memref<10240x16xf32, #tpu.memory_space<vmem_shared>>)
      } else {
      }
      %add3A_172 = arith.constant 7 : i32
      %add3A_173 = arith.addi %add3A_154, %add3A_172 : i32
      %lt3A_174 = arith.cmpi slt, %add3A_173, %mul3A_21 : i32
      %convert_element_type3A_175 = arith.extui %lt3A_174 : i1 to i32
      %cond3A_176 = arith.constant 0 : i32
      %cond3A_177 = arith.cmpi ne, %convert_element_type3A_175, %cond3A_176 : i32
      scf.if %cond3A_177 {
        %add3A_340 = arith.constant 7 : i32
        %add3A_341 = arith.addi %add3A_154, %add3A_340 : i32
        %dma_start3A_342 = arith.constant 0 : i32
        %dma_start3A_343 = tpu.memref_slice %arg6[%add3A_341, %dma_start3A_342] : memref<80x128xi32, #tpu.memory_space<vmem>> -> memref<1x128xi32, #tpu.memory_space<vmem>>
        %dma_start3A_344 = tpu.memref_squeeze %dma_start3A_343 : memref<1x128xi32, #tpu.memory_space<vmem>> -> memref<128xi32, #tpu.memory_space<vmem>>
        %dma_start3A_345 = arith.constant 0 : i32
        %dma_start3A_346 = arith.constant 0 : i32
        %dma_start3A_347 = tpu.memref_slice %arg2[%dma_start3A_345, %dma_start3A_346] : memref<10240x16xf32, #tpu.memory_space<hbm>> -> memref<10240x16xf32, #tpu.memory_space<hbm>>
        tpu.enqueue_indirect_dma source(%dma_start3A_347 : memref<10240x16xf32, #tpu.memory_space<hbm>>) target(%arg8 : memref<128x16xf32, #tpu.memory_space<vmem>>) offsets(%dma_start3A_344 : memref<128xi32, #tpu.memory_space<vmem>>) semaphore(%arg17 : memref<!tpu.dma_semaphore, #tpu.memory_space<semaphore_mem>>)
      } else {
      }
      %mul3A_178 = arith.constant 8 : i32
      %mul3A_179 = arith.muli %while3A_123, %mul3A_178 : i32
      %add3A_180 = arith.constant 2 : i32
      %add3A_181 = arith.addi %mul3A_179, %add3A_180 : i32
      %dma_wait3A_182 = arith.constant 0 : i32
      %dma_wait3A_183 = tpu.memref_slice %arg6[%add3A_181, %dma_wait3A_182] : memref<80x128xi32, #tpu.memory_space<vmem>> -> memref<1x128xi32, #tpu.memory_space<vmem>>
      %dma_wait3A_184 = tpu.memref_squeeze %dma_wait3A_183 : memref<1x128xi32, #tpu.memory_space<vmem>> -> memref<128xi32, #tpu.memory_space<vmem>>
      %dma_wait3A_185 = arith.constant 0 : i32
      %dma_wait3A_186 = arith.constant 0 : i32
      %dma_wait3A_187 = tpu.memref_slice %arg2[%dma_wait3A_185, %dma_wait3A_186] : memref<10240x16xf32, #tpu.memory_space<hbm>> -> memref<10240x16xf32, #tpu.memory_space<hbm>>
      tpu.wait_indirect_dma semaphore(%arg19 : memref<!tpu.dma_semaphore, #tpu.memory_space<semaphore_mem>>) src(%dma_wait3A_187 : memref<10240x16xf32, #tpu.memory_space<hbm>>) dst(%arg10 : memref<128x16xf32, #tpu.memory_space<vmem>>)
      %dma_start3A_188 = arith.constant 0 : i32
      %dma_start3A_189 = tpu.memref_slice %arg7[%add3A_181, %dma_start3A_188] : memref<80x128xi32, #tpu.memory_space<vmem>> -> memref<1x128xi32, #tpu.memory_space<vmem>>
      %dma_start3A_190 = tpu.memref_squeeze %dma_start3A_189 : memref<1x128xi32, #tpu.memory_space<vmem>> -> memref<128xi32, #tpu.memory_space<vmem>>
      %dma_start3A_191 = arith.constant 0 : i32
      %dma_start3A_192 = arith.constant 0 : i32
      %dma_start3A_193 = tpu.memref_slice %arg16[%dma_start3A_191, %dma_start3A_192] : memref<10240x16xf32, #tpu.memory_space<vmem_shared>> -> memref<10240x16xf32, #tpu.memory_space<vmem_shared>>
      tpu.enqueue_indirect_dma source(%arg10 : memref<128x16xf32, #tpu.memory_space<vmem>>) target(%dma_start3A_193 : memref<10240x16xf32, #tpu.memory_space<vmem_shared>>) offsets(%dma_start3A_190 : memref<128xi32, #tpu.memory_space<vmem>>) semaphore(%arg27 : memref<!tpu.dma_semaphore, #tpu.memory_space<semaphore_mem>>) {add = true}
      %ge3A_194 = arith.constant 1 : i32
      %ge3A_195 = arith.cmpi sge, %add3A_181, %ge3A_194 : i32
      %convert_element_type3A_196 = arith.extui %ge3A_195 : i1 to i32
      %cond3A_197 = arith.constant 0 : i32
      %cond3A_198 = arith.cmpi ne, %convert_element_type3A_196, %cond3A_197 : i32
      scf.if %cond3A_198 {
        %dma_wait3A_340 = arith.constant 0 : i32
        %dma_wait3A_341 = arith.constant 0 : i32
        %dma_wait3A_342 = tpu.memref_slice %arg7[%dma_wait3A_340, %dma_wait3A_341] : memref<80x128xi32, #tpu.memory_space<vmem>> -> memref<1x128xi32, #tpu.memory_space<vmem>>
        %dma_wait3A_343 = tpu.memref_squeeze %dma_wait3A_342 : memref<1x128xi32, #tpu.memory_space<vmem>> -> memref<128xi32, #tpu.memory_space<vmem>>
        %dma_wait3A_344 = arith.constant 0 : i32
        %dma_wait3A_345 = arith.constant 0 : i32
        %dma_wait3A_346 = tpu.memref_slice %arg16[%dma_wait3A_344, %dma_wait3A_345] : memref<10240x16xf32, #tpu.memory_space<vmem_shared>> -> memref<10240x16xf32, #tpu.memory_space<vmem_shared>>
        tpu.wait_indirect_dma semaphore(%arg26 : memref<!tpu.dma_semaphore, #tpu.memory_space<semaphore_mem>>) src(%arg9 : memref<128x16xf32, #tpu.memory_space<vmem>>) dst(%dma_wait3A_346 : memref<10240x16xf32, #tpu.memory_space<vmem_shared>>)
      } else {
      }
      %add3A_199 = arith.constant 7 : i32
      %add3A_200 = arith.addi %add3A_181, %add3A_199 : i32
      %lt3A_201 = arith.cmpi slt, %add3A_200, %mul3A_21 : i32
      %convert_element_type3A_202 = arith.extui %lt3A_201 : i1 to i32
      %cond3A_203 = arith.constant 0 : i32
      %cond3A_204 = arith.cmpi ne, %convert_element_type3A_202, %cond3A_203 : i32
      scf.if %cond3A_204 {
        %add3A_340 = arith.constant 7 : i32
        %add3A_341 = arith.addi %add3A_181, %add3A_340 : i32
        %dma_start3A_342 = arith.constant 0 : i32
        %dma_start3A_343 = tpu.memref_slice %arg6[%add3A_341, %dma_start3A_342] : memref<80x128xi32, #tpu.memory_space<vmem>> -> memref<1x128xi32, #tpu.memory_space<vmem>>
        %dma_start3A_344 = tpu.memref_squeeze %dma_start3A_343 : memref<1x128xi32, #tpu.memory_space<vmem>> -> memref<128xi32, #tpu.memory_space<vmem>>
        %dma_start3A_345 = arith.constant 0 : i32
        %dma_start3A_346 = arith.constant 0 : i32
        %dma_start3A_347 = tpu.memref_slice %arg2[%dma_start3A_345, %dma_start3A_346] : memref<10240x16xf32, #tpu.memory_space<hbm>> -> memref<10240x16xf32, #tpu.memory_space<hbm>>
        tpu.enqueue_indirect_dma source(%dma_start3A_347 : memref<10240x16xf32, #tpu.memory_space<hbm>>) target(%arg9 : memref<128x16xf32, #tpu.memory_space<vmem>>) offsets(%dma_start3A_344 : memref<128xi32, #tpu.memory_space<vmem>>) semaphore(%arg18 : memref<!tpu.dma_semaphore, #tpu.memory_space<semaphore_mem>>)
      } else {
      }
      %mul3A_205 = arith.constant 8 : i32
      %mul3A_206 = arith.muli %while3A_123, %mul3A_205 : i32
      %add3A_207 = arith.constant 3 : i32
      %add3A_208 = arith.addi %mul3A_206, %add3A_207 : i32
      %dma_wait3A_209 = arith.constant 0 : i32
      %dma_wait3A_210 = tpu.memref_slice %arg6[%add3A_208, %dma_wait3A_209] : memref<80x128xi32, #tpu.memory_space<vmem>> -> memref<1x128xi32, #tpu.memory_space<vmem>>
      %dma_wait3A_211 = tpu.memref_squeeze %dma_wait3A_210 : memref<1x128xi32, #tpu.memory_space<vmem>> -> memref<128xi32, #tpu.memory_space<vmem>>
      %dma_wait3A_212 = arith.constant 0 : i32
      %dma_wait3A_213 = arith.constant 0 : i32
      %dma_wait3A_214 = tpu.memref_slice %arg2[%dma_wait3A_212, %dma_wait3A_213] : memref<10240x16xf32, #tpu.memory_space<hbm>> -> memref<10240x16xf32, #tpu.memory_space<hbm>>
      tpu.wait_indirect_dma semaphore(%arg20 : memref<!tpu.dma_semaphore, #tpu.memory_space<semaphore_mem>>) src(%dma_wait3A_214 : memref<10240x16xf32, #tpu.memory_space<hbm>>) dst(%arg11 : memref<128x16xf32, #tpu.memory_space<vmem>>)
      %dma_start3A_215 = arith.constant 0 : i32
      %dma_start3A_216 = tpu.memref_slice %arg7[%add3A_208, %dma_start3A_215] : memref<80x128xi32, #tpu.memory_space<vmem>> -> memref<1x128xi32, #tpu.memory_space<vmem>>
      %dma_start3A_217 = tpu.memref_squeeze %dma_start3A_216 : memref<1x128xi32, #tpu.memory_space<vmem>> -> memref<128xi32, #tpu.memory_space<vmem>>
      %dma_start3A_218 = arith.constant 0 : i32
      %dma_start3A_219 = arith.constant 0 : i32
      %dma_start3A_220 = tpu.memref_slice %arg16[%dma_start3A_218, %dma_start3A_219] : memref<10240x16xf32, #tpu.memory_space<vmem_shared>> -> memref<10240x16xf32, #tpu.memory_space<vmem_shared>>
      tpu.enqueue_indirect_dma source(%arg11 : memref<128x16xf32, #tpu.memory_space<vmem>>) target(%dma_start3A_220 : memref<10240x16xf32, #tpu.memory_space<vmem_shared>>) offsets(%dma_start3A_217 : memref<128xi32, #tpu.memory_space<vmem>>) semaphore(%arg28 : memref<!tpu.dma_semaphore, #tpu.memory_space<semaphore_mem>>) {add = true}
      %ge3A_221 = arith.constant 1 : i32
      %ge3A_222 = arith.cmpi sge, %add3A_208, %ge3A_221 : i32
      %convert_element_type3A_223 = arith.extui %ge3A_222 : i1 to i32
      %cond3A_224 = arith.constant 0 : i32
      %cond3A_225 = arith.cmpi ne, %convert_element_type3A_223, %cond3A_224 : i32
      scf.if %cond3A_225 {
        %dma_wait3A_340 = arith.constant 0 : i32
        %dma_wait3A_341 = arith.constant 0 : i32
        %dma_wait3A_342 = tpu.memref_slice %arg7[%dma_wait3A_340, %dma_wait3A_341] : memref<80x128xi32, #tpu.memory_space<vmem>> -> memref<1x128xi32, #tpu.memory_space<vmem>>
        %dma_wait3A_343 = tpu.memref_squeeze %dma_wait3A_342 : memref<1x128xi32, #tpu.memory_space<vmem>> -> memref<128xi32, #tpu.memory_space<vmem>>
        %dma_wait3A_344 = arith.constant 0 : i32
        %dma_wait3A_345 = arith.constant 0 : i32
        %dma_wait3A_346 = tpu.memref_slice %arg16[%dma_wait3A_344, %dma_wait3A_345] : memref<10240x16xf32, #tpu.memory_space<vmem_shared>> -> memref<10240x16xf32, #tpu.memory_space<vmem_shared>>
        tpu.wait_indirect_dma semaphore(%arg27 : memref<!tpu.dma_semaphore, #tpu.memory_space<semaphore_mem>>) src(%arg10 : memref<128x16xf32, #tpu.memory_space<vmem>>) dst(%dma_wait3A_346 : memref<10240x16xf32, #tpu.memory_space<vmem_shared>>)
      } else {
      }
      %add3A_226 = arith.constant 7 : i32
      %add3A_227 = arith.addi %add3A_208, %add3A_226 : i32
      %lt3A_228 = arith.cmpi slt, %add3A_227, %mul3A_21 : i32
      %convert_element_type3A_229 = arith.extui %lt3A_228 : i1 to i32
      %cond3A_230 = arith.constant 0 : i32
      %cond3A_231 = arith.cmpi ne, %convert_element_type3A_229, %cond3A_230 : i32
      scf.if %cond3A_231 {
        %add3A_340 = arith.constant 7 : i32
        %add3A_341 = arith.addi %add3A_208, %add3A_340 : i32
        %dma_start3A_342 = arith.constant 0 : i32
        %dma_start3A_343 = tpu.memref_slice %arg6[%add3A_341, %dma_start3A_342] : memref<80x128xi32, #tpu.memory_space<vmem>> -> memref<1x128xi32, #tpu.memory_space<vmem>>
        %dma_start3A_344 = tpu.memref_squeeze %dma_start3A_343 : memref<1x128xi32, #tpu.memory_space<vmem>> -> memref<128xi32, #tpu.memory_space<vmem>>
        %dma_start3A_345 = arith.constant 0 : i32
        %dma_start3A_346 = arith.constant 0 : i32
        %dma_start3A_347 = tpu.memref_slice %arg2[%dma_start3A_345, %dma_start3A_346] : memref<10240x16xf32, #tpu.memory_space<hbm>> -> memref<10240x16xf32, #tpu.memory_space<hbm>>
        tpu.enqueue_indirect_dma source(%dma_start3A_347 : memref<10240x16xf32, #tpu.memory_space<hbm>>) target(%arg10 : memref<128x16xf32, #tpu.memory_space<vmem>>) offsets(%dma_start3A_344 : memref<128xi32, #tpu.memory_space<vmem>>) semaphore(%arg19 : memref<!tpu.dma_semaphore, #tpu.memory_space<semaphore_mem>>)
      } else {
      }
      %mul3A_232 = arith.constant 8 : i32
      %mul3A_233 = arith.muli %while3A_123, %mul3A_232 : i32
      %add3A_234 = arith.constant 4 : i32
      %add3A_235 = arith.addi %mul3A_233, %add3A_234 : i32
      %dma_wait3A_236 = arith.constant 0 : i32
      %dma_wait3A_237 = tpu.memref_slice %arg6[%add3A_235, %dma_wait3A_236] : memref<80x128xi32, #tpu.memory_space<vmem>> -> memref<1x128xi32, #tpu.memory_space<vmem>>
      %dma_wait3A_238 = tpu.memref_squeeze %dma_wait3A_237 : memref<1x128xi32, #tpu.memory_space<vmem>> -> memref<128xi32, #tpu.memory_space<vmem>>
      %dma_wait3A_239 = arith.constant 0 : i32
      %dma_wait3A_240 = arith.constant 0 : i32
      %dma_wait3A_241 = tpu.memref_slice %arg2[%dma_wait3A_239, %dma_wait3A_240] : memref<10240x16xf32, #tpu.memory_space<hbm>> -> memref<10240x16xf32, #tpu.memory_space<hbm>>
      tpu.wait_indirect_dma semaphore(%arg21 : memref<!tpu.dma_semaphore, #tpu.memory_space<semaphore_mem>>) src(%dma_wait3A_241 : memref<10240x16xf32, #tpu.memory_space<hbm>>) dst(%arg12 : memref<128x16xf32, #tpu.memory_space<vmem>>)
      %dma_start3A_242 = arith.constant 0 : i32
      %dma_start3A_243 = tpu.memref_slice %arg7[%add3A_235, %dma_start3A_242] : memref<80x128xi32, #tpu.memory_space<vmem>> -> memref<1x128xi32, #tpu.memory_space<vmem>>
      %dma_start3A_244 = tpu.memref_squeeze %dma_start3A_243 : memref<1x128xi32, #tpu.memory_space<vmem>> -> memref<128xi32, #tpu.memory_space<vmem>>
      %dma_start3A_245 = arith.constant 0 : i32
      %dma_start3A_246 = arith.constant 0 : i32
      %dma_start3A_247 = tpu.memref_slice %arg16[%dma_start3A_245, %dma_start3A_246] : memref<10240x16xf32, #tpu.memory_space<vmem_shared>> -> memref<10240x16xf32, #tpu.memory_space<vmem_shared>>
      tpu.enqueue_indirect_dma source(%arg12 : memref<128x16xf32, #tpu.memory_space<vmem>>) target(%dma_start3A_247 : memref<10240x16xf32, #tpu.memory_space<vmem_shared>>) offsets(%dma_start3A_244 : memref<128xi32, #tpu.memory_space<vmem>>) semaphore(%arg29 : memref<!tpu.dma_semaphore, #tpu.memory_space<semaphore_mem>>) {add = true}
      %ge3A_248 = arith.constant 1 : i32
      %ge3A_249 = arith.cmpi sge, %add3A_235, %ge3A_248 : i32
      %convert_element_type3A_250 = arith.extui %ge3A_249 : i1 to i32
      %cond3A_251 = arith.constant 0 : i32
      %cond3A_252 = arith.cmpi ne, %convert_element_type3A_250, %cond3A_251 : i32
      scf.if %cond3A_252 {
        %dma_wait3A_340 = arith.constant 0 : i32
        %dma_wait3A_341 = arith.constant 0 : i32
        %dma_wait3A_342 = tpu.memref_slice %arg7[%dma_wait3A_340, %dma_wait3A_341] : memref<80x128xi32, #tpu.memory_space<vmem>> -> memref<1x128xi32, #tpu.memory_space<vmem>>
        %dma_wait3A_343 = tpu.memref_squeeze %dma_wait3A_342 : memref<1x128xi32, #tpu.memory_space<vmem>> -> memref<128xi32, #tpu.memory_space<vmem>>
        %dma_wait3A_344 = arith.constant 0 : i32
        %dma_wait3A_345 = arith.constant 0 : i32
        %dma_wait3A_346 = tpu.memref_slice %arg16[%dma_wait3A_344, %dma_wait3A_345] : memref<10240x16xf32, #tpu.memory_space<vmem_shared>> -> memref<10240x16xf32, #tpu.memory_space<vmem_shared>>
        tpu.wait_indirect_dma semaphore(%arg28 : memref<!tpu.dma_semaphore, #tpu.memory_space<semaphore_mem>>) src(%arg11 : memref<128x16xf32, #tpu.memory_space<vmem>>) dst(%dma_wait3A_346 : memref<10240x16xf32, #tpu.memory_space<vmem_shared>>)
      } else {
      }
      %add3A_253 = arith.constant 7 : i32
      %add3A_254 = arith.addi %add3A_235, %add3A_253 : i32
      %lt3A_255 = arith.cmpi slt, %add3A_254, %mul3A_21 : i32
      %convert_element_type3A_256 = arith.extui %lt3A_255 : i1 to i32
      %cond3A_257 = arith.constant 0 : i32
      %cond3A_258 = arith.cmpi ne, %convert_element_type3A_256, %cond3A_257 : i32
      scf.if %cond3A_258 {
        %add3A_340 = arith.constant 7 : i32
        %add3A_341 = arith.addi %add3A_235, %add3A_340 : i32
        %dma_start3A_342 = arith.constant 0 : i32
        %dma_start3A_343 = tpu.memref_slice %arg6[%add3A_341, %dma_start3A_342] : memref<80x128xi32, #tpu.memory_space<vmem>> -> memref<1x128xi32, #tpu.memory_space<vmem>>
        %dma_start3A_344 = tpu.memref_squeeze %dma_start3A_343 : memref<1x128xi32, #tpu.memory_space<vmem>> -> memref<128xi32, #tpu.memory_space<vmem>>
        %dma_start3A_345 = arith.constant 0 : i32
        %dma_start3A_346 = arith.constant 0 : i32
        %dma_start3A_347 = tpu.memref_slice %arg2[%dma_start3A_345, %dma_start3A_346] : memref<10240x16xf32, #tpu.memory_space<hbm>> -> memref<10240x16xf32, #tpu.memory_space<hbm>>
        tpu.enqueue_indirect_dma source(%dma_start3A_347 : memref<10240x16xf32, #tpu.memory_space<hbm>>) target(%arg11 : memref<128x16xf32, #tpu.memory_space<vmem>>) offsets(%dma_start3A_344 : memref<128xi32, #tpu.memory_space<vmem>>) semaphore(%arg20 : memref<!tpu.dma_semaphore, #tpu.memory_space<semaphore_mem>>)
      } else {
      }
      %mul3A_259 = arith.constant 8 : i32
      %mul3A_260 = arith.muli %while3A_123, %mul3A_259 : i32
      %add3A_261 = arith.constant 5 : i32
      %add3A_262 = arith.addi %mul3A_260, %add3A_261 : i32
      %dma_wait3A_263 = arith.constant 0 : i32
      %dma_wait3A_264 = tpu.memref_slice %arg6[%add3A_262, %dma_wait3A_263] : memref<80x128xi32, #tpu.memory_space<vmem>> -> memref<1x128xi32, #tpu.memory_space<vmem>>
      %dma_wait3A_265 = tpu.memref_squeeze %dma_wait3A_264 : memref<1x128xi32, #tpu.memory_space<vmem>> -> memref<128xi32, #tpu.memory_space<vmem>>
      %dma_wait3A_266 = arith.constant 0 : i32
      %dma_wait3A_267 = arith.constant 0 : i32
      %dma_wait3A_268 = tpu.memref_slice %arg2[%dma_wait3A_266, %dma_wait3A_267] : memref<10240x16xf32, #tpu.memory_space<hbm>> -> memref<10240x16xf32, #tpu.memory_space<hbm>>
      tpu.wait_indirect_dma semaphore(%arg22 : memref<!tpu.dma_semaphore, #tpu.memory_space<semaphore_mem>>) src(%dma_wait3A_268 : memref<10240x16xf32, #tpu.memory_space<hbm>>) dst(%arg13 : memref<128x16xf32, #tpu.memory_space<vmem>>)
      %dma_start3A_269 = arith.constant 0 : i32
      %dma_start3A_270 = tpu.memref_slice %arg7[%add3A_262, %dma_start3A_269] : memref<80x128xi32, #tpu.memory_space<vmem>> -> memref<1x128xi32, #tpu.memory_space<vmem>>
      %dma_start3A_271 = tpu.memref_squeeze %dma_start3A_270 : memref<1x128xi32, #tpu.memory_space<vmem>> -> memref<128xi32, #tpu.memory_space<vmem>>
      %dma_start3A_272 = arith.constant 0 : i32
      %dma_start3A_273 = arith.constant 0 : i32
      %dma_start3A_274 = tpu.memref_slice %arg16[%dma_start3A_272, %dma_start3A_273] : memref<10240x16xf32, #tpu.memory_space<vmem_shared>> -> memref<10240x16xf32, #tpu.memory_space<vmem_shared>>
      tpu.enqueue_indirect_dma source(%arg13 : memref<128x16xf32, #tpu.memory_space<vmem>>) target(%dma_start3A_274 : memref<10240x16xf32, #tpu.memory_space<vmem_shared>>) offsets(%dma_start3A_271 : memref<128xi32, #tpu.memory_space<vmem>>) semaphore(%arg30 : memref<!tpu.dma_semaphore, #tpu.memory_space<semaphore_mem>>) {add = true}
      %ge3A_275 = arith.constant 1 : i32
      %ge3A_276 = arith.cmpi sge, %add3A_262, %ge3A_275 : i32
      %convert_element_type3A_277 = arith.extui %ge3A_276 : i1 to i32
      %cond3A_278 = arith.constant 0 : i32
      %cond3A_279 = arith.cmpi ne, %convert_element_type3A_277, %cond3A_278 : i32
      scf.if %cond3A_279 {
        %dma_wait3A_340 = arith.constant 0 : i32
        %dma_wait3A_341 = arith.constant 0 : i32
        %dma_wait3A_342 = tpu.memref_slice %arg7[%dma_wait3A_340, %dma_wait3A_341] : memref<80x128xi32, #tpu.memory_space<vmem>> -> memref<1x128xi32, #tpu.memory_space<vmem>>
        %dma_wait3A_343 = tpu.memref_squeeze %dma_wait3A_342 : memref<1x128xi32, #tpu.memory_space<vmem>> -> memref<128xi32, #tpu.memory_space<vmem>>
        %dma_wait3A_344 = arith.constant 0 : i32
        %dma_wait3A_345 = arith.constant 0 : i32
        %dma_wait3A_346 = tpu.memref_slice %arg16[%dma_wait3A_344, %dma_wait3A_345] : memref<10240x16xf32, #tpu.memory_space<vmem_shared>> -> memref<10240x16xf32, #tpu.memory_space<vmem_shared>>
        tpu.wait_indirect_dma semaphore(%arg29 : memref<!tpu.dma_semaphore, #tpu.memory_space<semaphore_mem>>) src(%arg12 : memref<128x16xf32, #tpu.memory_space<vmem>>) dst(%dma_wait3A_346 : memref<10240x16xf32, #tpu.memory_space<vmem_shared>>)
      } else {
      }
      %add3A_280 = arith.constant 7 : i32
      %add3A_281 = arith.addi %add3A_262, %add3A_280 : i32
      %lt3A_282 = arith.cmpi slt, %add3A_281, %mul3A_21 : i32
      %convert_element_type3A_283 = arith.extui %lt3A_282 : i1 to i32
      %cond3A_284 = arith.constant 0 : i32
      %cond3A_285 = arith.cmpi ne, %convert_element_type3A_283, %cond3A_284 : i32
      scf.if %cond3A_285 {
        %add3A_340 = arith.constant 7 : i32
        %add3A_341 = arith.addi %add3A_262, %add3A_340 : i32
        %dma_start3A_342 = arith.constant 0 : i32
        %dma_start3A_343 = tpu.memref_slice %arg6[%add3A_341, %dma_start3A_342] : memref<80x128xi32, #tpu.memory_space<vmem>> -> memref<1x128xi32, #tpu.memory_space<vmem>>
        %dma_start3A_344 = tpu.memref_squeeze %dma_start3A_343 : memref<1x128xi32, #tpu.memory_space<vmem>> -> memref<128xi32, #tpu.memory_space<vmem>>
        %dma_start3A_345 = arith.constant 0 : i32
        %dma_start3A_346 = arith.constant 0 : i32
        %dma_start3A_347 = tpu.memref_slice %arg2[%dma_start3A_345, %dma_start3A_346] : memref<10240x16xf32, #tpu.memory_space<hbm>> -> memref<10240x16xf32, #tpu.memory_space<hbm>>
        tpu.enqueue_indirect_dma source(%dma_start3A_347 : memref<10240x16xf32, #tpu.memory_space<hbm>>) target(%arg12 : memref<128x16xf32, #tpu.memory_space<vmem>>) offsets(%dma_start3A_344 : memref<128xi32, #tpu.memory_space<vmem>>) semaphore(%arg21 : memref<!tpu.dma_semaphore, #tpu.memory_space<semaphore_mem>>)
      } else {
      }
      %mul3A_286 = arith.constant 8 : i32
      %mul3A_287 = arith.muli %while3A_123, %mul3A_286 : i32
      %add3A_288 = arith.constant 6 : i32
      %add3A_289 = arith.addi %mul3A_287, %add3A_288 : i32
      %dma_wait3A_290 = arith.constant 0 : i32
      %dma_wait3A_291 = tpu.memref_slice %arg6[%add3A_289, %dma_wait3A_290] : memref<80x128xi32, #tpu.memory_space<vmem>> -> memref<1x128xi32, #tpu.memory_space<vmem>>
      %dma_wait3A_292 = tpu.memref_squeeze %dma_wait3A_291 : memref<1x128xi32, #tpu.memory_space<vmem>> -> memref<128xi32, #tpu.memory_space<vmem>>
      %dma_wait3A_293 = arith.constant 0 : i32
      %dma_wait3A_294 = arith.constant 0 : i32
      %dma_wait3A_295 = tpu.memref_slice %arg2[%dma_wait3A_293, %dma_wait3A_294] : memref<10240x16xf32, #tpu.memory_space<hbm>> -> memref<10240x16xf32, #tpu.memory_space<hbm>>
      tpu.wait_indirect_dma semaphore(%arg23 : memref<!tpu.dma_semaphore, #tpu.memory_space<semaphore_mem>>) src(%dma_wait3A_295 : memref<10240x16xf32, #tpu.memory_space<hbm>>) dst(%arg14 : memref<128x16xf32, #tpu.memory_space<vmem>>)
      %dma_start3A_296 = arith.constant 0 : i32
      %dma_start3A_297 = tpu.memref_slice %arg7[%add3A_289, %dma_start3A_296] : memref<80x128xi32, #tpu.memory_space<vmem>> -> memref<1x128xi32, #tpu.memory_space<vmem>>
      %dma_start3A_298 = tpu.memref_squeeze %dma_start3A_297 : memref<1x128xi32, #tpu.memory_space<vmem>> -> memref<128xi32, #tpu.memory_space<vmem>>
      %dma_start3A_299 = arith.constant 0 : i32
      %dma_start3A_300 = arith.constant 0 : i32
      %dma_start3A_301 = tpu.memref_slice %arg16[%dma_start3A_299, %dma_start3A_300] : memref<10240x16xf32, #tpu.memory_space<vmem_shared>> -> memref<10240x16xf32, #tpu.memory_space<vmem_shared>>
      tpu.enqueue_indirect_dma source(%arg14 : memref<128x16xf32, #tpu.memory_space<vmem>>) target(%dma_start3A_301 : memref<10240x16xf32, #tpu.memory_space<vmem_shared>>) offsets(%dma_start3A_298 : memref<128xi32, #tpu.memory_space<vmem>>) semaphore(%arg31 : memref<!tpu.dma_semaphore, #tpu.memory_space<semaphore_mem>>) {add = true}
      %ge3A_302 = arith.constant 1 : i32
      %ge3A_303 = arith.cmpi sge, %add3A_289, %ge3A_302 : i32
      %convert_element_type3A_304 = arith.extui %ge3A_303 : i1 to i32
      %cond3A_305 = arith.constant 0 : i32
      %cond3A_306 = arith.cmpi ne, %convert_element_type3A_304, %cond3A_305 : i32
      scf.if %cond3A_306 {
        %dma_wait3A_340 = arith.constant 0 : i32
        %dma_wait3A_341 = arith.constant 0 : i32
        %dma_wait3A_342 = tpu.memref_slice %arg7[%dma_wait3A_340, %dma_wait3A_341] : memref<80x128xi32, #tpu.memory_space<vmem>> -> memref<1x128xi32, #tpu.memory_space<vmem>>
        %dma_wait3A_343 = tpu.memref_squeeze %dma_wait3A_342 : memref<1x128xi32, #tpu.memory_space<vmem>> -> memref<128xi32, #tpu.memory_space<vmem>>
        %dma_wait3A_344 = arith.constant 0 : i32
        %dma_wait3A_345 = arith.constant 0 : i32
        %dma_wait3A_346 = tpu.memref_slice %arg16[%dma_wait3A_344, %dma_wait3A_345] : memref<10240x16xf32, #tpu.memory_space<vmem_shared>> -> memref<10240x16xf32, #tpu.memory_space<vmem_shared>>
        tpu.wait_indirect_dma semaphore(%arg30 : memref<!tpu.dma_semaphore, #tpu.memory_space<semaphore_mem>>) src(%arg13 : memref<128x16xf32, #tpu.memory_space<vmem>>) dst(%dma_wait3A_346 : memref<10240x16xf32, #tpu.memory_space<vmem_shared>>)
      } else {
      }
      %add3A_307 = arith.constant 7 : i32
      %add3A_308 = arith.addi %add3A_289, %add3A_307 : i32
      %lt3A_309 = arith.cmpi slt, %add3A_308, %mul3A_21 : i32
      %convert_element_type3A_310 = arith.extui %lt3A_309 : i1 to i32
      %cond3A_311 = arith.constant 0 : i32
      %cond3A_312 = arith.cmpi ne, %convert_element_type3A_310, %cond3A_311 : i32
      scf.if %cond3A_312 {
        %add3A_340 = arith.constant 7 : i32
        %add3A_341 = arith.addi %add3A_289, %add3A_340 : i32
        %dma_start3A_342 = arith.constant 0 : i32
        %dma_start3A_343 = tpu.memref_slice %arg6[%add3A_341, %dma_start3A_342] : memref<80x128xi32, #tpu.memory_space<vmem>> -> memref<1x128xi32, #tpu.memory_space<vmem>>
        %dma_start3A_344 = tpu.memref_squeeze %dma_start3A_343 : memref<1x128xi32, #tpu.memory_space<vmem>> -> memref<128xi32, #tpu.memory_space<vmem>>
        %dma_start3A_345 = arith.constant 0 : i32
        %dma_start3A_346 = arith.constant 0 : i32
        %dma_start3A_347 = tpu.memref_slice %arg2[%dma_start3A_345, %dma_start3A_346] : memref<10240x16xf32, #tpu.memory_space<hbm>> -> memref<10240x16xf32, #tpu.memory_space<hbm>>
        tpu.enqueue_indirect_dma source(%dma_start3A_347 : memref<10240x16xf32, #tpu.memory_space<hbm>>) target(%arg13 : memref<128x16xf32, #tpu.memory_space<vmem>>) offsets(%dma_start3A_344 : memref<128xi32, #tpu.memory_space<vmem>>) semaphore(%arg22 : memref<!tpu.dma_semaphore, #tpu.memory_space<semaphore_mem>>)
      } else {
      }
      %mul3A_313 = arith.constant 8 : i32
      %mul3A_314 = arith.muli %while3A_123, %mul3A_313 : i32
      %add3A_315 = arith.constant 7 : i32
      %add3A_316 = arith.addi %mul3A_314, %add3A_315 : i32
      %dma_wait3A_317 = arith.constant 0 : i32
      %dma_wait3A_318 = tpu.memref_slice %arg6[%add3A_316, %dma_wait3A_317] : memref<80x128xi32, #tpu.memory_space<vmem>> -> memref<1x128xi32, #tpu.memory_space<vmem>>
      %dma_wait3A_319 = tpu.memref_squeeze %dma_wait3A_318 : memref<1x128xi32, #tpu.memory_space<vmem>> -> memref<128xi32, #tpu.memory_space<vmem>>
      %dma_wait3A_320 = arith.constant 0 : i32
      %dma_wait3A_321 = arith.constant 0 : i32
      %dma_wait3A_322 = tpu.memref_slice %arg2[%dma_wait3A_320, %dma_wait3A_321] : memref<10240x16xf32, #tpu.memory_space<hbm>> -> memref<10240x16xf32, #tpu.memory_space<hbm>>
      tpu.wait_indirect_dma semaphore(%arg24 : memref<!tpu.dma_semaphore, #tpu.memory_space<semaphore_mem>>) src(%dma_wait3A_322 : memref<10240x16xf32, #tpu.memory_space<hbm>>) dst(%arg15 : memref<128x16xf32, #tpu.memory_space<vmem>>)
      %dma_start3A_323 = arith.constant 0 : i32
      %dma_start3A_324 = tpu.memref_slice %arg7[%add3A_316, %dma_start3A_323] : memref<80x128xi32, #tpu.memory_space<vmem>> -> memref<1x128xi32, #tpu.memory_space<vmem>>
      %dma_start3A_325 = tpu.memref_squeeze %dma_start3A_324 : memref<1x128xi32, #tpu.memory_space<vmem>> -> memref<128xi32, #tpu.memory_space<vmem>>
      %dma_start3A_326 = arith.constant 0 : i32
      %dma_start3A_327 = arith.constant 0 : i32
      %dma_start3A_328 = tpu.memref_slice %arg16[%dma_start3A_326, %dma_start3A_327] : memref<10240x16xf32, #tpu.memory_space<vmem_shared>> -> memref<10240x16xf32, #tpu.memory_space<vmem_shared>>
      tpu.enqueue_indirect_dma source(%arg15 : memref<128x16xf32, #tpu.memory_space<vmem>>) target(%dma_start3A_328 : memref<10240x16xf32, #tpu.memory_space<vmem_shared>>) offsets(%dma_start3A_325 : memref<128xi32, #tpu.memory_space<vmem>>) semaphore(%arg32 : memref<!tpu.dma_semaphore, #tpu.memory_space<semaphore_mem>>) {add = true}
      %ge3A_329 = arith.constant 1 : i32
      %ge3A_330 = arith.cmpi sge, %add3A_316, %ge3A_329 : i32
      %convert_element_type3A_331 = arith.extui %ge3A_330 : i1 to i32
      %cond3A_332 = arith.constant 0 : i32
      %cond3A_333 = arith.cmpi ne, %convert_element_type3A_331, %cond3A_332 : i32
      scf.if %cond3A_333 {
        %dma_wait3A_340 = arith.constant 0 : i32
        %dma_wait3A_341 = arith.constant 0 : i32
        %dma_wait3A_342 = tpu.memref_slice %arg7[%dma_wait3A_340, %dma_wait3A_341] : memref<80x128xi32, #tpu.memory_space<vmem>> -> memref<1x128xi32, #tpu.memory_space<vmem>>
        %dma_wait3A_343 = tpu.memref_squeeze %dma_wait3A_342 : memref<1x128xi32, #tpu.memory_space<vmem>> -> memref<128xi32, #tpu.memory_space<vmem>>
        %dma_wait3A_344 = arith.constant 0 : i32
        %dma_wait3A_345 = arith.constant 0 : i32
        %dma_wait3A_346 = tpu.memref_slice %arg16[%dma_wait3A_344, %dma_wait3A_345] : memref<10240x16xf32, #tpu.memory_space<vmem_shared>> -> memref<10240x16xf32, #tpu.memory_space<vmem_shared>>
        tpu.wait_indirect_dma semaphore(%arg31 : memref<!tpu.dma_semaphore, #tpu.memory_space<semaphore_mem>>) src(%arg14 : memref<128x16xf32, #tpu.memory_space<vmem>>) dst(%dma_wait3A_346 : memref<10240x16xf32, #tpu.memory_space<vmem_shared>>)
      } else {
      }
      %add3A_334 = arith.constant 7 : i32
      %add3A_335 = arith.addi %add3A_316, %add3A_334 : i32
      %lt3A_336 = arith.cmpi slt, %add3A_335, %mul3A_21 : i32
      %convert_element_type3A_337 = arith.extui %lt3A_336 : i1 to i32
      %cond3A_338 = arith.constant 0 : i32
      %cond3A_339 = arith.cmpi ne, %convert_element_type3A_337, %cond3A_338 : i32
      scf.if %cond3A_339 {
        %add3A_340 = arith.constant 7 : i32
        %add3A_341 = arith.addi %add3A_316, %add3A_340 : i32
        %dma_start3A_342 = arith.constant 0 : i32
        %dma_start3A_343 = tpu.memref_slice %arg6[%add3A_341, %dma_start3A_342] : memref<80x128xi32, #tpu.memory_space<vmem>> -> memref<1x128xi32, #tpu.memory_space<vmem>>
        %dma_start3A_344 = tpu.memref_squeeze %dma_start3A_343 : memref<1x128xi32, #tpu.memory_space<vmem>> -> memref<128xi32, #tpu.memory_space<vmem>>
        %dma_start3A_345 = arith.constant 0 : i32
        %dma_start3A_346 = arith.constant 0 : i32
        %dma_start3A_347 = tpu.memref_slice %arg2[%dma_start3A_345, %dma_start3A_346] : memref<10240x16xf32, #tpu.memory_space<hbm>> -> memref<10240x16xf32, #tpu.memory_space<hbm>>
        tpu.enqueue_indirect_dma source(%dma_start3A_347 : memref<10240x16xf32, #tpu.memory_space<hbm>>) target(%arg14 : memref<128x16xf32, #tpu.memory_space<vmem>>) offsets(%dma_start3A_344 : memref<128xi32, #tpu.memory_space<vmem>>) semaphore(%arg23 : memref<!tpu.dma_semaphore, #tpu.memory_space<semaphore_mem>>)
      } else {
      }
    }
    %while3A_115 = arith.constant 1 : i32
    scf.for %while3A_123 = %while3A_113 to %while3A_109 step %while3A_115  : i32 {
      %mul3A_124 = arith.constant 8 : i32
      %mul3A_125 = arith.muli %while3A_123, %mul3A_124 : i32
      %add3A_126 = arith.constant 0 : i32
      %add3A_127 = arith.addi %mul3A_125, %add3A_126 : i32
      %dma_wait3A_128 = arith.constant 0 : i32
      %dma_wait3A_129 = tpu.memref_slice %arg6[%add3A_127, %dma_wait3A_128] : memref<80x128xi32, #tpu.memory_space<vmem>> -> memref<1x128xi32, #tpu.memory_space<vmem>>
      %dma_wait3A_130 = tpu.memref_squeeze %dma_wait3A_129 : memref<1x128xi32, #tpu.memory_space<vmem>> -> memref<128xi32, #tpu.memory_space<vmem>>
      %dma_wait3A_131 = arith.constant 0 : i32
      %dma_wait3A_132 = arith.constant 0 : i32
      %dma_wait3A_133 = tpu.memref_slice %arg2[%dma_wait3A_131, %dma_wait3A_132] : memref<10240x16xf32, #tpu.memory_space<hbm>> -> memref<10240x16xf32, #tpu.memory_space<hbm>>
      tpu.wait_indirect_dma semaphore(%arg17 : memref<!tpu.dma_semaphore, #tpu.memory_space<semaphore_mem>>) src(%dma_wait3A_133 : memref<10240x16xf32, #tpu.memory_space<hbm>>) dst(%arg8 : memref<128x16xf32, #tpu.memory_space<vmem>>)
      %dma_start3A_134 = arith.constant 0 : i32
      %dma_start3A_135 = tpu.memref_slice %arg7[%add3A_127, %dma_start3A_134] : memref<80x128xi32, #tpu.memory_space<vmem>> -> memref<1x128xi32, #tpu.memory_space<vmem>>
      %dma_start3A_136 = tpu.memref_squeeze %dma_start3A_135 : memref<1x128xi32, #tpu.memory_space<vmem>> -> memref<128xi32, #tpu.memory_space<vmem>>
      %dma_start3A_137 = arith.constant 0 : i32
      %dma_start3A_138 = arith.constant 0 : i32
      %dma_start3A_139 = tpu.memref_slice %arg16[%dma_start3A_137, %dma_start3A_138] : memref<10240x16xf32, #tpu.memory_space<vmem_shared>> -> memref<10240x16xf32, #tpu.memory_space<vmem_shared>>
      tpu.enqueue_indirect_dma source(%arg8 : memref<128x16xf32, #tpu.memory_space<vmem>>) target(%dma_start3A_139 : memref<10240x16xf32, #tpu.memory_space<vmem_shared>>) offsets(%dma_start3A_136 : memref<128xi32, #tpu.memory_space<vmem>>) semaphore(%arg25 : memref<!tpu.dma_semaphore, #tpu.memory_space<semaphore_mem>>) {add = true}
      %ge3A_140 = arith.constant 1 : i32
      %ge3A_141 = arith.cmpi sge, %add3A_127, %ge3A_140 : i32
      %convert_element_type3A_142 = arith.extui %ge3A_141 : i1 to i32
      %cond3A_143 = arith.constant 0 : i32
      %cond3A_144 = arith.cmpi ne, %convert_element_type3A_142, %cond3A_143 : i32
      scf.if %cond3A_144 {
        %dma_wait3A_340 = arith.constant 0 : i32
        %dma_wait3A_341 = arith.constant 0 : i32
        %dma_wait3A_342 = tpu.memref_slice %arg7[%dma_wait3A_340, %dma_wait3A_341] : memref<80x128xi32, #tpu.memory_space<vmem>> -> memref<1x128xi32, #tpu.memory_space<vmem>>
        %dma_wait3A_343 = tpu.memref_squeeze %dma_wait3A_342 : memref<1x128xi32, #tpu.memory_space<vmem>> -> memref<128xi32, #tpu.memory_space<vmem>>
        %dma_wait3A_344 = arith.constant 0 : i32
        %dma_wait3A_345 = arith.constant 0 : i32
        %dma_wait3A_346 = tpu.memref_slice %arg16[%dma_wait3A_344, %dma_wait3A_345] : memref<10240x16xf32, #tpu.memory_space<vmem_shared>> -> memref<10240x16xf32, #tpu.memory_space<vmem_shared>>
        tpu.wait_indirect_dma semaphore(%arg32 : memref<!tpu.dma_semaphore, #tpu.memory_space<semaphore_mem>>) src(%arg15 : memref<128x16xf32, #tpu.memory_space<vmem>>) dst(%dma_wait3A_346 : memref<10240x16xf32, #tpu.memory_space<vmem_shared>>)
      } else {
      }
      %add3A_145 = arith.constant 7 : i32
      %add3A_146 = arith.addi %add3A_127, %add3A_145 : i32
      %lt3A_147 = arith.cmpi slt, %add3A_146, %mul3A_21 : i32
      %convert_element_type3A_148 = arith.extui %lt3A_147 : i1 to i32
      %cond3A_149 = arith.constant 0 : i32
      %cond3A_150 = arith.cmpi ne, %convert_element_type3A_148, %cond3A_149 : i32
      scf.if %cond3A_150 {
        %add3A_340 = arith.constant 7 : i32
        %add3A_341 = arith.addi %add3A_127, %add3A_340 : i32
        %dma_start3A_342 = arith.constant 0 : i32
        %dma_start3A_343 = tpu.memref_slice %arg6[%add3A_341, %dma_start3A_342] : memref<80x128xi32, #tpu.memory_space<vmem>> -> memref<1x128xi32, #tpu.memory_space<vmem>>
        %dma_start3A_344 = tpu.memref_squeeze %dma_start3A_343 : memref<1x128xi32, #tpu.memory_space<vmem>> -> memref<128xi32, #tpu.memory_space<vmem>>
        %dma_start3A_345 = arith.constant 0 : i32
        %dma_start3A_346 = arith.constant 0 : i32
        %dma_start3A_347 = tpu.memref_slice %arg2[%dma_start3A_345, %dma_start3A_346] : memref<10240x16xf32, #tpu.memory_space<hbm>> -> memref<10240x16xf32, #tpu.memory_space<hbm>>
        tpu.enqueue_indirect_dma source(%dma_start3A_347 : memref<10240x16xf32, #tpu.memory_space<hbm>>) target(%arg15 : memref<128x16xf32, #tpu.memory_space<vmem>>) offsets(%dma_start3A_344 : memref<128xi32, #tpu.memory_space<vmem>>) semaphore(%arg24 : memref<!tpu.dma_semaphore, #tpu.memory_space<semaphore_mem>>)
      } else {
      }
      %mul3A_151 = arith.constant 8 : i32
      %mul3A_152 = arith.muli %while3A_123, %mul3A_151 : i32
      %add3A_153 = arith.constant 1 : i32
      %add3A_154 = arith.addi %mul3A_152, %add3A_153 : i32
      %dma_wait3A_155 = arith.constant 0 : i32
      %dma_wait3A_156 = tpu.memref_slice %arg6[%add3A_154, %dma_wait3A_155] : memref<80x128xi32, #tpu.memory_space<vmem>> -> memref<1x128xi32, #tpu.memory_space<vmem>>
      %dma_wait3A_157 = tpu.memref_squeeze %dma_wait3A_156 : memref<1x128xi32, #tpu.memory_space<vmem>> -> memref<128xi32, #tpu.memory_space<vmem>>
      %dma_wait3A_158 = arith.constant 0 : i32
      %dma_wait3A_159 = arith.constant 0 : i32
      %dma_wait3A_160 = tpu.memref_slice %arg2[%dma_wait3A_158, %dma_wait3A_159] : memref<10240x16xf32, #tpu.memory_space<hbm>> -> memref<10240x16xf32, #tpu.memory_space<hbm>>
      tpu.wait_indirect_dma semaphore(%arg18 : memref<!tpu.dma_semaphore, #tpu.memory_space<semaphore_mem>>) src(%dma_wait3A_160 : memref<10240x16xf32, #tpu.memory_space<hbm>>) dst(%arg9 : memref<128x16xf32, #tpu.memory_space<vmem>>)
      %dma_start3A_161 = arith.constant 0 : i32
      %dma_start3A_162 = tpu.memref_slice %arg7[%add3A_154, %dma_start3A_161] : memref<80x128xi32, #tpu.memory_space<vmem>> -> memref<1x128xi32, #tpu.memory_space<vmem>>
      %dma_start3A_163 = tpu.memref_squeeze %dma_start3A_162 : memref<1x128xi32, #tpu.memory_space<vmem>> -> memref<128xi32, #tpu.memory_space<vmem>>
      %dma_start3A_164 = arith.constant 0 : i32
      %dma_start3A_165 = arith.constant 0 : i32
      %dma_start3A_166 = tpu.memref_slice %arg16[%dma_start3A_164, %dma_start3A_165] : memref<10240x16xf32, #tpu.memory_space<vmem_shared>> -> memref<10240x16xf32, #tpu.memory_space<vmem_shared>>
      tpu.enqueue_indirect_dma source(%arg9 : memref<128x16xf32, #tpu.memory_space<vmem>>) target(%dma_start3A_166 : memref<10240x16xf32, #tpu.memory_space<vmem_shared>>) offsets(%dma_start3A_163 : memref<128xi32, #tpu.memory_space<vmem>>) semaphore(%arg26 : memref<!tpu.dma_semaphore, #tpu.memory_space<semaphore_mem>>) {add = true}
      %ge3A_167 = arith.constant 1 : i32
      %ge3A_168 = arith.cmpi sge, %add3A_154, %ge3A_167 : i32
      %convert_element_type3A_169 = arith.extui %ge3A_168 : i1 to i32
      %cond3A_170 = arith.constant 0 : i32
      %cond3A_171 = arith.cmpi ne, %convert_element_type3A_169, %cond3A_170 : i32
      scf.if %cond3A_171 {
        %dma_wait3A_340 = arith.constant 0 : i32
        %dma_wait3A_341 = arith.constant 0 : i32
        %dma_wait3A_342 = tpu.memref_slice %arg7[%dma_wait3A_340, %dma_wait3A_341] : memref<80x128xi32, #tpu.memory_space<vmem>> -> memref<1x128xi32, #tpu.memory_space<vmem>>
        %dma_wait3A_343 = tpu.memref_squeeze %dma_wait3A_342 : memref<1x128xi32, #tpu.memory_space<vmem>> -> memref<128xi32, #tpu.memory_space<vmem>>
        %dma_wait3A_344 = arith.constant 0 : i32
        %dma_wait3A_345 = arith.constant 0 : i32
        %dma_wait3A_346 = tpu.memref_slice %arg16[%dma_wait3A_344, %dma_wait3A_345] : memref<10240x16xf32, #tpu.memory_space<vmem_shared>> -> memref<10240x16xf32, #tpu.memory_space<vmem_shared>>
        tpu.wait_indirect_dma semaphore(%arg25 : memref<!tpu.dma_semaphore, #tpu.memory_space<semaphore_mem>>) src(%arg8 : memref<128x16xf32, #tpu.memory_space<vmem>>) dst(%dma_wait3A_346 : memref<10240x16xf32, #tpu.memory_space<vmem_shared>>)
      } else {
      }
      %add3A_172 = arith.constant 7 : i32
      %add3A_173 = arith.addi %add3A_154, %add3A_172 : i32
      %lt3A_174 = arith.cmpi slt, %add3A_173, %mul3A_21 : i32
      %convert_element_type3A_175 = arith.extui %lt3A_174 : i1 to i32
      %cond3A_176 = arith.constant 0 : i32
      %cond3A_177 = arith.cmpi ne, %convert_element_type3A_175, %cond3A_176 : i32
      scf.if %cond3A_177 {
        %add3A_340 = arith.constant 7 : i32
        %add3A_341 = arith.addi %add3A_154, %add3A_340 : i32
        %dma_start3A_342 = arith.constant 0 : i32
        %dma_start3A_343 = tpu.memref_slice %arg6[%add3A_341, %dma_start3A_342] : memref<80x128xi32, #tpu.memory_space<vmem>> -> memref<1x128xi32, #tpu.memory_space<vmem>>
        %dma_start3A_344 = tpu.memref_squeeze %dma_start3A_343 : memref<1x128xi32, #tpu.memory_space<vmem>> -> memref<128xi32, #tpu.memory_space<vmem>>
        %dma_start3A_345 = arith.constant 0 : i32
        %dma_start3A_346 = arith.constant 0 : i32
        %dma_start3A_347 = tpu.memref_slice %arg2[%dma_start3A_345, %dma_start3A_346] : memref<10240x16xf32, #tpu.memory_space<hbm>> -> memref<10240x16xf32, #tpu.memory_space<hbm>>
        tpu.enqueue_indirect_dma source(%dma_start3A_347 : memref<10240x16xf32, #tpu.memory_space<hbm>>) target(%arg8 : memref<128x16xf32, #tpu.memory_space<vmem>>) offsets(%dma_start3A_344 : memref<128xi32, #tpu.memory_space<vmem>>) semaphore(%arg17 : memref<!tpu.dma_semaphore, #tpu.memory_space<semaphore_mem>>)
      } else {
      }
      %mul3A_178 = arith.constant 8 : i32
      %mul3A_179 = arith.muli %while3A_123, %mul3A_178 : i32
      %add3A_180 = arith.constant 2 : i32
      %add3A_181 = arith.addi %mul3A_179, %add3A_180 : i32
      %dma_wait3A_182 = arith.constant 0 : i32
      %dma_wait3A_183 = tpu.memref_slice %arg6[%add3A_181, %dma_wait3A_182] : memref<80x128xi32, #tpu.memory_space<vmem>> -> memref<1x128xi32, #tpu.memory_space<vmem>>
      %dma_wait3A_184 = tpu.memref_squeeze %dma_wait3A_183 : memref<1x128xi32, #tpu.memory_space<vmem>> -> memref<128xi32, #tpu.memory_space<vmem>>
      %dma_wait3A_185 = arith.constant 0 : i32
      %dma_wait3A_186 = arith.constant 0 : i32
      %dma_wait3A_187 = tpu.memref_slice %arg2[%dma_wait3A_185, %dma_wait3A_186] : memref<10240x16xf32, #tpu.memory_space<hbm>> -> memref<10240x16xf32, #tpu.memory_space<hbm>>
      tpu.wait_indirect_dma semaphore(%arg19 : memref<!tpu.dma_semaphore, #tpu.memory_space<semaphore_mem>>) src(%dma_wait3A_187 : memref<10240x16xf32, #tpu.memory_space<hbm>>) dst(%arg10 : memref<128x16xf32, #tpu.memory_space<vmem>>)
      %dma_start3A_188 = arith.constant 0 : i32
      %dma_start3A_189 = tpu.memref_slice %arg7[%add3A_181, %dma_start3A_188] : memref<80x128xi32, #tpu.memory_space<vmem>> -> memref<1x128xi32, #tpu.memory_space<vmem>>
      %dma_start3A_190 = tpu.memref_squeeze %dma_start3A_189 : memref<1x128xi32, #tpu.memory_space<vmem>> -> memref<128xi32, #tpu.memory_space<vmem>>
      %dma_start3A_191 = arith.constant 0 : i32
      %dma_start3A_192 = arith.constant 0 : i32
      %dma_start3A_193 = tpu.memref_slice %arg16[%dma_start3A_191, %dma_start3A_192] : memref<10240x16xf32, #tpu.memory_space<vmem_shared>> -> memref<10240x16xf32, #tpu.memory_space<vmem_shared>>
      tpu.enqueue_indirect_dma source(%arg10 : memref<128x16xf32, #tpu.memory_space<vmem>>) target(%dma_start3A_193 : memref<10240x16xf32, #tpu.memory_space<vmem_shared>>) offsets(%dma_start3A_190 : memref<128xi32, #tpu.memory_space<vmem>>) semaphore(%arg27 : memref<!tpu.dma_semaphore, #tpu.memory_space<semaphore_mem>>) {add = true}
      %ge3A_194 = arith.constant 1 : i32
      %ge3A_195 = arith.cmpi sge, %add3A_181, %ge3A_194 : i32
      %convert_element_type3A_196 = arith.extui %ge3A_195 : i1 to i32
      %cond3A_197 = arith.constant 0 : i32
      %cond3A_198 = arith.cmpi ne, %convert_element_type3A_196, %cond3A_197 : i32
      scf.if %cond3A_198 {
        %dma_wait3A_340 = arith.constant 0 : i32
        %dma_wait3A_341 = arith.constant 0 : i32
        %dma_wait3A_342 = tpu.memref_slice %arg7[%dma_wait3A_340, %dma_wait3A_341] : memref<80x128xi32, #tpu.memory_space<vmem>> -> memref<1x128xi32, #tpu.memory_space<vmem>>
        %dma_wait3A_343 = tpu.memref_squeeze %dma_wait3A_342 : memref<1x128xi32, #tpu.memory_space<vmem>> -> memref<128xi32, #tpu.memory_space<vmem>>
        %dma_wait3A_344 = arith.constant 0 : i32
        %dma_wait3A_345 = arith.constant 0 : i32
        %dma_wait3A_346 = tpu.memref_slice %arg16[%dma_wait3A_344, %dma_wait3A_345] : memref<10240x16xf32, #tpu.memory_space<vmem_shared>> -> memref<10240x16xf32, #tpu.memory_space<vmem_shared>>
        tpu.wait_indirect_dma semaphore(%arg26 : memref<!tpu.dma_semaphore, #tpu.memory_space<semaphore_mem>>) src(%arg9 : memref<128x16xf32, #tpu.memory_space<vmem>>) dst(%dma_wait3A_346 : memref<10240x16xf32, #tpu.memory_space<vmem_shared>>)
      } else {
      }
      %add3A_199 = arith.constant 7 : i32
      %add3A_200 = arith.addi %add3A_181, %add3A_199 : i32
      %lt3A_201 = arith.cmpi slt, %add3A_200, %mul3A_21 : i32
      %convert_element_type3A_202 = arith.extui %lt3A_201 : i1 to i32
      %cond3A_203 = arith.constant 0 : i32
      %cond3A_204 = arith.cmpi ne, %convert_element_type3A_202, %cond3A_203 : i32
      scf.if %cond3A_204 {
        %add3A_340 = arith.constant 7 : i32
        %add3A_341 = arith.addi %add3A_181, %add3A_340 : i32
        %dma_start3A_342 = arith.constant 0 : i32
        %dma_start3A_343 = tpu.memref_slice %arg6[%add3A_341, %dma_start3A_342] : memref<80x128xi32, #tpu.memory_space<vmem>> -> memref<1x128xi32, #tpu.memory_space<vmem>>
        %dma_start3A_344 = tpu.memref_squeeze %dma_start3A_343 : memref<1x128xi32, #tpu.memory_space<vmem>> -> memref<128xi32, #tpu.memory_space<vmem>>
        %dma_start3A_345 = arith.constant 0 : i32
        %dma_start3A_346 = arith.constant 0 : i32
        %dma_start3A_347 = tpu.memref_slice %arg2[%dma_start3A_345, %dma_start3A_346] : memref<10240x16xf32, #tpu.memory_space<hbm>> -> memref<10240x16xf32, #tpu.memory_space<hbm>>
        tpu.enqueue_indirect_dma source(%dma_start3A_347 : memref<10240x16xf32, #tpu.memory_space<hbm>>) target(%arg9 : memref<128x16xf32, #tpu.memory_space<vmem>>) offsets(%dma_start3A_344 : memref<128xi32, #tpu.memory_space<vmem>>) semaphore(%arg18 : memref<!tpu.dma_semaphore, #tpu.memory_space<semaphore_mem>>)
      } else {
      }
      %mul3A_205 = arith.constant 8 : i32
      %mul3A_206 = arith.muli %while3A_123, %mul3A_205 : i32
      %add3A_207 = arith.constant 3 : i32
      %add3A_208 = arith.addi %mul3A_206, %add3A_207 : i32
      %dma_wait3A_209 = arith.constant 0 : i32
      %dma_wait3A_210 = tpu.memref_slice %arg6[%add3A_208, %dma_wait3A_209] : memref<80x128xi32, #tpu.memory_space<vmem>> -> memref<1x128xi32, #tpu.memory_space<vmem>>
      %dma_wait3A_211 = tpu.memref_squeeze %dma_wait3A_210 : memref<1x128xi32, #tpu.memory_space<vmem>> -> memref<128xi32, #tpu.memory_space<vmem>>
      %dma_wait3A_212 = arith.constant 0 : i32
      %dma_wait3A_213 = arith.constant 0 : i32
      %dma_wait3A_214 = tpu.memref_slice %arg2[%dma_wait3A_212, %dma_wait3A_213] : memref<10240x16xf32, #tpu.memory_space<hbm>> -> memref<10240x16xf32, #tpu.memory_space<hbm>>
      tpu.wait_indirect_dma semaphore(%arg20 : memref<!tpu.dma_semaphore, #tpu.memory_space<semaphore_mem>>) src(%dma_wait3A_214 : memref<10240x16xf32, #tpu.memory_space<hbm>>) dst(%arg11 : memref<128x16xf32, #tpu.memory_space<vmem>>)
      %dma_start3A_215 = arith.constant 0 : i32
      %dma_start3A_216 = tpu.memref_slice %arg7[%add3A_208, %dma_start3A_215] : memref<80x128xi32, #tpu.memory_space<vmem>> -> memref<1x128xi32, #tpu.memory_space<vmem>>
      %dma_start3A_217 = tpu.memref_squeeze %dma_start3A_216 : memref<1x128xi32, #tpu.memory_space<vmem>> -> memref<128xi32, #tpu.memory_space<vmem>>
      %dma_start3A_218 = arith.constant 0 : i32
      %dma_start3A_219 = arith.constant 0 : i32
      %dma_start3A_220 = tpu.memref_slice %arg16[%dma_start3A_218, %dma_start3A_219] : memref<10240x16xf32, #tpu.memory_space<vmem_shared>> -> memref<10240x16xf32, #tpu.memory_space<vmem_shared>>
      tpu.enqueue_indirect_dma source(%arg11 : memref<128x16xf32, #tpu.memory_space<vmem>>) target(%dma_start3A_220 : memref<10240x16xf32, #tpu.memory_space<vmem_shared>>) offsets(%dma_start3A_217 : memref<128xi32, #tpu.memory_space<vmem>>) semaphore(%arg28 : memref<!tpu.dma_semaphore, #tpu.memory_space<semaphore_mem>>) {add = true}
      %ge3A_221 = arith.constant 1 : i32
      %ge3A_222 = arith.cmpi sge, %add3A_208, %ge3A_221 : i32
      %convert_element_type3A_223 = arith.extui %ge3A_222 : i1 to i32
      %cond3A_224 = arith.constant 0 : i32
      %cond3A_225 = arith.cmpi ne, %convert_element_type3A_223, %cond3A_224 : i32
      scf.if %cond3A_225 {
        %dma_wait3A_340 = arith.constant 0 : i32
        %dma_wait3A_341 = arith.constant 0 : i32
        %dma_wait3A_342 = tpu.memref_slice %arg7[%dma_wait3A_340, %dma_wait3A_341] : memref<80x128xi32, #tpu.memory_space<vmem>> -> memref<1x128xi32, #tpu.memory_space<vmem>>
        %dma_wait3A_343 = tpu.memref_squeeze %dma_wait3A_342 : memref<1x128xi32, #tpu.memory_space<vmem>> -> memref<128xi32, #tpu.memory_space<vmem>>
        %dma_wait3A_344 = arith.constant 0 : i32
        %dma_wait3A_345 = arith.constant 0 : i32
        %dma_wait3A_346 = tpu.memref_slice %arg16[%dma_wait3A_344, %dma_wait3A_345] : memref<10240x16xf32, #tpu.memory_space<vmem_shared>> -> memref<10240x16xf32, #tpu.memory_space<vmem_shared>>
        tpu.wait_indirect_dma semaphore(%arg27 : memref<!tpu.dma_semaphore, #tpu.memory_space<semaphore_mem>>) src(%arg10 : memref<128x16xf32, #tpu.memory_space<vmem>>) dst(%dma_wait3A_346 : memref<10240x16xf32, #tpu.memory_space<vmem_shared>>)
      } else {
      }
      %add3A_226 = arith.constant 7 : i32
      %add3A_227 = arith.addi %add3A_208, %add3A_226 : i32
      %lt3A_228 = arith.cmpi slt, %add3A_227, %mul3A_21 : i32
      %convert_element_type3A_229 = arith.extui %lt3A_228 : i1 to i32
      %cond3A_230 = arith.constant 0 : i32
      %cond3A_231 = arith.cmpi ne, %convert_element_type3A_229, %cond3A_230 : i32
      scf.if %cond3A_231 {
        %add3A_340 = arith.constant 7 : i32
        %add3A_341 = arith.addi %add3A_208, %add3A_340 : i32
        %dma_start3A_342 = arith.constant 0 : i32
        %dma_start3A_343 = tpu.memref_slice %arg6[%add3A_341, %dma_start3A_342] : memref<80x128xi32, #tpu.memory_space<vmem>> -> memref<1x128xi32, #tpu.memory_space<vmem>>
        %dma_start3A_344 = tpu.memref_squeeze %dma_start3A_343 : memref<1x128xi32, #tpu.memory_space<vmem>> -> memref<128xi32, #tpu.memory_space<vmem>>
        %dma_start3A_345 = arith.constant 0 : i32
        %dma_start3A_346 = arith.constant 0 : i32
        %dma_start3A_347 = tpu.memref_slice %arg2[%dma_start3A_345, %dma_start3A_346] : memref<10240x16xf32, #tpu.memory_space<hbm>> -> memref<10240x16xf32, #tpu.memory_space<hbm>>
        tpu.enqueue_indirect_dma source(%dma_start3A_347 : memref<10240x16xf32, #tpu.memory_space<hbm>>) target(%arg10 : memref<128x16xf32, #tpu.memory_space<vmem>>) offsets(%dma_start3A_344 : memref<128xi32, #tpu.memory_space<vmem>>) semaphore(%arg19 : memref<!tpu.dma_semaphore, #tpu.memory_space<semaphore_mem>>)
      } else {
      }
      %mul3A_232 = arith.constant 8 : i32
      %mul3A_233 = arith.muli %while3A_123, %mul3A_232 : i32
      %add3A_234 = arith.constant 4 : i32
      %add3A_235 = arith.addi %mul3A_233, %add3A_234 : i32
      %dma_wait3A_236 = arith.constant 0 : i32
      %dma_wait3A_237 = tpu.memref_slice %arg6[%add3A_235, %dma_wait3A_236] : memref<80x128xi32, #tpu.memory_space<vmem>> -> memref<1x128xi32, #tpu.memory_space<vmem>>
      %dma_wait3A_238 = tpu.memref_squeeze %dma_wait3A_237 : memref<1x128xi32, #tpu.memory_space<vmem>> -> memref<128xi32, #tpu.memory_space<vmem>>
      %dma_wait3A_239 = arith.constant 0 : i32
      %dma_wait3A_240 = arith.constant 0 : i32
      %dma_wait3A_241 = tpu.memref_slice %arg2[%dma_wait3A_239, %dma_wait3A_240] : memref<10240x16xf32, #tpu.memory_space<hbm>> -> memref<10240x16xf32, #tpu.memory_space<hbm>>
      tpu.wait_indirect_dma semaphore(%arg21 : memref<!tpu.dma_semaphore, #tpu.memory_space<semaphore_mem>>) src(%dma_wait3A_241 : memref<10240x16xf32, #tpu.memory_space<hbm>>) dst(%arg12 : memref<128x16xf32, #tpu.memory_space<vmem>>)
      %dma_start3A_242 = arith.constant 0 : i32
      %dma_start3A_243 = tpu.memref_slice %arg7[%add3A_235, %dma_start3A_242] : memref<80x128xi32, #tpu.memory_space<vmem>> -> memref<1x128xi32, #tpu.memory_space<vmem>>
      %dma_start3A_244 = tpu.memref_squeeze %dma_start3A_243 : memref<1x128xi32, #tpu.memory_space<vmem>> -> memref<128xi32, #tpu.memory_space<vmem>>
      %dma_start3A_245 = arith.constant 0 : i32
      %dma_start3A_246 = arith.constant 0 : i32
      %dma_start3A_247 = tpu.memref_slice %arg16[%dma_start3A_245, %dma_start3A_246] : memref<10240x16xf32, #tpu.memory_space<vmem_shared>> -> memref<10240x16xf32, #tpu.memory_space<vmem_shared>>
      tpu.enqueue_indirect_dma source(%arg12 : memref<128x16xf32, #tpu.memory_space<vmem>>) target(%dma_start3A_247 : memref<10240x16xf32, #tpu.memory_space<vmem_shared>>) offsets(%dma_start3A_244 : memref<128xi32, #tpu.memory_space<vmem>>) semaphore(%arg29 : memref<!tpu.dma_semaphore, #tpu.memory_space<semaphore_mem>>) {add = true}
      %ge3A_248 = arith.constant 1 : i32
      %ge3A_249 = arith.cmpi sge, %add3A_235, %ge3A_248 : i32
      %convert_element_type3A_250 = arith.extui %ge3A_249 : i1 to i32
      %cond3A_251 = arith.constant 0 : i32
      %cond3A_252 = arith.cmpi ne, %convert_element_type3A_250, %cond3A_251 : i32
      scf.if %cond3A_252 {
        %dma_wait3A_340 = arith.constant 0 : i32
        %dma_wait3A_341 = arith.constant 0 : i32
        %dma_wait3A_342 = tpu.memref_slice %arg7[%dma_wait3A_340, %dma_wait3A_341] : memref<80x128xi32, #tpu.memory_space<vmem>> -> memref<1x128xi32, #tpu.memory_space<vmem>>
        %dma_wait3A_343 = tpu.memref_squeeze %dma_wait3A_342 : memref<1x128xi32, #tpu.memory_space<vmem>> -> memref<128xi32, #tpu.memory_space<vmem>>
        %dma_wait3A_344 = arith.constant 0 : i32
        %dma_wait3A_345 = arith.constant 0 : i32
        %dma_wait3A_346 = tpu.memref_slice %arg16[%dma_wait3A_344, %dma_wait3A_345] : memref<10240x16xf32, #tpu.memory_space<vmem_shared>> -> memref<10240x16xf32, #tpu.memory_space<vmem_shared>>
        tpu.wait_indirect_dma semaphore(%arg28 : memref<!tpu.dma_semaphore, #tpu.memory_space<semaphore_mem>>) src(%arg11 : memref<128x16xf32, #tpu.memory_space<vmem>>) dst(%dma_wait3A_346 : memref<10240x16xf32, #tpu.memory_space<vmem_shared>>)
      } else {
      }
      %add3A_253 = arith.constant 7 : i32
      %add3A_254 = arith.addi %add3A_235, %add3A_253 : i32
      %lt3A_255 = arith.cmpi slt, %add3A_254, %mul3A_21 : i32
      %convert_element_type3A_256 = arith.extui %lt3A_255 : i1 to i32
      %cond3A_257 = arith.constant 0 : i32
      %cond3A_258 = arith.cmpi ne, %convert_element_type3A_256, %cond3A_257 : i32
      scf.if %cond3A_258 {
        %add3A_340 = arith.constant 7 : i32
        %add3A_341 = arith.addi %add3A_235, %add3A_340 : i32
        %dma_start3A_342 = arith.constant 0 : i32
        %dma_start3A_343 = tpu.memref_slice %arg6[%add3A_341, %dma_start3A_342] : memref<80x128xi32, #tpu.memory_space<vmem>> -> memref<1x128xi32, #tpu.memory_space<vmem>>
        %dma_start3A_344 = tpu.memref_squeeze %dma_start3A_343 : memref<1x128xi32, #tpu.memory_space<vmem>> -> memref<128xi32, #tpu.memory_space<vmem>>
        %dma_start3A_345 = arith.constant 0 : i32
        %dma_start3A_346 = arith.constant 0 : i32
        %dma_start3A_347 = tpu.memref_slice %arg2[%dma_start3A_345, %dma_start3A_346] : memref<10240x16xf32, #tpu.memory_space<hbm>> -> memref<10240x16xf32, #tpu.memory_space<hbm>>
        tpu.enqueue_indirect_dma source(%dma_start3A_347 : memref<10240x16xf32, #tpu.memory_space<hbm>>) target(%arg11 : memref<128x16xf32, #tpu.memory_space<vmem>>) offsets(%dma_start3A_344 : memref<128xi32, #tpu.memory_space<vmem>>) semaphore(%arg20 : memref<!tpu.dma_semaphore, #tpu.memory_space<semaphore_mem>>)
      } else {
      }
      %mul3A_259 = arith.constant 8 : i32
      %mul3A_260 = arith.muli %while3A_123, %mul3A_259 : i32
      %add3A_261 = arith.constant 5 : i32
      %add3A_262 = arith.addi %mul3A_260, %add3A_261 : i32
      %dma_wait3A_263 = arith.constant 0 : i32
      %dma_wait3A_264 = tpu.memref_slice %arg6[%add3A_262, %dma_wait3A_263] : memref<80x128xi32, #tpu.memory_space<vmem>> -> memref<1x128xi32, #tpu.memory_space<vmem>>
      %dma_wait3A_265 = tpu.memref_squeeze %dma_wait3A_264 : memref<1x128xi32, #tpu.memory_space<vmem>> -> memref<128xi32, #tpu.memory_space<vmem>>
      %dma_wait3A_266 = arith.constant 0 : i32
      %dma_wait3A_267 = arith.constant 0 : i32
      %dma_wait3A_268 = tpu.memref_slice %arg2[%dma_wait3A_266, %dma_wait3A_267] : memref<10240x16xf32, #tpu.memory_space<hbm>> -> memref<10240x16xf32, #tpu.memory_space<hbm>>
      tpu.wait_indirect_dma semaphore(%arg22 : memref<!tpu.dma_semaphore, #tpu.memory_space<semaphore_mem>>) src(%dma_wait3A_268 : memref<10240x16xf32, #tpu.memory_space<hbm>>) dst(%arg13 : memref<128x16xf32, #tpu.memory_space<vmem>>)
      %dma_start3A_269 = arith.constant 0 : i32
      %dma_start3A_270 = tpu.memref_slice %arg7[%add3A_262, %dma_start3A_269] : memref<80x128xi32, #tpu.memory_space<vmem>> -> memref<1x128xi32, #tpu.memory_space<vmem>>
      %dma_start3A_271 = tpu.memref_squeeze %dma_start3A_270 : memref<1x128xi32, #tpu.memory_space<vmem>> -> memref<128xi32, #tpu.memory_space<vmem>>
      %dma_start3A_272 = arith.constant 0 : i32
      %dma_start3A_273 = arith.constant 0 : i32
      %dma_start3A_274 = tpu.memref_slice %arg16[%dma_start3A_272, %dma_start3A_273] : memref<10240x16xf32, #tpu.memory_space<vmem_shared>> -> memref<10240x16xf32, #tpu.memory_space<vmem_shared>>
      tpu.enqueue_indirect_dma source(%arg13 : memref<128x16xf32, #tpu.memory_space<vmem>>) target(%dma_start3A_274 : memref<10240x16xf32, #tpu.memory_space<vmem_shared>>) offsets(%dma_start3A_271 : memref<128xi32, #tpu.memory_space<vmem>>) semaphore(%arg30 : memref<!tpu.dma_semaphore, #tpu.memory_space<semaphore_mem>>) {add = true}
      %ge3A_275 = arith.constant 1 : i32
      %ge3A_276 = arith.cmpi sge, %add3A_262, %ge3A_275 : i32
      %convert_element_type3A_277 = arith.extui %ge3A_276 : i1 to i32
      %cond3A_278 = arith.constant 0 : i32
      %cond3A_279 = arith.cmpi ne, %convert_element_type3A_277, %cond3A_278 : i32
      scf.if %cond3A_279 {
        %dma_wait3A_340 = arith.constant 0 : i32
        %dma_wait3A_341 = arith.constant 0 : i32
        %dma_wait3A_342 = tpu.memref_slice %arg7[%dma_wait3A_340, %dma_wait3A_341] : memref<80x128xi32, #tpu.memory_space<vmem>> -> memref<1x128xi32, #tpu.memory_space<vmem>>
        %dma_wait3A_343 = tpu.memref_squeeze %dma_wait3A_342 : memref<1x128xi32, #tpu.memory_space<vmem>> -> memref<128xi32, #tpu.memory_space<vmem>>
        %dma_wait3A_344 = arith.constant 0 : i32
        %dma_wait3A_345 = arith.constant 0 : i32
        %dma_wait3A_346 = tpu.memref_slice %arg16[%dma_wait3A_344, %dma_wait3A_345] : memref<10240x16xf32, #tpu.memory_space<vmem_shared>> -> memref<10240x16xf32, #tpu.memory_space<vmem_shared>>
        tpu.wait_indirect_dma semaphore(%arg29 : memref<!tpu.dma_semaphore, #tpu.memory_space<semaphore_mem>>) src(%arg12 : memref<128x16xf32, #tpu.memory_space<vmem>>) dst(%dma_wait3A_346 : memref<10240x16xf32, #tpu.memory_space<vmem_shared>>)
      } else {
      }
      %add3A_280 = arith.constant 7 : i32
      %add3A_281 = arith.addi %add3A_262, %add3A_280 : i32
      %lt3A_282 = arith.cmpi slt, %add3A_281, %mul3A_21 : i32
      %convert_element_type3A_283 = arith.extui %lt3A_282 : i1 to i32
      %cond3A_284 = arith.constant 0 : i32
      %cond3A_285 = arith.cmpi ne, %convert_element_type3A_283, %cond3A_284 : i32
      scf.if %cond3A_285 {
        %add3A_340 = arith.constant 7 : i32
        %add3A_341 = arith.addi %add3A_262, %add3A_340 : i32
        %dma_start3A_342 = arith.constant 0 : i32
        %dma_start3A_343 = tpu.memref_slice %arg6[%add3A_341, %dma_start3A_342] : memref<80x128xi32, #tpu.memory_space<vmem>> -> memref<1x128xi32, #tpu.memory_space<vmem>>
        %dma_start3A_344 = tpu.memref_squeeze %dma_start3A_343 : memref<1x128xi32, #tpu.memory_space<vmem>> -> memref<128xi32, #tpu.memory_space<vmem>>
        %dma_start3A_345 = arith.constant 0 : i32
        %dma_start3A_346 = arith.constant 0 : i32
        %dma_start3A_347 = tpu.memref_slice %arg2[%dma_start3A_345, %dma_start3A_346] : memref<10240x16xf32, #tpu.memory_space<hbm>> -> memref<10240x16xf32, #tpu.memory_space<hbm>>
        tpu.enqueue_indirect_dma source(%dma_start3A_347 : memref<10240x16xf32, #tpu.memory_space<hbm>>) target(%arg12 : memref<128x16xf32, #tpu.memory_space<vmem>>) offsets(%dma_start3A_344 : memref<128xi32, #tpu.memory_space<vmem>>) semaphore(%arg21 : memref<!tpu.dma_semaphore, #tpu.memory_space<semaphore_mem>>)
      } else {
      }
      %mul3A_286 = arith.constant 8 : i32
      %mul3A_287 = arith.muli %while3A_123, %mul3A_286 : i32
      %add3A_288 = arith.constant 6 : i32
      %add3A_289 = arith.addi %mul3A_287, %add3A_288 : i32
      %dma_wait3A_290 = arith.constant 0 : i32
      %dma_wait3A_291 = tpu.memref_slice %arg6[%add3A_289, %dma_wait3A_290] : memref<80x128xi32, #tpu.memory_space<vmem>> -> memref<1x128xi32, #tpu.memory_space<vmem>>
      %dma_wait3A_292 = tpu.memref_squeeze %dma_wait3A_291 : memref<1x128xi32, #tpu.memory_space<vmem>> -> memref<128xi32, #tpu.memory_space<vmem>>
      %dma_wait3A_293 = arith.constant 0 : i32
      %dma_wait3A_294 = arith.constant 0 : i32
      %dma_wait3A_295 = tpu.memref_slice %arg2[%dma_wait3A_293, %dma_wait3A_294] : memref<10240x16xf32, #tpu.memory_space<hbm>> -> memref<10240x16xf32, #tpu.memory_space<hbm>>
      tpu.wait_indirect_dma semaphore(%arg23 : memref<!tpu.dma_semaphore, #tpu.memory_space<semaphore_mem>>) src(%dma_wait3A_295 : memref<10240x16xf32, #tpu.memory_space<hbm>>) dst(%arg14 : memref<128x16xf32, #tpu.memory_space<vmem>>)
      %dma_start3A_296 = arith.constant 0 : i32
      %dma_start3A_297 = tpu.memref_slice %arg7[%add3A_289, %dma_start3A_296] : memref<80x128xi32, #tpu.memory_space<vmem>> -> memref<1x128xi32, #tpu.memory_space<vmem>>
      %dma_start3A_298 = tpu.memref_squeeze %dma_start3A_297 : memref<1x128xi32, #tpu.memory_space<vmem>> -> memref<128xi32, #tpu.memory_space<vmem>>
      %dma_start3A_299 = arith.constant 0 : i32
      %dma_start3A_300 = arith.constant 0 : i32
      %dma_start3A_301 = tpu.memref_slice %arg16[%dma_start3A_299, %dma_start3A_300] : memref<10240x16xf32, #tpu.memory_space<vmem_shared>> -> memref<10240x16xf32, #tpu.memory_space<vmem_shared>>
      tpu.enqueue_indirect_dma source(%arg14 : memref<128x16xf32, #tpu.memory_space<vmem>>) target(%dma_start3A_301 : memref<10240x16xf32, #tpu.memory_space<vmem_shared>>) offsets(%dma_start3A_298 : memref<128xi32, #tpu.memory_space<vmem>>) semaphore(%arg31 : memref<!tpu.dma_semaphore, #tpu.memory_space<semaphore_mem>>) {add = true}
      %ge3A_302 = arith.constant 1 : i32
      %ge3A_303 = arith.cmpi sge, %add3A_289, %ge3A_302 : i32
      %convert_element_type3A_304 = arith.extui %ge3A_303 : i1 to i32
      %cond3A_305 = arith.constant 0 : i32
      %cond3A_306 = arith.cmpi ne, %convert_element_type3A_304, %cond3A_305 : i32
      scf.if %cond3A_306 {
        %dma_wait3A_340 = arith.constant 0 : i32
        %dma_wait3A_341 = arith.constant 0 : i32
        %dma_wait3A_342 = tpu.memref_slice %arg7[%dma_wait3A_340, %dma_wait3A_341] : memref<80x128xi32, #tpu.memory_space<vmem>> -> memref<1x128xi32, #tpu.memory_space<vmem>>
        %dma_wait3A_343 = tpu.memref_squeeze %dma_wait3A_342 : memref<1x128xi32, #tpu.memory_space<vmem>> -> memref<128xi32, #tpu.memory_space<vmem>>
        %dma_wait3A_344 = arith.constant 0 : i32
        %dma_wait3A_345 = arith.constant 0 : i32
        %dma_wait3A_346 = tpu.memref_slice %arg16[%dma_wait3A_344, %dma_wait3A_345] : memref<10240x16xf32, #tpu.memory_space<vmem_shared>> -> memref<10240x16xf32, #tpu.memory_space<vmem_shared>>
        tpu.wait_indirect_dma semaphore(%arg30 : memref<!tpu.dma_semaphore, #tpu.memory_space<semaphore_mem>>) src(%arg13 : memref<128x16xf32, #tpu.memory_space<vmem>>) dst(%dma_wait3A_346 : memref<10240x16xf32, #tpu.memory_space<vmem_shared>>)
      } else {
      }
      %add3A_307 = arith.constant 7 : i32
      %add3A_308 = arith.addi %add3A_289, %add3A_307 : i32
      %lt3A_309 = arith.cmpi slt, %add3A_308, %mul3A_21 : i32
      %convert_element_type3A_310 = arith.extui %lt3A_309 : i1 to i32
      %cond3A_311 = arith.constant 0 : i32
      %cond3A_312 = arith.cmpi ne, %convert_element_type3A_310, %cond3A_311 : i32
      scf.if %cond3A_312 {
        %add3A_340 = arith.constant 7 : i32
        %add3A_341 = arith.addi %add3A_289, %add3A_340 : i32
        %dma_start3A_342 = arith.constant 0 : i32
        %dma_start3A_343 = tpu.memref_slice %arg6[%add3A_341, %dma_start3A_342] : memref<80x128xi32, #tpu.memory_space<vmem>> -> memref<1x128xi32, #tpu.memory_space<vmem>>
        %dma_start3A_344 = tpu.memref_squeeze %dma_start3A_343 : memref<1x128xi32, #tpu.memory_space<vmem>> -> memref<128xi32, #tpu.memory_space<vmem>>
        %dma_start3A_345 = arith.constant 0 : i32
        %dma_start3A_346 = arith.constant 0 : i32
        %dma_start3A_347 = tpu.memref_slice %arg2[%dma_start3A_345, %dma_start3A_346] : memref<10240x16xf32, #tpu.memory_space<hbm>> -> memref<10240x16xf32, #tpu.memory_space<hbm>>
        tpu.enqueue_indirect_dma source(%dma_start3A_347 : memref<10240x16xf32, #tpu.memory_space<hbm>>) target(%arg13 : memref<128x16xf32, #tpu.memory_space<vmem>>) offsets(%dma_start3A_344 : memref<128xi32, #tpu.memory_space<vmem>>) semaphore(%arg22 : memref<!tpu.dma_semaphore, #tpu.memory_space<semaphore_mem>>)
      } else {
      }
      %mul3A_313 = arith.constant 8 : i32
      %mul3A_314 = arith.muli %while3A_123, %mul3A_313 : i32
      %add3A_315 = arith.constant 7 : i32
      %add3A_316 = arith.addi %mul3A_314, %add3A_315 : i32
      %dma_wait3A_317 = arith.constant 0 : i32
      %dma_wait3A_318 = tpu.memref_slice %arg6[%add3A_316, %dma_wait3A_317] : memref<80x128xi32, #tpu.memory_space<vmem>> -> memref<1x128xi32, #tpu.memory_space<vmem>>
      %dma_wait3A_319 = tpu.memref_squeeze %dma_wait3A_318 : memref<1x128xi32, #tpu.memory_space<vmem>> -> memref<128xi32, #tpu.memory_space<vmem>>
      %dma_wait3A_320 = arith.constant 0 : i32
      %dma_wait3A_321 = arith.constant 0 : i32
      %dma_wait3A_322 = tpu.memref_slice %arg2[%dma_wait3A_320, %dma_wait3A_321] : memref<10240x16xf32, #tpu.memory_space<hbm>> -> memref<10240x16xf32, #tpu.memory_space<hbm>>
      tpu.wait_indirect_dma semaphore(%arg24 : memref<!tpu.dma_semaphore, #tpu.memory_space<semaphore_mem>>) src(%dma_wait3A_322 : memref<10240x16xf32, #tpu.memory_space<hbm>>) dst(%arg15 : memref<128x16xf32, #tpu.memory_space<vmem>>)
      %dma_start3A_323 = arith.constant 0 : i32
      %dma_start3A_324 = tpu.memref_slice %arg7[%add3A_316, %dma_start3A_323] : memref<80x128xi32, #tpu.memory_space<vmem>> -> memref<1x128xi32, #tpu.memory_space<vmem>>
      %dma_start3A_325 = tpu.memref_squeeze %dma_start3A_324 : memref<1x128xi32, #tpu.memory_space<vmem>> -> memref<128xi32, #tpu.memory_space<vmem>>
      %dma_start3A_326 = arith.constant 0 : i32
      %dma_start3A_327 = arith.constant 0 : i32
      %dma_start3A_328 = tpu.memref_slice %arg16[%dma_start3A_326, %dma_start3A_327] : memref<10240x16xf32, #tpu.memory_space<vmem_shared>> -> memref<10240x16xf32, #tpu.memory_space<vmem_shared>>
      tpu.enqueue_indirect_dma source(%arg15 : memref<128x16xf32, #tpu.memory_space<vmem>>) target(%dma_start3A_328 : memref<10240x16xf32, #tpu.memory_space<vmem_shared>>) offsets(%dma_start3A_325 : memref<128xi32, #tpu.memory_space<vmem>>) semaphore(%arg32 : memref<!tpu.dma_semaphore, #tpu.memory_space<semaphore_mem>>) {add = true}
      %ge3A_329 = arith.constant 1 : i32
      %ge3A_330 = arith.cmpi sge, %add3A_316, %ge3A_329 : i32
      %convert_element_type3A_331 = arith.extui %ge3A_330 : i1 to i32
      %cond3A_332 = arith.constant 0 : i32
      %cond3A_333 = arith.cmpi ne, %convert_element_type3A_331, %cond3A_332 : i32
      scf.if %cond3A_333 {
        %dma_wait3A_340 = arith.constant 0 : i32
        %dma_wait3A_341 = arith.constant 0 : i32
        %dma_wait3A_342 = tpu.memref_slice %arg7[%dma_wait3A_340, %dma_wait3A_341] : memref<80x128xi32, #tpu.memory_space<vmem>> -> memref<1x128xi32, #tpu.memory_space<vmem>>
        %dma_wait3A_343 = tpu.memref_squeeze %dma_wait3A_342 : memref<1x128xi32, #tpu.memory_space<vmem>> -> memref<128xi32, #tpu.memory_space<vmem>>
        %dma_wait3A_344 = arith.constant 0 : i32
        %dma_wait3A_345 = arith.constant 0 : i32
        %dma_wait3A_346 = tpu.memref_slice %arg16[%dma_wait3A_344, %dma_wait3A_345] : memref<10240x16xf32, #tpu.memory_space<vmem_shared>> -> memref<10240x16xf32, #tpu.memory_space<vmem_shared>>
        tpu.wait_indirect_dma semaphore(%arg31 : memref<!tpu.dma_semaphore, #tpu.memory_space<semaphore_mem>>) src(%arg14 : memref<128x16xf32, #tpu.memory_space<vmem>>) dst(%dma_wait3A_346 : memref<10240x16xf32, #tpu.memory_space<vmem_shared>>)
      } else {
      }
      %add3A_334 = arith.constant 7 : i32
      %add3A_335 = arith.addi %add3A_316, %add3A_334 : i32
      %lt3A_336 = arith.cmpi slt, %add3A_335, %mul3A_21 : i32
      %convert_element_type3A_337 = arith.extui %lt3A_336 : i1 to i32
      %cond3A_338 = arith.constant 0 : i32
      %cond3A_339 = arith.cmpi ne, %convert_element_type3A_337, %cond3A_338 : i32
      scf.if %cond3A_339 {
        %add3A_340 = arith.constant 7 : i32
        %add3A_341 = arith.addi %add3A_316, %add3A_340 : i32
        %dma_start3A_342 = arith.constant 0 : i32
        %dma_start3A_343 = tpu.memref_slice %arg6[%add3A_341, %dma_start3A_342] : memref<80x128xi32, #tpu.memory_space<vmem>> -> memref<1x128xi32, #tpu.memory_space<vmem>>
        %dma_start3A_344 = tpu.memref_squeeze %dma_start3A_343 : memref<1x128xi32, #tpu.memory_space<vmem>> -> memref<128xi32, #tpu.memory_space<vmem>>
        %dma_start3A_345 = arith.constant 0 : i32
        %dma_start3A_346 = arith.constant 0 : i32
        %dma_start3A_347 = tpu.memref_slice %arg2[%dma_start3A_345, %dma_start3A_346] : memref<10240x16xf32, #tpu.memory_space<hbm>> -> memref<10240x16xf32, #tpu.memory_space<hbm>>
        tpu.enqueue_indirect_dma source(%dma_start3A_347 : memref<10240x16xf32, #tpu.memory_space<hbm>>) target(%arg14 : memref<128x16xf32, #tpu.memory_space<vmem>>) offsets(%dma_start3A_344 : memref<128xi32, #tpu.memory_space<vmem>>) semaphore(%arg23 : memref<!tpu.dma_semaphore, #tpu.memory_space<semaphore_mem>>)
      } else {
      }
    }
    %dma_wait3A = arith.constant 0 : i32
    %dma_wait3A_116 = arith.constant 0 : i32
    %dma_wait3A_117 = tpu.memref_slice %arg7[%dma_wait3A, %dma_wait3A_116] : memref<80x128xi32, #tpu.memory_space<vmem>> -> memref<1x128xi32, #tpu.memory_space<vmem>>
    %dma_wait3A_118 = tpu.memref_squeeze %dma_wait3A_117 : memref<1x128xi32, #tpu.memory_space<vmem>> -> memref<128xi32, #tpu.memory_space<vmem>>
    %dma_wait3A_119 = arith.constant 0 : i32
    %dma_wait3A_120 = arith.constant 0 : i32
    %dma_wait3A_121 = tpu.memref_slice %arg16[%dma_wait3A_119, %dma_wait3A_120] : memref<10240x16xf32, #tpu.memory_space<vmem_shared>> -> memref<10240x16xf32, #tpu.memory_space<vmem_shared>>
    tpu.wait_indirect_dma semaphore(%arg32 : memref<!tpu.dma_semaphore, #tpu.memory_space<semaphore_mem>>) src(%arg15 : memref<128x16xf32, #tpu.memory_space<vmem>>) dst(%dma_wait3A_121 : memref<10240x16xf32, #tpu.memory_space<vmem_shared>>)
    %barrier3A_122 = arith.constant 0 : index
    tpu.barrier barrier_id(%barrier3A_122)
    "tpu.region"() ({
      %run_scoped3A = tpu.sem_alloc : memref<!tpu.dma_semaphore, #tpu.memory_space<semaphore_mem>>
      %dma_start3A_123 = arith.constant 0 : i32
      %dma_start3A_124 = tpu.memref_slice %arg5[%arg0, %mul3A_2, %dma_start3A_123] : memref<2x10240x16xf32, #tpu.memory_space<hbm>> -> memref<1x640x16xf32, #tpu.memory_space<hbm>>
      %dma_start3A_125 = tpu.memref_squeeze %dma_start3A_124 : memref<1x640x16xf32, #tpu.memory_space<hbm>> -> memref<640x16xf32, #tpu.memory_space<hbm>>
      %dma_start3A_126 = arith.constant 0 : i32
      %dma_start3A_127 = tpu.memref_slice %arg16[%mul3A_2, %dma_start3A_126] : memref<10240x16xf32, #tpu.memory_space<vmem_shared>> -> memref<640x16xf32, #tpu.memory_space<vmem_shared>>
      tpu.enqueue_dma source(%dma_start3A_127 : memref<640x16xf32, #tpu.memory_space<vmem_shared>>) target(%dma_start3A_125 : memref<640x16xf32, #tpu.memory_space<hbm>>) target_semaphore(%run_scoped3A : memref<!tpu.dma_semaphore, #tpu.memory_space<semaphore_mem>>)
      %dma_wait3A_128 = arith.constant 0 : i32
      %dma_wait3A_129 = tpu.memref_slice %arg5[%arg0, %mul3A_2, %dma_wait3A_128] : memref<2x10240x16xf32, #tpu.memory_space<hbm>> -> memref<1x640x16xf32, #tpu.memory_space<hbm>>
      %dma_wait3A_130 = tpu.memref_squeeze %dma_wait3A_129 : memref<1x640x16xf32, #tpu.memory_space<hbm>> -> memref<640x16xf32, #tpu.memory_space<hbm>>
      %dma_wait3A_131 = arith.constant 0 : i32
      %dma_wait3A_132 = tpu.memref_slice %arg16[%mul3A_2, %dma_wait3A_131] : memref<10240x16xf32, #tpu.memory_space<vmem_shared>> -> memref<640x16xf32, #tpu.memory_space<vmem_shared>>
      tpu.wait_dma2 semaphore(%run_scoped3A : memref<!tpu.dma_semaphore, #tpu.memory_space<semaphore_mem>>) src(%dma_wait3A_132 : memref<640x16xf32, #tpu.memory_space<vmem_shared>>) dst(%dma_wait3A_130 : memref<640x16xf32, #tpu.memory_space<hbm>>)
      tpu.yield
    }) : () -> ()
    return
  }
}

#map = affine_map<(d0, d1) -> (0, 0)>
#map1 = affine_map<(d0, d1) -> (0, 0, 0)>
module attributes {stable_mosaic.version = 14 : i64} {
  func.func @_segsum_body(%arg0: i32, %arg1: i32, %arg2: memref<10240x16xf32, #tpu.memory_space<hbm>>, %arg3: memref<10240x16xf32, #tpu.memory_space<hbm>>, %arg4: memref<2x2500x128xi32, #tpu.memory_space<hbm>>, %arg5: memref<2x10240x16xf32, #tpu.memory_space<hbm>>, %arg6: memref<80x128xi32, #tpu.memory_space<vmem>>, %arg7: memref<80x128xi32, #tpu.memory_space<vmem>>, %arg8: memref<128x16xf32, #tpu.memory_space<vmem>>, %arg9: memref<128x16xf32, #tpu.memory_space<vmem>>, %arg10: memref<128x16xf32, #tpu.memory_space<vmem>>, %arg11: memref<128x16xf32, #tpu.memory_space<vmem>>, %arg12: memref<128x16xf32, #tpu.memory_space<vmem>>, %arg13: memref<128x16xf32, #tpu.memory_space<vmem>>, %arg14: memref<128x16xf32, #tpu.memory_space<vmem>>, %arg15: memref<128x16xf32, #tpu.memory_space<vmem>>, %arg16: memref<10240x16xf32, #tpu.memory_space<vmem_shared>>, %arg17: memref<!tpu.dma_semaphore, #tpu.memory_space<semaphore_mem>>, %arg18: memref<!tpu.dma_semaphore, #tpu.memory_space<semaphore_mem>>, %arg19: memref<!tpu.dma_semaphore, #tpu.memory_space<semaphore_mem>>, %arg20: memref<!tpu.dma_semaphore, #tpu.memory_space<semaphore_mem>>, %arg21: memref<!tpu.dma_semaphore, #tpu.memory_space<semaphore_mem>>, %arg22: memref<!tpu.dma_semaphore, #tpu.memory_space<semaphore_mem>>, %arg23: memref<!tpu.dma_semaphore, #tpu.memory_space<semaphore_mem>>, %arg24: memref<!tpu.dma_semaphore, #tpu.memory_space<semaphore_mem>>, %arg25: memref<!tpu.dma_semaphore, #tpu.memory_space<semaphore_mem>>, %arg26: memref<!tpu.dma_semaphore, #tpu.memory_space<semaphore_mem>>, %arg27: memref<!tpu.dma_semaphore, #tpu.memory_space<semaphore_mem>>, %arg28: memref<!tpu.dma_semaphore, #tpu.memory_space<semaphore_mem>>, %arg29: memref<!tpu.dma_semaphore, #tpu.memory_space<semaphore_mem>>, %arg30: memref<!tpu.dma_semaphore, #tpu.memory_space<semaphore_mem>>, %arg31: memref<!tpu.dma_semaphore, #tpu.memory_space<semaphore_mem>>, %arg32: memref<!tpu.dma_semaphore, #tpu.memory_space<semaphore_mem>>) attributes {dimension_semantics = [#tpu.dimension_semantics<core_parallel>, #tpu.dimension_semantics<subcore_parallel>], iteration_bounds = array<i64: 2, 16>, scalar_prefetch = 0 : i64, scratch_operands = 27 : i64, tpu.core_type = #tpu.core_type<sc_vector_subcore>, window_params = [{transform_indices = #map}, {transform_indices = #map}, {transform_indices = #map1}, {transform_indices = #map1}]} {
    %mul3A = arith.constant 16 : i32
    %mul3A_0 = arith.muli %arg0, %mul3A : i32
    %add3A = arith.addi %mul3A_0, %arg1 : i32
    %mul3A_1 = arith.constant 640 : i32
    %mul3A_2 = arith.muli %arg1, %mul3A_1 : i32
    %eq3A = arith.constant 0 : i32
    %eq3A_3 = arith.cmpi eq, %arg0, %eq3A : i32
    %convert_element_type3A = arith.extui %eq3A_3 : i1 to i32
    %cond3A = arith.constant 0 : i32
    %cond3A_4 = arith.cmpi ne, %convert_element_type3A, %cond3A : i32
    scf.if %cond3A_4 {
      "tpu.region"() ({
        %run_scoped3A = tpu.sem_alloc : memref<!tpu.dma_semaphore, #tpu.memory_space<semaphore_mem>>
        %dma_start3A_123 = arith.constant 0 : i32
        %dma_start3A_124 = tpu.memref_slice %arg16[%mul3A_2, %dma_start3A_123] : memref<10240x16xf32, #tpu.memory_space<vmem_shared>> -> memref<640x16xf32, #tpu.memory_space<vmem_shared>>
        %dma_start3A_125 = arith.constant 0 : i32
        %dma_start3A_126 = tpu.memref_slice %arg2[%mul3A_2, %dma_start3A_125] : memref<10240x16xf32, #tpu.memory_space<hbm>> -> memref<640x16xf32, #tpu.memory_space<hbm>>
        tpu.enqueue_dma source(%dma_start3A_126 : memref<640x16xf32, #tpu.memory_space<hbm>>) target(%dma_start3A_124 : memref<640x16xf32, #tpu.memory_space<vmem_shared>>) target_semaphore(%run_scoped3A : memref<!tpu.dma_semaphore, #tpu.memory_space<semaphore_mem>>)
        %dma_wait3A_127 = arith.constant 0 : i32
        %dma_wait3A_128 = tpu.memref_slice %arg16[%mul3A_2, %dma_wait3A_127] : memref<10240x16xf32, #tpu.memory_space<vmem_shared>> -> memref<640x16xf32, #tpu.memory_space<vmem_shared>>
        %dma_wait3A_129 = arith.constant 0 : i32
        %dma_wait3A_130 = tpu.memref_slice %arg2[%mul3A_2, %dma_wait3A_129] : memref<10240x16xf32, #tpu.memory_space<hbm>> -> memref<640x16xf32, #tpu.memory_space<hbm>>
        tpu.wait_dma2 semaphore(%run_scoped3A : memref<!tpu.dma_semaphore, #tpu.memory_space<semaphore_mem>>) src(%dma_wait3A_130 : memref<640x16xf32, #tpu.memory_space<hbm>>) dst(%dma_wait3A_128 : memref<640x16xf32, #tpu.memory_space<vmem_shared>>)
        tpu.yield
      }) : () -> ()
    } else {
    }
    %eq3A_5 = arith.constant 1 : i32
    %eq3A_6 = arith.cmpi eq, %arg0, %eq3A_5 : i32
    %convert_element_type3A_7 = arith.extui %eq3A_6 : i1 to i32
    %cond3A_8 = arith.constant 0 : i32
    %cond3A_9 = arith.cmpi ne, %convert_element_type3A_7, %cond3A_8 : i32
    scf.if %cond3A_9 {
      "tpu.region"() ({
        %run_scoped3A = tpu.sem_alloc : memref<!tpu.dma_semaphore, #tpu.memory_space<semaphore_mem>>
        %dma_start3A_123 = arith.constant 0 : i32
        %dma_start3A_124 = tpu.memref_slice %arg16[%mul3A_2, %dma_start3A_123] : memref<10240x16xf32, #tpu.memory_space<vmem_shared>> -> memref<640x16xf32, #tpu.memory_space<vmem_shared>>
        %dma_start3A_125 = arith.constant 0 : i32
        %dma_start3A_126 = tpu.memref_slice %arg3[%mul3A_2, %dma_start3A_125] : memref<10240x16xf32, #tpu.memory_space<hbm>> -> memref<640x16xf32, #tpu.memory_space<hbm>>
        tpu.enqueue_dma source(%dma_start3A_126 : memref<640x16xf32, #tpu.memory_space<hbm>>) target(%dma_start3A_124 : memref<640x16xf32, #tpu.memory_space<vmem_shared>>) target_semaphore(%run_scoped3A : memref<!tpu.dma_semaphore, #tpu.memory_space<semaphore_mem>>)
        %dma_wait3A_127 = arith.constant 0 : i32
        %dma_wait3A_128 = tpu.memref_slice %arg16[%mul3A_2, %dma_wait3A_127] : memref<10240x16xf32, #tpu.memory_space<vmem_shared>> -> memref<640x16xf32, #tpu.memory_space<vmem_shared>>
        %dma_wait3A_129 = arith.constant 0 : i32
        %dma_wait3A_130 = tpu.memref_slice %arg3[%mul3A_2, %dma_wait3A_129] : memref<10240x16xf32, #tpu.memory_space<hbm>> -> memref<640x16xf32, #tpu.memory_space<hbm>>
        tpu.wait_dma2 semaphore(%run_scoped3A : memref<!tpu.dma_semaphore, #tpu.memory_space<semaphore_mem>>) src(%dma_wait3A_130 : memref<640x16xf32, #tpu.memory_space<hbm>>) dst(%dma_wait3A_128 : memref<640x16xf32, #tpu.memory_space<vmem_shared>>)
        tpu.yield
      }) : () -> ()
    } else {
    }
    %mul3A_10 = arith.constant 9 : i32
    %mul3A_11 = arith.muli %mul3A_10, %add3A : i32
    %min3A = arith.constant 24 : i32
    %min3A_12 = arith.minsi %add3A, %min3A : i32
    %add3A_13 = arith.addi %mul3A_11, %min3A_12 : i32
    %mul3A_14 = arith.constant 8 : i32
    %mul3A_15 = arith.muli %mul3A_14, %add3A_13 : i32
    %lt3A = arith.constant 24 : i32
    %lt3A_16 = arith.cmpi slt, %add3A, %lt3A : i32
    %jit3A = arith.constant 1 : i32
    %jit3A_17 = arith.constant 0 : i32
    %select_n3A = arith.select %lt3A_16, %jit3A, %jit3A_17 : i32
    %add3A_18 = arith.constant 9 : i32
    %add3A_19 = arith.addi %add3A_18, %select_n3A : i32
    %mul3A_20 = arith.constant 8 : i32
    %mul3A_21 = arith.muli %mul3A_20, %add3A_19 : i32
    %lt3A_22 = arith.constant 24 : i32
    %lt3A_23 = arith.cmpi slt, %add3A, %lt3A_22 : i32
    %convert_element_type3A_24 = arith.extui %lt3A_23 : i1 to i32
    %cond3A_25 = arith.constant 0 : i32
    %cond3A_26 = arith.cmpi ne, %convert_element_type3A_24, %cond3A_25 : i32
    scf.if %cond3A_26 {
      %run_scoped3A = arith.constant 0 : i32
      "tpu.region"() ({
        %run_scoped3A_124 = tpu.sem_alloc : memref<!tpu.dma_semaphore, #tpu.memory_space<semaphore_mem>>
        %dma_start3A_125 = arith.constant 0 : i32
        %dma_start3A_126 = tpu.memref_slice %arg4[%run_scoped3A, %mul3A_15, %dma_start3A_125] : memref<2x2500x128xi32, #tpu.memory_space<hbm>> -> memref<1x80x128xi32, #tpu.memory_space<hbm>>
        %dma_start3A_127 = tpu.memref_squeeze %dma_start3A_126 : memref<1x80x128xi32, #tpu.memory_space<hbm>> -> memref<80x128xi32, #tpu.memory_space<hbm>>
        %dma_start3A_128 = arith.constant 0 : i32
        %dma_start3A_129 = tpu.memref_slice %arg4[%run_scoped3A, %mul3A_15, %dma_start3A_128] : memref<2x2500x128xi32, #tpu.memory_space<hbm>> -> memref<1x80x128xi32, #tpu.memory_space<hbm>>
        %dma_start3A_130 = tpu.memref_squeeze %dma_start3A_129 : memref<1x80x128xi32, #tpu.memory_space<hbm>> -> memref<80x128xi32, #tpu.memory_space<hbm>>
        tpu.enqueue_dma source(%dma_start3A_130 : memref<80x128xi32, #tpu.memory_space<hbm>>) target(%arg6 : memref<80x128xi32, #tpu.memory_space<vmem>>) target_semaphore(%run_scoped3A_124 : memref<!tpu.dma_semaphore, #tpu.memory_space<semaphore_mem>>)
        %dma_wait3A_131 = arith.constant 0 : i32
        %dma_wait3A_132 = tpu.memref_slice %arg4[%run_scoped3A, %mul3A_15, %dma_wait3A_131] : memref<2x2500x128xi32, #tpu.memory_space<hbm>> -> memref<1x80x128xi32, #tpu.memory_space<hbm>>
        %dma_wait3A_133 = tpu.memref_squeeze %dma_wait3A_132 : memref<1x80x128xi32, #tpu.memory_space<hbm>> -> memref<80x128xi32, #tpu.memory_space<hbm>>
        %dma_wait3A_134 = arith.constant 0 : i32
        %dma_wait3A_135 = tpu.memref_slice %arg4[%run_scoped3A, %mul3A_15, %dma_wait3A_134] : memref<2x2500x128xi32, #tpu.memory_space<hbm>> -> memref<1x80x128xi32, #tpu.memory_space<hbm>>
        %dma_wait3A_136 = tpu.memref_squeeze %dma_wait3A_135 : memref<1x80x128xi32, #tpu.memory_space<hbm>> -> memref<80x128xi32, #tpu.memory_space<hbm>>
        tpu.wait_dma2 semaphore(%run_scoped3A_124 : memref<!tpu.dma_semaphore, #tpu.memory_space<semaphore_mem>>) src(%dma_wait3A_136 : memref<80x128xi32, #tpu.memory_space<hbm>>) dst(%arg6 : memref<80x128xi32, #tpu.memory_space<vmem>>)
        tpu.yield
      }) : () -> ()
      %run_scoped3A_123 = arith.constant 1 : i32
      "tpu.region"() ({
        %run_scoped3A_124 = tpu.sem_alloc : memref<!tpu.dma_semaphore, #tpu.memory_space<semaphore_mem>>
        %dma_start3A_125 = arith.constant 0 : i32
        %dma_start3A_126 = tpu.memref_slice %arg4[%run_scoped3A_123, %mul3A_15, %dma_start3A_125] : memref<2x2500x128xi32, #tpu.memory_space<hbm>> -> memref<1x80x128xi32, #tpu.memory_space<hbm>>
        %dma_start3A_127 = tpu.memref_squeeze %dma_start3A_126 : memref<1x80x128xi32, #tpu.memory_space<hbm>> -> memref<80x128xi32, #tpu.memory_space<hbm>>
        %dma_start3A_128 = arith.constant 0 : i32
        %dma_start3A_129 = tpu.memref_slice %arg4[%run_scoped3A_123, %mul3A_15, %dma_start3A_128] : memref<2x2500x128xi32, #tpu.memory_space<hbm>> -> memref<1x80x128xi32, #tpu.memory_space<hbm>>
        %dma_start3A_130 = tpu.memref_squeeze %dma_start3A_129 : memref<1x80x128xi32, #tpu.memory_space<hbm>> -> memref<80x128xi32, #tpu.memory_space<hbm>>
        tpu.enqueue_dma source(%dma_start3A_130 : memref<80x128xi32, #tpu.memory_space<hbm>>) target(%arg7 : memref<80x128xi32, #tpu.memory_space<vmem>>) target_semaphore(%run_scoped3A_124 : memref<!tpu.dma_semaphore, #tpu.memory_space<semaphore_mem>>)
        %dma_wait3A_131 = arith.constant 0 : i32
        %dma_wait3A_132 = tpu.memref_slice %arg4[%run_scoped3A_123, %mul3A_15, %dma_wait3A_131] : memref<2x2500x128xi32, #tpu.memory_space<hbm>> -> memref<1x80x128xi32, #tpu.memory_space<hbm>>
        %dma_wait3A_133 = tpu.memref_squeeze %dma_wait3A_132 : memref<1x80x128xi32, #tpu.memory_space<hbm>> -> memref<80x128xi32, #tpu.memory_space<hbm>>
        %dma_wait3A_134 = arith.constant 0 : i32
        %dma_wait3A_135 = tpu.memref_slice %arg4[%run_scoped3A_123, %mul3A_15, %dma_wait3A_134] : memref<2x2500x128xi32, #tpu.memory_space<hbm>> -> memref<1x80x128xi32, #tpu.memory_space<hbm>>
        %dma_wait3A_136 = tpu.memref_squeeze %dma_wait3A_135 : memref<1x80x128xi32, #tpu.memory_space<hbm>> -> memref<80x128xi32, #tpu.memory_space<hbm>>
        tpu.wait_dma2 semaphore(%run_scoped3A_124 : memref<!tpu.dma_semaphore, #tpu.memory_space<semaphore_mem>>) src(%dma_wait3A_136 : memref<80x128xi32, #tpu.memory_space<hbm>>) dst(%arg7 : memref<80x128xi32, #tpu.memory_space<vmem>>)
        tpu.yield
      }) : () -> ()
    } else {
    }
    %ge3A = arith.constant 24 : i32
    %ge3A_27 = arith.cmpi sge, %add3A, %ge3A : i32
    %convert_element_type3A_28 = arith.extui %ge3A_27 : i1 to i32
    %cond3A_29 = arith.constant 0 : i32
    %cond3A_30 = arith.cmpi ne, %convert_element_type3A_28, %cond3A_29 : i32
    scf.if %cond3A_30 {
      %run_scoped3A = arith.constant 0 : i32
      "tpu.region"() ({
        %run_scoped3A_124 = tpu.sem_alloc : memref<!tpu.dma_semaphore, #tpu.memory_space<semaphore_mem>>
        %dma_start3A_125 = arith.constant 0 : i32
        %dma_start3A_126 = arith.constant 0 : i32
        %dma_start3A_127 = tpu.memref_slice %arg6[%dma_start3A_125, %dma_start3A_126] : memref<80x128xi32, #tpu.memory_space<vmem>> -> memref<72x128xi32, #tpu.memory_space<vmem>>
        %dma_start3A_128 = arith.constant 0 : i32
        %dma_start3A_129 = tpu.memref_slice %arg4[%run_scoped3A, %mul3A_15, %dma_start3A_128] : memref<2x2500x128xi32, #tpu.memory_space<hbm>> -> memref<1x72x128xi32, #tpu.memory_space<hbm>>
        %dma_start3A_130 = tpu.memref_squeeze %dma_start3A_129 : memref<1x72x128xi32, #tpu.memory_space<hbm>> -> memref<72x128xi32, #tpu.memory_space<hbm>>
        %dma_start3A_131 = arith.constant 0 : i32
        %dma_start3A_132 = arith.constant 0 : i32
        %dma_start3A_133 = tpu.memref_slice %arg6[%dma_start3A_131, %dma_start3A_132] : memref<80x128xi32, #tpu.memory_space<vmem>> -> memref<72x128xi32, #tpu.memory_space<vmem>>
        %dma_start3A_134 = arith.constant 0 : i32
        %dma_start3A_135 = tpu.memref_slice %arg4[%run_scoped3A, %mul3A_15, %dma_start3A_134] : memref<2x2500x128xi32, #tpu.memory_space<hbm>> -> memref<1x72x128xi32, #tpu.memory_space<hbm>>
        %dma_start3A_136 = tpu.memref_squeeze %dma_start3A_135 : memref<1x72x128xi32, #tpu.memory_space<hbm>> -> memref<72x128xi32, #tpu.memory_space<hbm>>
        tpu.enqueue_dma source(%dma_start3A_136 : memref<72x128xi32, #tpu.memory_space<hbm>>) target(%dma_start3A_133 : memref<72x128xi32, #tpu.memory_space<vmem>>) target_semaphore(%run_scoped3A_124 : memref<!tpu.dma_semaphore, #tpu.memory_space<semaphore_mem>>)
        %dma_wait3A_137 = arith.constant 0 : i32
        %dma_wait3A_138 = arith.constant 0 : i32
        %dma_wait3A_139 = tpu.memref_slice %arg6[%dma_wait3A_137, %dma_wait3A_138] : memref<80x128xi32, #tpu.memory_space<vmem>> -> memref<72x128xi32, #tpu.memory_space<vmem>>
        %dma_wait3A_140 = arith.constant 0 : i32
        %dma_wait3A_141 = tpu.memref_slice %arg4[%run_scoped3A, %mul3A_15, %dma_wait3A_140] : memref<2x2500x128xi32, #tpu.memory_space<hbm>> -> memref<1x72x128xi32, #tpu.memory_space<hbm>>
        %dma_wait3A_142 = tpu.memref_squeeze %dma_wait3A_141 : memref<1x72x128xi32, #tpu.memory_space<hbm>> -> memref<72x128xi32, #tpu.memory_space<hbm>>
        %dma_wait3A_143 = arith.constant 0 : i32
        %dma_wait3A_144 = arith.constant 0 : i32
        %dma_wait3A_145 = tpu.memref_slice %arg6[%dma_wait3A_143, %dma_wait3A_144] : memref<80x128xi32, #tpu.memory_space<vmem>> -> memref<72x128xi32, #tpu.memory_space<vmem>>
        %dma_wait3A_146 = arith.constant 0 : i32
        %dma_wait3A_147 = tpu.memref_slice %arg4[%run_scoped3A, %mul3A_15, %dma_wait3A_146] : memref<2x2500x128xi32, #tpu.memory_space<hbm>> -> memref<1x72x128xi32, #tpu.memory_space<hbm>>
        %dma_wait3A_148 = tpu.memref_squeeze %dma_wait3A_147 : memref<1x72x128xi32, #tpu.memory_space<hbm>> -> memref<72x128xi32, #tpu.memory_space<hbm>>
        tpu.wait_dma2 semaphore(%run_scoped3A_124 : memref<!tpu.dma_semaphore, #tpu.memory_space<semaphore_mem>>) src(%dma_wait3A_148 : memref<72x128xi32, #tpu.memory_space<hbm>>) dst(%dma_wait3A_145 : memref<72x128xi32, #tpu.memory_space<vmem>>)
        tpu.yield
      }) : () -> ()
      %run_scoped3A_123 = arith.constant 1 : i32
      "tpu.region"() ({
        %run_scoped3A_124 = tpu.sem_alloc : memref<!tpu.dma_semaphore, #tpu.memory_space<semaphore_mem>>
        %dma_start3A_125 = arith.constant 0 : i32
        %dma_start3A_126 = arith.constant 0 : i32
        %dma_start3A_127 = tpu.memref_slice %arg7[%dma_start3A_125, %dma_start3A_126] : memref<80x128xi32, #tpu.memory_space<vmem>> -> memref<72x128xi32, #tpu.memory_space<vmem>>
        %dma_start3A_128 = arith.constant 0 : i32
        %dma_start3A_129 = tpu.memref_slice %arg4[%run_scoped3A_123, %mul3A_15, %dma_start3A_128] : memref<2x2500x128xi32, #tpu.memory_space<hbm>> -> memref<1x72x128xi32, #tpu.memory_space<hbm>>
        %dma_start3A_130 = tpu.memref_squeeze %dma_start3A_129 : memref<1x72x128xi32, #tpu.memory_space<hbm>> -> memref<72x128xi32, #tpu.memory_space<hbm>>
        %dma_start3A_131 = arith.constant 0 : i32
        %dma_start3A_132 = arith.constant 0 : i32
        %dma_start3A_133 = tpu.memref_slice %arg7[%dma_start3A_131, %dma_start3A_132] : memref<80x128xi32, #tpu.memory_space<vmem>> -> memref<72x128xi32, #tpu.memory_space<vmem>>
        %dma_start3A_134 = arith.constant 0 : i32
        %dma_start3A_135 = tpu.memref_slice %arg4[%run_scoped3A_123, %mul3A_15, %dma_start3A_134] : memref<2x2500x128xi32, #tpu.memory_space<hbm>> -> memref<1x72x128xi32, #tpu.memory_space<hbm>>
        %dma_start3A_136 = tpu.memref_squeeze %dma_start3A_135 : memref<1x72x128xi32, #tpu.memory_space<hbm>> -> memref<72x128xi32, #tpu.memory_space<hbm>>
        tpu.enqueue_dma source(%dma_start3A_136 : memref<72x128xi32, #tpu.memory_space<hbm>>) target(%dma_start3A_133 : memref<72x128xi32, #tpu.memory_space<vmem>>) target_semaphore(%run_scoped3A_124 : memref<!tpu.dma_semaphore, #tpu.memory_space<semaphore_mem>>)
        %dma_wait3A_137 = arith.constant 0 : i32
        %dma_wait3A_138 = arith.constant 0 : i32
        %dma_wait3A_139 = tpu.memref_slice %arg7[%dma_wait3A_137, %dma_wait3A_138] : memref<80x128xi32, #tpu.memory_space<vmem>> -> memref<72x128xi32, #tpu.memory_space<vmem>>
        %dma_wait3A_140 = arith.constant 0 : i32
        %dma_wait3A_141 = tpu.memref_slice %arg4[%run_scoped3A_123, %mul3A_15, %dma_wait3A_140] : memref<2x2500x128xi32, #tpu.memory_space<hbm>> -> memref<1x72x128xi32, #tpu.memory_space<hbm>>
        %dma_wait3A_142 = tpu.memref_squeeze %dma_wait3A_141 : memref<1x72x128xi32, #tpu.memory_space<hbm>> -> memref<72x128xi32, #tpu.memory_space<hbm>>
        %dma_wait3A_143 = arith.constant 0 : i32
        %dma_wait3A_144 = arith.constant 0 : i32
        %dma_wait3A_145 = tpu.memref_slice %arg7[%dma_wait3A_143, %dma_wait3A_144] : memref<80x128xi32, #tpu.memory_space<vmem>> -> memref<72x128xi32, #tpu.memory_space<vmem>>
        %dma_wait3A_146 = arith.constant 0 : i32
        %dma_wait3A_147 = tpu.memref_slice %arg4[%run_scoped3A_123, %mul3A_15, %dma_wait3A_146] : memref<2x2500x128xi32, #tpu.memory_space<hbm>> -> memref<1x72x128xi32, #tpu.memory_space<hbm>>
        %dma_wait3A_148 = tpu.memref_squeeze %dma_wait3A_147 : memref<1x72x128xi32, #tpu.memory_space<hbm>> -> memref<72x128xi32, #tpu.memory_space<hbm>>
        tpu.wait_dma2 semaphore(%run_scoped3A_124 : memref<!tpu.dma_semaphore, #tpu.memory_space<semaphore_mem>>) src(%dma_wait3A_148 : memref<72x128xi32, #tpu.memory_space<hbm>>) dst(%dma_wait3A_145 : memref<72x128xi32, #tpu.memory_space<vmem>>)
        tpu.yield
      }) : () -> ()
    } else {
    }
    %eq3A_31 = arith.constant 31 : i32
    %eq3A_32 = arith.cmpi eq, %add3A, %eq3A_31 : i32
    %convert_element_type3A_33 = arith.extui %eq3A_32 : i1 to i32
    %cond3A_34 = arith.constant 0 : i32
    %cond3A_35 = arith.cmpi ne, %convert_element_type3A_33, %cond3A_34 : i32
    scf.if %cond3A_35 {
      %run_scoped3A = arith.constant 0 : i32
      "tpu.region"() ({
        %run_scoped3A_124 = tpu.sem_alloc : memref<!tpu.dma_semaphore, #tpu.memory_space<semaphore_mem>>
        %dma_start3A_125 = arith.constant 72 : i32
        %dma_start3A_126 = arith.constant 0 : i32
        %dma_start3A_127 = tpu.memref_slice %arg6[%dma_start3A_125, %dma_start3A_126] : memref<80x128xi32, #tpu.memory_space<vmem>> -> memref<4x128xi32, #tpu.memory_space<vmem>>
        %dma_start3A_128 = arith.constant 2496 : i32
        %dma_start3A_129 = arith.constant 0 : i32
        %dma_start3A_130 = tpu.memref_slice %arg4[%run_scoped3A, %dma_start3A_128, %dma_start3A_129] : memref<2x2500x128xi32, #tpu.memory_space<hbm>> -> memref<1x4x128xi32, #tpu.memory_space<hbm>>
        %dma_start3A_131 = tpu.memref_squeeze %dma_start3A_130 : memref<1x4x128xi32, #tpu.memory_space<hbm>> -> memref<4x128xi32, #tpu.memory_space<hbm>>
        %dma_start3A_132 = arith.constant 72 : i32
        %dma_start3A_133 = arith.constant 0 : i32
        %dma_start3A_134 = tpu.memref_slice %arg6[%dma_start3A_132, %dma_start3A_133] : memref<80x128xi32, #tpu.memory_space<vmem>> -> memref<4x128xi32, #tpu.memory_space<vmem>>
        %dma_start3A_135 = arith.constant 2496 : i32
        %dma_start3A_136 = arith.constant 0 : i32
        %dma_start3A_137 = tpu.memref_slice %arg4[%run_scoped3A, %dma_start3A_135, %dma_start3A_136] : memref<2x2500x128xi32, #tpu.memory_space<hbm>> -> memref<1x4x128xi32, #tpu.memory_space<hbm>>
        %dma_start3A_138 = tpu.memref_squeeze %dma_start3A_137 : memref<1x4x128xi32, #tpu.memory_space<hbm>> -> memref<4x128xi32, #tpu.memory_space<hbm>>
        tpu.enqueue_dma source(%dma_start3A_138 : memref<4x128xi32, #tpu.memory_space<hbm>>) target(%dma_start3A_134 : memref<4x128xi32, #tpu.memory_space<vmem>>) target_semaphore(%run_scoped3A_124 : memref<!tpu.dma_semaphore, #tpu.memory_space<semaphore_mem>>)
        %dma_wait3A_139 = arith.constant 72 : i32
        %dma_wait3A_140 = arith.constant 0 : i32
        %dma_wait3A_141 = tpu.memref_slice %arg6[%dma_wait3A_139, %dma_wait3A_140] : memref<80x128xi32, #tpu.memory_space<vmem>> -> memref<4x128xi32, #tpu.memory_space<vmem>>
        %dma_wait3A_142 = arith.constant 2496 : i32
        %dma_wait3A_143 = arith.constant 0 : i32
        %dma_wait3A_144 = tpu.memref_slice %arg4[%run_scoped3A, %dma_wait3A_142, %dma_wait3A_143] : memref<2x2500x128xi32, #tpu.memory_space<hbm>> -> memref<1x4x128xi32, #tpu.memory_space<hbm>>
        %dma_wait3A_145 = tpu.memref_squeeze %dma_wait3A_144 : memref<1x4x128xi32, #tpu.memory_space<hbm>> -> memref<4x128xi32, #tpu.memory_space<hbm>>
        %dma_wait3A_146 = arith.constant 72 : i32
        %dma_wait3A_147 = arith.constant 0 : i32
        %dma_wait3A_148 = tpu.memref_slice %arg6[%dma_wait3A_146, %dma_wait3A_147] : memref<80x128xi32, #tpu.memory_space<vmem>> -> memref<4x128xi32, #tpu.memory_space<vmem>>
        %dma_wait3A_149 = arith.constant 2496 : i32
        %dma_wait3A_150 = arith.constant 0 : i32
        %dma_wait3A_151 = tpu.memref_slice %arg4[%run_scoped3A, %dma_wait3A_149, %dma_wait3A_150] : memref<2x2500x128xi32, #tpu.memory_space<hbm>> -> memref<1x4x128xi32, #tpu.memory_space<hbm>>
        %dma_wait3A_152 = tpu.memref_squeeze %dma_wait3A_151 : memref<1x4x128xi32, #tpu.memory_space<hbm>> -> memref<4x128xi32, #tpu.memory_space<hbm>>
        tpu.wait_dma2 semaphore(%run_scoped3A_124 : memref<!tpu.dma_semaphore, #tpu.memory_space<semaphore_mem>>) src(%dma_wait3A_152 : memref<4x128xi32, #tpu.memory_space<hbm>>) dst(%dma_wait3A_148 : memref<4x128xi32, #tpu.memory_space<vmem>>)
        tpu.yield
      }) : () -> ()
      %run_scoped3A_123 = arith.constant 1 : i32
      "tpu.region"() ({
        %run_scoped3A_124 = tpu.sem_alloc : memref<!tpu.dma_semaphore, #tpu.memory_space<semaphore_mem>>
        %dma_start3A_125 = arith.constant 72 : i32
        %dma_start3A_126 = arith.constant 0 : i32
        %dma_start3A_127 = tpu.memref_slice %arg7[%dma_start3A_125, %dma_start3A_126] : memref<80x128xi32, #tpu.memory_space<vmem>> -> memref<4x128xi32, #tpu.memory_space<vmem>>
        %dma_start3A_128 = arith.constant 2496 : i32
        %dma_start3A_129 = arith.constant 0 : i32
        %dma_start3A_130 = tpu.memref_slice %arg4[%run_scoped3A_123, %dma_start3A_128, %dma_start3A_129] : memref<2x2500x128xi32, #tpu.memory_space<hbm>> -> memref<1x4x128xi32, #tpu.memory_space<hbm>>
        %dma_start3A_131 = tpu.memref_squeeze %dma_start3A_130 : memref<1x4x128xi32, #tpu.memory_space<hbm>> -> memref<4x128xi32, #tpu.memory_space<hbm>>
        %dma_start3A_132 = arith.constant 72 : i32
        %dma_start3A_133 = arith.constant 0 : i32
        %dma_start3A_134 = tpu.memref_slice %arg7[%dma_start3A_132, %dma_start3A_133] : memref<80x128xi32, #tpu.memory_space<vmem>> -> memref<4x128xi32, #tpu.memory_space<vmem>>
        %dma_start3A_135 = arith.constant 2496 : i32
        %dma_start3A_136 = arith.constant 0 : i32
        %dma_start3A_137 = tpu.memref_slice %arg4[%run_scoped3A_123, %dma_start3A_135, %dma_start3A_136] : memref<2x2500x128xi32, #tpu.memory_space<hbm>> -> memref<1x4x128xi32, #tpu.memory_space<hbm>>
        %dma_start3A_138 = tpu.memref_squeeze %dma_start3A_137 : memref<1x4x128xi32, #tpu.memory_space<hbm>> -> memref<4x128xi32, #tpu.memory_space<hbm>>
        tpu.enqueue_dma source(%dma_start3A_138 : memref<4x128xi32, #tpu.memory_space<hbm>>) target(%dma_start3A_134 : memref<4x128xi32, #tpu.memory_space<vmem>>) target_semaphore(%run_scoped3A_124 : memref<!tpu.dma_semaphore, #tpu.memory_space<semaphore_mem>>)
        %dma_wait3A_139 = arith.constant 72 : i32
        %dma_wait3A_140 = arith.constant 0 : i32
        %dma_wait3A_141 = tpu.memref_slice %arg7[%dma_wait3A_139, %dma_wait3A_140] : memref<80x128xi32, #tpu.memory_space<vmem>> -> memref<4x128xi32, #tpu.memory_space<vmem>>
        %dma_wait3A_142 = arith.constant 2496 : i32
        %dma_wait3A_143 = arith.constant 0 : i32
        %dma_wait3A_144 = tpu.memref_slice %arg4[%run_scoped3A_123, %dma_wait3A_142, %dma_wait3A_143] : memref<2x2500x128xi32, #tpu.memory_space<hbm>> -> memref<1x4x128xi32, #tpu.memory_space<hbm>>
        %dma_wait3A_145 = tpu.memref_squeeze %dma_wait3A_144 : memref<1x4x128xi32, #tpu.memory_space<hbm>> -> memref<4x128xi32, #tpu.memory_space<hbm>>
        %dma_wait3A_146 = arith.constant 72 : i32
        %dma_wait3A_147 = arith.constant 0 : i32
        %dma_wait3A_148 = tpu.memref_slice %arg7[%dma_wait3A_146, %dma_wait3A_147] : memref<80x128xi32, #tpu.memory_space<vmem>> -> memref<4x128xi32, #tpu.memory_space<vmem>>
        %dma_wait3A_149 = arith.constant 2496 : i32
        %dma_wait3A_150 = arith.constant 0 : i32
        %dma_wait3A_151 = tpu.memref_slice %arg4[%run_scoped3A_123, %dma_wait3A_149, %dma_wait3A_150] : memref<2x2500x128xi32, #tpu.memory_space<hbm>> -> memref<1x4x128xi32, #tpu.memory_space<hbm>>
        %dma_wait3A_152 = tpu.memref_squeeze %dma_wait3A_151 : memref<1x4x128xi32, #tpu.memory_space<hbm>> -> memref<4x128xi32, #tpu.memory_space<hbm>>
        tpu.wait_dma2 semaphore(%run_scoped3A_124 : memref<!tpu.dma_semaphore, #tpu.memory_space<semaphore_mem>>) src(%dma_wait3A_152 : memref<4x128xi32, #tpu.memory_space<hbm>>) dst(%dma_wait3A_148 : memref<4x128xi32, #tpu.memory_space<vmem>>)
        tpu.yield
      }) : () -> ()
    } else {
    }
    %barrier3A = arith.constant 0 : index
    tpu.barrier barrier_id(%barrier3A)
    %eq3A_36 = arith.constant 31 : i32
    %eq3A_37 = arith.cmpi eq, %add3A, %eq3A_36 : i32
    %convert_element_type3A_38 = arith.extui %eq3A_37 : i1 to i32
    %cond3A_39 = arith.constant 0 : i32
    %cond3A_40 = arith.cmpi ne, %convert_element_type3A_38, %cond3A_39 : i32
    scf.if %cond3A_40 {
      %dma_start3A_123 = arith.constant 72 : i32
      %dma_start3A_124 = arith.constant 0 : i32
      %dma_start3A_125 = tpu.memref_slice %arg6[%dma_start3A_123, %dma_start3A_124] : memref<80x128xi32, #tpu.memory_space<vmem>> -> memref<1x128xi32, #tpu.memory_space<vmem>>
      %dma_start3A_126 = tpu.memref_squeeze %dma_start3A_125 : memref<1x128xi32, #tpu.memory_space<vmem>> -> memref<128xi32, #tpu.memory_space<vmem>>
      %dma_start3A_127 = arith.constant 0 : i32
      %dma_start3A_128 = arith.constant 0 : i32
      %dma_start3A_129 = tpu.memref_slice %arg2[%dma_start3A_127, %dma_start3A_128] : memref<10240x16xf32, #tpu.memory_space<hbm>> -> memref<10240x16xf32, #tpu.memory_space<hbm>>
      tpu.enqueue_indirect_dma source(%dma_start3A_129 : memref<10240x16xf32, #tpu.memory_space<hbm>>) target(%arg8 : memref<128x16xf32, #tpu.memory_space<vmem>>) offsets(%dma_start3A_126 : memref<128xi32, #tpu.memory_space<vmem>>) semaphore(%arg17 : memref<!tpu.dma_semaphore, #tpu.memory_space<semaphore_mem>>)
      %dma_wait3A_130 = arith.constant 72 : i32
      %dma_wait3A_131 = arith.constant 0 : i32
      %dma_wait3A_132 = tpu.memref_slice %arg6[%dma_wait3A_130, %dma_wait3A_131] : memref<80x128xi32, #tpu.memory_space<vmem>> -> memref<1x128xi32, #tpu.memory_space<vmem>>
      %dma_wait3A_133 = tpu.memref_squeeze %dma_wait3A_132 : memref<1x128xi32, #tpu.memory_space<vmem>> -> memref<128xi32, #tpu.memory_space<vmem>>
      %dma_wait3A_134 = arith.constant 0 : i32
      %dma_wait3A_135 = arith.constant 0 : i32
      %dma_wait3A_136 = tpu.memref_slice %arg2[%dma_wait3A_134, %dma_wait3A_135] : memref<10240x16xf32, #tpu.memory_space<hbm>> -> memref<10240x16xf32, #tpu.memory_space<hbm>>
      tpu.wait_indirect_dma semaphore(%arg17 : memref<!tpu.dma_semaphore, #tpu.memory_space<semaphore_mem>>) src(%dma_wait3A_136 : memref<10240x16xf32, #tpu.memory_space<hbm>>) dst(%arg8 : memref<128x16xf32, #tpu.memory_space<vmem>>)
      %run_scoped3A = arith.constant 72 : i32
      "tpu.region"() ({
        %run_scoped3A_182 = tpu.sem_alloc : memref<!tpu.dma_semaphore, #tpu.memory_space<semaphore_mem>>
        %dma_start3A_183 = arith.constant 0 : i32
        %dma_start3A_184 = tpu.memref_slice %arg7[%run_scoped3A, %dma_start3A_183] : memref<80x128xi32, #tpu.memory_space<vmem>> -> memref<1x128xi32, #tpu.memory_space<vmem>>
        %dma_start3A_185 = tpu.memref_squeeze %dma_start3A_184 : memref<1x128xi32, #tpu.memory_space<vmem>> -> memref<128xi32, #tpu.memory_space<vmem>>
        %dma_start3A_186 = arith.constant 0 : i32
        %dma_start3A_187 = arith.constant 0 : i32
        %dma_start3A_188 = tpu.memref_slice %arg16[%dma_start3A_186, %dma_start3A_187] : memref<10240x16xf32, #tpu.memory_space<vmem_shared>> -> memref<10240x16xf32, #tpu.memory_space<vmem_shared>>
        tpu.enqueue_indirect_dma source(%arg8 : memref<128x16xf32, #tpu.memory_space<vmem>>) target(%dma_start3A_188 : memref<10240x16xf32, #tpu.memory_space<vmem_shared>>) offsets(%dma_start3A_185 : memref<128xi32, #tpu.memory_space<vmem>>) semaphore(%run_scoped3A_182 : memref<!tpu.dma_semaphore, #tpu.memory_space<semaphore_mem>>) {add = true}
        %dma_wait3A_189 = arith.constant 0 : i32
        %dma_wait3A_190 = tpu.memref_slice %arg7[%run_scoped3A, %dma_wait3A_189] : memref<80x128xi32, #tpu.memory_space<vmem>> -> memref<1x128xi32, #tpu.memory_space<vmem>>
        %dma_wait3A_191 = tpu.memref_squeeze %dma_wait3A_190 : memref<1x128xi32, #tpu.memory_space<vmem>> -> memref<128xi32, #tpu.memory_space<vmem>>
        %dma_wait3A_192 = arith.constant 0 : i32
        %dma_wait3A_193 = arith.constant 0 : i32
        %dma_wait3A_194 = tpu.memref_slice %arg16[%dma_wait3A_192, %dma_wait3A_193] : memref<10240x16xf32, #tpu.memory_space<vmem_shared>> -> memref<10240x16xf32, #tpu.memory_space<vmem_shared>>
        tpu.wait_indirect_dma semaphore(%run_scoped3A_182 : memref<!tpu.dma_semaphore, #tpu.memory_space<semaphore_mem>>) src(%arg8 : memref<128x16xf32, #tpu.memory_space<vmem>>) dst(%dma_wait3A_194 : memref<10240x16xf32, #tpu.memory_space<vmem_shared>>)
        tpu.yield
      }) : () -> ()
      %dma_start3A_137 = arith.constant 73 : i32
      %dma_start3A_138 = arith.constant 0 : i32
      %dma_start3A_139 = tpu.memref_slice %arg6[%dma_start3A_137, %dma_start3A_138] : memref<80x128xi32, #tpu.memory_space<vmem>> -> memref<1x128xi32, #tpu.memory_space<vmem>>
      %dma_start3A_140 = tpu.memref_squeeze %dma_start3A_139 : memref<1x128xi32, #tpu.memory_space<vmem>> -> memref<128xi32, #tpu.memory_space<vmem>>
      %dma_start3A_141 = arith.constant 0 : i32
      %dma_start3A_142 = arith.constant 0 : i32
      %dma_start3A_143 = tpu.memref_slice %arg2[%dma_start3A_141, %dma_start3A_142] : memref<10240x16xf32, #tpu.memory_space<hbm>> -> memref<10240x16xf32, #tpu.memory_space<hbm>>
      tpu.enqueue_indirect_dma source(%dma_start3A_143 : memref<10240x16xf32, #tpu.memory_space<hbm>>) target(%arg8 : memref<128x16xf32, #tpu.memory_space<vmem>>) offsets(%dma_start3A_140 : memref<128xi32, #tpu.memory_space<vmem>>) semaphore(%arg17 : memref<!tpu.dma_semaphore, #tpu.memory_space<semaphore_mem>>)
      %dma_wait3A_144 = arith.constant 73 : i32
      %dma_wait3A_145 = arith.constant 0 : i32
      %dma_wait3A_146 = tpu.memref_slice %arg6[%dma_wait3A_144, %dma_wait3A_145] : memref<80x128xi32, #tpu.memory_space<vmem>> -> memref<1x128xi32, #tpu.memory_space<vmem>>
      %dma_wait3A_147 = tpu.memref_squeeze %dma_wait3A_146 : memref<1x128xi32, #tpu.memory_space<vmem>> -> memref<128xi32, #tpu.memory_space<vmem>>
      %dma_wait3A_148 = arith.constant 0 : i32
      %dma_wait3A_149 = arith.constant 0 : i32
      %dma_wait3A_150 = tpu.memref_slice %arg2[%dma_wait3A_148, %dma_wait3A_149] : memref<10240x16xf32, #tpu.memory_space<hbm>> -> memref<10240x16xf32, #tpu.memory_space<hbm>>
      tpu.wait_indirect_dma semaphore(%arg17 : memref<!tpu.dma_semaphore, #tpu.memory_space<semaphore_mem>>) src(%dma_wait3A_150 : memref<10240x16xf32, #tpu.memory_space<hbm>>) dst(%arg8 : memref<128x16xf32, #tpu.memory_space<vmem>>)
      %run_scoped3A_151 = arith.constant 73 : i32
      "tpu.region"() ({
        %run_scoped3A_182 = tpu.sem_alloc : memref<!tpu.dma_semaphore, #tpu.memory_space<semaphore_mem>>
        %dma_start3A_183 = arith.constant 0 : i32
        %dma_start3A_184 = tpu.memref_slice %arg7[%run_scoped3A_151, %dma_start3A_183] : memref<80x128xi32, #tpu.memory_space<vmem>> -> memref<1x128xi32, #tpu.memory_space<vmem>>
        %dma_start3A_185 = tpu.memref_squeeze %dma_start3A_184 : memref<1x128xi32, #tpu.memory_space<vmem>> -> memref<128xi32, #tpu.memory_space<vmem>>
        %dma_start3A_186 = arith.constant 0 : i32
        %dma_start3A_187 = arith.constant 0 : i32
        %dma_start3A_188 = tpu.memref_slice %arg16[%dma_start3A_186, %dma_start3A_187] : memref<10240x16xf32, #tpu.memory_space<vmem_shared>> -> memref<10240x16xf32, #tpu.memory_space<vmem_shared>>
        tpu.enqueue_indirect_dma source(%arg8 : memref<128x16xf32, #tpu.memory_space<vmem>>) target(%dma_start3A_188 : memref<10240x16xf32, #tpu.memory_space<vmem_shared>>) offsets(%dma_start3A_185 : memref<128xi32, #tpu.memory_space<vmem>>) semaphore(%run_scoped3A_182 : memref<!tpu.dma_semaphore, #tpu.memory_space<semaphore_mem>>) {add = true}
        %dma_wait3A_189 = arith.constant 0 : i32
        %dma_wait3A_190 = tpu.memref_slice %arg7[%run_scoped3A_151, %dma_wait3A_189] : memref<80x128xi32, #tpu.memory_space<vmem>> -> memref<1x128xi32, #tpu.memory_space<vmem>>
        %dma_wait3A_191 = tpu.memref_squeeze %dma_wait3A_190 : memref<1x128xi32, #tpu.memory_space<vmem>> -> memref<128xi32, #tpu.memory_space<vmem>>
        %dma_wait3A_192 = arith.constant 0 : i32
        %dma_wait3A_193 = arith.constant 0 : i32
        %dma_wait3A_194 = tpu.memref_slice %arg16[%dma_wait3A_192, %dma_wait3A_193] : memref<10240x16xf32, #tpu.memory_space<vmem_shared>> -> memref<10240x16xf32, #tpu.memory_space<vmem_shared>>
        tpu.wait_indirect_dma semaphore(%run_scoped3A_182 : memref<!tpu.dma_semaphore, #tpu.memory_space<semaphore_mem>>) src(%arg8 : memref<128x16xf32, #tpu.memory_space<vmem>>) dst(%dma_wait3A_194 : memref<10240x16xf32, #tpu.memory_space<vmem_shared>>)
        tpu.yield
      }) : () -> ()
      %dma_start3A_152 = arith.constant 74 : i32
      %dma_start3A_153 = arith.constant 0 : i32
      %dma_start3A_154 = tpu.memref_slice %arg6[%dma_start3A_152, %dma_start3A_153] : memref<80x128xi32, #tpu.memory_space<vmem>> -> memref<1x128xi32, #tpu.memory_space<vmem>>
      %dma_start3A_155 = tpu.memref_squeeze %dma_start3A_154 : memref<1x128xi32, #tpu.memory_space<vmem>> -> memref<128xi32, #tpu.memory_space<vmem>>
      %dma_start3A_156 = arith.constant 0 : i32
      %dma_start3A_157 = arith.constant 0 : i32
      %dma_start3A_158 = tpu.memref_slice %arg2[%dma_start3A_156, %dma_start3A_157] : memref<10240x16xf32, #tpu.memory_space<hbm>> -> memref<10240x16xf32, #tpu.memory_space<hbm>>
      tpu.enqueue_indirect_dma source(%dma_start3A_158 : memref<10240x16xf32, #tpu.memory_space<hbm>>) target(%arg8 : memref<128x16xf32, #tpu.memory_space<vmem>>) offsets(%dma_start3A_155 : memref<128xi32, #tpu.memory_space<vmem>>) semaphore(%arg17 : memref<!tpu.dma_semaphore, #tpu.memory_space<semaphore_mem>>)
      %dma_wait3A_159 = arith.constant 74 : i32
      %dma_wait3A_160 = arith.constant 0 : i32
      %dma_wait3A_161 = tpu.memref_slice %arg6[%dma_wait3A_159, %dma_wait3A_160] : memref<80x128xi32, #tpu.memory_space<vmem>> -> memref<1x128xi32, #tpu.memory_space<vmem>>
      %dma_wait3A_162 = tpu.memref_squeeze %dma_wait3A_161 : memref<1x128xi32, #tpu.memory_space<vmem>> -> memref<128xi32, #tpu.memory_space<vmem>>
      %dma_wait3A_163 = arith.constant 0 : i32
      %dma_wait3A_164 = arith.constant 0 : i32
      %dma_wait3A_165 = tpu.memref_slice %arg2[%dma_wait3A_163, %dma_wait3A_164] : memref<10240x16xf32, #tpu.memory_space<hbm>> -> memref<10240x16xf32, #tpu.memory_space<hbm>>
      tpu.wait_indirect_dma semaphore(%arg17 : memref<!tpu.dma_semaphore, #tpu.memory_space<semaphore_mem>>) src(%dma_wait3A_165 : memref<10240x16xf32, #tpu.memory_space<hbm>>) dst(%arg8 : memref<128x16xf32, #tpu.memory_space<vmem>>)
      %run_scoped3A_166 = arith.constant 74 : i32
      "tpu.region"() ({
        %run_scoped3A_182 = tpu.sem_alloc : memref<!tpu.dma_semaphore, #tpu.memory_space<semaphore_mem>>
        %dma_start3A_183 = arith.constant 0 : i32
        %dma_start3A_184 = tpu.memref_slice %arg7[%run_scoped3A_166, %dma_start3A_183] : memref<80x128xi32, #tpu.memory_space<vmem>> -> memref<1x128xi32, #tpu.memory_space<vmem>>
        %dma_start3A_185 = tpu.memref_squeeze %dma_start3A_184 : memref<1x128xi32, #tpu.memory_space<vmem>> -> memref<128xi32, #tpu.memory_space<vmem>>
        %dma_start3A_186 = arith.constant 0 : i32
        %dma_start3A_187 = arith.constant 0 : i32
        %dma_start3A_188 = tpu.memref_slice %arg16[%dma_start3A_186, %dma_start3A_187] : memref<10240x16xf32, #tpu.memory_space<vmem_shared>> -> memref<10240x16xf32, #tpu.memory_space<vmem_shared>>
        tpu.enqueue_indirect_dma source(%arg8 : memref<128x16xf32, #tpu.memory_space<vmem>>) target(%dma_start3A_188 : memref<10240x16xf32, #tpu.memory_space<vmem_shared>>) offsets(%dma_start3A_185 : memref<128xi32, #tpu.memory_space<vmem>>) semaphore(%run_scoped3A_182 : memref<!tpu.dma_semaphore, #tpu.memory_space<semaphore_mem>>) {add = true}
        %dma_wait3A_189 = arith.constant 0 : i32
        %dma_wait3A_190 = tpu.memref_slice %arg7[%run_scoped3A_166, %dma_wait3A_189] : memref<80x128xi32, #tpu.memory_space<vmem>> -> memref<1x128xi32, #tpu.memory_space<vmem>>
        %dma_wait3A_191 = tpu.memref_squeeze %dma_wait3A_190 : memref<1x128xi32, #tpu.memory_space<vmem>> -> memref<128xi32, #tpu.memory_space<vmem>>
        %dma_wait3A_192 = arith.constant 0 : i32
        %dma_wait3A_193 = arith.constant 0 : i32
        %dma_wait3A_194 = tpu.memref_slice %arg16[%dma_wait3A_192, %dma_wait3A_193] : memref<10240x16xf32, #tpu.memory_space<vmem_shared>> -> memref<10240x16xf32, #tpu.memory_space<vmem_shared>>
        tpu.wait_indirect_dma semaphore(%run_scoped3A_182 : memref<!tpu.dma_semaphore, #tpu.memory_space<semaphore_mem>>) src(%arg8 : memref<128x16xf32, #tpu.memory_space<vmem>>) dst(%dma_wait3A_194 : memref<10240x16xf32, #tpu.memory_space<vmem_shared>>)
        tpu.yield
      }) : () -> ()
      %dma_start3A_167 = arith.constant 75 : i32
      %dma_start3A_168 = arith.constant 0 : i32
      %dma_start3A_169 = tpu.memref_slice %arg6[%dma_start3A_167, %dma_start3A_168] : memref<80x128xi32, #tpu.memory_space<vmem>> -> memref<1x128xi32, #tpu.memory_space<vmem>>
      %dma_start3A_170 = tpu.memref_squeeze %dma_start3A_169 : memref<1x128xi32, #tpu.memory_space<vmem>> -> memref<128xi32, #tpu.memory_space<vmem>>
      %dma_start3A_171 = arith.constant 0 : i32
      %dma_start3A_172 = arith.constant 0 : i32
      %dma_start3A_173 = tpu.memref_slice %arg2[%dma_start3A_171, %dma_start3A_172] : memref<10240x16xf32, #tpu.memory_space<hbm>> -> memref<10240x16xf32, #tpu.memory_space<hbm>>
      tpu.enqueue_indirect_dma source(%dma_start3A_173 : memref<10240x16xf32, #tpu.memory_space<hbm>>) target(%arg8 : memref<128x16xf32, #tpu.memory_space<vmem>>) offsets(%dma_start3A_170 : memref<128xi32, #tpu.memory_space<vmem>>) semaphore(%arg17 : memref<!tpu.dma_semaphore, #tpu.memory_space<semaphore_mem>>)
      %dma_wait3A_174 = arith.constant 75 : i32
      %dma_wait3A_175 = arith.constant 0 : i32
      %dma_wait3A_176 = tpu.memref_slice %arg6[%dma_wait3A_174, %dma_wait3A_175] : memref<80x128xi32, #tpu.memory_space<vmem>> -> memref<1x128xi32, #tpu.memory_space<vmem>>
      %dma_wait3A_177 = tpu.memref_squeeze %dma_wait3A_176 : memref<1x128xi32, #tpu.memory_space<vmem>> -> memref<128xi32, #tpu.memory_space<vmem>>
      %dma_wait3A_178 = arith.constant 0 : i32
      %dma_wait3A_179 = arith.constant 0 : i32
      %dma_wait3A_180 = tpu.memref_slice %arg2[%dma_wait3A_178, %dma_wait3A_179] : memref<10240x16xf32, #tpu.memory_space<hbm>> -> memref<10240x16xf32, #tpu.memory_space<hbm>>
      tpu.wait_indirect_dma semaphore(%arg17 : memref<!tpu.dma_semaphore, #tpu.memory_space<semaphore_mem>>) src(%dma_wait3A_180 : memref<10240x16xf32, #tpu.memory_space<hbm>>) dst(%arg8 : memref<128x16xf32, #tpu.memory_space<vmem>>)
      %run_scoped3A_181 = arith.constant 75 : i32
      "tpu.region"() ({
        %run_scoped3A_182 = tpu.sem_alloc : memref<!tpu.dma_semaphore, #tpu.memory_space<semaphore_mem>>
        %dma_start3A_183 = arith.constant 0 : i32
        %dma_start3A_184 = tpu.memref_slice %arg7[%run_scoped3A_181, %dma_start3A_183] : memref<80x128xi32, #tpu.memory_space<vmem>> -> memref<1x128xi32, #tpu.memory_space<vmem>>
        %dma_start3A_185 = tpu.memref_squeeze %dma_start3A_184 : memref<1x128xi32, #tpu.memory_space<vmem>> -> memref<128xi32, #tpu.memory_space<vmem>>
        %dma_start3A_186 = arith.constant 0 : i32
        %dma_start3A_187 = arith.constant 0 : i32
        %dma_start3A_188 = tpu.memref_slice %arg16[%dma_start3A_186, %dma_start3A_187] : memref<10240x16xf32, #tpu.memory_space<vmem_shared>> -> memref<10240x16xf32, #tpu.memory_space<vmem_shared>>
        tpu.enqueue_indirect_dma source(%arg8 : memref<128x16xf32, #tpu.memory_space<vmem>>) target(%dma_start3A_188 : memref<10240x16xf32, #tpu.memory_space<vmem_shared>>) offsets(%dma_start3A_185 : memref<128xi32, #tpu.memory_space<vmem>>) semaphore(%run_scoped3A_182 : memref<!tpu.dma_semaphore, #tpu.memory_space<semaphore_mem>>) {add = true}
        %dma_wait3A_189 = arith.constant 0 : i32
        %dma_wait3A_190 = tpu.memref_slice %arg7[%run_scoped3A_181, %dma_wait3A_189] : memref<80x128xi32, #tpu.memory_space<vmem>> -> memref<1x128xi32, #tpu.memory_space<vmem>>
        %dma_wait3A_191 = tpu.memref_squeeze %dma_wait3A_190 : memref<1x128xi32, #tpu.memory_space<vmem>> -> memref<128xi32, #tpu.memory_space<vmem>>
        %dma_wait3A_192 = arith.constant 0 : i32
        %dma_wait3A_193 = arith.constant 0 : i32
        %dma_wait3A_194 = tpu.memref_slice %arg16[%dma_wait3A_192, %dma_wait3A_193] : memref<10240x16xf32, #tpu.memory_space<vmem_shared>> -> memref<10240x16xf32, #tpu.memory_space<vmem_shared>>
        tpu.wait_indirect_dma semaphore(%run_scoped3A_182 : memref<!tpu.dma_semaphore, #tpu.memory_space<semaphore_mem>>) src(%arg8 : memref<128x16xf32, #tpu.memory_space<vmem>>) dst(%dma_wait3A_194 : memref<10240x16xf32, #tpu.memory_space<vmem_shared>>)
        tpu.yield
      }) : () -> ()
    } else {
    }
    %dma_start3A = arith.constant 0 : i32
    %dma_start3A_41 = arith.constant 0 : i32
    %dma_start3A_42 = tpu.memref_slice %arg6[%dma_start3A, %dma_start3A_41] : memref<80x128xi32, #tpu.memory_space<vmem>> -> memref<1x128xi32, #tpu.memory_space<vmem>>
    %dma_start3A_43 = tpu.memref_squeeze %dma_start3A_42 : memref<1x128xi32, #tpu.memory_space<vmem>> -> memref<128xi32, #tpu.memory_space<vmem>>
    %dma_start3A_44 = arith.constant 0 : i32
    %dma_start3A_45 = arith.constant 0 : i32
    %dma_start3A_46 = tpu.memref_slice %arg2[%dma_start3A_44, %dma_start3A_45] : memref<10240x16xf32, #tpu.memory_space<hbm>> -> memref<10240x16xf32, #tpu.memory_space<hbm>>
    tpu.enqueue_indirect_dma source(%dma_start3A_46 : memref<10240x16xf32, #tpu.memory_space<hbm>>) target(%arg8 : memref<128x16xf32, #tpu.memory_space<vmem>>) offsets(%dma_start3A_43 : memref<128xi32, #tpu.memory_space<vmem>>) semaphore(%arg17 : memref<!tpu.dma_semaphore, #tpu.memory_space<semaphore_mem>>)
    %dma_start3A_47 = arith.constant 1 : i32
    %dma_start3A_48 = arith.constant 0 : i32
    %dma_start3A_49 = tpu.memref_slice %arg6[%dma_start3A_47, %dma_start3A_48] : memref<80x128xi32, #tpu.memory_space<vmem>> -> memref<1x128xi32, #tpu.memory_space<vmem>>
    %dma_start3A_50 = tpu.memref_squeeze %dma_start3A_49 : memref<1x128xi32, #tpu.memory_space<vmem>> -> memref<128xi32, #tpu.memory_space<vmem>>
    %dma_start3A_51 = arith.constant 0 : i32
    %dma_start3A_52 = arith.constant 0 : i32
    %dma_start3A_53 = tpu.memref_slice %arg2[%dma_start3A_51, %dma_start3A_52] : memref<10240x16xf32, #tpu.memory_space<hbm>> -> memref<10240x16xf32, #tpu.memory_space<hbm>>
    tpu.enqueue_indirect_dma source(%dma_start3A_53 : memref<10240x16xf32, #tpu.memory_space<hbm>>) target(%arg9 : memref<128x16xf32, #tpu.memory_space<vmem>>) offsets(%dma_start3A_50 : memref<128xi32, #tpu.memory_space<vmem>>) semaphore(%arg18 : memref<!tpu.dma_semaphore, #tpu.memory_space<semaphore_mem>>)
    %dma_start3A_54 = arith.constant 2 : i32
    %dma_start3A_55 = arith.constant 0 : i32
    %dma_start3A_56 = tpu.memref_slice %arg6[%dma_start3A_54, %dma_start3A_55] : memref<80x128xi32, #tpu.memory_space<vmem>> -> memref<1x128xi32, #tpu.memory_space<vmem>>
    %dma_start3A_57 = tpu.memref_squeeze %dma_start3A_56 : memref<1x128xi32, #tpu.memory_space<vmem>> -> memref<128xi32, #tpu.memory_space<vmem>>
    %dma_start3A_58 = arith.constant 0 : i32
    %dma_start3A_59 = arith.constant 0 : i32
    %dma_start3A_60 = tpu.memref_slice %arg2[%dma_start3A_58, %dma_start3A_59] : memref<10240x16xf32, #tpu.memory_space<hbm>> -> memref<10240x16xf32, #tpu.memory_space<hbm>>
    tpu.enqueue_indirect_dma source(%dma_start3A_60 : memref<10240x16xf32, #tpu.memory_space<hbm>>) target(%arg10 : memref<128x16xf32, #tpu.memory_space<vmem>>) offsets(%dma_start3A_57 : memref<128xi32, #tpu.memory_space<vmem>>) semaphore(%arg19 : memref<!tpu.dma_semaphore, #tpu.memory_space<semaphore_mem>>)
    %dma_start3A_61 = arith.constant 3 : i32
    %dma_start3A_62 = arith.constant 0 : i32
    %dma_start3A_63 = tpu.memref_slice %arg6[%dma_start3A_61, %dma_start3A_62] : memref<80x128xi32, #tpu.memory_space<vmem>> -> memref<1x128xi32, #tpu.memory_space<vmem>>
    %dma_start3A_64 = tpu.memref_squeeze %dma_start3A_63 : memref<1x128xi32, #tpu.memory_space<vmem>> -> memref<128xi32, #tpu.memory_space<vmem>>
    %dma_start3A_65 = arith.constant 0 : i32
    %dma_start3A_66 = arith.constant 0 : i32
    %dma_start3A_67 = tpu.memref_slice %arg2[%dma_start3A_65, %dma_start3A_66] : memref<10240x16xf32, #tpu.memory_space<hbm>> -> memref<10240x16xf32, #tpu.memory_space<hbm>>
    tpu.enqueue_indirect_dma source(%dma_start3A_67 : memref<10240x16xf32, #tpu.memory_space<hbm>>) target(%arg11 : memref<128x16xf32, #tpu.memory_space<vmem>>) offsets(%dma_start3A_64 : memref<128xi32, #tpu.memory_space<vmem>>) semaphore(%arg20 : memref<!tpu.dma_semaphore, #tpu.memory_space<semaphore_mem>>)
    %dma_start3A_68 = arith.constant 4 : i32
    %dma_start3A_69 = arith.constant 0 : i32
    %dma_start3A_70 = tpu.memref_slice %arg6[%dma_start3A_68, %dma_start3A_69] : memref<80x128xi32, #tpu.memory_space<vmem>> -> memref<1x128xi32, #tpu.memory_space<vmem>>
    %dma_start3A_71 = tpu.memref_squeeze %dma_start3A_70 : memref<1x128xi32, #tpu.memory_space<vmem>> -> memref<128xi32, #tpu.memory_space<vmem>>
    %dma_start3A_72 = arith.constant 0 : i32
    %dma_start3A_73 = arith.constant 0 : i32
    %dma_start3A_74 = tpu.memref_slice %arg2[%dma_start3A_72, %dma_start3A_73] : memref<10240x16xf32, #tpu.memory_space<hbm>> -> memref<10240x16xf32, #tpu.memory_space<hbm>>
    tpu.enqueue_indirect_dma source(%dma_start3A_74 : memref<10240x16xf32, #tpu.memory_space<hbm>>) target(%arg12 : memref<128x16xf32, #tpu.memory_space<vmem>>) offsets(%dma_start3A_71 : memref<128xi32, #tpu.memory_space<vmem>>) semaphore(%arg21 : memref<!tpu.dma_semaphore, #tpu.memory_space<semaphore_mem>>)
    %dma_start3A_75 = arith.constant 5 : i32
    %dma_start3A_76 = arith.constant 0 : i32
    %dma_start3A_77 = tpu.memref_slice %arg6[%dma_start3A_75, %dma_start3A_76] : memref<80x128xi32, #tpu.memory_space<vmem>> -> memref<1x128xi32, #tpu.memory_space<vmem>>
    %dma_start3A_78 = tpu.memref_squeeze %dma_start3A_77 : memref<1x128xi32, #tpu.memory_space<vmem>> -> memref<128xi32, #tpu.memory_space<vmem>>
    %dma_start3A_79 = arith.constant 0 : i32
    %dma_start3A_80 = arith.constant 0 : i32
    %dma_start3A_81 = tpu.memref_slice %arg2[%dma_start3A_79, %dma_start3A_80] : memref<10240x16xf32, #tpu.memory_space<hbm>> -> memref<10240x16xf32, #tpu.memory_space<hbm>>
    tpu.enqueue_indirect_dma source(%dma_start3A_81 : memref<10240x16xf32, #tpu.memory_space<hbm>>) target(%arg13 : memref<128x16xf32, #tpu.memory_space<vmem>>) offsets(%dma_start3A_78 : memref<128xi32, #tpu.memory_space<vmem>>) semaphore(%arg22 : memref<!tpu.dma_semaphore, #tpu.memory_space<semaphore_mem>>)
    %dma_start3A_82 = arith.constant 6 : i32
    %dma_start3A_83 = arith.constant 0 : i32
    %dma_start3A_84 = tpu.memref_slice %arg6[%dma_start3A_82, %dma_start3A_83] : memref<80x128xi32, #tpu.memory_space<vmem>> -> memref<1x128xi32, #tpu.memory_space<vmem>>
    %dma_start3A_85 = tpu.memref_squeeze %dma_start3A_84 : memref<1x128xi32, #tpu.memory_space<vmem>> -> memref<128xi32, #tpu.memory_space<vmem>>
    %dma_start3A_86 = arith.constant 0 : i32
    %dma_start3A_87 = arith.constant 0 : i32
    %dma_start3A_88 = tpu.memref_slice %arg2[%dma_start3A_86, %dma_start3A_87] : memref<10240x16xf32, #tpu.memory_space<hbm>> -> memref<10240x16xf32, #tpu.memory_space<hbm>>
    tpu.enqueue_indirect_dma source(%dma_start3A_88 : memref<10240x16xf32, #tpu.memory_space<hbm>>) target(%arg14 : memref<128x16xf32, #tpu.memory_space<vmem>>) offsets(%dma_start3A_85 : memref<128xi32, #tpu.memory_space<vmem>>) semaphore(%arg23 : memref<!tpu.dma_semaphore, #tpu.memory_space<semaphore_mem>>)
    %jit3A_89 = arith.constant 8 : i32
    %div3A = arith.divsi %mul3A_21, %jit3A_89 : i32
    %sign3A = arith.constant 0 : i32
    %sign3A_90 = arith.cmpi sgt, %mul3A_21, %sign3A : i32
    %sign3A_91 = arith.extui %sign3A_90 : i1 to i32
    %sign3A_92 = arith.constant 0 : i32
    %sign3A_93 = arith.cmpi slt, %mul3A_21, %sign3A_92 : i32
    %sign3A_94 = arith.extui %sign3A_93 : i1 to i32
    %sign3A_95 = arith.subi %sign3A_91, %sign3A_94 : i32
    %sign3A_96 = arith.constant 0 : i32
    %sign3A_97 = arith.cmpi sgt, %jit3A_89, %sign3A_96 : i32
    %sign3A_98 = arith.extui %sign3A_97 : i1 to i32
    %sign3A_99 = arith.constant 0 : i32
    %sign3A_100 = arith.cmpi slt, %jit3A_89, %sign3A_99 : i32
    %sign3A_101 = arith.extui %sign3A_100 : i1 to i32
    %sign3A_102 = arith.subi %sign3A_98, %sign3A_101 : i32
    %ne3A = arith.cmpi ne, %sign3A_95, %sign3A_102 : i32
    %rem3A = arith.remsi %mul3A_21, %jit3A_89 : i32
    %ne3A_103 = arith.constant 0 : i32
    %ne3A_104 = arith.cmpi ne, %rem3A, %ne3A_103 : i32
    %and3A = arith.andi %ne3A, %ne3A_104 : i1
    %sub3A = arith.constant 1 : i32
    %sub3A_105 = arith.subi %div3A, %sub3A : i32
    %select_n3A_106 = arith.select %and3A, %sub3A_105, %div3A : i32
    %while3A = arith.constant 0 : i32
    %while3A_107 = arith.constant 0 : i32
    %while3A_108 = arith.subi %select_n3A_106, %while3A_107 : i32
    %while3A_109 = arith.addi %while3A_107, %while3A_108 : i32
    %while3A_110 = arith.constant 1 : i32
    %while3A_111 = arith.divsi %while3A_108, %while3A_110 : i32
    %while3A_112 = arith.muli %while3A_111, %while3A_110 : i32
    %while3A_113 = arith.addi %while3A_107, %while3A_112 : i32
    %while3A_114 = arith.constant 1 : i32
    scf.for %while3A_123 = %while3A_107 to %while3A_113 step %while3A_114  : i32 {
      %mul3A_124 = arith.constant 8 : i32
      %mul3A_125 = arith.muli %while3A_123, %mul3A_124 : i32
      %add3A_126 = arith.constant 0 : i32
      %add3A_127 = arith.addi %mul3A_125, %add3A_126 : i32
      %dma_wait3A_128 = arith.constant 0 : i32
      %dma_wait3A_129 = tpu.memref_slice %arg6[%add3A_127, %dma_wait3A_128] : memref<80x128xi32, #tpu.memory_space<vmem>> -> memref<1x128xi32, #tpu.memory_space<vmem>>
      %dma_wait3A_130 = tpu.memref_squeeze %dma_wait3A_129 : memref<1x128xi32, #tpu.memory_space<vmem>> -> memref<128xi32, #tpu.memory_space<vmem>>
      %dma_wait3A_131 = arith.constant 0 : i32
      %dma_wait3A_132 = arith.constant 0 : i32
      %dma_wait3A_133 = tpu.memref_slice %arg2[%dma_wait3A_131, %dma_wait3A_132] : memref<10240x16xf32, #tpu.memory_space<hbm>> -> memref<10240x16xf32, #tpu.memory_space<hbm>>
      tpu.wait_indirect_dma semaphore(%arg17 : memref<!tpu.dma_semaphore, #tpu.memory_space<semaphore_mem>>) src(%dma_wait3A_133 : memref<10240x16xf32, #tpu.memory_space<hbm>>) dst(%arg8 : memref<128x16xf32, #tpu.memory_space<vmem>>)
      %dma_start3A_134 = arith.constant 0 : i32
      %dma_start3A_135 = tpu.memref_slice %arg7[%add3A_127, %dma_start3A_134] : memref<80x128xi32, #tpu.memory_space<vmem>> -> memref<1x128xi32, #tpu.memory_space<vmem>>
      %dma_start3A_136 = tpu.memref_squeeze %dma_start3A_135 : memref<1x128xi32, #tpu.memory_space<vmem>> -> memref<128xi32, #tpu.memory_space<vmem>>
      %dma_start3A_137 = arith.constant 0 : i32
      %dma_start3A_138 = arith.constant 0 : i32
      %dma_start3A_139 = tpu.memref_slice %arg16[%dma_start3A_137, %dma_start3A_138] : memref<10240x16xf32, #tpu.memory_space<vmem_shared>> -> memref<10240x16xf32, #tpu.memory_space<vmem_shared>>
      tpu.enqueue_indirect_dma source(%arg8 : memref<128x16xf32, #tpu.memory_space<vmem>>) target(%dma_start3A_139 : memref<10240x16xf32, #tpu.memory_space<vmem_shared>>) offsets(%dma_start3A_136 : memref<128xi32, #tpu.memory_space<vmem>>) semaphore(%arg25 : memref<!tpu.dma_semaphore, #tpu.memory_space<semaphore_mem>>) {add = true}
      %ge3A_140 = arith.constant 1 : i32
      %ge3A_141 = arith.cmpi sge, %add3A_127, %ge3A_140 : i32
      %convert_element_type3A_142 = arith.extui %ge3A_141 : i1 to i32
      %cond3A_143 = arith.constant 0 : i32
      %cond3A_144 = arith.cmpi ne, %convert_element_type3A_142, %cond3A_143 : i32
      scf.if %cond3A_144 {
        %dma_wait3A_340 = arith.constant 0 : i32
        %dma_wait3A_341 = arith.constant 0 : i32
        %dma_wait3A_342 = tpu.memref_slice %arg7[%dma_wait3A_340, %dma_wait3A_341] : memref<80x128xi32, #tpu.memory_space<vmem>> -> memref<1x128xi32, #tpu.memory_space<vmem>>
        %dma_wait3A_343 = tpu.memref_squeeze %dma_wait3A_342 : memref<1x128xi32, #tpu.memory_space<vmem>> -> memref<128xi32, #tpu.memory_space<vmem>>
        %dma_wait3A_344 = arith.constant 0 : i32
        %dma_wait3A_345 = arith.constant 0 : i32
        %dma_wait3A_346 = tpu.memref_slice %arg16[%dma_wait3A_344, %dma_wait3A_345] : memref<10240x16xf32, #tpu.memory_space<vmem_shared>> -> memref<10240x16xf32, #tpu.memory_space<vmem_shared>>
        tpu.wait_indirect_dma semaphore(%arg32 : memref<!tpu.dma_semaphore, #tpu.memory_space<semaphore_mem>>) src(%arg15 : memref<128x16xf32, #tpu.memory_space<vmem>>) dst(%dma_wait3A_346 : memref<10240x16xf32, #tpu.memory_space<vmem_shared>>)
      } else {
      }
      %add3A_145 = arith.constant 7 : i32
      %add3A_146 = arith.addi %add3A_127, %add3A_145 : i32
      %lt3A_147 = arith.cmpi slt, %add3A_146, %mul3A_21 : i32
      %convert_element_type3A_148 = arith.extui %lt3A_147 : i1 to i32
      %cond3A_149 = arith.constant 0 : i32
      %cond3A_150 = arith.cmpi ne, %convert_element_type3A_148, %cond3A_149 : i32
      scf.if %cond3A_150 {
        %add3A_340 = arith.constant 7 : i32
        %add3A_341 = arith.addi %add3A_127, %add3A_340 : i32
        %dma_start3A_342 = arith.constant 0 : i32
        %dma_start3A_343 = tpu.memref_slice %arg6[%add3A_341, %dma_start3A_342] : memref<80x128xi32, #tpu.memory_space<vmem>> -> memref<1x128xi32, #tpu.memory_space<vmem>>
        %dma_start3A_344 = tpu.memref_squeeze %dma_start3A_343 : memref<1x128xi32, #tpu.memory_space<vmem>> -> memref<128xi32, #tpu.memory_space<vmem>>
        %dma_start3A_345 = arith.constant 0 : i32
        %dma_start3A_346 = arith.constant 0 : i32
        %dma_start3A_347 = tpu.memref_slice %arg2[%dma_start3A_345, %dma_start3A_346] : memref<10240x16xf32, #tpu.memory_space<hbm>> -> memref<10240x16xf32, #tpu.memory_space<hbm>>
        tpu.enqueue_indirect_dma source(%dma_start3A_347 : memref<10240x16xf32, #tpu.memory_space<hbm>>) target(%arg15 : memref<128x16xf32, #tpu.memory_space<vmem>>) offsets(%dma_start3A_344 : memref<128xi32, #tpu.memory_space<vmem>>) semaphore(%arg24 : memref<!tpu.dma_semaphore, #tpu.memory_space<semaphore_mem>>)
      } else {
      }
      %mul3A_151 = arith.constant 8 : i32
      %mul3A_152 = arith.muli %while3A_123, %mul3A_151 : i32
      %add3A_153 = arith.constant 1 : i32
      %add3A_154 = arith.addi %mul3A_152, %add3A_153 : i32
      %dma_wait3A_155 = arith.constant 0 : i32
      %dma_wait3A_156 = tpu.memref_slice %arg6[%add3A_154, %dma_wait3A_155] : memref<80x128xi32, #tpu.memory_space<vmem>> -> memref<1x128xi32, #tpu.memory_space<vmem>>
      %dma_wait3A_157 = tpu.memref_squeeze %dma_wait3A_156 : memref<1x128xi32, #tpu.memory_space<vmem>> -> memref<128xi32, #tpu.memory_space<vmem>>
      %dma_wait3A_158 = arith.constant 0 : i32
      %dma_wait3A_159 = arith.constant 0 : i32
      %dma_wait3A_160 = tpu.memref_slice %arg2[%dma_wait3A_158, %dma_wait3A_159] : memref<10240x16xf32, #tpu.memory_space<hbm>> -> memref<10240x16xf32, #tpu.memory_space<hbm>>
      tpu.wait_indirect_dma semaphore(%arg18 : memref<!tpu.dma_semaphore, #tpu.memory_space<semaphore_mem>>) src(%dma_wait3A_160 : memref<10240x16xf32, #tpu.memory_space<hbm>>) dst(%arg9 : memref<128x16xf32, #tpu.memory_space<vmem>>)
      %dma_start3A_161 = arith.constant 0 : i32
      %dma_start3A_162 = tpu.memref_slice %arg7[%add3A_154, %dma_start3A_161] : memref<80x128xi32, #tpu.memory_space<vmem>> -> memref<1x128xi32, #tpu.memory_space<vmem>>
      %dma_start3A_163 = tpu.memref_squeeze %dma_start3A_162 : memref<1x128xi32, #tpu.memory_space<vmem>> -> memref<128xi32, #tpu.memory_space<vmem>>
      %dma_start3A_164 = arith.constant 0 : i32
      %dma_start3A_165 = arith.constant 0 : i32
      %dma_start3A_166 = tpu.memref_slice %arg16[%dma_start3A_164, %dma_start3A_165] : memref<10240x16xf32, #tpu.memory_space<vmem_shared>> -> memref<10240x16xf32, #tpu.memory_space<vmem_shared>>
      tpu.enqueue_indirect_dma source(%arg9 : memref<128x16xf32, #tpu.memory_space<vmem>>) target(%dma_start3A_166 : memref<10240x16xf32, #tpu.memory_space<vmem_shared>>) offsets(%dma_start3A_163 : memref<128xi32, #tpu.memory_space<vmem>>) semaphore(%arg26 : memref<!tpu.dma_semaphore, #tpu.memory_space<semaphore_mem>>) {add = true}
      %ge3A_167 = arith.constant 1 : i32
      %ge3A_168 = arith.cmpi sge, %add3A_154, %ge3A_167 : i32
      %convert_element_type3A_169 = arith.extui %ge3A_168 : i1 to i32
      %cond3A_170 = arith.constant 0 : i32
      %cond3A_171 = arith.cmpi ne, %convert_element_type3A_169, %cond3A_170 : i32
      scf.if %cond3A_171 {
        %dma_wait3A_340 = arith.constant 0 : i32
        %dma_wait3A_341 = arith.constant 0 : i32
        %dma_wait3A_342 = tpu.memref_slice %arg7[%dma_wait3A_340, %dma_wait3A_341] : memref<80x128xi32, #tpu.memory_space<vmem>> -> memref<1x128xi32, #tpu.memory_space<vmem>>
        %dma_wait3A_343 = tpu.memref_squeeze %dma_wait3A_342 : memref<1x128xi32, #tpu.memory_space<vmem>> -> memref<128xi32, #tpu.memory_space<vmem>>
        %dma_wait3A_344 = arith.constant 0 : i32
        %dma_wait3A_345 = arith.constant 0 : i32
        %dma_wait3A_346 = tpu.memref_slice %arg16[%dma_wait3A_344, %dma_wait3A_345] : memref<10240x16xf32, #tpu.memory_space<vmem_shared>> -> memref<10240x16xf32, #tpu.memory_space<vmem_shared>>
        tpu.wait_indirect_dma semaphore(%arg25 : memref<!tpu.dma_semaphore, #tpu.memory_space<semaphore_mem>>) src(%arg8 : memref<128x16xf32, #tpu.memory_space<vmem>>) dst(%dma_wait3A_346 : memref<10240x16xf32, #tpu.memory_space<vmem_shared>>)
      } else {
      }
      %add3A_172 = arith.constant 7 : i32
      %add3A_173 = arith.addi %add3A_154, %add3A_172 : i32
      %lt3A_174 = arith.cmpi slt, %add3A_173, %mul3A_21 : i32
      %convert_element_type3A_175 = arith.extui %lt3A_174 : i1 to i32
      %cond3A_176 = arith.constant 0 : i32
      %cond3A_177 = arith.cmpi ne, %convert_element_type3A_175, %cond3A_176 : i32
      scf.if %cond3A_177 {
        %add3A_340 = arith.constant 7 : i32
        %add3A_341 = arith.addi %add3A_154, %add3A_340 : i32
        %dma_start3A_342 = arith.constant 0 : i32
        %dma_start3A_343 = tpu.memref_slice %arg6[%add3A_341, %dma_start3A_342] : memref<80x128xi32, #tpu.memory_space<vmem>> -> memref<1x128xi32, #tpu.memory_space<vmem>>
        %dma_start3A_344 = tpu.memref_squeeze %dma_start3A_343 : memref<1x128xi32, #tpu.memory_space<vmem>> -> memref<128xi32, #tpu.memory_space<vmem>>
        %dma_start3A_345 = arith.constant 0 : i32
        %dma_start3A_346 = arith.constant 0 : i32
        %dma_start3A_347 = tpu.memref_slice %arg2[%dma_start3A_345, %dma_start3A_346] : memref<10240x16xf32, #tpu.memory_space<hbm>> -> memref<10240x16xf32, #tpu.memory_space<hbm>>
        tpu.enqueue_indirect_dma source(%dma_start3A_347 : memref<10240x16xf32, #tpu.memory_space<hbm>>) target(%arg8 : memref<128x16xf32, #tpu.memory_space<vmem>>) offsets(%dma_start3A_344 : memref<128xi32, #tpu.memory_space<vmem>>) semaphore(%arg17 : memref<!tpu.dma_semaphore, #tpu.memory_space<semaphore_mem>>)
      } else {
      }
      %mul3A_178 = arith.constant 8 : i32
      %mul3A_179 = arith.muli %while3A_123, %mul3A_178 : i32
      %add3A_180 = arith.constant 2 : i32
      %add3A_181 = arith.addi %mul3A_179, %add3A_180 : i32
      %dma_wait3A_182 = arith.constant 0 : i32
      %dma_wait3A_183 = tpu.memref_slice %arg6[%add3A_181, %dma_wait3A_182] : memref<80x128xi32, #tpu.memory_space<vmem>> -> memref<1x128xi32, #tpu.memory_space<vmem>>
      %dma_wait3A_184 = tpu.memref_squeeze %dma_wait3A_183 : memref<1x128xi32, #tpu.memory_space<vmem>> -> memref<128xi32, #tpu.memory_space<vmem>>
      %dma_wait3A_185 = arith.constant 0 : i32
      %dma_wait3A_186 = arith.constant 0 : i32
      %dma_wait3A_187 = tpu.memref_slice %arg2[%dma_wait3A_185, %dma_wait3A_186] : memref<10240x16xf32, #tpu.memory_space<hbm>> -> memref<10240x16xf32, #tpu.memory_space<hbm>>
      tpu.wait_indirect_dma semaphore(%arg19 : memref<!tpu.dma_semaphore, #tpu.memory_space<semaphore_mem>>) src(%dma_wait3A_187 : memref<10240x16xf32, #tpu.memory_space<hbm>>) dst(%arg10 : memref<128x16xf32, #tpu.memory_space<vmem>>)
      %dma_start3A_188 = arith.constant 0 : i32
      %dma_start3A_189 = tpu.memref_slice %arg7[%add3A_181, %dma_start3A_188] : memref<80x128xi32, #tpu.memory_space<vmem>> -> memref<1x128xi32, #tpu.memory_space<vmem>>
      %dma_start3A_190 = tpu.memref_squeeze %dma_start3A_189 : memref<1x128xi32, #tpu.memory_space<vmem>> -> memref<128xi32, #tpu.memory_space<vmem>>
      %dma_start3A_191 = arith.constant 0 : i32
      %dma_start3A_192 = arith.constant 0 : i32
      %dma_start3A_193 = tpu.memref_slice %arg16[%dma_start3A_191, %dma_start3A_192] : memref<10240x16xf32, #tpu.memory_space<vmem_shared>> -> memref<10240x16xf32, #tpu.memory_space<vmem_shared>>
      tpu.enqueue_indirect_dma source(%arg10 : memref<128x16xf32, #tpu.memory_space<vmem>>) target(%dma_start3A_193 : memref<10240x16xf32, #tpu.memory_space<vmem_shared>>) offsets(%dma_start3A_190 : memref<128xi32, #tpu.memory_space<vmem>>) semaphore(%arg27 : memref<!tpu.dma_semaphore, #tpu.memory_space<semaphore_mem>>) {add = true}
      %ge3A_194 = arith.constant 1 : i32
      %ge3A_195 = arith.cmpi sge, %add3A_181, %ge3A_194 : i32
      %convert_element_type3A_196 = arith.extui %ge3A_195 : i1 to i32
      %cond3A_197 = arith.constant 0 : i32
      %cond3A_198 = arith.cmpi ne, %convert_element_type3A_196, %cond3A_197 : i32
      scf.if %cond3A_198 {
        %dma_wait3A_340 = arith.constant 0 : i32
        %dma_wait3A_341 = arith.constant 0 : i32
        %dma_wait3A_342 = tpu.memref_slice %arg7[%dma_wait3A_340, %dma_wait3A_341] : memref<80x128xi32, #tpu.memory_space<vmem>> -> memref<1x128xi32, #tpu.memory_space<vmem>>
        %dma_wait3A_343 = tpu.memref_squeeze %dma_wait3A_342 : memref<1x128xi32, #tpu.memory_space<vmem>> -> memref<128xi32, #tpu.memory_space<vmem>>
        %dma_wait3A_344 = arith.constant 0 : i32
        %dma_wait3A_345 = arith.constant 0 : i32
        %dma_wait3A_346 = tpu.memref_slice %arg16[%dma_wait3A_344, %dma_wait3A_345] : memref<10240x16xf32, #tpu.memory_space<vmem_shared>> -> memref<10240x16xf32, #tpu.memory_space<vmem_shared>>
        tpu.wait_indirect_dma semaphore(%arg26 : memref<!tpu.dma_semaphore, #tpu.memory_space<semaphore_mem>>) src(%arg9 : memref<128x16xf32, #tpu.memory_space<vmem>>) dst(%dma_wait3A_346 : memref<10240x16xf32, #tpu.memory_space<vmem_shared>>)
      } else {
      }
      %add3A_199 = arith.constant 7 : i32
      %add3A_200 = arith.addi %add3A_181, %add3A_199 : i32
      %lt3A_201 = arith.cmpi slt, %add3A_200, %mul3A_21 : i32
      %convert_element_type3A_202 = arith.extui %lt3A_201 : i1 to i32
      %cond3A_203 = arith.constant 0 : i32
      %cond3A_204 = arith.cmpi ne, %convert_element_type3A_202, %cond3A_203 : i32
      scf.if %cond3A_204 {
        %add3A_340 = arith.constant 7 : i32
        %add3A_341 = arith.addi %add3A_181, %add3A_340 : i32
        %dma_start3A_342 = arith.constant 0 : i32
        %dma_start3A_343 = tpu.memref_slice %arg6[%add3A_341, %dma_start3A_342] : memref<80x128xi32, #tpu.memory_space<vmem>> -> memref<1x128xi32, #tpu.memory_space<vmem>>
        %dma_start3A_344 = tpu.memref_squeeze %dma_start3A_343 : memref<1x128xi32, #tpu.memory_space<vmem>> -> memref<128xi32, #tpu.memory_space<vmem>>
        %dma_start3A_345 = arith.constant 0 : i32
        %dma_start3A_346 = arith.constant 0 : i32
        %dma_start3A_347 = tpu.memref_slice %arg2[%dma_start3A_345, %dma_start3A_346] : memref<10240x16xf32, #tpu.memory_space<hbm>> -> memref<10240x16xf32, #tpu.memory_space<hbm>>
        tpu.enqueue_indirect_dma source(%dma_start3A_347 : memref<10240x16xf32, #tpu.memory_space<hbm>>) target(%arg9 : memref<128x16xf32, #tpu.memory_space<vmem>>) offsets(%dma_start3A_344 : memref<128xi32, #tpu.memory_space<vmem>>) semaphore(%arg18 : memref<!tpu.dma_semaphore, #tpu.memory_space<semaphore_mem>>)
      } else {
      }
      %mul3A_205 = arith.constant 8 : i32
      %mul3A_206 = arith.muli %while3A_123, %mul3A_205 : i32
      %add3A_207 = arith.constant 3 : i32
      %add3A_208 = arith.addi %mul3A_206, %add3A_207 : i32
      %dma_wait3A_209 = arith.constant 0 : i32
      %dma_wait3A_210 = tpu.memref_slice %arg6[%add3A_208, %dma_wait3A_209] : memref<80x128xi32, #tpu.memory_space<vmem>> -> memref<1x128xi32, #tpu.memory_space<vmem>>
      %dma_wait3A_211 = tpu.memref_squeeze %dma_wait3A_210 : memref<1x128xi32, #tpu.memory_space<vmem>> -> memref<128xi32, #tpu.memory_space<vmem>>
      %dma_wait3A_212 = arith.constant 0 : i32
      %dma_wait3A_213 = arith.constant 0 : i32
      %dma_wait3A_214 = tpu.memref_slice %arg2[%dma_wait3A_212, %dma_wait3A_213] : memref<10240x16xf32, #tpu.memory_space<hbm>> -> memref<10240x16xf32, #tpu.memory_space<hbm>>
      tpu.wait_indirect_dma semaphore(%arg20 : memref<!tpu.dma_semaphore, #tpu.memory_space<semaphore_mem>>) src(%dma_wait3A_214 : memref<10240x16xf32, #tpu.memory_space<hbm>>) dst(%arg11 : memref<128x16xf32, #tpu.memory_space<vmem>>)
      %dma_start3A_215 = arith.constant 0 : i32
      %dma_start3A_216 = tpu.memref_slice %arg7[%add3A_208, %dma_start3A_215] : memref<80x128xi32, #tpu.memory_space<vmem>> -> memref<1x128xi32, #tpu.memory_space<vmem>>
      %dma_start3A_217 = tpu.memref_squeeze %dma_start3A_216 : memref<1x128xi32, #tpu.memory_space<vmem>> -> memref<128xi32, #tpu.memory_space<vmem>>
      %dma_start3A_218 = arith.constant 0 : i32
      %dma_start3A_219 = arith.constant 0 : i32
      %dma_start3A_220 = tpu.memref_slice %arg16[%dma_start3A_218, %dma_start3A_219] : memref<10240x16xf32, #tpu.memory_space<vmem_shared>> -> memref<10240x16xf32, #tpu.memory_space<vmem_shared>>
      tpu.enqueue_indirect_dma source(%arg11 : memref<128x16xf32, #tpu.memory_space<vmem>>) target(%dma_start3A_220 : memref<10240x16xf32, #tpu.memory_space<vmem_shared>>) offsets(%dma_start3A_217 : memref<128xi32, #tpu.memory_space<vmem>>) semaphore(%arg28 : memref<!tpu.dma_semaphore, #tpu.memory_space<semaphore_mem>>) {add = true}
      %ge3A_221 = arith.constant 1 : i32
      %ge3A_222 = arith.cmpi sge, %add3A_208, %ge3A_221 : i32
      %convert_element_type3A_223 = arith.extui %ge3A_222 : i1 to i32
      %cond3A_224 = arith.constant 0 : i32
      %cond3A_225 = arith.cmpi ne, %convert_element_type3A_223, %cond3A_224 : i32
      scf.if %cond3A_225 {
        %dma_wait3A_340 = arith.constant 0 : i32
        %dma_wait3A_341 = arith.constant 0 : i32
        %dma_wait3A_342 = tpu.memref_slice %arg7[%dma_wait3A_340, %dma_wait3A_341] : memref<80x128xi32, #tpu.memory_space<vmem>> -> memref<1x128xi32, #tpu.memory_space<vmem>>
        %dma_wait3A_343 = tpu.memref_squeeze %dma_wait3A_342 : memref<1x128xi32, #tpu.memory_space<vmem>> -> memref<128xi32, #tpu.memory_space<vmem>>
        %dma_wait3A_344 = arith.constant 0 : i32
        %dma_wait3A_345 = arith.constant 0 : i32
        %dma_wait3A_346 = tpu.memref_slice %arg16[%dma_wait3A_344, %dma_wait3A_345] : memref<10240x16xf32, #tpu.memory_space<vmem_shared>> -> memref<10240x16xf32, #tpu.memory_space<vmem_shared>>
        tpu.wait_indirect_dma semaphore(%arg27 : memref<!tpu.dma_semaphore, #tpu.memory_space<semaphore_mem>>) src(%arg10 : memref<128x16xf32, #tpu.memory_space<vmem>>) dst(%dma_wait3A_346 : memref<10240x16xf32, #tpu.memory_space<vmem_shared>>)
      } else {
      }
      %add3A_226 = arith.constant 7 : i32
      %add3A_227 = arith.addi %add3A_208, %add3A_226 : i32
      %lt3A_228 = arith.cmpi slt, %add3A_227, %mul3A_21 : i32
      %convert_element_type3A_229 = arith.extui %lt3A_228 : i1 to i32
      %cond3A_230 = arith.constant 0 : i32
      %cond3A_231 = arith.cmpi ne, %convert_element_type3A_229, %cond3A_230 : i32
      scf.if %cond3A_231 {
        %add3A_340 = arith.constant 7 : i32
        %add3A_341 = arith.addi %add3A_208, %add3A_340 : i32
        %dma_start3A_342 = arith.constant 0 : i32
        %dma_start3A_343 = tpu.memref_slice %arg6[%add3A_341, %dma_start3A_342] : memref<80x128xi32, #tpu.memory_space<vmem>> -> memref<1x128xi32, #tpu.memory_space<vmem>>
        %dma_start3A_344 = tpu.memref_squeeze %dma_start3A_343 : memref<1x128xi32, #tpu.memory_space<vmem>> -> memref<128xi32, #tpu.memory_space<vmem>>
        %dma_start3A_345 = arith.constant 0 : i32
        %dma_start3A_346 = arith.constant 0 : i32
        %dma_start3A_347 = tpu.memref_slice %arg2[%dma_start3A_345, %dma_start3A_346] : memref<10240x16xf32, #tpu.memory_space<hbm>> -> memref<10240x16xf32, #tpu.memory_space<hbm>>
        tpu.enqueue_indirect_dma source(%dma_start3A_347 : memref<10240x16xf32, #tpu.memory_space<hbm>>) target(%arg10 : memref<128x16xf32, #tpu.memory_space<vmem>>) offsets(%dma_start3A_344 : memref<128xi32, #tpu.memory_space<vmem>>) semaphore(%arg19 : memref<!tpu.dma_semaphore, #tpu.memory_space<semaphore_mem>>)
      } else {
      }
      %mul3A_232 = arith.constant 8 : i32
      %mul3A_233 = arith.muli %while3A_123, %mul3A_232 : i32
      %add3A_234 = arith.constant 4 : i32
      %add3A_235 = arith.addi %mul3A_233, %add3A_234 : i32
      %dma_wait3A_236 = arith.constant 0 : i32
      %dma_wait3A_237 = tpu.memref_slice %arg6[%add3A_235, %dma_wait3A_236] : memref<80x128xi32, #tpu.memory_space<vmem>> -> memref<1x128xi32, #tpu.memory_space<vmem>>
      %dma_wait3A_238 = tpu.memref_squeeze %dma_wait3A_237 : memref<1x128xi32, #tpu.memory_space<vmem>> -> memref<128xi32, #tpu.memory_space<vmem>>
      %dma_wait3A_239 = arith.constant 0 : i32
      %dma_wait3A_240 = arith.constant 0 : i32
      %dma_wait3A_241 = tpu.memref_slice %arg2[%dma_wait3A_239, %dma_wait3A_240] : memref<10240x16xf32, #tpu.memory_space<hbm>> -> memref<10240x16xf32, #tpu.memory_space<hbm>>
      tpu.wait_indirect_dma semaphore(%arg21 : memref<!tpu.dma_semaphore, #tpu.memory_space<semaphore_mem>>) src(%dma_wait3A_241 : memref<10240x16xf32, #tpu.memory_space<hbm>>) dst(%arg12 : memref<128x16xf32, #tpu.memory_space<vmem>>)
      %dma_start3A_242 = arith.constant 0 : i32
      %dma_start3A_243 = tpu.memref_slice %arg7[%add3A_235, %dma_start3A_242] : memref<80x128xi32, #tpu.memory_space<vmem>> -> memref<1x128xi32, #tpu.memory_space<vmem>>
      %dma_start3A_244 = tpu.memref_squeeze %dma_start3A_243 : memref<1x128xi32, #tpu.memory_space<vmem>> -> memref<128xi32, #tpu.memory_space<vmem>>
      %dma_start3A_245 = arith.constant 0 : i32
      %dma_start3A_246 = arith.constant 0 : i32
      %dma_start3A_247 = tpu.memref_slice %arg16[%dma_start3A_245, %dma_start3A_246] : memref<10240x16xf32, #tpu.memory_space<vmem_shared>> -> memref<10240x16xf32, #tpu.memory_space<vmem_shared>>
      tpu.enqueue_indirect_dma source(%arg12 : memref<128x16xf32, #tpu.memory_space<vmem>>) target(%dma_start3A_247 : memref<10240x16xf32, #tpu.memory_space<vmem_shared>>) offsets(%dma_start3A_244 : memref<128xi32, #tpu.memory_space<vmem>>) semaphore(%arg29 : memref<!tpu.dma_semaphore, #tpu.memory_space<semaphore_mem>>) {add = true}
      %ge3A_248 = arith.constant 1 : i32
      %ge3A_249 = arith.cmpi sge, %add3A_235, %ge3A_248 : i32
      %convert_element_type3A_250 = arith.extui %ge3A_249 : i1 to i32
      %cond3A_251 = arith.constant 0 : i32
      %cond3A_252 = arith.cmpi ne, %convert_element_type3A_250, %cond3A_251 : i32
      scf.if %cond3A_252 {
        %dma_wait3A_340 = arith.constant 0 : i32
        %dma_wait3A_341 = arith.constant 0 : i32
        %dma_wait3A_342 = tpu.memref_slice %arg7[%dma_wait3A_340, %dma_wait3A_341] : memref<80x128xi32, #tpu.memory_space<vmem>> -> memref<1x128xi32, #tpu.memory_space<vmem>>
        %dma_wait3A_343 = tpu.memref_squeeze %dma_wait3A_342 : memref<1x128xi32, #tpu.memory_space<vmem>> -> memref<128xi32, #tpu.memory_space<vmem>>
        %dma_wait3A_344 = arith.constant 0 : i32
        %dma_wait3A_345 = arith.constant 0 : i32
        %dma_wait3A_346 = tpu.memref_slice %arg16[%dma_wait3A_344, %dma_wait3A_345] : memref<10240x16xf32, #tpu.memory_space<vmem_shared>> -> memref<10240x16xf32, #tpu.memory_space<vmem_shared>>
        tpu.wait_indirect_dma semaphore(%arg28 : memref<!tpu.dma_semaphore, #tpu.memory_space<semaphore_mem>>) src(%arg11 : memref<128x16xf32, #tpu.memory_space<vmem>>) dst(%dma_wait3A_346 : memref<10240x16xf32, #tpu.memory_space<vmem_shared>>)
      } else {
      }
      %add3A_253 = arith.constant 7 : i32
      %add3A_254 = arith.addi %add3A_235, %add3A_253 : i32
      %lt3A_255 = arith.cmpi slt, %add3A_254, %mul3A_21 : i32
      %convert_element_type3A_256 = arith.extui %lt3A_255 : i1 to i32
      %cond3A_257 = arith.constant 0 : i32
      %cond3A_258 = arith.cmpi ne, %convert_element_type3A_256, %cond3A_257 : i32
      scf.if %cond3A_258 {
        %add3A_340 = arith.constant 7 : i32
        %add3A_341 = arith.addi %add3A_235, %add3A_340 : i32
        %dma_start3A_342 = arith.constant 0 : i32
        %dma_start3A_343 = tpu.memref_slice %arg6[%add3A_341, %dma_start3A_342] : memref<80x128xi32, #tpu.memory_space<vmem>> -> memref<1x128xi32, #tpu.memory_space<vmem>>
        %dma_start3A_344 = tpu.memref_squeeze %dma_start3A_343 : memref<1x128xi32, #tpu.memory_space<vmem>> -> memref<128xi32, #tpu.memory_space<vmem>>
        %dma_start3A_345 = arith.constant 0 : i32
        %dma_start3A_346 = arith.constant 0 : i32
        %dma_start3A_347 = tpu.memref_slice %arg2[%dma_start3A_345, %dma_start3A_346] : memref<10240x16xf32, #tpu.memory_space<hbm>> -> memref<10240x16xf32, #tpu.memory_space<hbm>>
        tpu.enqueue_indirect_dma source(%dma_start3A_347 : memref<10240x16xf32, #tpu.memory_space<hbm>>) target(%arg11 : memref<128x16xf32, #tpu.memory_space<vmem>>) offsets(%dma_start3A_344 : memref<128xi32, #tpu.memory_space<vmem>>) semaphore(%arg20 : memref<!tpu.dma_semaphore, #tpu.memory_space<semaphore_mem>>)
      } else {
      }
      %mul3A_259 = arith.constant 8 : i32
      %mul3A_260 = arith.muli %while3A_123, %mul3A_259 : i32
      %add3A_261 = arith.constant 5 : i32
      %add3A_262 = arith.addi %mul3A_260, %add3A_261 : i32
      %dma_wait3A_263 = arith.constant 0 : i32
      %dma_wait3A_264 = tpu.memref_slice %arg6[%add3A_262, %dma_wait3A_263] : memref<80x128xi32, #tpu.memory_space<vmem>> -> memref<1x128xi32, #tpu.memory_space<vmem>>
      %dma_wait3A_265 = tpu.memref_squeeze %dma_wait3A_264 : memref<1x128xi32, #tpu.memory_space<vmem>> -> memref<128xi32, #tpu.memory_space<vmem>>
      %dma_wait3A_266 = arith.constant 0 : i32
      %dma_wait3A_267 = arith.constant 0 : i32
      %dma_wait3A_268 = tpu.memref_slice %arg2[%dma_wait3A_266, %dma_wait3A_267] : memref<10240x16xf32, #tpu.memory_space<hbm>> -> memref<10240x16xf32, #tpu.memory_space<hbm>>
      tpu.wait_indirect_dma semaphore(%arg22 : memref<!tpu.dma_semaphore, #tpu.memory_space<semaphore_mem>>) src(%dma_wait3A_268 : memref<10240x16xf32, #tpu.memory_space<hbm>>) dst(%arg13 : memref<128x16xf32, #tpu.memory_space<vmem>>)
      %dma_start3A_269 = arith.constant 0 : i32
      %dma_start3A_270 = tpu.memref_slice %arg7[%add3A_262, %dma_start3A_269] : memref<80x128xi32, #tpu.memory_space<vmem>> -> memref<1x128xi32, #tpu.memory_space<vmem>>
      %dma_start3A_271 = tpu.memref_squeeze %dma_start3A_270 : memref<1x128xi32, #tpu.memory_space<vmem>> -> memref<128xi32, #tpu.memory_space<vmem>>
      %dma_start3A_272 = arith.constant 0 : i32
      %dma_start3A_273 = arith.constant 0 : i32
      %dma_start3A_274 = tpu.memref_slice %arg16[%dma_start3A_272, %dma_start3A_273] : memref<10240x16xf32, #tpu.memory_space<vmem_shared>> -> memref<10240x16xf32, #tpu.memory_space<vmem_shared>>
      tpu.enqueue_indirect_dma source(%arg13 : memref<128x16xf32, #tpu.memory_space<vmem>>) target(%dma_start3A_274 : memref<10240x16xf32, #tpu.memory_space<vmem_shared>>) offsets(%dma_start3A_271 : memref<128xi32, #tpu.memory_space<vmem>>) semaphore(%arg30 : memref<!tpu.dma_semaphore, #tpu.memory_space<semaphore_mem>>) {add = true}
      %ge3A_275 = arith.constant 1 : i32
      %ge3A_276 = arith.cmpi sge, %add3A_262, %ge3A_275 : i32
      %convert_element_type3A_277 = arith.extui %ge3A_276 : i1 to i32
      %cond3A_278 = arith.constant 0 : i32
      %cond3A_279 = arith.cmpi ne, %convert_element_type3A_277, %cond3A_278 : i32
      scf.if %cond3A_279 {
        %dma_wait3A_340 = arith.constant 0 : i32
        %dma_wait3A_341 = arith.constant 0 : i32
        %dma_wait3A_342 = tpu.memref_slice %arg7[%dma_wait3A_340, %dma_wait3A_341] : memref<80x128xi32, #tpu.memory_space<vmem>> -> memref<1x128xi32, #tpu.memory_space<vmem>>
        %dma_wait3A_343 = tpu.memref_squeeze %dma_wait3A_342 : memref<1x128xi32, #tpu.memory_space<vmem>> -> memref<128xi32, #tpu.memory_space<vmem>>
        %dma_wait3A_344 = arith.constant 0 : i32
        %dma_wait3A_345 = arith.constant 0 : i32
        %dma_wait3A_346 = tpu.memref_slice %arg16[%dma_wait3A_344, %dma_wait3A_345] : memref<10240x16xf32, #tpu.memory_space<vmem_shared>> -> memref<10240x16xf32, #tpu.memory_space<vmem_shared>>
        tpu.wait_indirect_dma semaphore(%arg29 : memref<!tpu.dma_semaphore, #tpu.memory_space<semaphore_mem>>) src(%arg12 : memref<128x16xf32, #tpu.memory_space<vmem>>) dst(%dma_wait3A_346 : memref<10240x16xf32, #tpu.memory_space<vmem_shared>>)
      } else {
      }
      %add3A_280 = arith.constant 7 : i32
      %add3A_281 = arith.addi %add3A_262, %add3A_280 : i32
      %lt3A_282 = arith.cmpi slt, %add3A_281, %mul3A_21 : i32
      %convert_element_type3A_283 = arith.extui %lt3A_282 : i1 to i32
      %cond3A_284 = arith.constant 0 : i32
      %cond3A_285 = arith.cmpi ne, %convert_element_type3A_283, %cond3A_284 : i32
      scf.if %cond3A_285 {
        %add3A_340 = arith.constant 7 : i32
        %add3A_341 = arith.addi %add3A_262, %add3A_340 : i32
        %dma_start3A_342 = arith.constant 0 : i32
        %dma_start3A_343 = tpu.memref_slice %arg6[%add3A_341, %dma_start3A_342] : memref<80x128xi32, #tpu.memory_space<vmem>> -> memref<1x128xi32, #tpu.memory_space<vmem>>
        %dma_start3A_344 = tpu.memref_squeeze %dma_start3A_343 : memref<1x128xi32, #tpu.memory_space<vmem>> -> memref<128xi32, #tpu.memory_space<vmem>>
        %dma_start3A_345 = arith.constant 0 : i32
        %dma_start3A_346 = arith.constant 0 : i32
        %dma_start3A_347 = tpu.memref_slice %arg2[%dma_start3A_345, %dma_start3A_346] : memref<10240x16xf32, #tpu.memory_space<hbm>> -> memref<10240x16xf32, #tpu.memory_space<hbm>>
        tpu.enqueue_indirect_dma source(%dma_start3A_347 : memref<10240x16xf32, #tpu.memory_space<hbm>>) target(%arg12 : memref<128x16xf32, #tpu.memory_space<vmem>>) offsets(%dma_start3A_344 : memref<128xi32, #tpu.memory_space<vmem>>) semaphore(%arg21 : memref<!tpu.dma_semaphore, #tpu.memory_space<semaphore_mem>>)
      } else {
      }
      %mul3A_286 = arith.constant 8 : i32
      %mul3A_287 = arith.muli %while3A_123, %mul3A_286 : i32
      %add3A_288 = arith.constant 6 : i32
      %add3A_289 = arith.addi %mul3A_287, %add3A_288 : i32
      %dma_wait3A_290 = arith.constant 0 : i32
      %dma_wait3A_291 = tpu.memref_slice %arg6[%add3A_289, %dma_wait3A_290] : memref<80x128xi32, #tpu.memory_space<vmem>> -> memref<1x128xi32, #tpu.memory_space<vmem>>
      %dma_wait3A_292 = tpu.memref_squeeze %dma_wait3A_291 : memref<1x128xi32, #tpu.memory_space<vmem>> -> memref<128xi32, #tpu.memory_space<vmem>>
      %dma_wait3A_293 = arith.constant 0 : i32
      %dma_wait3A_294 = arith.constant 0 : i32
      %dma_wait3A_295 = tpu.memref_slice %arg2[%dma_wait3A_293, %dma_wait3A_294] : memref<10240x16xf32, #tpu.memory_space<hbm>> -> memref<10240x16xf32, #tpu.memory_space<hbm>>
      tpu.wait_indirect_dma semaphore(%arg23 : memref<!tpu.dma_semaphore, #tpu.memory_space<semaphore_mem>>) src(%dma_wait3A_295 : memref<10240x16xf32, #tpu.memory_space<hbm>>) dst(%arg14 : memref<128x16xf32, #tpu.memory_space<vmem>>)
      %dma_start3A_296 = arith.constant 0 : i32
      %dma_start3A_297 = tpu.memref_slice %arg7[%add3A_289, %dma_start3A_296] : memref<80x128xi32, #tpu.memory_space<vmem>> -> memref<1x128xi32, #tpu.memory_space<vmem>>
      %dma_start3A_298 = tpu.memref_squeeze %dma_start3A_297 : memref<1x128xi32, #tpu.memory_space<vmem>> -> memref<128xi32, #tpu.memory_space<vmem>>
      %dma_start3A_299 = arith.constant 0 : i32
      %dma_start3A_300 = arith.constant 0 : i32
      %dma_start3A_301 = tpu.memref_slice %arg16[%dma_start3A_299, %dma_start3A_300] : memref<10240x16xf32, #tpu.memory_space<vmem_shared>> -> memref<10240x16xf32, #tpu.memory_space<vmem_shared>>
      tpu.enqueue_indirect_dma source(%arg14 : memref<128x16xf32, #tpu.memory_space<vmem>>) target(%dma_start3A_301 : memref<10240x16xf32, #tpu.memory_space<vmem_shared>>) offsets(%dma_start3A_298 : memref<128xi32, #tpu.memory_space<vmem>>) semaphore(%arg31 : memref<!tpu.dma_semaphore, #tpu.memory_space<semaphore_mem>>) {add = true}
      %ge3A_302 = arith.constant 1 : i32
      %ge3A_303 = arith.cmpi sge, %add3A_289, %ge3A_302 : i32
      %convert_element_type3A_304 = arith.extui %ge3A_303 : i1 to i32
      %cond3A_305 = arith.constant 0 : i32
      %cond3A_306 = arith.cmpi ne, %convert_element_type3A_304, %cond3A_305 : i32
      scf.if %cond3A_306 {
        %dma_wait3A_340 = arith.constant 0 : i32
        %dma_wait3A_341 = arith.constant 0 : i32
        %dma_wait3A_342 = tpu.memref_slice %arg7[%dma_wait3A_340, %dma_wait3A_341] : memref<80x128xi32, #tpu.memory_space<vmem>> -> memref<1x128xi32, #tpu.memory_space<vmem>>
        %dma_wait3A_343 = tpu.memref_squeeze %dma_wait3A_342 : memref<1x128xi32, #tpu.memory_space<vmem>> -> memref<128xi32, #tpu.memory_space<vmem>>
        %dma_wait3A_344 = arith.constant 0 : i32
        %dma_wait3A_345 = arith.constant 0 : i32
        %dma_wait3A_346 = tpu.memref_slice %arg16[%dma_wait3A_344, %dma_wait3A_345] : memref<10240x16xf32, #tpu.memory_space<vmem_shared>> -> memref<10240x16xf32, #tpu.memory_space<vmem_shared>>
        tpu.wait_indirect_dma semaphore(%arg30 : memref<!tpu.dma_semaphore, #tpu.memory_space<semaphore_mem>>) src(%arg13 : memref<128x16xf32, #tpu.memory_space<vmem>>) dst(%dma_wait3A_346 : memref<10240x16xf32, #tpu.memory_space<vmem_shared>>)
      } else {
      }
      %add3A_307 = arith.constant 7 : i32
      %add3A_308 = arith.addi %add3A_289, %add3A_307 : i32
      %lt3A_309 = arith.cmpi slt, %add3A_308, %mul3A_21 : i32
      %convert_element_type3A_310 = arith.extui %lt3A_309 : i1 to i32
      %cond3A_311 = arith.constant 0 : i32
      %cond3A_312 = arith.cmpi ne, %convert_element_type3A_310, %cond3A_311 : i32
      scf.if %cond3A_312 {
        %add3A_340 = arith.constant 7 : i32
        %add3A_341 = arith.addi %add3A_289, %add3A_340 : i32
        %dma_start3A_342 = arith.constant 0 : i32
        %dma_start3A_343 = tpu.memref_slice %arg6[%add3A_341, %dma_start3A_342] : memref<80x128xi32, #tpu.memory_space<vmem>> -> memref<1x128xi32, #tpu.memory_space<vmem>>
        %dma_start3A_344 = tpu.memref_squeeze %dma_start3A_343 : memref<1x128xi32, #tpu.memory_space<vmem>> -> memref<128xi32, #tpu.memory_space<vmem>>
        %dma_start3A_345 = arith.constant 0 : i32
        %dma_start3A_346 = arith.constant 0 : i32
        %dma_start3A_347 = tpu.memref_slice %arg2[%dma_start3A_345, %dma_start3A_346] : memref<10240x16xf32, #tpu.memory_space<hbm>> -> memref<10240x16xf32, #tpu.memory_space<hbm>>
        tpu.enqueue_indirect_dma source(%dma_start3A_347 : memref<10240x16xf32, #tpu.memory_space<hbm>>) target(%arg13 : memref<128x16xf32, #tpu.memory_space<vmem>>) offsets(%dma_start3A_344 : memref<128xi32, #tpu.memory_space<vmem>>) semaphore(%arg22 : memref<!tpu.dma_semaphore, #tpu.memory_space<semaphore_mem>>)
      } else {
      }
      %mul3A_313 = arith.constant 8 : i32
      %mul3A_314 = arith.muli %while3A_123, %mul3A_313 : i32
      %add3A_315 = arith.constant 7 : i32
      %add3A_316 = arith.addi %mul3A_314, %add3A_315 : i32
      %dma_wait3A_317 = arith.constant 0 : i32
      %dma_wait3A_318 = tpu.memref_slice %arg6[%add3A_316, %dma_wait3A_317] : memref<80x128xi32, #tpu.memory_space<vmem>> -> memref<1x128xi32, #tpu.memory_space<vmem>>
      %dma_wait3A_319 = tpu.memref_squeeze %dma_wait3A_318 : memref<1x128xi32, #tpu.memory_space<vmem>> -> memref<128xi32, #tpu.memory_space<vmem>>
      %dma_wait3A_320 = arith.constant 0 : i32
      %dma_wait3A_321 = arith.constant 0 : i32
      %dma_wait3A_322 = tpu.memref_slice %arg2[%dma_wait3A_320, %dma_wait3A_321] : memref<10240x16xf32, #tpu.memory_space<hbm>> -> memref<10240x16xf32, #tpu.memory_space<hbm>>
      tpu.wait_indirect_dma semaphore(%arg24 : memref<!tpu.dma_semaphore, #tpu.memory_space<semaphore_mem>>) src(%dma_wait3A_322 : memref<10240x16xf32, #tpu.memory_space<hbm>>) dst(%arg15 : memref<128x16xf32, #tpu.memory_space<vmem>>)
      %dma_start3A_323 = arith.constant 0 : i32
      %dma_start3A_324 = tpu.memref_slice %arg7[%add3A_316, %dma_start3A_323] : memref<80x128xi32, #tpu.memory_space<vmem>> -> memref<1x128xi32, #tpu.memory_space<vmem>>
      %dma_start3A_325 = tpu.memref_squeeze %dma_start3A_324 : memref<1x128xi32, #tpu.memory_space<vmem>> -> memref<128xi32, #tpu.memory_space<vmem>>
      %dma_start3A_326 = arith.constant 0 : i32
      %dma_start3A_327 = arith.constant 0 : i32
      %dma_start3A_328 = tpu.memref_slice %arg16[%dma_start3A_326, %dma_start3A_327] : memref<10240x16xf32, #tpu.memory_space<vmem_shared>> -> memref<10240x16xf32, #tpu.memory_space<vmem_shared>>
      tpu.enqueue_indirect_dma source(%arg15 : memref<128x16xf32, #tpu.memory_space<vmem>>) target(%dma_start3A_328 : memref<10240x16xf32, #tpu.memory_space<vmem_shared>>) offsets(%dma_start3A_325 : memref<128xi32, #tpu.memory_space<vmem>>) semaphore(%arg32 : memref<!tpu.dma_semaphore, #tpu.memory_space<semaphore_mem>>) {add = true}
      %ge3A_329 = arith.constant 1 : i32
      %ge3A_330 = arith.cmpi sge, %add3A_316, %ge3A_329 : i32
      %convert_element_type3A_331 = arith.extui %ge3A_330 : i1 to i32
      %cond3A_332 = arith.constant 0 : i32
      %cond3A_333 = arith.cmpi ne, %convert_element_type3A_331, %cond3A_332 : i32
      scf.if %cond3A_333 {
        %dma_wait3A_340 = arith.constant 0 : i32
        %dma_wait3A_341 = arith.constant 0 : i32
        %dma_wait3A_342 = tpu.memref_slice %arg7[%dma_wait3A_340, %dma_wait3A_341] : memref<80x128xi32, #tpu.memory_space<vmem>> -> memref<1x128xi32, #tpu.memory_space<vmem>>
        %dma_wait3A_343 = tpu.memref_squeeze %dma_wait3A_342 : memref<1x128xi32, #tpu.memory_space<vmem>> -> memref<128xi32, #tpu.memory_space<vmem>>
        %dma_wait3A_344 = arith.constant 0 : i32
        %dma_wait3A_345 = arith.constant 0 : i32
        %dma_wait3A_346 = tpu.memref_slice %arg16[%dma_wait3A_344, %dma_wait3A_345] : memref<10240x16xf32, #tpu.memory_space<vmem_shared>> -> memref<10240x16xf32, #tpu.memory_space<vmem_shared>>
        tpu.wait_indirect_dma semaphore(%arg31 : memref<!tpu.dma_semaphore, #tpu.memory_space<semaphore_mem>>) src(%arg14 : memref<128x16xf32, #tpu.memory_space<vmem>>) dst(%dma_wait3A_346 : memref<10240x16xf32, #tpu.memory_space<vmem_shared>>)
      } else {
      }
      %add3A_334 = arith.constant 7 : i32
      %add3A_335 = arith.addi %add3A_316, %add3A_334 : i32
      %lt3A_336 = arith.cmpi slt, %add3A_335, %mul3A_21 : i32
      %convert_element_type3A_337 = arith.extui %lt3A_336 : i1 to i32
      %cond3A_338 = arith.constant 0 : i32
      %cond3A_339 = arith.cmpi ne, %convert_element_type3A_337, %cond3A_338 : i32
      scf.if %cond3A_339 {
        %add3A_340 = arith.constant 7 : i32
        %add3A_341 = arith.addi %add3A_316, %add3A_340 : i32
        %dma_start3A_342 = arith.constant 0 : i32
        %dma_start3A_343 = tpu.memref_slice %arg6[%add3A_341, %dma_start3A_342] : memref<80x128xi32, #tpu.memory_space<vmem>> -> memref<1x128xi32, #tpu.memory_space<vmem>>
        %dma_start3A_344 = tpu.memref_squeeze %dma_start3A_343 : memref<1x128xi32, #tpu.memory_space<vmem>> -> memref<128xi32, #tpu.memory_space<vmem>>
        %dma_start3A_345 = arith.constant 0 : i32
        %dma_start3A_346 = arith.constant 0 : i32
        %dma_start3A_347 = tpu.memref_slice %arg2[%dma_start3A_345, %dma_start3A_346] : memref<10240x16xf32, #tpu.memory_space<hbm>> -> memref<10240x16xf32, #tpu.memory_space<hbm>>
        tpu.enqueue_indirect_dma source(%dma_start3A_347 : memref<10240x16xf32, #tpu.memory_space<hbm>>) target(%arg14 : memref<128x16xf32, #tpu.memory_space<vmem>>) offsets(%dma_start3A_344 : memref<128xi32, #tpu.memory_space<vmem>>) semaphore(%arg23 : memref<!tpu.dma_semaphore, #tpu.memory_space<semaphore_mem>>)
      } else {
      }
    }
    %while3A_115 = arith.constant 1 : i32
    scf.for %while3A_123 = %while3A_113 to %while3A_109 step %while3A_115  : i32 {
      %mul3A_124 = arith.constant 8 : i32
      %mul3A_125 = arith.muli %while3A_123, %mul3A_124 : i32
      %add3A_126 = arith.constant 0 : i32
      %add3A_127 = arith.addi %mul3A_125, %add3A_126 : i32
      %dma_wait3A_128 = arith.constant 0 : i32
      %dma_wait3A_129 = tpu.memref_slice %arg6[%add3A_127, %dma_wait3A_128] : memref<80x128xi32, #tpu.memory_space<vmem>> -> memref<1x128xi32, #tpu.memory_space<vmem>>
      %dma_wait3A_130 = tpu.memref_squeeze %dma_wait3A_129 : memref<1x128xi32, #tpu.memory_space<vmem>> -> memref<128xi32, #tpu.memory_space<vmem>>
      %dma_wait3A_131 = arith.constant 0 : i32
      %dma_wait3A_132 = arith.constant 0 : i32
      %dma_wait3A_133 = tpu.memref_slice %arg2[%dma_wait3A_131, %dma_wait3A_132] : memref<10240x16xf32, #tpu.memory_space<hbm>> -> memref<10240x16xf32, #tpu.memory_space<hbm>>
      tpu.wait_indirect_dma semaphore(%arg17 : memref<!tpu.dma_semaphore, #tpu.memory_space<semaphore_mem>>) src(%dma_wait3A_133 : memref<10240x16xf32, #tpu.memory_space<hbm>>) dst(%arg8 : memref<128x16xf32, #tpu.memory_space<vmem>>)
      %dma_start3A_134 = arith.constant 0 : i32
      %dma_start3A_135 = tpu.memref_slice %arg7[%add3A_127, %dma_start3A_134] : memref<80x128xi32, #tpu.memory_space<vmem>> -> memref<1x128xi32, #tpu.memory_space<vmem>>
      %dma_start3A_136 = tpu.memref_squeeze %dma_start3A_135 : memref<1x128xi32, #tpu.memory_space<vmem>> -> memref<128xi32, #tpu.memory_space<vmem>>
      %dma_start3A_137 = arith.constant 0 : i32
      %dma_start3A_138 = arith.constant 0 : i32
      %dma_start3A_139 = tpu.memref_slice %arg16[%dma_start3A_137, %dma_start3A_138] : memref<10240x16xf32, #tpu.memory_space<vmem_shared>> -> memref<10240x16xf32, #tpu.memory_space<vmem_shared>>
      tpu.enqueue_indirect_dma source(%arg8 : memref<128x16xf32, #tpu.memory_space<vmem>>) target(%dma_start3A_139 : memref<10240x16xf32, #tpu.memory_space<vmem_shared>>) offsets(%dma_start3A_136 : memref<128xi32, #tpu.memory_space<vmem>>) semaphore(%arg25 : memref<!tpu.dma_semaphore, #tpu.memory_space<semaphore_mem>>) {add = true}
      %ge3A_140 = arith.constant 1 : i32
      %ge3A_141 = arith.cmpi sge, %add3A_127, %ge3A_140 : i32
      %convert_element_type3A_142 = arith.extui %ge3A_141 : i1 to i32
      %cond3A_143 = arith.constant 0 : i32
      %cond3A_144 = arith.cmpi ne, %convert_element_type3A_142, %cond3A_143 : i32
      scf.if %cond3A_144 {
        %dma_wait3A_340 = arith.constant 0 : i32
        %dma_wait3A_341 = arith.constant 0 : i32
        %dma_wait3A_342 = tpu.memref_slice %arg7[%dma_wait3A_340, %dma_wait3A_341] : memref<80x128xi32, #tpu.memory_space<vmem>> -> memref<1x128xi32, #tpu.memory_space<vmem>>
        %dma_wait3A_343 = tpu.memref_squeeze %dma_wait3A_342 : memref<1x128xi32, #tpu.memory_space<vmem>> -> memref<128xi32, #tpu.memory_space<vmem>>
        %dma_wait3A_344 = arith.constant 0 : i32
        %dma_wait3A_345 = arith.constant 0 : i32
        %dma_wait3A_346 = tpu.memref_slice %arg16[%dma_wait3A_344, %dma_wait3A_345] : memref<10240x16xf32, #tpu.memory_space<vmem_shared>> -> memref<10240x16xf32, #tpu.memory_space<vmem_shared>>
        tpu.wait_indirect_dma semaphore(%arg32 : memref<!tpu.dma_semaphore, #tpu.memory_space<semaphore_mem>>) src(%arg15 : memref<128x16xf32, #tpu.memory_space<vmem>>) dst(%dma_wait3A_346 : memref<10240x16xf32, #tpu.memory_space<vmem_shared>>)
      } else {
      }
      %add3A_145 = arith.constant 7 : i32
      %add3A_146 = arith.addi %add3A_127, %add3A_145 : i32
      %lt3A_147 = arith.cmpi slt, %add3A_146, %mul3A_21 : i32
      %convert_element_type3A_148 = arith.extui %lt3A_147 : i1 to i32
      %cond3A_149 = arith.constant 0 : i32
      %cond3A_150 = arith.cmpi ne, %convert_element_type3A_148, %cond3A_149 : i32
      scf.if %cond3A_150 {
        %add3A_340 = arith.constant 7 : i32
        %add3A_341 = arith.addi %add3A_127, %add3A_340 : i32
        %dma_start3A_342 = arith.constant 0 : i32
        %dma_start3A_343 = tpu.memref_slice %arg6[%add3A_341, %dma_start3A_342] : memref<80x128xi32, #tpu.memory_space<vmem>> -> memref<1x128xi32, #tpu.memory_space<vmem>>
        %dma_start3A_344 = tpu.memref_squeeze %dma_start3A_343 : memref<1x128xi32, #tpu.memory_space<vmem>> -> memref<128xi32, #tpu.memory_space<vmem>>
        %dma_start3A_345 = arith.constant 0 : i32
        %dma_start3A_346 = arith.constant 0 : i32
        %dma_start3A_347 = tpu.memref_slice %arg2[%dma_start3A_345, %dma_start3A_346] : memref<10240x16xf32, #tpu.memory_space<hbm>> -> memref<10240x16xf32, #tpu.memory_space<hbm>>
        tpu.enqueue_indirect_dma source(%dma_start3A_347 : memref<10240x16xf32, #tpu.memory_space<hbm>>) target(%arg15 : memref<128x16xf32, #tpu.memory_space<vmem>>) offsets(%dma_start3A_344 : memref<128xi32, #tpu.memory_space<vmem>>) semaphore(%arg24 : memref<!tpu.dma_semaphore, #tpu.memory_space<semaphore_mem>>)
      } else {
      }
      %mul3A_151 = arith.constant 8 : i32
      %mul3A_152 = arith.muli %while3A_123, %mul3A_151 : i32
      %add3A_153 = arith.constant 1 : i32
      %add3A_154 = arith.addi %mul3A_152, %add3A_153 : i32
      %dma_wait3A_155 = arith.constant 0 : i32
      %dma_wait3A_156 = tpu.memref_slice %arg6[%add3A_154, %dma_wait3A_155] : memref<80x128xi32, #tpu.memory_space<vmem>> -> memref<1x128xi32, #tpu.memory_space<vmem>>
      %dma_wait3A_157 = tpu.memref_squeeze %dma_wait3A_156 : memref<1x128xi32, #tpu.memory_space<vmem>> -> memref<128xi32, #tpu.memory_space<vmem>>
      %dma_wait3A_158 = arith.constant 0 : i32
      %dma_wait3A_159 = arith.constant 0 : i32
      %dma_wait3A_160 = tpu.memref_slice %arg2[%dma_wait3A_158, %dma_wait3A_159] : memref<10240x16xf32, #tpu.memory_space<hbm>> -> memref<10240x16xf32, #tpu.memory_space<hbm>>
      tpu.wait_indirect_dma semaphore(%arg18 : memref<!tpu.dma_semaphore, #tpu.memory_space<semaphore_mem>>) src(%dma_wait3A_160 : memref<10240x16xf32, #tpu.memory_space<hbm>>) dst(%arg9 : memref<128x16xf32, #tpu.memory_space<vmem>>)
      %dma_start3A_161 = arith.constant 0 : i32
      %dma_start3A_162 = tpu.memref_slice %arg7[%add3A_154, %dma_start3A_161] : memref<80x128xi32, #tpu.memory_space<vmem>> -> memref<1x128xi32, #tpu.memory_space<vmem>>
      %dma_start3A_163 = tpu.memref_squeeze %dma_start3A_162 : memref<1x128xi32, #tpu.memory_space<vmem>> -> memref<128xi32, #tpu.memory_space<vmem>>
      %dma_start3A_164 = arith.constant 0 : i32
      %dma_start3A_165 = arith.constant 0 : i32
      %dma_start3A_166 = tpu.memref_slice %arg16[%dma_start3A_164, %dma_start3A_165] : memref<10240x16xf32, #tpu.memory_space<vmem_shared>> -> memref<10240x16xf32, #tpu.memory_space<vmem_shared>>
      tpu.enqueue_indirect_dma source(%arg9 : memref<128x16xf32, #tpu.memory_space<vmem>>) target(%dma_start3A_166 : memref<10240x16xf32, #tpu.memory_space<vmem_shared>>) offsets(%dma_start3A_163 : memref<128xi32, #tpu.memory_space<vmem>>) semaphore(%arg26 : memref<!tpu.dma_semaphore, #tpu.memory_space<semaphore_mem>>) {add = true}
      %ge3A_167 = arith.constant 1 : i32
      %ge3A_168 = arith.cmpi sge, %add3A_154, %ge3A_167 : i32
      %convert_element_type3A_169 = arith.extui %ge3A_168 : i1 to i32
      %cond3A_170 = arith.constant 0 : i32
      %cond3A_171 = arith.cmpi ne, %convert_element_type3A_169, %cond3A_170 : i32
      scf.if %cond3A_171 {
        %dma_wait3A_340 = arith.constant 0 : i32
        %dma_wait3A_341 = arith.constant 0 : i32
        %dma_wait3A_342 = tpu.memref_slice %arg7[%dma_wait3A_340, %dma_wait3A_341] : memref<80x128xi32, #tpu.memory_space<vmem>> -> memref<1x128xi32, #tpu.memory_space<vmem>>
        %dma_wait3A_343 = tpu.memref_squeeze %dma_wait3A_342 : memref<1x128xi32, #tpu.memory_space<vmem>> -> memref<128xi32, #tpu.memory_space<vmem>>
        %dma_wait3A_344 = arith.constant 0 : i32
        %dma_wait3A_345 = arith.constant 0 : i32
        %dma_wait3A_346 = tpu.memref_slice %arg16[%dma_wait3A_344, %dma_wait3A_345] : memref<10240x16xf32, #tpu.memory_space<vmem_shared>> -> memref<10240x16xf32, #tpu.memory_space<vmem_shared>>
        tpu.wait_indirect_dma semaphore(%arg25 : memref<!tpu.dma_semaphore, #tpu.memory_space<semaphore_mem>>) src(%arg8 : memref<128x16xf32, #tpu.memory_space<vmem>>) dst(%dma_wait3A_346 : memref<10240x16xf32, #tpu.memory_space<vmem_shared>>)
      } else {
      }
      %add3A_172 = arith.constant 7 : i32
      %add3A_173 = arith.addi %add3A_154, %add3A_172 : i32
      %lt3A_174 = arith.cmpi slt, %add3A_173, %mul3A_21 : i32
      %convert_element_type3A_175 = arith.extui %lt3A_174 : i1 to i32
      %cond3A_176 = arith.constant 0 : i32
      %cond3A_177 = arith.cmpi ne, %convert_element_type3A_175, %cond3A_176 : i32
      scf.if %cond3A_177 {
        %add3A_340 = arith.constant 7 : i32
        %add3A_341 = arith.addi %add3A_154, %add3A_340 : i32
        %dma_start3A_342 = arith.constant 0 : i32
        %dma_start3A_343 = tpu.memref_slice %arg6[%add3A_341, %dma_start3A_342] : memref<80x128xi32, #tpu.memory_space<vmem>> -> memref<1x128xi32, #tpu.memory_space<vmem>>
        %dma_start3A_344 = tpu.memref_squeeze %dma_start3A_343 : memref<1x128xi32, #tpu.memory_space<vmem>> -> memref<128xi32, #tpu.memory_space<vmem>>
        %dma_start3A_345 = arith.constant 0 : i32
        %dma_start3A_346 = arith.constant 0 : i32
        %dma_start3A_347 = tpu.memref_slice %arg2[%dma_start3A_345, %dma_start3A_346] : memref<10240x16xf32, #tpu.memory_space<hbm>> -> memref<10240x16xf32, #tpu.memory_space<hbm>>
        tpu.enqueue_indirect_dma source(%dma_start3A_347 : memref<10240x16xf32, #tpu.memory_space<hbm>>) target(%arg8 : memref<128x16xf32, #tpu.memory_space<vmem>>) offsets(%dma_start3A_344 : memref<128xi32, #tpu.memory_space<vmem>>) semaphore(%arg17 : memref<!tpu.dma_semaphore, #tpu.memory_space<semaphore_mem>>)
      } else {
      }
      %mul3A_178 = arith.constant 8 : i32
      %mul3A_179 = arith.muli %while3A_123, %mul3A_178 : i32
      %add3A_180 = arith.constant 2 : i32
      %add3A_181 = arith.addi %mul3A_179, %add3A_180 : i32
      %dma_wait3A_182 = arith.constant 0 : i32
      %dma_wait3A_183 = tpu.memref_slice %arg6[%add3A_181, %dma_wait3A_182] : memref<80x128xi32, #tpu.memory_space<vmem>> -> memref<1x128xi32, #tpu.memory_space<vmem>>
      %dma_wait3A_184 = tpu.memref_squeeze %dma_wait3A_183 : memref<1x128xi32, #tpu.memory_space<vmem>> -> memref<128xi32, #tpu.memory_space<vmem>>
      %dma_wait3A_185 = arith.constant 0 : i32
      %dma_wait3A_186 = arith.constant 0 : i32
      %dma_wait3A_187 = tpu.memref_slice %arg2[%dma_wait3A_185, %dma_wait3A_186] : memref<10240x16xf32, #tpu.memory_space<hbm>> -> memref<10240x16xf32, #tpu.memory_space<hbm>>
      tpu.wait_indirect_dma semaphore(%arg19 : memref<!tpu.dma_semaphore, #tpu.memory_space<semaphore_mem>>) src(%dma_wait3A_187 : memref<10240x16xf32, #tpu.memory_space<hbm>>) dst(%arg10 : memref<128x16xf32, #tpu.memory_space<vmem>>)
      %dma_start3A_188 = arith.constant 0 : i32
      %dma_start3A_189 = tpu.memref_slice %arg7[%add3A_181, %dma_start3A_188] : memref<80x128xi32, #tpu.memory_space<vmem>> -> memref<1x128xi32, #tpu.memory_space<vmem>>
      %dma_start3A_190 = tpu.memref_squeeze %dma_start3A_189 : memref<1x128xi32, #tpu.memory_space<vmem>> -> memref<128xi32, #tpu.memory_space<vmem>>
      %dma_start3A_191 = arith.constant 0 : i32
      %dma_start3A_192 = arith.constant 0 : i32
      %dma_start3A_193 = tpu.memref_slice %arg16[%dma_start3A_191, %dma_start3A_192] : memref<10240x16xf32, #tpu.memory_space<vmem_shared>> -> memref<10240x16xf32, #tpu.memory_space<vmem_shared>>
      tpu.enqueue_indirect_dma source(%arg10 : memref<128x16xf32, #tpu.memory_space<vmem>>) target(%dma_start3A_193 : memref<10240x16xf32, #tpu.memory_space<vmem_shared>>) offsets(%dma_start3A_190 : memref<128xi32, #tpu.memory_space<vmem>>) semaphore(%arg27 : memref<!tpu.dma_semaphore, #tpu.memory_space<semaphore_mem>>) {add = true}
      %ge3A_194 = arith.constant 1 : i32
      %ge3A_195 = arith.cmpi sge, %add3A_181, %ge3A_194 : i32
      %convert_element_type3A_196 = arith.extui %ge3A_195 : i1 to i32
      %cond3A_197 = arith.constant 0 : i32
      %cond3A_198 = arith.cmpi ne, %convert_element_type3A_196, %cond3A_197 : i32
      scf.if %cond3A_198 {
        %dma_wait3A_340 = arith.constant 0 : i32
        %dma_wait3A_341 = arith.constant 0 : i32
        %dma_wait3A_342 = tpu.memref_slice %arg7[%dma_wait3A_340, %dma_wait3A_341] : memref<80x128xi32, #tpu.memory_space<vmem>> -> memref<1x128xi32, #tpu.memory_space<vmem>>
        %dma_wait3A_343 = tpu.memref_squeeze %dma_wait3A_342 : memref<1x128xi32, #tpu.memory_space<vmem>> -> memref<128xi32, #tpu.memory_space<vmem>>
        %dma_wait3A_344 = arith.constant 0 : i32
        %dma_wait3A_345 = arith.constant 0 : i32
        %dma_wait3A_346 = tpu.memref_slice %arg16[%dma_wait3A_344, %dma_wait3A_345] : memref<10240x16xf32, #tpu.memory_space<vmem_shared>> -> memref<10240x16xf32, #tpu.memory_space<vmem_shared>>
        tpu.wait_indirect_dma semaphore(%arg26 : memref<!tpu.dma_semaphore, #tpu.memory_space<semaphore_mem>>) src(%arg9 : memref<128x16xf32, #tpu.memory_space<vmem>>) dst(%dma_wait3A_346 : memref<10240x16xf32, #tpu.memory_space<vmem_shared>>)
      } else {
      }
      %add3A_199 = arith.constant 7 : i32
      %add3A_200 = arith.addi %add3A_181, %add3A_199 : i32
      %lt3A_201 = arith.cmpi slt, %add3A_200, %mul3A_21 : i32
      %convert_element_type3A_202 = arith.extui %lt3A_201 : i1 to i32
      %cond3A_203 = arith.constant 0 : i32
      %cond3A_204 = arith.cmpi ne, %convert_element_type3A_202, %cond3A_203 : i32
      scf.if %cond3A_204 {
        %add3A_340 = arith.constant 7 : i32
        %add3A_341 = arith.addi %add3A_181, %add3A_340 : i32
        %dma_start3A_342 = arith.constant 0 : i32
        %dma_start3A_343 = tpu.memref_slice %arg6[%add3A_341, %dma_start3A_342] : memref<80x128xi32, #tpu.memory_space<vmem>> -> memref<1x128xi32, #tpu.memory_space<vmem>>
        %dma_start3A_344 = tpu.memref_squeeze %dma_start3A_343 : memref<1x128xi32, #tpu.memory_space<vmem>> -> memref<128xi32, #tpu.memory_space<vmem>>
        %dma_start3A_345 = arith.constant 0 : i32
        %dma_start3A_346 = arith.constant 0 : i32
        %dma_start3A_347 = tpu.memref_slice %arg2[%dma_start3A_345, %dma_start3A_346] : memref<10240x16xf32, #tpu.memory_space<hbm>> -> memref<10240x16xf32, #tpu.memory_space<hbm>>
        tpu.enqueue_indirect_dma source(%dma_start3A_347 : memref<10240x16xf32, #tpu.memory_space<hbm>>) target(%arg9 : memref<128x16xf32, #tpu.memory_space<vmem>>) offsets(%dma_start3A_344 : memref<128xi32, #tpu.memory_space<vmem>>) semaphore(%arg18 : memref<!tpu.dma_semaphore, #tpu.memory_space<semaphore_mem>>)
      } else {
      }
      %mul3A_205 = arith.constant 8 : i32
      %mul3A_206 = arith.muli %while3A_123, %mul3A_205 : i32
      %add3A_207 = arith.constant 3 : i32
      %add3A_208 = arith.addi %mul3A_206, %add3A_207 : i32
      %dma_wait3A_209 = arith.constant 0 : i32
      %dma_wait3A_210 = tpu.memref_slice %arg6[%add3A_208, %dma_wait3A_209] : memref<80x128xi32, #tpu.memory_space<vmem>> -> memref<1x128xi32, #tpu.memory_space<vmem>>
      %dma_wait3A_211 = tpu.memref_squeeze %dma_wait3A_210 : memref<1x128xi32, #tpu.memory_space<vmem>> -> memref<128xi32, #tpu.memory_space<vmem>>
      %dma_wait3A_212 = arith.constant 0 : i32
      %dma_wait3A_213 = arith.constant 0 : i32
      %dma_wait3A_214 = tpu.memref_slice %arg2[%dma_wait3A_212, %dma_wait3A_213] : memref<10240x16xf32, #tpu.memory_space<hbm>> -> memref<10240x16xf32, #tpu.memory_space<hbm>>
      tpu.wait_indirect_dma semaphore(%arg20 : memref<!tpu.dma_semaphore, #tpu.memory_space<semaphore_mem>>) src(%dma_wait3A_214 : memref<10240x16xf32, #tpu.memory_space<hbm>>) dst(%arg11 : memref<128x16xf32, #tpu.memory_space<vmem>>)
      %dma_start3A_215 = arith.constant 0 : i32
      %dma_start3A_216 = tpu.memref_slice %arg7[%add3A_208, %dma_start3A_215] : memref<80x128xi32, #tpu.memory_space<vmem>> -> memref<1x128xi32, #tpu.memory_space<vmem>>
      %dma_start3A_217 = tpu.memref_squeeze %dma_start3A_216 : memref<1x128xi32, #tpu.memory_space<vmem>> -> memref<128xi32, #tpu.memory_space<vmem>>
      %dma_start3A_218 = arith.constant 0 : i32
      %dma_start3A_219 = arith.constant 0 : i32
      %dma_start3A_220 = tpu.memref_slice %arg16[%dma_start3A_218, %dma_start3A_219] : memref<10240x16xf32, #tpu.memory_space<vmem_shared>> -> memref<10240x16xf32, #tpu.memory_space<vmem_shared>>
      tpu.enqueue_indirect_dma source(%arg11 : memref<128x16xf32, #tpu.memory_space<vmem>>) target(%dma_start3A_220 : memref<10240x16xf32, #tpu.memory_space<vmem_shared>>) offsets(%dma_start3A_217 : memref<128xi32, #tpu.memory_space<vmem>>) semaphore(%arg28 : memref<!tpu.dma_semaphore, #tpu.memory_space<semaphore_mem>>) {add = true}
      %ge3A_221 = arith.constant 1 : i32
      %ge3A_222 = arith.cmpi sge, %add3A_208, %ge3A_221 : i32
      %convert_element_type3A_223 = arith.extui %ge3A_222 : i1 to i32
      %cond3A_224 = arith.constant 0 : i32
      %cond3A_225 = arith.cmpi ne, %convert_element_type3A_223, %cond3A_224 : i32
      scf.if %cond3A_225 {
        %dma_wait3A_340 = arith.constant 0 : i32
        %dma_wait3A_341 = arith.constant 0 : i32
        %dma_wait3A_342 = tpu.memref_slice %arg7[%dma_wait3A_340, %dma_wait3A_341] : memref<80x128xi32, #tpu.memory_space<vmem>> -> memref<1x128xi32, #tpu.memory_space<vmem>>
        %dma_wait3A_343 = tpu.memref_squeeze %dma_wait3A_342 : memref<1x128xi32, #tpu.memory_space<vmem>> -> memref<128xi32, #tpu.memory_space<vmem>>
        %dma_wait3A_344 = arith.constant 0 : i32
        %dma_wait3A_345 = arith.constant 0 : i32
        %dma_wait3A_346 = tpu.memref_slice %arg16[%dma_wait3A_344, %dma_wait3A_345] : memref<10240x16xf32, #tpu.memory_space<vmem_shared>> -> memref<10240x16xf32, #tpu.memory_space<vmem_shared>>
        tpu.wait_indirect_dma semaphore(%arg27 : memref<!tpu.dma_semaphore, #tpu.memory_space<semaphore_mem>>) src(%arg10 : memref<128x16xf32, #tpu.memory_space<vmem>>) dst(%dma_wait3A_346 : memref<10240x16xf32, #tpu.memory_space<vmem_shared>>)
      } else {
      }
      %add3A_226 = arith.constant 7 : i32
      %add3A_227 = arith.addi %add3A_208, %add3A_226 : i32
      %lt3A_228 = arith.cmpi slt, %add3A_227, %mul3A_21 : i32
      %convert_element_type3A_229 = arith.extui %lt3A_228 : i1 to i32
      %cond3A_230 = arith.constant 0 : i32
      %cond3A_231 = arith.cmpi ne, %convert_element_type3A_229, %cond3A_230 : i32
      scf.if %cond3A_231 {
        %add3A_340 = arith.constant 7 : i32
        %add3A_341 = arith.addi %add3A_208, %add3A_340 : i32
        %dma_start3A_342 = arith.constant 0 : i32
        %dma_start3A_343 = tpu.memref_slice %arg6[%add3A_341, %dma_start3A_342] : memref<80x128xi32, #tpu.memory_space<vmem>> -> memref<1x128xi32, #tpu.memory_space<vmem>>
        %dma_start3A_344 = tpu.memref_squeeze %dma_start3A_343 : memref<1x128xi32, #tpu.memory_space<vmem>> -> memref<128xi32, #tpu.memory_space<vmem>>
        %dma_start3A_345 = arith.constant 0 : i32
        %dma_start3A_346 = arith.constant 0 : i32
        %dma_start3A_347 = tpu.memref_slice %arg2[%dma_start3A_345, %dma_start3A_346] : memref<10240x16xf32, #tpu.memory_space<hbm>> -> memref<10240x16xf32, #tpu.memory_space<hbm>>
        tpu.enqueue_indirect_dma source(%dma_start3A_347 : memref<10240x16xf32, #tpu.memory_space<hbm>>) target(%arg10 : memref<128x16xf32, #tpu.memory_space<vmem>>) offsets(%dma_start3A_344 : memref<128xi32, #tpu.memory_space<vmem>>) semaphore(%arg19 : memref<!tpu.dma_semaphore, #tpu.memory_space<semaphore_mem>>)
      } else {
      }
      %mul3A_232 = arith.constant 8 : i32
      %mul3A_233 = arith.muli %while3A_123, %mul3A_232 : i32
      %add3A_234 = arith.constant 4 : i32
      %add3A_235 = arith.addi %mul3A_233, %add3A_234 : i32
      %dma_wait3A_236 = arith.constant 0 : i32
      %dma_wait3A_237 = tpu.memref_slice %arg6[%add3A_235, %dma_wait3A_236] : memref<80x128xi32, #tpu.memory_space<vmem>> -> memref<1x128xi32, #tpu.memory_space<vmem>>
      %dma_wait3A_238 = tpu.memref_squeeze %dma_wait3A_237 : memref<1x128xi32, #tpu.memory_space<vmem>> -> memref<128xi32, #tpu.memory_space<vmem>>
      %dma_wait3A_239 = arith.constant 0 : i32
      %dma_wait3A_240 = arith.constant 0 : i32
      %dma_wait3A_241 = tpu.memref_slice %arg2[%dma_wait3A_239, %dma_wait3A_240] : memref<10240x16xf32, #tpu.memory_space<hbm>> -> memref<10240x16xf32, #tpu.memory_space<hbm>>
      tpu.wait_indirect_dma semaphore(%arg21 : memref<!tpu.dma_semaphore, #tpu.memory_space<semaphore_mem>>) src(%dma_wait3A_241 : memref<10240x16xf32, #tpu.memory_space<hbm>>) dst(%arg12 : memref<128x16xf32, #tpu.memory_space<vmem>>)
      %dma_start3A_242 = arith.constant 0 : i32
      %dma_start3A_243 = tpu.memref_slice %arg7[%add3A_235, %dma_start3A_242] : memref<80x128xi32, #tpu.memory_space<vmem>> -> memref<1x128xi32, #tpu.memory_space<vmem>>
      %dma_start3A_244 = tpu.memref_squeeze %dma_start3A_243 : memref<1x128xi32, #tpu.memory_space<vmem>> -> memref<128xi32, #tpu.memory_space<vmem>>
      %dma_start3A_245 = arith.constant 0 : i32
      %dma_start3A_246 = arith.constant 0 : i32
      %dma_start3A_247 = tpu.memref_slice %arg16[%dma_start3A_245, %dma_start3A_246] : memref<10240x16xf32, #tpu.memory_space<vmem_shared>> -> memref<10240x16xf32, #tpu.memory_space<vmem_shared>>
      tpu.enqueue_indirect_dma source(%arg12 : memref<128x16xf32, #tpu.memory_space<vmem>>) target(%dma_start3A_247 : memref<10240x16xf32, #tpu.memory_space<vmem_shared>>) offsets(%dma_start3A_244 : memref<128xi32, #tpu.memory_space<vmem>>) semaphore(%arg29 : memref<!tpu.dma_semaphore, #tpu.memory_space<semaphore_mem>>) {add = true}
      %ge3A_248 = arith.constant 1 : i32
      %ge3A_249 = arith.cmpi sge, %add3A_235, %ge3A_248 : i32
      %convert_element_type3A_250 = arith.extui %ge3A_249 : i1 to i32
      %cond3A_251 = arith.constant 0 : i32
      %cond3A_252 = arith.cmpi ne, %convert_element_type3A_250, %cond3A_251 : i32
      scf.if %cond3A_252 {
        %dma_wait3A_340 = arith.constant 0 : i32
        %dma_wait3A_341 = arith.constant 0 : i32
        %dma_wait3A_342 = tpu.memref_slice %arg7[%dma_wait3A_340, %dma_wait3A_341] : memref<80x128xi32, #tpu.memory_space<vmem>> -> memref<1x128xi32, #tpu.memory_space<vmem>>
        %dma_wait3A_343 = tpu.memref_squeeze %dma_wait3A_342 : memref<1x128xi32, #tpu.memory_space<vmem>> -> memref<128xi32, #tpu.memory_space<vmem>>
        %dma_wait3A_344 = arith.constant 0 : i32
        %dma_wait3A_345 = arith.constant 0 : i32
        %dma_wait3A_346 = tpu.memref_slice %arg16[%dma_wait3A_344, %dma_wait3A_345] : memref<10240x16xf32, #tpu.memory_space<vmem_shared>> -> memref<10240x16xf32, #tpu.memory_space<vmem_shared>>
        tpu.wait_indirect_dma semaphore(%arg28 : memref<!tpu.dma_semaphore, #tpu.memory_space<semaphore_mem>>) src(%arg11 : memref<128x16xf32, #tpu.memory_space<vmem>>) dst(%dma_wait3A_346 : memref<10240x16xf32, #tpu.memory_space<vmem_shared>>)
      } else {
      }
      %add3A_253 = arith.constant 7 : i32
      %add3A_254 = arith.addi %add3A_235, %add3A_253 : i32
      %lt3A_255 = arith.cmpi slt, %add3A_254, %mul3A_21 : i32
      %convert_element_type3A_256 = arith.extui %lt3A_255 : i1 to i32
      %cond3A_257 = arith.constant 0 : i32
      %cond3A_258 = arith.cmpi ne, %convert_element_type3A_256, %cond3A_257 : i32
      scf.if %cond3A_258 {
        %add3A_340 = arith.constant 7 : i32
        %add3A_341 = arith.addi %add3A_235, %add3A_340 : i32
        %dma_start3A_342 = arith.constant 0 : i32
        %dma_start3A_343 = tpu.memref_slice %arg6[%add3A_341, %dma_start3A_342] : memref<80x128xi32, #tpu.memory_space<vmem>> -> memref<1x128xi32, #tpu.memory_space<vmem>>
        %dma_start3A_344 = tpu.memref_squeeze %dma_start3A_343 : memref<1x128xi32, #tpu.memory_space<vmem>> -> memref<128xi32, #tpu.memory_space<vmem>>
        %dma_start3A_345 = arith.constant 0 : i32
        %dma_start3A_346 = arith.constant 0 : i32
        %dma_start3A_347 = tpu.memref_slice %arg2[%dma_start3A_345, %dma_start3A_346] : memref<10240x16xf32, #tpu.memory_space<hbm>> -> memref<10240x16xf32, #tpu.memory_space<hbm>>
        tpu.enqueue_indirect_dma source(%dma_start3A_347 : memref<10240x16xf32, #tpu.memory_space<hbm>>) target(%arg11 : memref<128x16xf32, #tpu.memory_space<vmem>>) offsets(%dma_start3A_344 : memref<128xi32, #tpu.memory_space<vmem>>) semaphore(%arg20 : memref<!tpu.dma_semaphore, #tpu.memory_space<semaphore_mem>>)
      } else {
      }
      %mul3A_259 = arith.constant 8 : i32
      %mul3A_260 = arith.muli %while3A_123, %mul3A_259 : i32
      %add3A_261 = arith.constant 5 : i32
      %add3A_262 = arith.addi %mul3A_260, %add3A_261 : i32
      %dma_wait3A_263 = arith.constant 0 : i32
      %dma_wait3A_264 = tpu.memref_slice %arg6[%add3A_262, %dma_wait3A_263] : memref<80x128xi32, #tpu.memory_space<vmem>> -> memref<1x128xi32, #tpu.memory_space<vmem>>
      %dma_wait3A_265 = tpu.memref_squeeze %dma_wait3A_264 : memref<1x128xi32, #tpu.memory_space<vmem>> -> memref<128xi32, #tpu.memory_space<vmem>>
      %dma_wait3A_266 = arith.constant 0 : i32
      %dma_wait3A_267 = arith.constant 0 : i32
      %dma_wait3A_268 = tpu.memref_slice %arg2[%dma_wait3A_266, %dma_wait3A_267] : memref<10240x16xf32, #tpu.memory_space<hbm>> -> memref<10240x16xf32, #tpu.memory_space<hbm>>
      tpu.wait_indirect_dma semaphore(%arg22 : memref<!tpu.dma_semaphore, #tpu.memory_space<semaphore_mem>>) src(%dma_wait3A_268 : memref<10240x16xf32, #tpu.memory_space<hbm>>) dst(%arg13 : memref<128x16xf32, #tpu.memory_space<vmem>>)
      %dma_start3A_269 = arith.constant 0 : i32
      %dma_start3A_270 = tpu.memref_slice %arg7[%add3A_262, %dma_start3A_269] : memref<80x128xi32, #tpu.memory_space<vmem>> -> memref<1x128xi32, #tpu.memory_space<vmem>>
      %dma_start3A_271 = tpu.memref_squeeze %dma_start3A_270 : memref<1x128xi32, #tpu.memory_space<vmem>> -> memref<128xi32, #tpu.memory_space<vmem>>
      %dma_start3A_272 = arith.constant 0 : i32
      %dma_start3A_273 = arith.constant 0 : i32
      %dma_start3A_274 = tpu.memref_slice %arg16[%dma_start3A_272, %dma_start3A_273] : memref<10240x16xf32, #tpu.memory_space<vmem_shared>> -> memref<10240x16xf32, #tpu.memory_space<vmem_shared>>
      tpu.enqueue_indirect_dma source(%arg13 : memref<128x16xf32, #tpu.memory_space<vmem>>) target(%dma_start3A_274 : memref<10240x16xf32, #tpu.memory_space<vmem_shared>>) offsets(%dma_start3A_271 : memref<128xi32, #tpu.memory_space<vmem>>) semaphore(%arg30 : memref<!tpu.dma_semaphore, #tpu.memory_space<semaphore_mem>>) {add = true}
      %ge3A_275 = arith.constant 1 : i32
      %ge3A_276 = arith.cmpi sge, %add3A_262, %ge3A_275 : i32
      %convert_element_type3A_277 = arith.extui %ge3A_276 : i1 to i32
      %cond3A_278 = arith.constant 0 : i32
      %cond3A_279 = arith.cmpi ne, %convert_element_type3A_277, %cond3A_278 : i32
      scf.if %cond3A_279 {
        %dma_wait3A_340 = arith.constant 0 : i32
        %dma_wait3A_341 = arith.constant 0 : i32
        %dma_wait3A_342 = tpu.memref_slice %arg7[%dma_wait3A_340, %dma_wait3A_341] : memref<80x128xi32, #tpu.memory_space<vmem>> -> memref<1x128xi32, #tpu.memory_space<vmem>>
        %dma_wait3A_343 = tpu.memref_squeeze %dma_wait3A_342 : memref<1x128xi32, #tpu.memory_space<vmem>> -> memref<128xi32, #tpu.memory_space<vmem>>
        %dma_wait3A_344 = arith.constant 0 : i32
        %dma_wait3A_345 = arith.constant 0 : i32
        %dma_wait3A_346 = tpu.memref_slice %arg16[%dma_wait3A_344, %dma_wait3A_345] : memref<10240x16xf32, #tpu.memory_space<vmem_shared>> -> memref<10240x16xf32, #tpu.memory_space<vmem_shared>>
        tpu.wait_indirect_dma semaphore(%arg29 : memref<!tpu.dma_semaphore, #tpu.memory_space<semaphore_mem>>) src(%arg12 : memref<128x16xf32, #tpu.memory_space<vmem>>) dst(%dma_wait3A_346 : memref<10240x16xf32, #tpu.memory_space<vmem_shared>>)
      } else {
      }
      %add3A_280 = arith.constant 7 : i32
      %add3A_281 = arith.addi %add3A_262, %add3A_280 : i32
      %lt3A_282 = arith.cmpi slt, %add3A_281, %mul3A_21 : i32
      %convert_element_type3A_283 = arith.extui %lt3A_282 : i1 to i32
      %cond3A_284 = arith.constant 0 : i32
      %cond3A_285 = arith.cmpi ne, %convert_element_type3A_283, %cond3A_284 : i32
      scf.if %cond3A_285 {
        %add3A_340 = arith.constant 7 : i32
        %add3A_341 = arith.addi %add3A_262, %add3A_340 : i32
        %dma_start3A_342 = arith.constant 0 : i32
        %dma_start3A_343 = tpu.memref_slice %arg6[%add3A_341, %dma_start3A_342] : memref<80x128xi32, #tpu.memory_space<vmem>> -> memref<1x128xi32, #tpu.memory_space<vmem>>
        %dma_start3A_344 = tpu.memref_squeeze %dma_start3A_343 : memref<1x128xi32, #tpu.memory_space<vmem>> -> memref<128xi32, #tpu.memory_space<vmem>>
        %dma_start3A_345 = arith.constant 0 : i32
        %dma_start3A_346 = arith.constant 0 : i32
        %dma_start3A_347 = tpu.memref_slice %arg2[%dma_start3A_345, %dma_start3A_346] : memref<10240x16xf32, #tpu.memory_space<hbm>> -> memref<10240x16xf32, #tpu.memory_space<hbm>>
        tpu.enqueue_indirect_dma source(%dma_start3A_347 : memref<10240x16xf32, #tpu.memory_space<hbm>>) target(%arg12 : memref<128x16xf32, #tpu.memory_space<vmem>>) offsets(%dma_start3A_344 : memref<128xi32, #tpu.memory_space<vmem>>) semaphore(%arg21 : memref<!tpu.dma_semaphore, #tpu.memory_space<semaphore_mem>>)
      } else {
      }
      %mul3A_286 = arith.constant 8 : i32
      %mul3A_287 = arith.muli %while3A_123, %mul3A_286 : i32
      %add3A_288 = arith.constant 6 : i32
      %add3A_289 = arith.addi %mul3A_287, %add3A_288 : i32
      %dma_wait3A_290 = arith.constant 0 : i32
      %dma_wait3A_291 = tpu.memref_slice %arg6[%add3A_289, %dma_wait3A_290] : memref<80x128xi32, #tpu.memory_space<vmem>> -> memref<1x128xi32, #tpu.memory_space<vmem>>
      %dma_wait3A_292 = tpu.memref_squeeze %dma_wait3A_291 : memref<1x128xi32, #tpu.memory_space<vmem>> -> memref<128xi32, #tpu.memory_space<vmem>>
      %dma_wait3A_293 = arith.constant 0 : i32
      %dma_wait3A_294 = arith.constant 0 : i32
      %dma_wait3A_295 = tpu.memref_slice %arg2[%dma_wait3A_293, %dma_wait3A_294] : memref<10240x16xf32, #tpu.memory_space<hbm>> -> memref<10240x16xf32, #tpu.memory_space<hbm>>
      tpu.wait_indirect_dma semaphore(%arg23 : memref<!tpu.dma_semaphore, #tpu.memory_space<semaphore_mem>>) src(%dma_wait3A_295 : memref<10240x16xf32, #tpu.memory_space<hbm>>) dst(%arg14 : memref<128x16xf32, #tpu.memory_space<vmem>>)
      %dma_start3A_296 = arith.constant 0 : i32
      %dma_start3A_297 = tpu.memref_slice %arg7[%add3A_289, %dma_start3A_296] : memref<80x128xi32, #tpu.memory_space<vmem>> -> memref<1x128xi32, #tpu.memory_space<vmem>>
      %dma_start3A_298 = tpu.memref_squeeze %dma_start3A_297 : memref<1x128xi32, #tpu.memory_space<vmem>> -> memref<128xi32, #tpu.memory_space<vmem>>
      %dma_start3A_299 = arith.constant 0 : i32
      %dma_start3A_300 = arith.constant 0 : i32
      %dma_start3A_301 = tpu.memref_slice %arg16[%dma_start3A_299, %dma_start3A_300] : memref<10240x16xf32, #tpu.memory_space<vmem_shared>> -> memref<10240x16xf32, #tpu.memory_space<vmem_shared>>
      tpu.enqueue_indirect_dma source(%arg14 : memref<128x16xf32, #tpu.memory_space<vmem>>) target(%dma_start3A_301 : memref<10240x16xf32, #tpu.memory_space<vmem_shared>>) offsets(%dma_start3A_298 : memref<128xi32, #tpu.memory_space<vmem>>) semaphore(%arg31 : memref<!tpu.dma_semaphore, #tpu.memory_space<semaphore_mem>>) {add = true}
      %ge3A_302 = arith.constant 1 : i32
      %ge3A_303 = arith.cmpi sge, %add3A_289, %ge3A_302 : i32
      %convert_element_type3A_304 = arith.extui %ge3A_303 : i1 to i32
      %cond3A_305 = arith.constant 0 : i32
      %cond3A_306 = arith.cmpi ne, %convert_element_type3A_304, %cond3A_305 : i32
      scf.if %cond3A_306 {
        %dma_wait3A_340 = arith.constant 0 : i32
        %dma_wait3A_341 = arith.constant 0 : i32
        %dma_wait3A_342 = tpu.memref_slice %arg7[%dma_wait3A_340, %dma_wait3A_341] : memref<80x128xi32, #tpu.memory_space<vmem>> -> memref<1x128xi32, #tpu.memory_space<vmem>>
        %dma_wait3A_343 = tpu.memref_squeeze %dma_wait3A_342 : memref<1x128xi32, #tpu.memory_space<vmem>> -> memref<128xi32, #tpu.memory_space<vmem>>
        %dma_wait3A_344 = arith.constant 0 : i32
        %dma_wait3A_345 = arith.constant 0 : i32
        %dma_wait3A_346 = tpu.memref_slice %arg16[%dma_wait3A_344, %dma_wait3A_345] : memref<10240x16xf32, #tpu.memory_space<vmem_shared>> -> memref<10240x16xf32, #tpu.memory_space<vmem_shared>>
        tpu.wait_indirect_dma semaphore(%arg30 : memref<!tpu.dma_semaphore, #tpu.memory_space<semaphore_mem>>) src(%arg13 : memref<128x16xf32, #tpu.memory_space<vmem>>) dst(%dma_wait3A_346 : memref<10240x16xf32, #tpu.memory_space<vmem_shared>>)
      } else {
      }
      %add3A_307 = arith.constant 7 : i32
      %add3A_308 = arith.addi %add3A_289, %add3A_307 : i32
      %lt3A_309 = arith.cmpi slt, %add3A_308, %mul3A_21 : i32
      %convert_element_type3A_310 = arith.extui %lt3A_309 : i1 to i32
      %cond3A_311 = arith.constant 0 : i32
      %cond3A_312 = arith.cmpi ne, %convert_element_type3A_310, %cond3A_311 : i32
      scf.if %cond3A_312 {
        %add3A_340 = arith.constant 7 : i32
        %add3A_341 = arith.addi %add3A_289, %add3A_340 : i32
        %dma_start3A_342 = arith.constant 0 : i32
        %dma_start3A_343 = tpu.memref_slice %arg6[%add3A_341, %dma_start3A_342] : memref<80x128xi32, #tpu.memory_space<vmem>> -> memref<1x128xi32, #tpu.memory_space<vmem>>
        %dma_start3A_344 = tpu.memref_squeeze %dma_start3A_343 : memref<1x128xi32, #tpu.memory_space<vmem>> -> memref<128xi32, #tpu.memory_space<vmem>>
        %dma_start3A_345 = arith.constant 0 : i32
        %dma_start3A_346 = arith.constant 0 : i32
        %dma_start3A_347 = tpu.memref_slice %arg2[%dma_start3A_345, %dma_start3A_346] : memref<10240x16xf32, #tpu.memory_space<hbm>> -> memref<10240x16xf32, #tpu.memory_space<hbm>>
        tpu.enqueue_indirect_dma source(%dma_start3A_347 : memref<10240x16xf32, #tpu.memory_space<hbm>>) target(%arg13 : memref<128x16xf32, #tpu.memory_space<vmem>>) offsets(%dma_start3A_344 : memref<128xi32, #tpu.memory_space<vmem>>) semaphore(%arg22 : memref<!tpu.dma_semaphore, #tpu.memory_space<semaphore_mem>>)
      } else {
      }
      %mul3A_313 = arith.constant 8 : i32
      %mul3A_314 = arith.muli %while3A_123, %mul3A_313 : i32
      %add3A_315 = arith.constant 7 : i32
      %add3A_316 = arith.addi %mul3A_314, %add3A_315 : i32
      %dma_wait3A_317 = arith.constant 0 : i32
      %dma_wait3A_318 = tpu.memref_slice %arg6[%add3A_316, %dma_wait3A_317] : memref<80x128xi32, #tpu.memory_space<vmem>> -> memref<1x128xi32, #tpu.memory_space<vmem>>
      %dma_wait3A_319 = tpu.memref_squeeze %dma_wait3A_318 : memref<1x128xi32, #tpu.memory_space<vmem>> -> memref<128xi32, #tpu.memory_space<vmem>>
      %dma_wait3A_320 = arith.constant 0 : i32
      %dma_wait3A_321 = arith.constant 0 : i32
      %dma_wait3A_322 = tpu.memref_slice %arg2[%dma_wait3A_320, %dma_wait3A_321] : memref<10240x16xf32, #tpu.memory_space<hbm>> -> memref<10240x16xf32, #tpu.memory_space<hbm>>
      tpu.wait_indirect_dma semaphore(%arg24 : memref<!tpu.dma_semaphore, #tpu.memory_space<semaphore_mem>>) src(%dma_wait3A_322 : memref<10240x16xf32, #tpu.memory_space<hbm>>) dst(%arg15 : memref<128x16xf32, #tpu.memory_space<vmem>>)
      %dma_start3A_323 = arith.constant 0 : i32
      %dma_start3A_324 = tpu.memref_slice %arg7[%add3A_316, %dma_start3A_323] : memref<80x128xi32, #tpu.memory_space<vmem>> -> memref<1x128xi32, #tpu.memory_space<vmem>>
      %dma_start3A_325 = tpu.memref_squeeze %dma_start3A_324 : memref<1x128xi32, #tpu.memory_space<vmem>> -> memref<128xi32, #tpu.memory_space<vmem>>
      %dma_start3A_326 = arith.constant 0 : i32
      %dma_start3A_327 = arith.constant 0 : i32
      %dma_start3A_328 = tpu.memref_slice %arg16[%dma_start3A_326, %dma_start3A_327] : memref<10240x16xf32, #tpu.memory_space<vmem_shared>> -> memref<10240x16xf32, #tpu.memory_space<vmem_shared>>
      tpu.enqueue_indirect_dma source(%arg15 : memref<128x16xf32, #tpu.memory_space<vmem>>) target(%dma_start3A_328 : memref<10240x16xf32, #tpu.memory_space<vmem_shared>>) offsets(%dma_start3A_325 : memref<128xi32, #tpu.memory_space<vmem>>) semaphore(%arg32 : memref<!tpu.dma_semaphore, #tpu.memory_space<semaphore_mem>>) {add = true}
      %ge3A_329 = arith.constant 1 : i32
      %ge3A_330 = arith.cmpi sge, %add3A_316, %ge3A_329 : i32
      %convert_element_type3A_331 = arith.extui %ge3A_330 : i1 to i32
      %cond3A_332 = arith.constant 0 : i32
      %cond3A_333 = arith.cmpi ne, %convert_element_type3A_331, %cond3A_332 : i32
      scf.if %cond3A_333 {
        %dma_wait3A_340 = arith.constant 0 : i32
        %dma_wait3A_341 = arith.constant 0 : i32
        %dma_wait3A_342 = tpu.memref_slice %arg7[%dma_wait3A_340, %dma_wait3A_341] : memref<80x128xi32, #tpu.memory_space<vmem>> -> memref<1x128xi32, #tpu.memory_space<vmem>>
        %dma_wait3A_343 = tpu.memref_squeeze %dma_wait3A_342 : memref<1x128xi32, #tpu.memory_space<vmem>> -> memref<128xi32, #tpu.memory_space<vmem>>
        %dma_wait3A_344 = arith.constant 0 : i32
        %dma_wait3A_345 = arith.constant 0 : i32
        %dma_wait3A_346 = tpu.memref_slice %arg16[%dma_wait3A_344, %dma_wait3A_345] : memref<10240x16xf32, #tpu.memory_space<vmem_shared>> -> memref<10240x16xf32, #tpu.memory_space<vmem_shared>>
        tpu.wait_indirect_dma semaphore(%arg31 : memref<!tpu.dma_semaphore, #tpu.memory_space<semaphore_mem>>) src(%arg14 : memref<128x16xf32, #tpu.memory_space<vmem>>) dst(%dma_wait3A_346 : memref<10240x16xf32, #tpu.memory_space<vmem_shared>>)
      } else {
      }
      %add3A_334 = arith.constant 7 : i32
      %add3A_335 = arith.addi %add3A_316, %add3A_334 : i32
      %lt3A_336 = arith.cmpi slt, %add3A_335, %mul3A_21 : i32
      %convert_element_type3A_337 = arith.extui %lt3A_336 : i1 to i32
      %cond3A_338 = arith.constant 0 : i32
      %cond3A_339 = arith.cmpi ne, %convert_element_type3A_337, %cond3A_338 : i32
      scf.if %cond3A_339 {
        %add3A_340 = arith.constant 7 : i32
        %add3A_341 = arith.addi %add3A_316, %add3A_340 : i32
        %dma_start3A_342 = arith.constant 0 : i32
        %dma_start3A_343 = tpu.memref_slice %arg6[%add3A_341, %dma_start3A_342] : memref<80x128xi32, #tpu.memory_space<vmem>> -> memref<1x128xi32, #tpu.memory_space<vmem>>
        %dma_start3A_344 = tpu.memref_squeeze %dma_start3A_343 : memref<1x128xi32, #tpu.memory_space<vmem>> -> memref<128xi32, #tpu.memory_space<vmem>>
        %dma_start3A_345 = arith.constant 0 : i32
        %dma_start3A_346 = arith.constant 0 : i32
        %dma_start3A_347 = tpu.memref_slice %arg2[%dma_start3A_345, %dma_start3A_346] : memref<10240x16xf32, #tpu.memory_space<hbm>> -> memref<10240x16xf32, #tpu.memory_space<hbm>>
        tpu.enqueue_indirect_dma source(%dma_start3A_347 : memref<10240x16xf32, #tpu.memory_space<hbm>>) target(%arg14 : memref<128x16xf32, #tpu.memory_space<vmem>>) offsets(%dma_start3A_344 : memref<128xi32, #tpu.memory_space<vmem>>) semaphore(%arg23 : memref<!tpu.dma_semaphore, #tpu.memory_space<semaphore_mem>>)
      } else {
      }
    }
    %dma_wait3A = arith.constant 0 : i32
    %dma_wait3A_116 = arith.constant 0 : i32
    %dma_wait3A_117 = tpu.memref_slice %arg7[%dma_wait3A, %dma_wait3A_116] : memref<80x128xi32, #tpu.memory_space<vmem>> -> memref<1x128xi32, #tpu.memory_space<vmem>>
    %dma_wait3A_118 = tpu.memref_squeeze %dma_wait3A_117 : memref<1x128xi32, #tpu.memory_space<vmem>> -> memref<128xi32, #tpu.memory_space<vmem>>
    %dma_wait3A_119 = arith.constant 0 : i32
    %dma_wait3A_120 = arith.constant 0 : i32
    %dma_wait3A_121 = tpu.memref_slice %arg16[%dma_wait3A_119, %dma_wait3A_120] : memref<10240x16xf32, #tpu.memory_space<vmem_shared>> -> memref<10240x16xf32, #tpu.memory_space<vmem_shared>>
    tpu.wait_indirect_dma semaphore(%arg32 : memref<!tpu.dma_semaphore, #tpu.memory_space<semaphore_mem>>) src(%arg15 : memref<128x16xf32, #tpu.memory_space<vmem>>) dst(%dma_wait3A_121 : memref<10240x16xf32, #tpu.memory_space<vmem_shared>>)
    %barrier3A_122 = arith.constant 0 : index
    tpu.barrier barrier_id(%barrier3A_122)
    "tpu.region"() ({
      %run_scoped3A = tpu.sem_alloc : memref<!tpu.dma_semaphore, #tpu.memory_space<semaphore_mem>>
      %dma_start3A_123 = arith.constant 0 : i32
      %dma_start3A_124 = tpu.memref_slice %arg5[%arg0, %mul3A_2, %dma_start3A_123] : memref<2x10240x16xf32, #tpu.memory_space<hbm>> -> memref<1x640x16xf32, #tpu.memory_space<hbm>>
      %dma_start3A_125 = tpu.memref_squeeze %dma_start3A_124 : memref<1x640x16xf32, #tpu.memory_space<hbm>> -> memref<640x16xf32, #tpu.memory_space<hbm>>
      %dma_start3A_126 = arith.constant 0 : i32
      %dma_start3A_127 = tpu.memref_slice %arg16[%mul3A_2, %dma_start3A_126] : memref<10240x16xf32, #tpu.memory_space<vmem_shared>> -> memref<640x16xf32, #tpu.memory_space<vmem_shared>>
      tpu.enqueue_dma source(%dma_start3A_127 : memref<640x16xf32, #tpu.memory_space<vmem_shared>>) target(%dma_start3A_125 : memref<640x16xf32, #tpu.memory_space<hbm>>) target_semaphore(%run_scoped3A : memref<!tpu.dma_semaphore, #tpu.memory_space<semaphore_mem>>)
      %dma_wait3A_128 = arith.constant 0 : i32
      %dma_wait3A_129 = tpu.memref_slice %arg5[%arg0, %mul3A_2, %dma_wait3A_128] : memref<2x10240x16xf32, #tpu.memory_space<hbm>> -> memref<1x640x16xf32, #tpu.memory_space<hbm>>
      %dma_wait3A_130 = tpu.memref_squeeze %dma_wait3A_129 : memref<1x640x16xf32, #tpu.memory_space<hbm>> -> memref<640x16xf32, #tpu.memory_space<hbm>>
      %dma_wait3A_131 = arith.constant 0 : i32
      %dma_wait3A_132 = tpu.memref_slice %arg16[%mul3A_2, %dma_wait3A_131] : memref<10240x16xf32, #tpu.memory_space<vmem_shared>> -> memref<640x16xf32, #tpu.memory_space<vmem_shared>>
      tpu.wait_dma2 semaphore(%run_scoped3A : memref<!tpu.dma_semaphore, #tpu.memory_space<semaphore_mem>>) src(%dma_wait3A_132 : memref<640x16xf32, #tpu.memory_space<vmem_shared>>) dst(%dma_wait3A_130 : memref<640x16xf32, #tpu.memory_space<hbm>>)
      tpu.yield
    }) : () -> ()
    return
  }
}

module attributes {stable_mosaic.version = 14 : i64} {
  func.func @_proj_body(%arg0: memref<10000x128xf32, #tpu.memory_space<vmem>>, %arg1: memref<128x16xf32, #tpu.memory_space<vmem>>, %arg2: memref<10240x16xf32, #tpu.memory_space<vmem>>) attributes {dimension_semantics = [], scalar_prefetch = 0 : i64, scratch_operands = 0 : i64, tpu.core_type = #tpu.core_type<tc>} {
    %get3A = arith.constant 0 : index
    %get3A_0 = arith.constant 0 : index
    %get3A_1 = vector.load %arg0[%get3A, %get3A_0] : memref<10000x128xf32, #tpu.memory_space<vmem>>, vector<10000x128xf32>
    %get3A_2 = arith.constant 0 : index
    %get3A_3 = arith.constant 0 : index
    %get3A_4 = vector.load %arg1[%get3A_2, %get3A_3] : memref<128x16xf32, #tpu.memory_space<vmem>>, vector<128x16xf32>
    %dot_general3A = arith.constant dense<0.000000e+00> : vector<10000x16xf32>
    %dot_general3A_5 = tpu.matmul %get3A_1, %get3A_4, %dot_general3A {dimension_numbers = #tpu.dot_dimension_numbers<[1], [0], [0], [1], [0, 0, 1, 1], [], []>, transpose_lhs_hint = false} : vector<10000x128xf32>, vector<128x16xf32>, vector<10000x16xf32> -> vector<10000x16xf32>
    %swap3A = arith.constant 0 : index
    %swap3A_6 = arith.constant 0 : index
    %swap3A_7 = vector.load %arg2[%swap3A, %swap3A_6] : memref<10240x16xf32, #tpu.memory_space<vmem>>, vector<10000x16xf32>
    tpu.vector_store %arg2[%swap3A, %swap3A_6], %dot_general3A_5 {strides = array<i32>} : memref<10240x16xf32, #tpu.memory_space<vmem>>, vector<10000x16xf32>,
    %broadcast_in_dim3A = arith.constant 0.000000e+00 : f32
    %broadcast_in_dim3A_8 = vector.broadcast %broadcast_in_dim3A : f32 to vector<240x16xf32>
    %swap3A_9 = arith.constant 10000 : index
    %swap3A_10 = arith.constant 0 : index
    %swap3A_11 = vector.load %arg2[%swap3A_9, %swap3A_10] : memref<10240x16xf32, #tpu.memory_space<vmem>>, vector<240x16xf32>
    tpu.vector_store %arg2[%swap3A_9, %swap3A_10], %broadcast_in_dim3A_8 {strides = array<i32>} : memref<10240x16xf32, #tpu.memory_space<vmem>>, vector<240x16xf32>,
    return
  }
}

module attributes {stable_mosaic.version = 14 : i64} {
  func.func @_mid_body(%arg0: memref<2x1280x128xf32, #tpu.memory_space<vmem>>, %arg1: memref<1x128xf32, #tpu.memory_space<vmem>>, %arg2: memref<128x128xf32, #tpu.memory_space<vmem>>, %arg3: memref<1x128xf32, #tpu.memory_space<vmem>>, %arg4: memref<1x128xf32, #tpu.memory_space<vmem>>, %arg5: memref<1x128xf32, #tpu.memory_space<vmem>>, %arg6: memref<128x128xf32, #tpu.memory_space<vmem>>, %arg7: memref<1280x128xf32, #tpu.memory_space<vmem>>) attributes {dimension_semantics = [], scalar_prefetch = 0 : i64, scratch_operands = 0 : i64, tpu.core_type = #tpu.core_type<tc>} {
    %get3A = arith.constant 0 : index
    %get3A_0 = arith.constant 0 : index
    %get3A_1 = arith.constant 0 : index
    %get3A_2 = vector.load %arg0[%get3A, %get3A_0, %get3A_1] : memref<2x1280x128xf32, #tpu.memory_space<vmem>>, vector<1x1280x128xf32>
    %get3A_3 = vector.shape_cast %get3A_2 : vector<1x1280x128xf32> to vector<1280x128xf32>
    %get3A_4 = arith.constant 1 : index
    %get3A_5 = arith.constant 0 : index
    %get3A_6 = arith.constant 0 : index
    %get3A_7 = vector.load %arg0[%get3A_4, %get3A_5, %get3A_6] : memref<2x1280x128xf32, #tpu.memory_space<vmem>>, vector<1x1280x128xf32>
    %get3A_8 = vector.shape_cast %get3A_7 : vector<1x1280x128xf32> to vector<1280x128xf32>
    %add3A = arith.addf %get3A_3, %get3A_8 : vector<1280x128xf32>
    %get3A_9 = arith.constant 0 : index
    %get3A_10 = arith.constant 0 : index
    %get3A_11 = vector.load %arg1[%get3A_9, %get3A_10] : memref<1x128xf32, #tpu.memory_space<vmem>>, vector<1x128xf32>
    %add3A_12 = vector.broadcast %get3A_11 : vector<1x128xf32> to vector<1280x128xf32>
    %add3A_13 = arith.addf %add3A, %add3A_12 : vector<1280x128xf32>
    %max3A = arith.constant 0.000000e+00 : f32
    %max3A_14 = vector.broadcast %max3A : f32 to vector<1280x128xf32>
    %max3A_15 = arith.maximumf %add3A_13, %max3A_14 : vector<1280x128xf32>
    %get3A_16 = arith.constant 0 : index
    %get3A_17 = arith.constant 0 : index
    %get3A_18 = vector.load %arg2[%get3A_16, %get3A_17] : memref<128x128xf32, #tpu.memory_space<vmem>>, vector<128x128xf32>
    %dot_general3A = arith.constant dense<0.000000e+00> : vector<1280x128xf32>
    %dot_general3A_19 = tpu.matmul %max3A_15, %get3A_18, %dot_general3A {dimension_numbers = #tpu.dot_dimension_numbers<[1], [0], [0], [1], [0, 0, 1, 1], [], []>, transpose_lhs_hint = false} : vector<1280x128xf32>, vector<128x128xf32>, vector<1280x128xf32> -> vector<1280x128xf32>
    %get3A_20 = arith.constant 0 : index
    %get3A_21 = arith.constant 0 : index
    %get3A_22 = vector.load %arg3[%get3A_20, %get3A_21] : memref<1x128xf32, #tpu.memory_space<vmem>>, vector<1x128xf32>
    %add3A_23 = vector.broadcast %get3A_22 : vector<1x128xf32> to vector<1280x128xf32>
    %add3A_24 = arith.addf %dot_general3A_19, %add3A_23 : vector<1280x128xf32>
    %get3A_25 = arith.constant 0 : index
    %get3A_26 = arith.constant 0 : index
    %get3A_27 = vector.load %arg1[%get3A_25, %get3A_26] : memref<1x128xf32, #tpu.memory_space<vmem>>, vector<1x128xf32>
    %max3A_28 = arith.constant 0.000000e+00 : f32
    %max3A_29 = vector.broadcast %max3A_28 : f32 to vector<1x128xf32>
    %max3A_30 = arith.maximumf %get3A_27, %max3A_29 : vector<1x128xf32>
    %get3A_31 = arith.constant 0 : index
    %get3A_32 = arith.constant 0 : index
    %get3A_33 = vector.load %arg2[%get3A_31, %get3A_32] : memref<128x128xf32, #tpu.memory_space<vmem>>, vector<128x128xf32>
    %dot_general3A_34 = arith.constant dense<0.000000e+00> : vector<1x128xf32>
    %dot_general3A_35 = tpu.matmul %max3A_30, %get3A_33, %dot_general3A_34 {dimension_numbers = #tpu.dot_dimension_numbers<[1], [0], [0], [1], [0, 0, 1, 1], [], []>, transpose_lhs_hint = false} : vector<1x128xf32>, vector<128x128xf32>, vector<1x128xf32> -> vector<1x128xf32>
    %get3A_36 = arith.constant 0 : index
    %get3A_37 = arith.constant 0 : index
    %get3A_38 = vector.load %arg3[%get3A_36, %get3A_37] : memref<1x128xf32, #tpu.memory_space<vmem>>, vector<1x128xf32>
    %add3A_39 = arith.addf %dot_general3A_35, %get3A_38 : vector<1x128xf32>
    %squeeze3A = vector.shape_cast %add3A_39 : vector<1x128xf32> to vector<128xf32>
    %reduce_sum3A = arith.constant dense<0.000000e+00> : vector<128xf32>
    %reduce_sum3A_40 = vector.multi_reduction <add>, %add3A_24, %reduce_sum3A [0] : vector<1280x128xf32> to vector<128xf32>
    %slice3A = vector.extract_strided_slice %reduce_sum3A_40 {offsets = [0], sizes = [16], strides = [1]} : vector<128xf32> to vector<16xf32>
    %slice3A_41 = vector.extract_strided_slice %reduce_sum3A_40 {offsets = [16], sizes = [16], strides = [1]} : vector<128xf32> to vector<16xf32>
    %add3A_42 = arith.addf %slice3A, %slice3A_41 : vector<16xf32>
    %slice3A_43 = vector.extract_strided_slice %reduce_sum3A_40 {offsets = [32], sizes = [16], strides = [1]} : vector<128xf32> to vector<16xf32>
    %add3A_44 = arith.addf %add3A_42, %slice3A_43 : vector<16xf32>
    %slice3A_45 = vector.extract_strided_slice %reduce_sum3A_40 {offsets = [48], sizes = [16], strides = [1]} : vector<128xf32> to vector<16xf32>
    %add3A_46 = arith.addf %add3A_44, %slice3A_45 : vector<16xf32>
    %slice3A_47 = vector.extract_strided_slice %reduce_sum3A_40 {offsets = [64], sizes = [16], strides = [1]} : vector<128xf32> to vector<16xf32>
    %add3A_48 = arith.addf %add3A_46, %slice3A_47 : vector<16xf32>
    %slice3A_49 = vector.extract_strided_slice %reduce_sum3A_40 {offsets = [80], sizes = [16], strides = [1]} : vector<128xf32> to vector<16xf32>
    %add3A_50 = arith.addf %add3A_48, %slice3A_49 : vector<16xf32>
    %slice3A_51 = vector.extract_strided_slice %reduce_sum3A_40 {offsets = [96], sizes = [16], strides = [1]} : vector<128xf32> to vector<16xf32>
    %add3A_52 = arith.addf %add3A_50, %slice3A_51 : vector<16xf32>
    %slice3A_53 = vector.extract_strided_slice %reduce_sum3A_40 {offsets = [112], sizes = [16], strides = [1]} : vector<128xf32> to vector<16xf32>
    %add3A_54 = arith.addf %add3A_52, %slice3A_53 : vector<16xf32>
    %mul3A = arith.mulf %add3A_24, %add3A_24 : vector<1280x128xf32>
    %reduce_sum3A_55 = arith.constant dense<0.000000e+00> : vector<128xf32>
    %reduce_sum3A_56 = vector.multi_reduction <add>, %mul3A, %reduce_sum3A_55 [0] : vector<1280x128xf32> to vector<128xf32>
    %slice3A_57 = vector.extract_strided_slice %reduce_sum3A_56 {offsets = [0], sizes = [16], strides = [1]} : vector<128xf32> to vector<16xf32>
    %slice3A_58 = vector.extract_strided_slice %reduce_sum3A_56 {offsets = [16], sizes = [16], strides = [1]} : vector<128xf32> to vector<16xf32>
    %add3A_59 = arith.addf %slice3A_57, %slice3A_58 : vector<16xf32>
    %slice3A_60 = vector.extract_strided_slice %reduce_sum3A_56 {offsets = [32], sizes = [16], strides = [1]} : vector<128xf32> to vector<16xf32>
    %add3A_61 = arith.addf %add3A_59, %slice3A_60 : vector<16xf32>
    %slice3A_62 = vector.extract_strided_slice %reduce_sum3A_56 {offsets = [48], sizes = [16], strides = [1]} : vector<128xf32> to vector<16xf32>
    %add3A_63 = arith.addf %add3A_61, %slice3A_62 : vector<16xf32>
    %slice3A_64 = vector.extract_strided_slice %reduce_sum3A_56 {offsets = [64], sizes = [16], strides = [1]} : vector<128xf32> to vector<16xf32>
    %add3A_65 = arith.addf %add3A_63, %slice3A_64 : vector<16xf32>
    %slice3A_66 = vector.extract_strided_slice %reduce_sum3A_56 {offsets = [80], sizes = [16], strides = [1]} : vector<128xf32> to vector<16xf32>
    %add3A_67 = arith.addf %add3A_65, %slice3A_66 : vector<16xf32>
    %slice3A_68 = vector.extract_strided_slice %reduce_sum3A_56 {offsets = [96], sizes = [16], strides = [1]} : vector<128xf32> to vector<16xf32>
    %add3A_69 = arith.addf %add3A_67, %slice3A_68 : vector<16xf32>
    %slice3A_70 = vector.extract_strided_slice %reduce_sum3A_56 {offsets = [112], sizes = [16], strides = [1]} : vector<128xf32> to vector<16xf32>
    %add3A_71 = arith.addf %add3A_69, %slice3A_70 : vector<16xf32>
    %slice3A_72 = vector.extract_strided_slice %squeeze3A {offsets = [0], sizes = [16], strides = [1]} : vector<128xf32> to vector<16xf32>
    %mul3A_73 = arith.constant 2.400000e+02 : f32
    %mul3A_74 = vector.broadcast %mul3A_73 : f32 to vector<16xf32>
    %mul3A_75 = arith.mulf %mul3A_74, %slice3A_72 : vector<16xf32>
    %sub3A = arith.subf %add3A_54, %mul3A_75 : vector<16xf32>
    %div3A = arith.constant 1.000000e+04 : f32
    %div3A_76 = vector.broadcast %div3A : f32 to vector<16xf32>
    %div3A_77 = arith.divf %sub3A, %div3A_76 : vector<16xf32>
    %mul3A_78 = arith.constant 2.400000e+02 : f32
    %mul3A_79 = vector.broadcast %mul3A_78 : f32 to vector<16xf32>
    %mul3A_80 = arith.mulf %mul3A_79, %slice3A_72 : vector<16xf32>
    %mul3A_81 = arith.mulf %mul3A_80, %slice3A_72 : vector<16xf32>
    %sub3A_82 = arith.subf %add3A_71, %mul3A_81 : vector<16xf32>
    %div3A_83 = arith.constant 1.000000e+04 : f32
    %div3A_84 = vector.broadcast %div3A_83 : f32 to vector<16xf32>
    %div3A_85 = arith.divf %sub3A_82, %div3A_84 : vector<16xf32>
    %mul3A_86 = arith.mulf %div3A_77, %div3A_77 : vector<16xf32>
    %sub3A_87 = arith.subf %div3A_85, %mul3A_86 : vector<16xf32>
    %concatenate3A = tpu.concatenate %div3A_77, %div3A_77, %div3A_77, %div3A_77, %div3A_77, %div3A_77, %div3A_77, %div3A_77 in 0 : vector<16xf32>, vector<16xf32>, vector<16xf32>, vector<16xf32>, vector<16xf32>, vector<16xf32>, vector<16xf32>, vector<16xf32> -> vector<128xf32>
    %add3A_88 = arith.constant 9.99999974E-6 : f32
    %add3A_89 = vector.broadcast %add3A_88 : f32 to vector<16xf32>
    %add3A_90 = arith.addf %sub3A_87, %add3A_89 : vector<16xf32>
    %rsqrt3A = math.rsqrt %add3A_90 : vector<16xf32>
    %concatenate3A_91 = tpu.concatenate %rsqrt3A, %rsqrt3A, %rsqrt3A, %rsqrt3A, %rsqrt3A, %rsqrt3A, %rsqrt3A, %rsqrt3A in 0 : vector<16xf32>, vector<16xf32>, vector<16xf32>, vector<16xf32>, vector<16xf32>, vector<16xf32>, vector<16xf32>, vector<16xf32> -> vector<128xf32>
    %broadcast_in_dim3A = vector.shape_cast %concatenate3A : vector<128xf32> to vector<1x128xf32>
    %sub3A_92 = vector.broadcast %broadcast_in_dim3A : vector<1x128xf32> to vector<1280x128xf32>
    %sub3A_93 = arith.subf %add3A_24, %sub3A_92 : vector<1280x128xf32>
    %broadcast_in_dim3A_94 = vector.shape_cast %concatenate3A_91 : vector<128xf32> to vector<1x128xf32>
    %mul3A_95 = vector.broadcast %broadcast_in_dim3A_94 : vector<1x128xf32> to vector<1280x128xf32>
    %mul3A_96 = arith.mulf %sub3A_93, %mul3A_95 : vector<1280x128xf32>
    %get3A_97 = arith.constant 0 : index
    %get3A_98 = arith.constant 0 : index
    %get3A_99 = vector.load %arg4[%get3A_97, %get3A_98] : memref<1x128xf32, #tpu.memory_space<vmem>>, vector<1x128xf32>
    %mul3A_100 = vector.broadcast %get3A_99 : vector<1x128xf32> to vector<1280x128xf32>
    %mul3A_101 = arith.mulf %mul3A_96, %mul3A_100 : vector<1280x128xf32>
    %get3A_102 = arith.constant 0 : index
    %get3A_103 = arith.constant 0 : index
    %get3A_104 = vector.load %arg5[%get3A_102, %get3A_103] : memref<1x128xf32, #tpu.memory_space<vmem>>, vector<1x128xf32>
    %add3A_105 = vector.broadcast %get3A_104 : vector<1x128xf32> to vector<1280x128xf32>
    %add3A_106 = arith.addf %mul3A_101, %add3A_105 : vector<1280x128xf32>
    %max3A_107 = arith.constant 0.000000e+00 : f32
    %max3A_108 = vector.broadcast %max3A_107 : f32 to vector<1280x128xf32>
    %max3A_109 = arith.maximumf %add3A_106, %max3A_108 : vector<1280x128xf32>
    %get3A_110 = arith.constant 0 : index
    %get3A_111 = arith.constant 0 : index
    %get3A_112 = vector.load %arg6[%get3A_110, %get3A_111] : memref<128x128xf32, #tpu.memory_space<vmem>>, vector<128x128xf32>
    %dot_general3A_113 = arith.constant dense<0.000000e+00> : vector<1280x128xf32>
    %dot_general3A_114 = tpu.matmul %max3A_109, %get3A_112, %dot_general3A_113 {dimension_numbers = #tpu.dot_dimension_numbers<[1], [0], [0], [1], [0, 0, 1, 1], [], []>, transpose_lhs_hint = false} : vector<1280x128xf32>, vector<128x128xf32>, vector<1280x128xf32> -> vector<1280x128xf32>
    %swap3A = arith.constant 0 : index
    %swap3A_115 = arith.constant 0 : index
    %swap3A_116 = vector.load %arg7[%swap3A, %swap3A_115] : memref<1280x128xf32, #tpu.memory_space<vmem>>, vector<1280x128xf32>
    tpu.vector_store %arg7[%swap3A, %swap3A_115], %dot_general3A_114 {strides = array<i32>} : memref<1280x128xf32, #tpu.memory_space<vmem>>, vector<1280x128xf32>,
    return
  }
}

module attributes {stable_mosaic.version = 14 : i64} {
  func.func @_post_body(%arg0: memref<2x1280x128xf32, #tpu.memory_space<vmem>>, %arg1: memref<1x128xf32, #tpu.memory_space<vmem>>, %arg2: memref<1280x128xf32, #tpu.memory_space<vmem>>) attributes {dimension_semantics = [], scalar_prefetch = 0 : i64, scratch_operands = 0 : i64, tpu.core_type = #tpu.core_type<tc>} {
    %get3A = arith.constant 0 : index
    %get3A_0 = arith.constant 0 : index
    %get3A_1 = arith.constant 0 : index
    %get3A_2 = vector.load %arg0[%get3A, %get3A_0, %get3A_1] : memref<2x1280x128xf32, #tpu.memory_space<vmem>>, vector<1x1280x128xf32>
    %get3A_3 = vector.shape_cast %get3A_2 : vector<1x1280x128xf32> to vector<1280x128xf32>
    %get3A_4 = arith.constant 1 : index
    %get3A_5 = arith.constant 0 : index
    %get3A_6 = arith.constant 0 : index
    %get3A_7 = vector.load %arg0[%get3A_4, %get3A_5, %get3A_6] : memref<2x1280x128xf32, #tpu.memory_space<vmem>>, vector<1x1280x128xf32>
    %get3A_8 = vector.shape_cast %get3A_7 : vector<1x1280x128xf32> to vector<1280x128xf32>
    %add3A = arith.addf %get3A_3, %get3A_8 : vector<1280x128xf32>
    %get3A_9 = arith.constant 0 : index
    %get3A_10 = arith.constant 0 : index
    %get3A_11 = vector.load %arg1[%get3A_9, %get3A_10] : memref<1x128xf32, #tpu.memory_space<vmem>>, vector<1x128xf32>
    %add3A_12 = vector.broadcast %get3A_11 : vector<1x128xf32> to vector<1280x128xf32>
    %add3A_13 = arith.addf %add3A, %add3A_12 : vector<1280x128xf32>
    %slice3A = vector.extract_strided_slice %add3A_13 {offsets = [0, 0], sizes = [1280, 16], strides = [1, 1]} : vector<1280x128xf32> to vector<1280x16xf32>
    %reduce_max3A = arith.constant dense<0xFF800000> : vector<1280xf32>
    %reduce_max3A_14 = vector.multi_reduction <maximumf>, %slice3A, %reduce_max3A [1] : vector<1280x16xf32> to vector<1280xf32>
    %broadcast_in_dim3A = vector.shape_cast %reduce_max3A_14 : vector<1280xf32> to vector<1280x1xf32>
    %sub3A = vector.broadcast %broadcast_in_dim3A : vector<1280x1xf32> to vector<1280x16xf32>
    %sub3A_15 = arith.subf %slice3A, %sub3A : vector<1280x16xf32>
    %exp3A = math.exp %sub3A_15 : vector<1280x16xf32>
    %reduce_sum3A = arith.constant dense<0.000000e+00> : vector<1280xf32>
    %reduce_sum3A_16 = vector.multi_reduction <add>, %exp3A, %reduce_sum3A [1] : vector<1280x16xf32> to vector<1280xf32>
    %broadcast_in_dim3A_17 = vector.shape_cast %reduce_sum3A_16 : vector<1280xf32> to vector<1280x1xf32>
    %log3A = math.log %broadcast_in_dim3A_17 : vector<1280x1xf32>
    %sub3A_18 = vector.broadcast %broadcast_in_dim3A : vector<1280x1xf32> to vector<1280x16xf32>
    %sub3A_19 = arith.subf %slice3A, %sub3A_18 : vector<1280x16xf32>
    %sub3A_20 = vector.broadcast %log3A : vector<1280x1xf32> to vector<1280x16xf32>
    %sub3A_21 = arith.subf %sub3A_19, %sub3A_20 : vector<1280x16xf32>
    %slice3A_22 = vector.extract_strided_slice %add3A_13 {offsets = [0, 16], sizes = [1280, 16], strides = [1, 1]} : vector<1280x128xf32> to vector<1280x16xf32>
    %reduce_max3A_23 = arith.constant dense<0xFF800000> : vector<1280xf32>
    %reduce_max3A_24 = vector.multi_reduction <maximumf>, %slice3A_22, %reduce_max3A_23 [1] : vector<1280x16xf32> to vector<1280xf32>
    %broadcast_in_dim3A_25 = vector.shape_cast %reduce_max3A_24 : vector<1280xf32> to vector<1280x1xf32>
    %sub3A_26 = vector.broadcast %broadcast_in_dim3A_25 : vector<1280x1xf32> to vector<1280x16xf32>
    %sub3A_27 = arith.subf %slice3A_22, %sub3A_26 : vector<1280x16xf32>
    %exp3A_28 = math.exp %sub3A_27 : vector<1280x16xf32>
    %reduce_sum3A_29 = arith.constant dense<0.000000e+00> : vector<1280xf32>
    %reduce_sum3A_30 = vector.multi_reduction <add>, %exp3A_28, %reduce_sum3A_29 [1] : vector<1280x16xf32> to vector<1280xf32>
    %broadcast_in_dim3A_31 = vector.shape_cast %reduce_sum3A_30 : vector<1280xf32> to vector<1280x1xf32>
    %log3A_32 = math.log %broadcast_in_dim3A_31 : vector<1280x1xf32>
    %sub3A_33 = vector.broadcast %broadcast_in_dim3A_25 : vector<1280x1xf32> to vector<1280x16xf32>
    %sub3A_34 = arith.subf %slice3A_22, %sub3A_33 : vector<1280x16xf32>
    %sub3A_35 = vector.broadcast %log3A_32 : vector<1280x1xf32> to vector<1280x16xf32>
    %sub3A_36 = arith.subf %sub3A_34, %sub3A_35 : vector<1280x16xf32>
    %slice3A_37 = vector.extract_strided_slice %add3A_13 {offsets = [0, 32], sizes = [1280, 16], strides = [1, 1]} : vector<1280x128xf32> to vector<1280x16xf32>
    %reduce_max3A_38 = arith.constant dense<0xFF800000> : vector<1280xf32>
    %reduce_max3A_39 = vector.multi_reduction <maximumf>, %slice3A_37, %reduce_max3A_38 [1] : vector<1280x16xf32> to vector<1280xf32>
    %broadcast_in_dim3A_40 = vector.shape_cast %reduce_max3A_39 : vector<1280xf32> to vector<1280x1xf32>
    %sub3A_41 = vector.broadcast %broadcast_in_dim3A_40 : vector<1280x1xf32> to vector<1280x16xf32>
    %sub3A_42 = arith.subf %slice3A_37, %sub3A_41 : vector<1280x16xf32>
    %exp3A_43 = math.exp %sub3A_42 : vector<1280x16xf32>
    %reduce_sum3A_44 = arith.constant dense<0.000000e+00> : vector<1280xf32>
    %reduce_sum3A_45 = vector.multi_reduction <add>, %exp3A_43, %reduce_sum3A_44 [1] : vector<1280x16xf32> to vector<1280xf32>
    %broadcast_in_dim3A_46 = vector.shape_cast %reduce_sum3A_45 : vector<1280xf32> to vector<1280x1xf32>
    %log3A_47 = math.log %broadcast_in_dim3A_46 : vector<1280x1xf32>
    %sub3A_48 = vector.broadcast %broadcast_in_dim3A_40 : vector<1280x1xf32> to vector<1280x16xf32>
    %sub3A_49 = arith.subf %slice3A_37, %sub3A_48 : vector<1280x16xf32>
    %sub3A_50 = vector.broadcast %log3A_47 : vector<1280x1xf32> to vector<1280x16xf32>
    %sub3A_51 = arith.subf %sub3A_49, %sub3A_50 : vector<1280x16xf32>
    %slice3A_52 = vector.extract_strided_slice %add3A_13 {offsets = [0, 48], sizes = [1280, 16], strides = [1, 1]} : vector<1280x128xf32> to vector<1280x16xf32>
    %reduce_max3A_53 = arith.constant dense<0xFF800000> : vector<1280xf32>
    %reduce_max3A_54 = vector.multi_reduction <maximumf>, %slice3A_52, %reduce_max3A_53 [1] : vector<1280x16xf32> to vector<1280xf32>
    %broadcast_in_dim3A_55 = vector.shape_cast %reduce_max3A_54 : vector<1280xf32> to vector<1280x1xf32>
    %sub3A_56 = vector.broadcast %broadcast_in_dim3A_55 : vector<1280x1xf32> to vector<1280x16xf32>
    %sub3A_57 = arith.subf %slice3A_52, %sub3A_56 : vector<1280x16xf32>
    %exp3A_58 = math.exp %sub3A_57 : vector<1280x16xf32>
    %reduce_sum3A_59 = arith.constant dense<0.000000e+00> : vector<1280xf32>
    %reduce_sum3A_60 = vector.multi_reduction <add>, %exp3A_58, %reduce_sum3A_59 [1] : vector<1280x16xf32> to vector<1280xf32>
    %broadcast_in_dim3A_61 = vector.shape_cast %reduce_sum3A_60 : vector<1280xf32> to vector<1280x1xf32>
    %log3A_62 = math.log %broadcast_in_dim3A_61 : vector<1280x1xf32>
    %sub3A_63 = vector.broadcast %broadcast_in_dim3A_55 : vector<1280x1xf32> to vector<1280x16xf32>
    %sub3A_64 = arith.subf %slice3A_52, %sub3A_63 : vector<1280x16xf32>
    %sub3A_65 = vector.broadcast %log3A_62 : vector<1280x1xf32> to vector<1280x16xf32>
    %sub3A_66 = arith.subf %sub3A_64, %sub3A_65 : vector<1280x16xf32>
    %slice3A_67 = vector.extract_strided_slice %add3A_13 {offsets = [0, 64], sizes = [1280, 16], strides = [1, 1]} : vector<1280x128xf32> to vector<1280x16xf32>
    %reduce_max3A_68 = arith.constant dense<0xFF800000> : vector<1280xf32>
    %reduce_max3A_69 = vector.multi_reduction <maximumf>, %slice3A_67, %reduce_max3A_68 [1] : vector<1280x16xf32> to vector<1280xf32>
    %broadcast_in_dim3A_70 = vector.shape_cast %reduce_max3A_69 : vector<1280xf32> to vector<1280x1xf32>
    %sub3A_71 = vector.broadcast %broadcast_in_dim3A_70 : vector<1280x1xf32> to vector<1280x16xf32>
    %sub3A_72 = arith.subf %slice3A_67, %sub3A_71 : vector<1280x16xf32>
    %exp3A_73 = math.exp %sub3A_72 : vector<1280x16xf32>
    %reduce_sum3A_74 = arith.constant dense<0.000000e+00> : vector<1280xf32>
    %reduce_sum3A_75 = vector.multi_reduction <add>, %exp3A_73, %reduce_sum3A_74 [1] : vector<1280x16xf32> to vector<1280xf32>
    %broadcast_in_dim3A_76 = vector.shape_cast %reduce_sum3A_75 : vector<1280xf32> to vector<1280x1xf32>
    %log3A_77 = math.log %broadcast_in_dim3A_76 : vector<1280x1xf32>
    %sub3A_78 = vector.broadcast %broadcast_in_dim3A_70 : vector<1280x1xf32> to vector<1280x16xf32>
    %sub3A_79 = arith.subf %slice3A_67, %sub3A_78 : vector<1280x16xf32>
    %sub3A_80 = vector.broadcast %log3A_77 : vector<1280x1xf32> to vector<1280x16xf32>
    %sub3A_81 = arith.subf %sub3A_79, %sub3A_80 : vector<1280x16xf32>
    %slice3A_82 = vector.extract_strided_slice %add3A_13 {offsets = [0, 80], sizes = [1280, 16], strides = [1, 1]} : vector<1280x128xf32> to vector<1280x16xf32>
    %reduce_max3A_83 = arith.constant dense<0xFF800000> : vector<1280xf32>
    %reduce_max3A_84 = vector.multi_reduction <maximumf>, %slice3A_82, %reduce_max3A_83 [1] : vector<1280x16xf32> to vector<1280xf32>
    %broadcast_in_dim3A_85 = vector.shape_cast %reduce_max3A_84 : vector<1280xf32> to vector<1280x1xf32>
    %sub3A_86 = vector.broadcast %broadcast_in_dim3A_85 : vector<1280x1xf32> to vector<1280x16xf32>
    %sub3A_87 = arith.subf %slice3A_82, %sub3A_86 : vector<1280x16xf32>
    %exp3A_88 = math.exp %sub3A_87 : vector<1280x16xf32>
    %reduce_sum3A_89 = arith.constant dense<0.000000e+00> : vector<1280xf32>
    %reduce_sum3A_90 = vector.multi_reduction <add>, %exp3A_88, %reduce_sum3A_89 [1] : vector<1280x16xf32> to vector<1280xf32>
    %broadcast_in_dim3A_91 = vector.shape_cast %reduce_sum3A_90 : vector<1280xf32> to vector<1280x1xf32>
    %log3A_92 = math.log %broadcast_in_dim3A_91 : vector<1280x1xf32>
    %sub3A_93 = vector.broadcast %broadcast_in_dim3A_85 : vector<1280x1xf32> to vector<1280x16xf32>
    %sub3A_94 = arith.subf %slice3A_82, %sub3A_93 : vector<1280x16xf32>
    %sub3A_95 = vector.broadcast %log3A_92 : vector<1280x1xf32> to vector<1280x16xf32>
    %sub3A_96 = arith.subf %sub3A_94, %sub3A_95 : vector<1280x16xf32>
    %slice3A_97 = vector.extract_strided_slice %add3A_13 {offsets = [0, 96], sizes = [1280, 16], strides = [1, 1]} : vector<1280x128xf32> to vector<1280x16xf32>
    %reduce_max3A_98 = arith.constant dense<0xFF800000> : vector<1280xf32>
    %reduce_max3A_99 = vector.multi_reduction <maximumf>, %slice3A_97, %reduce_max3A_98 [1] : vector<1280x16xf32> to vector<1280xf32>
    %broadcast_in_dim3A_100 = vector.shape_cast %reduce_max3A_99 : vector<1280xf32> to vector<1280x1xf32>
    %sub3A_101 = vector.broadcast %broadcast_in_dim3A_100 : vector<1280x1xf32> to vector<1280x16xf32>
    %sub3A_102 = arith.subf %slice3A_97, %sub3A_101 : vector<1280x16xf32>
    %exp3A_103 = math.exp %sub3A_102 : vector<1280x16xf32>
    %reduce_sum3A_104 = arith.constant dense<0.000000e+00> : vector<1280xf32>
    %reduce_sum3A_105 = vector.multi_reduction <add>, %exp3A_103, %reduce_sum3A_104 [1] : vector<1280x16xf32> to vector<1280xf32>
    %broadcast_in_dim3A_106 = vector.shape_cast %reduce_sum3A_105 : vector<1280xf32> to vector<1280x1xf32>
    %log3A_107 = math.log %broadcast_in_dim3A_106 : vector<1280x1xf32>
    %sub3A_108 = vector.broadcast %broadcast_in_dim3A_100 : vector<1280x1xf32> to vector<1280x16xf32>
    %sub3A_109 = arith.subf %slice3A_97, %sub3A_108 : vector<1280x16xf32>
    %sub3A_110 = vector.broadcast %log3A_107 : vector<1280x1xf32> to vector<1280x16xf32>
    %sub3A_111 = arith.subf %sub3A_109, %sub3A_110 : vector<1280x16xf32>
    %slice3A_112 = vector.extract_strided_slice %add3A_13 {offsets = [0, 112], sizes = [1280, 16], strides = [1, 1]} : vector<1280x128xf32> to vector<1280x16xf32>
    %reduce_max3A_113 = arith.constant dense<0xFF800000> : vector<1280xf32>
    %reduce_max3A_114 = vector.multi_reduction <maximumf>, %slice3A_112, %reduce_max3A_113 [1] : vector<1280x16xf32> to vector<1280xf32>
    %broadcast_in_dim3A_115 = vector.shape_cast %reduce_max3A_114 : vector<1280xf32> to vector<1280x1xf32>
    %sub3A_116 = vector.broadcast %broadcast_in_dim3A_115 : vector<1280x1xf32> to vector<1280x16xf32>
    %sub3A_117 = arith.subf %slice3A_112, %sub3A_116 : vector<1280x16xf32>
    %exp3A_118 = math.exp %sub3A_117 : vector<1280x16xf32>
    %reduce_sum3A_119 = arith.constant dense<0.000000e+00> : vector<1280xf32>
    %reduce_sum3A_120 = vector.multi_reduction <add>, %exp3A_118, %reduce_sum3A_119 [1] : vector<1280x16xf32> to vector<1280xf32>
    %broadcast_in_dim3A_121 = vector.shape_cast %reduce_sum3A_120 : vector<1280xf32> to vector<1280x1xf32>
    %log3A_122 = math.log %broadcast_in_dim3A_121 : vector<1280x1xf32>
    %sub3A_123 = vector.broadcast %broadcast_in_dim3A_115 : vector<1280x1xf32> to vector<1280x16xf32>
    %sub3A_124 = arith.subf %slice3A_112, %sub3A_123 : vector<1280x16xf32>
    %sub3A_125 = vector.broadcast %log3A_122 : vector<1280x1xf32> to vector<1280x16xf32>
    %sub3A_126 = arith.subf %sub3A_124, %sub3A_125 : vector<1280x16xf32>
    %concatenate3A = tpu.concatenate %sub3A_21, %sub3A_36, %sub3A_51, %sub3A_66, %sub3A_81, %sub3A_96, %sub3A_111, %sub3A_126 in 1 : vector<1280x16xf32>, vector<1280x16xf32>, vector<1280x16xf32>, vector<1280x16xf32>, vector<1280x16xf32>, vector<1280x16xf32>, vector<1280x16xf32>, vector<1280x16xf32> -> vector<1280x128xf32>
    %swap3A = arith.constant 0 : index
    %swap3A_127 = arith.constant 0 : index
    %swap3A_128 = vector.load %arg2[%swap3A, %swap3A_127] : memref<1280x128xf32, #tpu.memory_space<vmem>>, vector<1280x128xf32>
    tpu.vector_store %arg2[%swap3A, %swap3A_127], %concatenate3A {strides = array<i32>} : memref<1280x128xf32, #tpu.memory_space<vmem>>, vector<1280x128xf32>,
    return
  }
}

</mosaic_0001>

<sc_bundles>
// kernel: kernel.10.cloned.1.call-start
scs
__scs_entry_jumppad:
0x0: {  	(pc) =	sbr.rel $0x88, $3  }
0x1: {  	(tag) =	ssettag $0x0;
	lr =	simm.s32 $0x1  }
0x2: {  	[smem:$0x3F97] =	sst lr;
	_ =	strace $0xD0000000  }
0x3: {  	_ = 	snop  }
0x4: {  	_ = 	snop  }
0x5: {  	_ = 	snop  }
0x6: {  	_ = 	snop  }
0x7: {  	_ = 	snop  }
__scs_overlays_trampoline_lowered:
0x8: {  	[smem:$0x3FA6] =	sst s0  }
0x9: {  	[smem:$0x3FA7] =	sst s1  }
0xa: {  	[smem:$0x3FA8] =	sst s2  }
0xb: {  	[smem:$0x3FA9] =	sst s3  }
0xc: {  	[smem:$0x3FAA] =	sst s4  }
0xd: {  	[smem:$0x3FAB] =	sst s5  }
0xe: {  	[smem:$0x3FAC] =	sst s6  }
0xf: {  	[smem:$0x3FAD] =	sst s7  }
0x10: {  	[smem:$0x3FAE] =	sst s8  }
0x11: {  	[smem:$0x3FAF] =	sst s9;
	s0 =	simm.s32 @!p0 $0x0  }
0x12: {  	s1 =	sld [smem:$0x3F95];
	s0 =	simm.s32 @p0 $0x1  }
0x13: {  	[smem:$0x3FB0] =	sst s0;
	s0 =	simm.s32 @!p1 $0x0  }
0x14: {  	s2 =	sld [smem:$0x3F94];
	s0 =	simm.s32 @p1 $0x1  }
0x15: {  	[smem:$0x3FB1] =	sst s0;
	s0 =	simm.s32 @!p2 $0x0  }
0x16: {  	s3 =	sld [smem:$0x3FDB];
	s0 =	simm.s32 @p2 $0x1  }
0x17: {  	s4 =	simm.s32 $0x1BF5;
	[smem:$0x3FB3] =	sst s0  }
0x18: {  	s0 =	sld [smem:$0x3F96];
	_ =	swait.ge [sflag:s4], $0x0  }
0x19: {  	s7 =	sld [smem:$0x3F97]  }
0x1a: {  	s8 =	sadd.s32 $0xFFFFE003, lr  }
0x1b: {  	s9 =	sadd.s32 $0xFFFFFEF7, lr;
	s5 =	simm.s32 $0xFFFFFFFF;
	p2 =	slt.u32 s8, $0xFFFFF086  }
0x1c: {  	p1 =	slt.u32 s9, $0xF7A;
	s5 =	simm.s32 @!p2 $0x0  }
0x1d: {  	s5 =	simm.s32 @p1 $0x1;
	p0 =	seq.s32 s7, s2  }
0x1e: {  	s7 =	smul.u32 @!p0 $0xF7A, s2;
	p2 =	seq.s32 @!p0 s5, $0x0  }
0x1f: {  	s9 =	smul.u32 $0xF7A, s1;
	s8 =	simm.s32 @!p0 $0x1BF5;
	p2 =	por !p2, p0  }
0x20: {  	[sflag:s8] =	ssyncset.s32 @!p0 $0xFFFFF086;
	s6 =	sadd.s32 @!p0 s3, s7;
	s7 =	simm.s32 @!p0 $0x108  }
0x21: {  	s3 =	sadd.s32 s3, s9;
	s6 =	sadd.s32 @!p0 $0x88, s6;
	s7 =	simm.s32 @p2 $0x1082  }
0x22: {  	[simem:s7], [sflag:s8] =	dma.local @!p0 [hbm:s6], $0xF7A  }
0x23: {  	s9 =	sor.u32 $0xD0000000, s2;
	s6 =	simm.s32 $0x108;
	_ =	swait.ge @!p0 [sflag:s8], $0x0  }
0x24: {  	s3 =	sadd.s32 $0x88, s3;
	s6 =	simm.s32 @!p1 $0x1082;
	[sflag:s4] =	ssyncset.s32 $0xFFFFF086  }
0x25: {  	[simem:s6], [sflag:s4] =	dma.local [hbm:s3], $0xF7A  }
0x26: {  	[smem:$0x3F97] =	sst s1;
	(tag) =	ssettag s2;
	_ =	strace s9  }
0x27: {  	s1 =	sld [smem:$0x3FA7]  }
0x28: {  	s2 =	sld [smem:$0x3FA8]  }
0x29: {  	s4 =	sld [smem:$0x3FAA]  }
0x2a: {  	p0 =	seq.s32 s5, $0x0;
	s5 =	sld [smem:$0x3FAB]  }
0x2b: {  	s6 =	sld [smem:$0x3FAC]  }
0x2c: {  	s7 =	sld [smem:$0x3FAD]  }
0x2d: {  	s3 =	simm.s32 $0x108;
	s8 =	sld [smem:$0x3FAE]  }
0x2e: {  	s3 =	simm.s32 @!p0 $0x1082;
	s9 =	sld [smem:$0x3FAF]  }
0x2f: {  	lr =	sadd.s32 s0, s3;
	s0 =	sld [smem:$0x3FA6]  }
0x30: {  	s3 =	sld [smem:$0x3FA9]  }
0x31: {  	[smem:$0x3FB2] =	sst s10  }
0x32: {  	s10 =	sld [smem:$0x3FB0];
	_ =	sdelay $0x3  }
0x33: {  	p0 =	seq.s32 s10, $0x1;
	s10 =	sld [smem:$0x3FB2];
	_ =	sdelay $0x3  }
0x34: {  	[smem:$0x3FB2] =	sst s10  }
0x35: {  	s10 =	sld [smem:$0x3FB1];
	_ =	sdelay $0x3  }
0x36: {  	p1 =	seq.s32 s10, $0x1;
	s10 =	sld [smem:$0x3FB2];
	_ =	sdelay $0x3  }
0x37: {  	[smem:$0x3FB2] =	sst s10  }
0x38: {  	s10 =	sld [smem:$0x3FB3]  }
0x39: {  	_ = 	snop;
	(pc) =	sbr.ind lr, $3  }
0x3a: {  	_ = 	snop  }
0x3b: {  	_ = 	snop  }
0x3c: {  	p2 =	seq.s32 s10, $0x1;
	s10 =	sld [smem:$0x3FB2]  }
0x3d: {  	_ =	shalt  }
0x3e: {  	_ =	shalt  }
0x3f: {  	_ =	shalt  }
0x40: {  	_ =	shalt  }
0x41: {  	_ =	shalt  }
0x42: {  	_ =	shalt  }
0x43: {  	_ =	shalt  }
0x44: {  	_ =	shalt  }
0x45: {  	_ =	shalt  }
0x46: {  	_ =	shalt  }
0x47: {  	_ =	shalt  }
0x48: {  	_ =	shalt  }
0x49: {  	_ =	shalt  }
0x4a: {  	_ =	shalt  }
0x4b: {  	_ =	shalt  }
0x4c: {  	_ =	shalt  }
0x4d: {  	_ =	shalt  }
0x4e: {  	_ =	shalt  }
0x4f: {  	_ =	shalt  }
0x50: {  	_ =	shalt  }
0x51: {  	_ =	shalt  }
0x52: {  	_ =	shalt  }
0x53: {  	_ =	shalt  }
0x54: {  	_ =	shalt  }
0x55: {  	_ =	shalt  }
0x56: {  	_ =	shalt  }
0x57: {  	_ =	shalt  }
0x58: {  	_ =	shalt  }
0x59: {  	_ =	shalt  }
0x5a: {  	_ =	shalt  }
0x5b: {  	_ =	shalt  }
0x5c: {  	_ =	shalt  }
0x5d: {  	_ =	shalt  }
0x5e: {  	_ =	shalt  }
0x5f: {  	_ =	shalt  }
0x60: {  	_ =	shalt  }
0x61: {  	_ =	shalt  }
0x62: {  	_ =	shalt  }
0x63: {  	_ =	shalt  }
0x64: {  	_ =	shalt  }
0x65: {  	_ =	shalt  }
0x66: {  	_ =	shalt  }
0x67: {  	_ =	shalt  }
0x68: {  	_ =	shalt  }
0x69: {  	_ =	shalt  }
0x6a: {  	_ =	shalt  }
0x6b: {  	_ =	shalt  }
0x6c: {  	_ =	shalt  }
0x6d: {  	_ =	shalt  }
0x6e: {  	_ =	shalt  }
0x6f: {  	_ =	shalt  }
0x70: {  	_ =	shalt  }
0x71: {  	_ =	shalt  }
0x72: {  	_ =	shalt  }
0x73: {  	_ =	shalt  }
0x74: {  	_ =	shalt  }
0x75: {  	_ =	shalt  }
0x76: {  	_ =	shalt  }
0x77: {  	_ =	shalt  }
0x78: {  	_ =	shalt  }
0x79: {  	_ =	shalt  }
0x7a: {  	_ =	shalt  }
0x7b: {  	_ =	shalt  }
0x7c: {  	_ =	shalt  }
0x7d: {  	_ =	shalt  }
0x7e: {  	_ =	shalt  }
0x7f: {  	_ =	shalt  }
0x80: {  	_ =	shalt  }
0x81: {  	_ =	shalt  }
0x82: {  	_ =	shalt  }
0x83: {  	_ =	shalt  }
0x84: {  	_ =	shalt  }
0x85: {  	_ =	shalt  }
0x86: {  	_ =	shalt  }
0x87: {  	_ =	shalt  }
.Lfunc_end0:
.L_simem_size_0:
called_computation.1_lowered:
.L_overlay_start_0:
0x88: {  	s2 =	sld [smem:$0x3FD9]  }
0x89: {  	s3 =	sld [smem:$0x3FFE];
	_ =	sdelay $0x1  }
0x8a: {  	s1 =	srdreg.scid  }
0x8b: {  	s0 =	sand.u32 $0x1, s1  }
0x8c: {  	s16 =	sshll.u32 s0, $0xA;
	s2 =	sadd.s32 s3, s2  }
0x8d: {  	s2 =	sadd.s32 s2, s16  }
0x8e: {  	[smem:$0x3FBE] =	sst s2  }
0x8f: {  	_ = 	snop  }
0x90: {  	(tm) =	ssettm $0x1  }
0x91: {  	s17 =	sld [smem:$0x3FFB];
	_ =	sdelay $0x3  }
0x92: {  	_ =	strace s17  }
0x93: {  	s2 =	sld [smem:$0x3FFC];
	_ =	sdelay $0x3  }
0x94: {  	_ =	strace s2  }
0x95: {  	s2 =	sld [smem:$0x3FFD];
	_ =	sdelay $0x3  }
0x96: {  	_ =	strace s2  }
0x97: {  	_ =	strace $0x8FFFFFFF  }
0x98: {  	s18 =	sld [smem:$0x3FDB];
	_ =	sdelay $0x1  }
0x99: {  	s19 =	simm.s32 $_scs_section_size  }
0x9a: {  	s4 =	simm.s32 $_size__tile_overlayer_lowered;
	s5 =	simm.s32 $_tile_overlayer_lowered  }
0x9b: {  	s22 =	simm.s32 $0x1BFF;
	s21 =	sshll.u32 s5, $0x1;
	s2 =	sadd.s32 s19, s18  }
0x9c: {  	s6 =	simm.s32 $0x0;
	s20 =	sshll.u32 s4, $0x1;
	s4 =	sadd.s32 s21, s2  }
0x9d: {  	[timem:s6], [sflag:s22] =	dma.local [hbm:s4], s20  }
0x9e: {  	_ =	swait.ge [sflag:s22], s20  }
0x9f: {  	s3 =	ssub.s32 $0x0, s20;
	[sflag:s22] =	ssyncset.done $0x0  }
0xa0: {  	[sflag:s22] =	ssyncadd.s32 s3;
	_ =	sdelay $0x1  }
0xa1: {  	s23 =	simm.s32 $0x1B8B  }
0xa2: {  	_ =	swait.ge [sflag:s23], $0x1  }
0xa3: {  	[sflag:s23] =	ssyncset.done $0x0  }
0xa4: {  	s25 =	simm.s32 $0x1B8E;
	s24 =	sld [smem:$0x3FFE];
	[sflag:s23] =	ssyncadd.s32 $0xFFFFFFFF  }
0xa5: {  	s26 =	simm.s32 $execute0_lowered;
	[smem:$0x3FD2] =	sst s25  }
0xa6: {  	s4 =	sshll.u32 s26, $0x1;
	_ =	strace $0x80000049;
	[dreg:$0x1] =	wrdreg $0xFFFFFFFF  }
0xa7: {  	s28 =	simm.s32 $_size_execute0_lowered;
	s2 =	sadd.s32 s2, s4;
	[dreg:$0x0] =	wrdreg $0x0  }
0xa8: {  	s4 =	sshll.u32 s28, $0x1;
	[dreg:$0x2] =	wrdreg s2  }
0xa9: {  	[dreg:$0x3] =	wrdreg s4  }
0xaa: {  	[dreg:$0x4] =	wrdreg $0xC0  }
0xab: {  	_ =	task [dreg:s6], $0x5FFFF  }
0xac: {  	[dreg:$0x1] =	wrdreg $0xFFFFFFFF  }
0xad: {  	[dreg:$0x0] =	wrdreg $0x60  }
0xae: {  	[dreg:$0x2] =	wrdreg s24  }
0xaf: {  	[dreg:$0x3] =	wrdreg $0x90000  }
0xb0: {  	[dreg:$0x4] =	wrdreg $0x9  }
0xb1: {  	_ =	task.clear_ibuf [dreg:s6], $0x5FFFF;
	_ =	strace $0x90000049  }
0xb2: {  	s29 =	simm.s32 $0x9;
	_ =	strace $0x8000004B  }
0xb3: {  	_ =	swait.ge [sflag:s29], $0x1  }
0xb4: {  	[sflag:s29] =	ssyncadd.s32 $0xFFFFFFFF  }
0xb5: {  	_ =	strace $0x9000004B  }
0xb6: {  	_ =	sfence  }
0xb7: {  	s30 =	sld [smem:$0x0];
	_ =	sdelay $0x2  }
0xb8: {  	s31 =	sshll.u32 s1, $0xD;
	s1 =	sshrl.u32 s1, $0x2  }
0xb9: {  	s3 =	sand.u32 $0x4000, s31;
	s1 =	sadd.s32 s1, s30  }
0xba: {  	s0 =	sor.u32 s3, s0;
	s1 =	sshll.u32 s1, $0x11  }
0xbb: {  	s0 =	sor.u32 s1, s0  }
0xbc: {  	s0 =	sadd.s32 $0x8F2B, s0  }
0xbd: {  	[sflag:s0] =	ssyncadd.remote.s32 $0x1  }
0xbe: {  	_ =	sfence.sel $0xFFFF  }
0xbf: {  	[dreg:$0x0] =	wrdreg $0xFFFFFFFF;
	(pc) =	sbr.abs _section_cstart, $3  }
0xc0: {  	[dreg:$0x1] =	wrdreg $0xFFFFFFFF  }
0xc1: {  	_ =	task.clear_ibuf [dreg:s6], $0x2FFFF;
	_ =	strace $0x9FFFFFFF  }
0xc2: {  	(tm) =	ssettm $0x7FFFFFFF  }
0xc3: {  	_ =	shalt  }
tec
execute0_lowered:
.L_overlay_start_1:
0x0: {  	(tag) =	ssettag $0x1  }
0x1: {  	s0 =	srdreg.scid;
	s1 =	rddreg [dreg:$0x0]  }
0x2: {  	s12 =	stileid.u32;
	s2 =	rddreg [dreg:$0x1];
	s4 =	simm.s32 $0x0  }
0x3: {  	s14 =	simm.s32 $0x11;
	s28 =	simm.s32 $0x5000;
	s15 =	simm.s32 $0x5800  }
0x4: {  	s26 =	simm.s32 $0x8800;
	s31 =	simm.s32 $0x1;
	s16 =	simm.s32 $0x4  }
0x5: {  	s29 =	simm.s32 $0xD;
	s30 =	simm.s32 $0x0;
	s0 =	sand.u32 $0x1, s0  }
0x6: {  	[smem:$0x7FF] =	sst s4;
	s6 =	smul.u32 $0x2800, s12;
	s4 =	sadd.s32 $0x2200, s1  }
0x7: {  	s8 =	sadd.s32 $0x1AC00, s1;
	s21 =	sadd.s32 $0x10E00, s1;
	s24 =	sshll.u32 s12, $0x6  }
0x8: {  	s3 =	sshll.u32 s0, $0x4;
	_ =	strace $0x8000004A;
	s7 =	smul.u32 $0x28000, s0  }
0x9: {  	s17 =	ssub.s32 $0x2, s0;
	p0 =	seq.s32 s0, $0x1;
	[dreg:$0x7] =	wrdreg s21  }
0xa: {  	s21 =	simm.s32 $0x6800;
	[dreg:$0x4] =	wrdreg s26;
	s0 =	simm.s32 $0x9  }
0xb: {  	s26 =	simm.s32 $0x6;
	s3 =	sor.u32 s12, s3;
	s10 =	sshrl.u32 s17, $0x1  }
0xc: {  	s18 =	sadd.s32 s6, s2;
	s12 =	sor.u32 $0x1C11, s24;
	s24 =	simm.s32 $0xC  }
0xd: {  	s5 =	smul.u32 $0x9, s3;
	s9 =	smin.u32 s3, $0x18;
	s7 =	sadd.s32 s6, s7  }
0xe: {  	p1 =	slt.u32 s3, $0x18;
	s6 =	sshrl.u32 s6, $0x3;
	s13 =	sshrl.u32 s18, $0x3  }
0xf: {  	s18 =	simm.s32 $0x8000;
	[dreg:$0xc] =	wrdreg s12;
	s7 =	sshrl.u32 s7, $0x3  }
0x10: {  	[dreg:$0xd] =	wrdreg s13;
	s5 =	sadd.s32 s9, s5;
	s7 =	sadd.s32 s7, s1  }
0x11: {  	s9 =	ssub.s32 s17, s10;
	s17 =	simm.s32 $0x80;
	s10 =	simm.s32 $0x8  }
0x12: {  	s5 =	sshll.u32 s5, $0x7;
	s22 =	sadd.s32 $0x1FC00, s7;
	s23 =	smax.u32 s9, $0x1  }
0x13: {  	s9 =	simm.s32 $0xA;
	s7 =	simm.s32 $0xE;
	s11 =	sadd.s32 s5, s1  }
0x14: {  	s5 =	simm.s32 $0x50;
	s1 =	sadd.s32 $0x1AA40, s1;
	[dreg:$0x9] =	wrdreg s22  }
0x15: {  	[dreg:$0xa] =	wrdreg s23;
	s23 =	simm.s32 $0x7000;
	s22 =	simm.s32 $0x5  }
0x16: {  	s5 =	simm.s32 @!p1 $0x48;
	s19 =	sadd.s32 $0x7200, s11;
	[dreg:$0x8] =	wrdreg s1  }
0x17: {  	s20 =	sadd.s32 $0x10E40, s11;
	s1 =	smov.u32 s4;
	[dreg:$0x5] =	wrdreg s19  }
0x18: {  	p1 =	sne.s32 s3, $0x1F;
	s11 =	simm.s32 $0xF;
	[dreg:$0x6] =	wrdreg s20  }
0x19: {  	s1 =	smov.u32 @p0 s8;
	s25 =	sshll.u32 s5, $0x9;
	p0 =	sgt.u32 s3, $0x17  }
0x1a: {  	s19 =	simm.s32 $0x6000;
	s8 =	simm.s32 $0x3;
	s20 =	simm.s32 $0xB  }
0x1b: {  	s1 =	sadd.s32 s1, s6;
	[dreg:$0x3] =	wrdreg s25;
	s25 =	simm.s32 $0x7800  }
0x1c: {  	s6 =	simm.s32 $0x7;
	[dreg:$0xb] =	wrdreg s1;
	s1 =	simm.s32 $0x2  }
.LBB2_1:
.Ltmp0:
0x1d: {  	s3 =	rddreg [dreg:$0xb];
	(pc) =	sbr.rel @p0 .LBB2_4-.Ltmp0, $4  }
0x1e: {  	[spmem:s13], [sflag:s12] =	dma.local [hbm:s3], $0x500  }
0x1f: {  	_ =	swait.ge [sflag:s14], $0x500  }
0x20: {  	[sflag:s14] =	ssyncset.done $0x0  }
0x21: {  	s3 =	simm.s32 $0x0;
	[dreg:$0xe] =	wrdreg s30;
	[sflag:s14] =	ssyncadd.s32 $0xFFFFFB00  }
0x22: {  	s12 =	rddreg [dreg:$0x5]  }
0x23: {  	[tilespmem:s3], [sflag:$0x11] =	stream.linear.gather [hbm4b:s12+s3], $0x2800, $0x38;
	[tilespmem:$0xB800] =	vst v63  }
0x24: {  	_ =	swait.ge [sflag:s14], $0x2800  }
0x25: {  	s13 =	simm.s32 $0x2800;
	[sflag:s14] =	ssyncset.done $0x0  }
.Ltmp1:
0x26: {  	s30 =	rddreg [dreg:$0x6];
	[sflag:s14] =	ssyncadd.s32 $0xFFFFD800;
	(pc) =	sbr.rel .LBB2_3-.Ltmp1, $4  }
0x27: {  	[tilespmem:s13], [sflag:$0x11] =	stream.linear.gather [hbm4b:s30+s3], $0x2800, $0x38;
	[tilespmem:$0xB800] =	vst v63  }
0x28: {  	_ =	swait.ge [sflag:s14], $0x2800  }
0x29: {  	[sflag:s14] =	ssyncset.done $0x0  }
0x2a: {  	[sflag:s14] =	ssyncadd.s32 $0xFFFFD800  }
.LBB2_4:
0x2b: {  	s12 =	rddreg [dreg:$0x5]  }
0x2c: {  	[tilespmem:s3], [sflag:$0x11] =	stream.linear.gather [hbm4b:s12+s3], $0x2400, $0x38;
	[tilespmem:$0xB800] =	vst v63  }
0x2d: {  	_ =	swait.ge [sflag:s14], $0x2400  }
0x2e: {  	s13 =	simm.s32 $0x2800;
	[sflag:s14] =	ssyncset.done $0x0  }
.Ltmp2:
0x2f: {  	s30 =	rddreg [dreg:$0x6];
	[sflag:s14] =	ssyncadd.s32 $0xFFFFDC00;
	(pc) =	sbr.rel @p1 .LBB2_3-.Ltmp2, $4  }
0x30: {  	[tilespmem:s13], [sflag:$0x11] =	stream.linear.gather [hbm4b:s30+s3], $0x2400, $0x38;
	[tilespmem:$0xB800] =	vst v63  }
0x31: {  	_ =	swait.ge [sflag:s14], $0x2400  }
0x32: {  	[sflag:s14] =	ssyncset.done $0x0  }
0x33: {  	[sflag:s14] =	ssyncadd.s32 $0xFFFFDC00  }
0x34: {  	s3 =	simm.s32 $0x0;
	s12 =	rddreg [dreg:$0x7];
	s13 =	simm.s32 $0x2400  }
0x35: {  	[tilespmem:s13], [sflag:$0x11] =	stream.linear.gather [hbm4b:s12+s3], $0x200, $0x38;
	[tilespmem:$0xB800] =	vst v63  }
0x36: {  	_ =	swait.ge [sflag:s14], $0x200  }
0x37: {  	[sflag:s14] =	ssyncset.done $0x0  }
0x38: {  	s30 =	simm.s32 $0x4C00;
	s12 =	rddreg [dreg:$0x8];
	[sflag:s14] =	ssyncadd.s32 $0xFFFFFE00  }
0x39: {  	[tilespmem:s30], [sflag:$0x11] =	stream.linear.gather [hbm4b:s12+s3], $0x200, $0x38;
	[tilespmem:$0xB800] =	vst v63  }
0x3a: {  	_ =	swait.ge [sflag:s14], $0x200  }
0x3b: {  	[sflag:s14] =	ssyncset.done $0x0  }
0x3c: {  	[sflag:s14] =	ssyncadd.s32 $0xFFFFFE00  }
0x3d: {  	[bflag:$0x0] =	sbarrier.arrive $0xFFFF  }
0x3e: {  	[tilespmem:s28], [sflag:$0x1] =	stream.indirect.gather [hbm4b:s4+s17], $0x10, s13, s17, $0xb8;
	[tilespmem:$0xB800] =	vst v63  }
0x3f: {  	_ =	swait.ge [sflag:s31], $0x800  }
0x40: {  	[sflag:s31] =	ssyncset.done $0x0  }
0x41: {  	[sflag:s31] =	ssyncadd.s32 $0xFFFFF800  }
0x42: {  	[spmem:s2] =	stream.indirect.scatter.add.f32 [tilespmem:s28], [sflag:$0x11], $0x10, s30, s17, $0xb8;
	[tilespmem:$0xB800] =	vst v63  }
0x43: {  	_ =	swait.ge [sflag:s14], $0x800  }
0x44: {  	[sflag:s14] =	ssyncset.done $0x0  }
0x45: {  	s12 =	simm.s32 $0x2480;
	[sflag:s14] =	ssyncadd.s32 $0xFFFFF800  }
0x46: {  	[tilespmem:s28], [sflag:$0x1] =	stream.indirect.gather [hbm4b:s4+s17], $0x10, s12, s17, $0xb8;
	[tilespmem:$0xB800] =	vst v63  }
0x47: {  	_ =	swait.ge [sflag:s31], $0x800  }
0x48: {  	[sflag:s31] =	ssyncset.done $0x0  }
0x49: {  	s13 =	simm.s32 $0x4C80;
	[sflag:s31] =	ssyncadd.s32 $0xFFFFF800  }
0x4a: {  	[spmem:s2] =	stream.indirect.scatter.add.f32 [tilespmem:s28], [sflag:$0x11], $0x10, s13, s17, $0xb8;
	[tilespmem:$0xB800] =	vst v63  }
0x4b: {  	_ =	swait.ge [sflag:s14], $0x800  }
0x4c: {  	[sflag:s14] =	ssyncset.done $0x0  }
0x4d: {  	s30 =	simm.s32 $0x2500;
	[sflag:s14] =	ssyncadd.s32 $0xFFFFF800  }
0x4e: {  	[tilespmem:s28], [sflag:$0x1] =	stream.indirect.gather [hbm4b:s4+s17], $0x10, s30, s17, $0xb8;
	[tilespmem:$0xB800] =	vst v63  }
0x4f: {  	_ =	swait.ge [sflag:s31], $0x800  }
0x50: {  	[sflag:s31] =	ssyncset.done $0x0  }
0x51: {  	s12 =	simm.s32 $0x4D00;
	[sflag:s31] =	ssyncadd.s32 $0xFFFFF800  }
0x52: {  	[spmem:s2] =	stream.indirect.scatter.add.f32 [tilespmem:s28], [sflag:$0x11], $0x10, s12, s17, $0xb8;
	[tilespmem:$0xB800] =	vst v63  }
0x53: {  	_ =	swait.ge [sflag:s14], $0x800  }
0x54: {  	[sflag:s14] =	ssyncset.done $0x0  }
0x55: {  	s13 =	simm.s32 $0x2580;
	[sflag:s14] =	ssyncadd.s32 $0xFFFFF800  }
0x56: {  	[tilespmem:s28], [sflag:$0x1] =	stream.indirect.gather [hbm4b:s4+s17], $0x10, s13, s17, $0xb8;
	[tilespmem:$0xB800] =	vst v63  }
0x57: {  	_ =	swait.ge [sflag:s31], $0x800  }
0x58: {  	[sflag:s31] =	ssyncset.done $0x0  }
.Ltmp3:
0x59: {  	s30 =	simm.s32 $0x4D80;
	[sflag:s31] =	ssyncadd.s32 $0xFFFFF800;
	(pc) =	sbr.rel .LBB2_6-.Ltmp3, $4  }
0x5a: {  	[spmem:s2] =	stream.indirect.scatter.add.f32 [tilespmem:s28], [sflag:$0x11], $0x10, s30, s17, $0xb8;
	[tilespmem:$0xB800] =	vst v63  }
0x5b: {  	_ =	swait.ge [sflag:s14], $0x800  }
0x5c: {  	[sflag:s14] =	ssyncset.done $0x0  }
0x5d: {  	[sflag:s14] =	ssyncadd.s32 $0xFFFFF800  }
.LBB2_3:
0x5e: {  	[bflag:$0x0] =	sbarrier.arrive $0xFFFF  }
.LBB2_6:
0x5f: {  	s12 =	simm.s32 $0x0  }
0x60: {  	[tilespmem:s28], [sflag:$0x1] =	stream.indirect.gather [hbm4b:s4+s17], $0x10, s12, s17, $0xb8;
	[tilespmem:$0xB800] =	vst v63  }
0x61: {  	_ = 	snop  }
0x62: {  	[tilespmem:s15], [sflag:$0x2] =	stream.indirect.gather [hbm4b:s4+s17], $0x10, s17, s17, $0xb8;
	[tilespmem:$0xB800] =	vst v63  }
0x63: {  	s3 =	simm.s32 $0x100  }
0x64: {  	[tilespmem:s19], [sflag:$0x3] =	stream.indirect.gather [hbm4b:s4+s17], $0x10, s3, s17, $0xb8;
	[tilespmem:$0xB800] =	vst v63  }
0x65: {  	s19 =	simm.s32 $0x180  }
0x66: {  	[tilespmem:s21], [sflag:$0x4] =	stream.indirect.gather [hbm4b:s4+s17], $0x10, s19, s17, $0xb8;
	[tilespmem:$0xB800] =	vst v63  }
0x67: {  	s21 =	simm.s32 $0x200  }
0x68: {  	[tilespmem:s23], [sflag:$0x5] =	stream.indirect.gather [hbm4b:s4+s17], $0x10, s21, s17, $0xb8;
	[tilespmem:$0xB800] =	vst v63  }
0x69: {  	s13 =	simm.s32 $0x7;
	s30 =	simm.s32 $0x7800;
	s23 =	simm.s32 $0x280  }
0x6a: {  	[tilespmem:s25], [sflag:$0x6] =	stream.indirect.gather [hbm4b:s4+s17], $0x10, s23, s17, $0xb8;
	[tilespmem:$0xB800] =	vst v63  }
0x6b: {  	s28 =	simm.s32 $0x7000;
	s21 =	simm.s32 $0x5800;
	s25 =	simm.s32 $0x300  }
0x6c: {  	[tilespmem:s18], [sflag:$0x7] =	stream.indirect.gather [hbm4b:s4+s17], $0x10, s25, s17, $0xb8;
	[tilespmem:$0xB800] =	vst v63  }
0x6d: {  	s23 =	simm.s32 $0x6000;
	s18 =	simm.s32 $0x8000;
	s25 =	simm.s32 $0x5000  }
.LBB2_7:
0x6e: {  	_ =	swait.ge [sflag:s31], $0x800  }
0x6f: {  	s14 =	sshra.s32 s12, $0x2;
	[sflag:s31] =	ssyncset.done $0x0  }
0x70: {  	p2 =	seq.s32 s12, $0x0;
	s3 =	sadd.s32 $0x2800, s14;
	[sflag:s31] =	ssyncadd.s32 $0xFFFFF800  }
0x71: {  	[spmem:s2] =	stream.indirect.scatter.add.f32 [tilespmem:s25], [sflag:$0x9], $0x10, s3, s17, $0xb8;
	[tilespmem:$0xB800] =	vst v63  }
0x72: {  	s3 =	simm.s32 @!p2 $0x10  }
0x73: {  	_ =	swait.ge @!p2 [sflag:s3], $0x800  }
0x74: {  	p3 =	sge.u32 s13, s5;
	[sflag:s3] =	ssyncset.done @!p2 $0x0  }
0x75: {  	[sflag:s3] =	ssyncadd.s32 @!p2 $0xFFFFF800;
	s3 =	sshra.s32 @!p3 s12, $0x2  }
0x76: {  	s15 =	simm.s32 @!p3 $0x80;
	s19 =	simm.s32 @!p3 $0x8800;
	s3 =	sadd.s32 @!p3 $0x380, s3  }
0x77: {  	[tilespmem:s19], [sflag:$0x8] =	stream.indirect.gather @!p3 [hbm4b:s4+s15], $0x10, s3, s15, $0xb8;
	[tilespmem:$0xB800] =	vst v63  }
0x78: {  	_ =	swait.ge [sflag:s1], $0x800  }
0x79: {  	[sflag:s1] =	ssyncset.done $0x0  }
0x7a: {  	s15 =	sadd.s32 $0x2880, s14;
	s19 =	sadd.s32 $0x1, s13;
	[sflag:s1] =	ssyncadd.s32 $0xFFFFF800  }
0x7b: {  	[spmem:s2] =	stream.indirect.scatter.add.f32 [tilespmem:s21], [sflag:$0xA], $0x10, s15, s17, $0xb8;
	[tilespmem:$0xB800] =	vst v63  }
0x7c: {  	p2 =	sge.u32 s19, s5;
	_ =	swait.ge [sflag:s0], $0x800  }
0x7d: {  	s3 =	sshra.s32 @!p2 s12, $0x2;
	s19 =	simm.s32 @!p2 $0x5000;
	[sflag:s0] =	ssyncset.done $0x0  }
0x7e: {  	s3 =	sadd.s32 @!p2 $0x400, s3;
	s15 =	simm.s32 @!p2 $0x80;
	[sflag:s0] =	ssyncadd.s32 $0xFFFFF800  }
0x7f: {  	[tilespmem:s19], [sflag:$0x1] =	stream.indirect.gather @!p2 [hbm4b:s4+s15], $0x10, s3, s15, $0xb8;
	[tilespmem:$0xB800] =	vst v63  }
0x80: {  	_ =	swait.ge [sflag:s8], $0x800  }
0x81: {  	[sflag:s8] =	ssyncset.done $0x0  }
0x82: {  	s15 =	sadd.s32 $0x2900, s14;
	s19 =	sadd.s32 $0x2, s13;
	[sflag:s8] =	ssyncadd.s32 $0xFFFFF800  }
0x83: {  	[spmem:s2] =	stream.indirect.scatter.add.f32 [tilespmem:s23], [sflag:$0xB], $0x10, s15, s17, $0xb8;
	[tilespmem:$0xB800] =	vst v63  }
0x84: {  	p2 =	sge.u32 s19, s5;
	_ =	swait.ge [sflag:s9], $0x800  }
0x85: {  	s3 =	sshra.s32 @!p2 s12, $0x2;
	s19 =	simm.s32 @!p2 $0x5800;
	[sflag:s9] =	ssyncset.done $0x0  }
0x86: {  	s3 =	sadd.s32 @!p2 $0x480, s3;
	s15 =	simm.s32 @!p2 $0x80;
	[sflag:s9] =	ssyncadd.s32 $0xFFFFF800  }
0x87: {  	[tilespmem:s19], [sflag:$0x2] =	stream.indirect.gather @!p2 [hbm4b:s4+s15], $0x10, s3, s15, $0xb8;
	[tilespmem:$0xB800] =	vst v63  }
0x88: {  	_ =	swait.ge [sflag:s16], $0x800  }
0x89: {  	[sflag:s16] =	ssyncset.done $0x0  }
0x8a: {  	s15 =	sadd.s32 $0x2980, s14;
	s19 =	simm.s32 $0x6800;
	[sflag:s16] =	ssyncadd.s32 $0xFFFFF800  }
0x8b: {  	[spmem:s2] =	stream.indirect.scatter.add.f32 [tilespmem:s19], [sflag:$0xC], $0x10, s15, s17, $0xb8;
	[tilespmem:$0xB800] =	vst v63  }
0x8c: {  	s19 =	sadd.s32 $0x3, s13  }
0x8d: {  	_ =	swait.ge [sflag:s20], $0x800;
	p2 =	sge.u32 s19, s5  }
0x8e: {  	[sflag:s20] =	ssyncset.done $0x0;
	s3 =	sshra.s32 @!p2 s12, $0x2;
	s15 =	simm.s32 @!p2 $0x80  }
0x8f: {  	s19 =	simm.s32 @!p2 $0x6000;
	[sflag:s20] =	ssyncadd.s32 $0xFFFFF800;
	s3 =	sadd.s32 @!p2 $0x500, s3  }
0x90: {  	[tilespmem:s19], [sflag:$0x3] =	stream.indirect.gather @!p2 [hbm4b:s4+s15], $0x10, s3, s15, $0xb8;
	[tilespmem:$0xB800] =	vst v63  }
0x91: {  	_ =	swait.ge [sflag:s22], $0x800  }
0x92: {  	[sflag:s22] =	ssyncset.done $0x0  }
0x93: {  	s15 =	sadd.s32 $0x2A00, s14;
	s19 =	sadd.s32 $0x4, s13;
	[sflag:s22] =	ssyncadd.s32 $0xFFFFF800  }
0x94: {  	[spmem:s2] =	stream.indirect.scatter.add.f32 [tilespmem:s28], [sflag:$0xD], $0x10, s15, s17, $0xb8;
	[tilespmem:$0xB800] =	vst v63  }
0x95: {  	p2 =	sge.u32 s19, s5;
	_ =	swait.ge [sflag:s24], $0x800  }
0x96: {  	s3 =	sshra.s32 @!p2 s12, $0x2;
	s19 =	simm.s32 @!p2 $0x6800;
	[sflag:s24] =	ssyncset.done $0x0  }
0x97: {  	s3 =	sadd.s32 @!p2 $0x580, s3;
	s15 =	simm.s32 @!p2 $0x80;
	[sflag:s24] =	ssyncadd.s32 $0xFFFFF800  }
0x98: {  	[tilespmem:s19], [sflag:$0x4] =	stream.indirect.gather @!p2 [hbm4b:s4+s15], $0x10, s3, s15, $0xb8;
	[tilespmem:$0xB800] =	vst v63  }
0x99: {  	_ =	swait.ge [sflag:s26], $0x800  }
0x9a: {  	[sflag:s26] =	ssyncset.done $0x0  }
0x9b: {  	s15 =	sadd.s32 $0x2A80, s14;
	s19 =	sadd.s32 $0x5, s13;
	[sflag:s26] =	ssyncadd.s32 $0xFFFFF800  }
0x9c: {  	[spmem:s2] =	stream.indirect.scatter.add.f32 [tilespmem:s30], [sflag:$0xE], $0x10, s15, s17, $0xb8;
	[tilespmem:$0xB800] =	vst v63  }
0x9d: {  	p2 =	sge.u32 s19, s5;
	_ =	swait.ge [sflag:s29], $0x800  }
0x9e: {  	s3 =	sshra.s32 @!p2 s12, $0x2;
	s19 =	simm.s32 @!p2 $0x7000;
	[sflag:s29] =	ssyncset.done $0x0  }
0x9f: {  	s3 =	sadd.s32 @!p2 $0x600, s3;
	s15 =	simm.s32 @!p2 $0x80;
	[sflag:s29] =	ssyncadd.s32 $0xFFFFF800  }
0xa0: {  	[tilespmem:s19], [sflag:$0x5] =	stream.indirect.gather @!p2 [hbm4b:s4+s15], $0x10, s3, s15, $0xb8;
	[tilespmem:$0xB800] =	vst v63  }
0xa1: {  	_ =	swait.ge [sflag:s6], $0x800  }
0xa2: {  	[sflag:s6] =	ssyncset.done $0x0  }
0xa3: {  	s15 =	sadd.s32 $0x2B00, s14;
	s19 =	sadd.s32 $0x6, s13;
	[sflag:s6] =	ssyncadd.s32 $0xFFFFF800  }
0xa4: {  	[spmem:s2] =	stream.indirect.scatter.add.f32 [tilespmem:s18], [sflag:$0xF], $0x10, s15, s17, $0xb8;
	[tilespmem:$0xB800] =	vst v63  }
0xa5: {  	p2 =	sge.u32 s19, s5;
	_ =	swait.ge [sflag:s7], $0x800  }
0xa6: {  	s3 =	sshra.s32 @!p2 s12, $0x2;
	s19 =	simm.s32 @!p2 $0x7800;
	[sflag:s7] =	ssyncset.done $0x0  }
0xa7: {  	s3 =	sadd.s32 @!p2 $0x680, s3;
	s15 =	simm.s32 @!p2 $0x80;
	[sflag:s7] =	ssyncadd.s32 $0xFFFFF800  }
0xa8: {  	[tilespmem:s19], [sflag:$0x6] =	stream.indirect.gather @!p2 [hbm4b:s4+s15], $0x10, s3, s15, $0xb8;
	[tilespmem:$0xB800] =	vst v63  }
0xa9: {  	_ =	swait.ge [sflag:s10], $0x800  }
0xaa: {  	s14 =	sadd.s32 $0x2B80, s14;
	s19 =	sadd.s32 $0x7, s13;
	[sflag:s10] =	ssyncset.done $0x0  }
0xab: {  	p2 =	sge.u32 s19, s5;
	s15 =	rddreg [dreg:$0x4];
	[sflag:s10] =	ssyncadd.s32 $0xFFFFF800  }
0xac: {  	[spmem:s2] =	stream.indirect.scatter.add.f32 [tilespmem:s15], [sflag:$0x10], $0x10, s14, s17, $0xb8;
	[tilespmem:$0xB800] =	vst v63  }
0xad: {  	s3 =	sshra.s32 @!p2 s12, $0x2;
	s12 =	sadd.s32 $0x1000, s12;
	_ =	swait.ge [sflag:s11], $0x800  }
0xae: {  	s3 =	sadd.s32 @!p2 $0x700, s3;
	s14 =	simm.s32 @!p2 $0x80;
	[sflag:s11] =	ssyncset.done $0x0  }
0xaf: {  	s15 =	simm.s32 @!p2 $0x8000;
	s19 =	rddreg [dreg:$0x3];
	[sflag:s11] =	ssyncadd.s32 $0xFFFFF800  }
0xb0: {  	[tilespmem:s15], [sflag:$0x7] =	stream.indirect.gather @!p2 [hbm4b:s4+s14], $0x10, s3, s14, $0xb8;
	[tilespmem:$0xB800] =	vst v63  }
0xb1: {  	p2 =	sne.s32 s19, s12  }
.Ltmp4:
0xb2: {  	_ = 	snop;
	(pc) =	sbr.rel @p2 .LBB2_7-.Ltmp4, $2  }
0xb3: {  	_ =	sdelay $0x2  }
0xb4: {  	s13 =	sadd.s32 $0x8, s13  }
0xb5: {  	s3 =	simm.s32 $0x10  }
0xb6: {  	_ =	swait.ge [sflag:s3], $0x800  }
0xb7: {  	[sflag:s3] =	ssyncset.done $0x0  }
0xb8: {  	[sflag:s3] =	ssyncadd.s32 $0xFFFFF800  }
0xb9: {  	[bflag:$0x0] =	sbarrier.arrive $0xFFFF  }
0xba: {  	s23 =	rddreg [dreg:$0x9]  }
0xbb: {  	s12 =	rddreg [dreg:$0xc]  }
0xbc: {  	s14 =	simm.s32 $0x11;
	s13 =	rddreg [dreg:$0xd]  }
0xbd: {  	[hbm:s23], [sflag:s12] =	dma.local [spmem:s13], $0x500  }
0xbe: {  	_ =	swait.ge [sflag:s14], $0x500  }
0xbf: {  	s30 =	rddreg [dreg:$0xe]  }
0xc0: {  	s25 =	rddreg [dreg:$0xa];
	s30 =	sadd.s32 $0x1, s30  }
0xc1: {  	p2 =	sne.s32 s30, s25  }
.Ltmp5:
0xc2: {  	_ = 	snop;
	(pc) =	sbr.rel @p2 .LBB2_1-.Ltmp5, $4  }
0xc3: {  	_ = 	snop  }
0xc4: {  	s15 =	simm.s32 $0x5800;
	s19 =	simm.s32 $0x6000;
	s21 =	simm.s32 $0x6800  }
0xc5: {  	s18 =	simm.s32 $0x8000;
	s28 =	simm.s32 $0x5000;
	[sflag:s14] =	ssyncset.done $0x0  }
0xc6: {  	s23 =	simm.s32 $0x7000;
	[sflag:s14] =	ssyncadd.s32 $0xFFFFFB00;
	s25 =	simm.s32 $0x7800  }
0xc7: {  	_ =	sfence.sel $0x180000  }
0xc8: {  	[bflag:$0x0] =	sbarrier.arrive $0xFFFF  }
0xc9: {  	_ =	strace $0x9000004A  }
0xca: {  	s0 =	stileid.u32;
	[bflag:$0x2] =	sbarrier.arrive $0xFFFF  }
0xcb: {  	p0 =	sne.s32 s0, $0x0;
	s0 =	rddreg [dreg:$0x2]  }
0xcc: {  	s0 =	sadd.s32 @!p0 $0x100000, s0  }
0xcd: {  	[sflag:s0] =	ssyncadd.tile.s32 @!p0 $0x1;
	_ =	shalt  }
.Lfunc_end2:
_tile_overlayer_lowered:
.L_overlay_start_2:
0xce: {  	(tag) =	ssettag $0x2  }
0xcf: {  	s0 =	rddreg [dreg:$0x0];
	s2 =	stileid.u32  }
0xd0: {  	s1 =	rddreg [dreg:$0x1];
	p0 =	sne.s32 s2, $0x0  }
0xd1: {  	s3 =	rddreg [dreg:$0x2];
	[bflag:$0x3] =	sbarrier.arrive $0xFFFF;
	s2 =	simm.s32 @!p0 $0x1C11  }
0xd2: {  	[timem:s3], [sflag:s2] =	dma.local @!p0 [hbm:s0], s1  }
0xd3: {  	s0 =	simm.s32 @!p0 $0x11  }
0xd4: {  	_ =	swait.ge @!p0 [sflag:s0], s1  }
0xd5: {  	s1 =	ssub.s32 @!p0 $0x0, s1;
	[sflag:s0] =	ssyncset.done @!p0 $0x0  }
0xd6: {  	[sflag:s0] =	ssyncadd.s32 @!p0 s1  }
0xd7: {  	[bflag:$0x3] =	sbarrier.arrive $0xFFFF  }
0xd8: {  	_ =	shalt  }

// kernel: kernel.7.cloned.1.call-start
scs
__scs_entry_jumppad:
0x0: {  	(pc) =	sbr.rel $0x88, $3  }
0x1: {  	(tag) =	ssettag $0x0;
	lr =	simm.s32 $0x1  }
0x2: {  	[smem:$0x3F97] =	sst lr;
	_ =	strace $0xD0000000  }
0x3: {  	_ = 	snop  }
0x4: {  	_ = 	snop  }
0x5: {  	_ = 	snop  }
0x6: {  	_ = 	snop  }
0x7: {  	_ = 	snop  }
__scs_overlays_trampoline_lowered:
0x8: {  	[smem:$0x3FA6] =	sst s0  }
0x9: {  	[smem:$0x3FA7] =	sst s1  }
0xa: {  	[smem:$0x3FA8] =	sst s2  }
0xb: {  	[smem:$0x3FA9] =	sst s3  }
0xc: {  	[smem:$0x3FAA] =	sst s4  }
0xd: {  	[smem:$0x3FAB] =	sst s5  }
0xe: {  	[smem:$0x3FAC] =	sst s6  }
0xf: {  	[smem:$0x3FAD] =	sst s7  }
0x10: {  	[smem:$0x3FAE] =	sst s8  }
0x11: {  	[smem:$0x3FAF] =	sst s9;
	s0 =	simm.s32 @!p0 $0x0  }
0x12: {  	s1 =	sld [smem:$0x3F95];
	s0 =	simm.s32 @p0 $0x1  }
0x13: {  	[smem:$0x3FB0] =	sst s0;
	s0 =	simm.s32 @!p1 $0x0  }
0x14: {  	s2 =	sld [smem:$0x3F94];
	s0 =	simm.s32 @p1 $0x1  }
0x15: {  	[smem:$0x3FB1] =	sst s0;
	s0 =	simm.s32 @!p2 $0x0  }
0x16: {  	s3 =	sld [smem:$0x3FDB];
	s0 =	simm.s32 @p2 $0x1  }
0x17: {  	s4 =	simm.s32 $0x1BF5;
	[smem:$0x3FB3] =	sst s0  }
0x18: {  	s0 =	sld [smem:$0x3F96];
	_ =	swait.ge [sflag:s4], $0x0  }
0x19: {  	s7 =	sld [smem:$0x3F97]  }
0x1a: {  	s8 =	sadd.s32 $0xFFFFE003, lr  }
0x1b: {  	s9 =	sadd.s32 $0xFFFFFEF7, lr;
	s5 =	simm.s32 $0xFFFFFFFF;
	p2 =	slt.u32 s8, $0xFFFFF086  }
0x1c: {  	p1 =	slt.u32 s9, $0xF7A;
	s5 =	simm.s32 @!p2 $0x0  }
0x1d: {  	s5 =	simm.s32 @p1 $0x1;
	p0 =	seq.s32 s7, s2  }
0x1e: {  	s7 =	smul.u32 @!p0 $0xF7A, s2;
	p2 =	seq.s32 @!p0 s5, $0x0  }
0x1f: {  	s9 =	smul.u32 $0xF7A, s1;
	s8 =	simm.s32 @!p0 $0x1BF5;
	p2 =	por !p2, p0  }
0x20: {  	[sflag:s8] =	ssyncset.s32 @!p0 $0xFFFFF086;
	s6 =	sadd.s32 @!p0 s3, s7;
	s7 =	simm.s32 @!p0 $0x108  }
0x21: {  	s3 =	sadd.s32 s3, s9;
	s6 =	sadd.s32 @!p0 $0x88, s6;
	s7 =	simm.s32 @p2 $0x1082  }
0x22: {  	[simem:s7], [sflag:s8] =	dma.local @!p0 [hbm:s6], $0xF7A  }
0x23: {  	s9 =	sor.u32 $0xD0000000, s2;
	s6 =	simm.s32 $0x108;
	_ =	swait.ge @!p0 [sflag:s8], $0x0  }
0x24: {  	s3 =	sadd.s32 $0x88, s3;
	s6 =	simm.s32 @!p1 $0x1082;
	[sflag:s4] =	ssyncset.s32 $0xFFFFF086  }
0x25: {  	[simem:s6], [sflag:s4] =	dma.local [hbm:s3], $0xF7A  }
0x26: {  	[smem:$0x3F97] =	sst s1;
	(tag) =	ssettag s2;
	_ =	strace s9  }
0x27: {  	s1 =	sld [smem:$0x3FA7]  }
0x28: {  	s2 =	sld [smem:$0x3FA8]  }
0x29: {  	s4 =	sld [smem:$0x3FAA]  }
0x2a: {  	p0 =	seq.s32 s5, $0x0;
	s5 =	sld [smem:$0x3FAB]  }
0x2b: {  	s6 =	sld [smem:$0x3FAC]  }
0x2c: {  	s7 =	sld [smem:$0x3FAD]  }
0x2d: {  	s3 =	simm.s32 $0x108;
	s8 =	sld [smem:$0x3FAE]  }
0x2e: {  	s3 =	simm.s32 @!p0 $0x1082;
	s9 =	sld [smem:$0x3FAF]  }
0x2f: {  	lr =	sadd.s32 s0, s3;
	s0 =	sld [smem:$0x3FA6]  }
0x30: {  	s3 =	sld [smem:$0x3FA9]  }
0x31: {  	[smem:$0x3FB2] =	sst s10  }
0x32: {  	s10 =	sld [smem:$0x3FB0];
	_ =	sdelay $0x3  }
0x33: {  	p0 =	seq.s32 s10, $0x1;
	s10 =	sld [smem:$0x3FB2];
	_ =	sdelay $0x3  }
0x34: {  	[smem:$0x3FB2] =	sst s10  }
0x35: {  	s10 =	sld [smem:$0x3FB1];
	_ =	sdelay $0x3  }
0x36: {  	p1 =	seq.s32 s10, $0x1;
	s10 =	sld [smem:$0x3FB2];
	_ =	sdelay $0x3  }
0x37: {  	[smem:$0x3FB2] =	sst s10  }
0x38: {  	s10 =	sld [smem:$0x3FB3]  }
0x39: {  	_ = 	snop;
	(pc) =	sbr.ind lr, $3  }
0x3a: {  	_ = 	snop  }
0x3b: {  	_ = 	snop  }
0x3c: {  	p2 =	seq.s32 s10, $0x1;
	s10 =	sld [smem:$0x3FB2]  }
0x3d: {  	_ =	shalt  }
0x3e: {  	_ =	shalt  }
0x3f: {  	_ =	shalt  }
0x40: {  	_ =	shalt  }
0x41: {  	_ =	shalt  }
0x42: {  	_ =	shalt  }
0x43: {  	_ =	shalt  }
0x44: {  	_ =	shalt  }
0x45: {  	_ =	shalt  }
0x46: {  	_ =	shalt  }
0x47: {  	_ =	shalt  }
0x48: {  	_ =	shalt  }
0x49: {  	_ =	shalt  }
0x4a: {  	_ =	shalt  }
0x4b: {  	_ =	shalt  }
0x4c: {  	_ =	shalt  }
0x4d: {  	_ =	shalt  }
0x4e: {  	_ =	shalt  }
0x4f: {  	_ =	shalt  }
0x50: {  	_ =	shalt  }
0x51: {  	_ =	shalt  }
0x52: {  	_ =	shalt  }
0x53: {  	_ =	shalt  }
0x54: {  	_ =	shalt  }
0x55: {  	_ =	shalt  }
0x56: {  	_ =	shalt  }
0x57: {  	_ =	shalt  }
0x58: {  	_ =	shalt  }
0x59: {  	_ =	shalt  }
0x5a: {  	_ =	shalt  }
0x5b: {  	_ =	shalt  }
0x5c: {  	_ =	shalt  }
0x5d: {  	_ =	shalt  }
0x5e: {  	_ =	shalt  }
0x5f: {  	_ =	shalt  }
0x60: {  	_ =	shalt  }
0x61: {  	_ =	shalt  }
0x62: {  	_ =	shalt  }
0x63: {  	_ =	shalt  }
0x64: {  	_ =	shalt  }
0x65: {  	_ =	shalt  }
0x66: {  	_ =	shalt  }
0x67: {  	_ =	shalt  }
0x68: {  	_ =	shalt  }
0x69: {  	_ =	shalt  }
0x6a: {  	_ =	shalt  }
0x6b: {  	_ =	shalt  }
0x6c: {  	_ =	shalt  }
0x6d: {  	_ =	shalt  }
0x6e: {  	_ =	shalt  }
0x6f: {  	_ =	shalt  }
0x70: {  	_ =	shalt  }
0x71: {  	_ =	shalt  }
0x72: {  	_ =	shalt  }
0x73: {  	_ =	shalt  }
0x74: {  	_ =	shalt  }
0x75: {  	_ =	shalt  }
0x76: {  	_ =	shalt  }
0x77: {  	_ =	shalt  }
0x78: {  	_ =	shalt  }
0x79: {  	_ =	shalt  }
0x7a: {  	_ =	shalt  }
0x7b: {  	_ =	shalt  }
0x7c: {  	_ =	shalt  }
0x7d: {  	_ =	shalt  }
0x7e: {  	_ =	shalt  }
0x7f: {  	_ =	shalt  }
0x80: {  	_ =	shalt  }
0x81: {  	_ =	shalt  }
0x82: {  	_ =	shalt  }
0x83: {  	_ =	shalt  }
0x84: {  	_ =	shalt  }
0x85: {  	_ =	shalt  }
0x86: {  	_ =	shalt  }
0x87: {  	_ =	shalt  }
.Lfunc_end0:
.L_simem_size_0:
called_computation_lowered:
.L_overlay_start_0:
0x88: {  	s2 =	sld [smem:$0x3FD9]  }
0x89: {  	s3 =	sld [smem:$0x3FFE];
	_ =	sdelay $0x1  }
0x8a: {  	s1 =	srdreg.scid  }
0x8b: {  	s0 =	sand.u32 $0x1, s1  }
0x8c: {  	s16 =	sshll.u32 s0, $0xA;
	s2 =	sadd.s32 s3, s2  }
0x8d: {  	s2 =	sadd.s32 s2, s16  }
0x8e: {  	[smem:$0x3FBE] =	sst s2  }
0x8f: {  	_ = 	snop  }
0x90: {  	(tm) =	ssettm $0x1  }
0x91: {  	s17 =	sld [smem:$0x3FFB];
	_ =	sdelay $0x3  }
0x92: {  	_ =	strace s17  }
0x93: {  	s2 =	sld [smem:$0x3FFC];
	_ =	sdelay $0x3  }
0x94: {  	_ =	strace s2  }
0x95: {  	s2 =	sld [smem:$0x3FFD];
	_ =	sdelay $0x3  }
0x96: {  	_ =	strace s2  }
0x97: {  	_ =	strace $0x8FFFFFFF  }
0x98: {  	s18 =	sld [smem:$0x3FDB];
	_ =	sdelay $0x1  }
0x99: {  	s19 =	simm.s32 $_scs_section_size  }
0x9a: {  	s4 =	simm.s32 $_size__tile_overlayer_lowered;
	s5 =	simm.s32 $_tile_overlayer_lowered  }
0x9b: {  	s22 =	simm.s32 $0x1BFF;
	s21 =	sshll.u32 s5, $0x1;
	s2 =	sadd.s32 s19, s18  }
0x9c: {  	s6 =	simm.s32 $0x0;
	s20 =	sshll.u32 s4, $0x1;
	s4 =	sadd.s32 s21, s2  }
0x9d: {  	[timem:s6], [sflag:s22] =	dma.local [hbm:s4], s20  }
0x9e: {  	_ =	swait.ge [sflag:s22], s20  }
0x9f: {  	s3 =	ssub.s32 $0x0, s20;
	[sflag:s22] =	ssyncset.done $0x0  }
0xa0: {  	[sflag:s22] =	ssyncadd.s32 s3;
	_ =	sdelay $0x1  }
0xa1: {  	s23 =	simm.s32 $0x1B8B  }
0xa2: {  	_ =	swait.ge [sflag:s23], $0x1  }
0xa3: {  	[sflag:s23] =	ssyncset.done $0x0  }
0xa4: {  	s25 =	simm.s32 $0x1B8E;
	s24 =	sld [smem:$0x3FFE];
	[sflag:s23] =	ssyncadd.s32 $0xFFFFFFFF  }
0xa5: {  	s26 =	simm.s32 $execute0_lowered;
	[smem:$0x3FD2] =	sst s25  }
0xa6: {  	s4 =	sshll.u32 s26, $0x1;
	_ =	strace $0x80000046;
	[dreg:$0x1] =	wrdreg $0xFFFFFFFF  }
0xa7: {  	s28 =	simm.s32 $_size_execute0_lowered;
	s2 =	sadd.s32 s2, s4;
	[dreg:$0x0] =	wrdreg $0x0  }
0xa8: {  	s4 =	sshll.u32 s28, $0x1;
	[dreg:$0x2] =	wrdreg s2  }
0xa9: {  	[dreg:$0x3] =	wrdreg s4  }
0xaa: {  	[dreg:$0x4] =	wrdreg $0xC0  }
0xab: {  	_ =	task [dreg:s6], $0x5FFFF  }
0xac: {  	[dreg:$0x1] =	wrdreg $0xFFFFFFFF  }
0xad: {  	[dreg:$0x0] =	wrdreg $0x60  }
0xae: {  	[dreg:$0x2] =	wrdreg s24  }
0xaf: {  	[dreg:$0x3] =	wrdreg $0x90000  }
0xb0: {  	[dreg:$0x4] =	wrdreg $0x9  }
0xb1: {  	_ =	task.clear_ibuf [dreg:s6], $0x5FFFF;
	_ =	strace $0x90000046  }
0xb2: {  	s29 =	simm.s32 $0x9;
	_ =	strace $0x80000048  }
0xb3: {  	_ =	swait.ge [sflag:s29], $0x1  }
0xb4: {  	[sflag:s29] =	ssyncadd.s32 $0xFFFFFFFF  }
0xb5: {  	_ =	strace $0x90000048  }
0xb6: {  	_ =	sfence  }
0xb7: {  	s30 =	sld [smem:$0x0];
	_ =	sdelay $0x2  }
0xb8: {  	s31 =	sshll.u32 s1, $0xD;
	s1 =	sshrl.u32 s1, $0x2  }
0xb9: {  	s3 =	sand.u32 $0x4000, s31;
	s1 =	sadd.s32 s1, s30  }
0xba: {  	s0 =	sor.u32 s3, s0;
	s1 =	sshll.u32 s1, $0x11  }
0xbb: {  	s0 =	sor.u32 s1, s0  }
0xbc: {  	s0 =	sadd.s32 $0x8F2B, s0  }
0xbd: {  	[sflag:s0] =	ssyncadd.remote.s32 $0x1  }
0xbe: {  	_ =	sfence.sel $0xFFFF  }
0xbf: {  	[dreg:$0x0] =	wrdreg $0xFFFFFFFF;
	(pc) =	sbr.abs _section_cstart, $3  }
0xc0: {  	[dreg:$0x1] =	wrdreg $0xFFFFFFFF  }
0xc1: {  	_ =	task.clear_ibuf [dreg:s6], $0x2FFFF;
	_ =	strace $0x9FFFFFFF  }
0xc2: {  	(tm) =	ssettm $0x7FFFFFFF  }
0xc3: {  	_ =	shalt  }
tec
execute0_lowered:
.L_overlay_start_1:
0x0: {  	(tag) =	ssettag $0x1  }
0x1: {  	s0 =	srdreg.scid;
	s1 =	rddreg [dreg:$0x0]  }
0x2: {  	s12 =	stileid.u32;
	s2 =	rddreg [dreg:$0x1];
	s4 =	simm.s32 $0x0  }
0x3: {  	s14 =	simm.s32 $0x11;
	s28 =	simm.s32 $0x5000;
	s15 =	simm.s32 $0x5800  }
0x4: {  	s26 =	simm.s32 $0x8800;
	s31 =	simm.s32 $0x1;
	s16 =	simm.s32 $0x4  }
0x5: {  	s29 =	simm.s32 $0xD;
	s30 =	simm.s32 $0x0;
	s0 =	sand.u32 $0x1, s0  }
0x6: {  	[smem:$0x7FF] =	sst s4;
	s6 =	smul.u32 $0x2800, s12;
	s4 =	sadd.s32 $0x2200, s1  }
0x7: {  	s8 =	sadd.s32 $0x1AC00, s1;
	s21 =	sadd.s32 $0x10E00, s1;
	s24 =	sshll.u32 s12, $0x6  }
0x8: {  	s3 =	sshll.u32 s0, $0x4;
	_ =	strace $0x80000047;
	s7 =	smul.u32 $0x28000, s0  }
0x9: {  	s17 =	ssub.s32 $0x2, s0;
	p0 =	seq.s32 s0, $0x1;
	[dreg:$0x7] =	wrdreg s21  }
0xa: {  	s21 =	simm.s32 $0x6800;
	[dreg:$0x4] =	wrdreg s26;
	s0 =	simm.s32 $0x9  }
0xb: {  	s26 =	simm.s32 $0x6;
	s3 =	sor.u32 s12, s3;
	s10 =	sshrl.u32 s17, $0x1  }
0xc: {  	s18 =	sadd.s32 s6, s2;
	s12 =	sor.u32 $0x1C11, s24;
	s24 =	simm.s32 $0xC  }
0xd: {  	s5 =	smul.u32 $0x9, s3;
	s9 =	smin.u32 s3, $0x18;
	s7 =	sadd.s32 s6, s7  }
0xe: {  	p1 =	slt.u32 s3, $0x18;
	s6 =	sshrl.u32 s6, $0x3;
	s13 =	sshrl.u32 s18, $0x3  }
0xf: {  	s18 =	simm.s32 $0x8000;
	[dreg:$0xc] =	wrdreg s12;
	s7 =	sshrl.u32 s7, $0x3  }
0x10: {  	[dreg:$0xd] =	wrdreg s13;
	s5 =	sadd.s32 s9, s5;
	s7 =	sadd.s32 s7, s1  }
0x11: {  	s9 =	ssub.s32 s17, s10;
	s17 =	simm.s32 $0x80;
	s10 =	simm.s32 $0x8  }
0x12: {  	s5 =	sshll.u32 s5, $0x7;
	s22 =	sadd.s32 $0x1FC00, s7;
	s23 =	smax.u32 s9, $0x1  }
0x13: {  	s9 =	simm.s32 $0xA;
	s7 =	simm.s32 $0xE;
	s11 =	sadd.s32 s5, s1  }
0x14: {  	s5 =	simm.s32 $0x50;
	s1 =	sadd.s32 $0x1AA40, s1;
	[dreg:$0x9] =	wrdreg s22  }
0x15: {  	[dreg:$0xa] =	wrdreg s23;
	s23 =	simm.s32 $0x7000;
	s22 =	simm.s32 $0x5  }
0x16: {  	s5 =	simm.s32 @!p1 $0x48;
	s19 =	sadd.s32 $0x7200, s11;
	[dreg:$0x8] =	wrdreg s1  }
0x17: {  	s20 =	sadd.s32 $0x10E40, s11;
	s1 =	smov.u32 s4;
	[dreg:$0x5] =	wrdreg s19  }
0x18: {  	p1 =	sne.s32 s3, $0x1F;
	s11 =	simm.s32 $0xF;
	[dreg:$0x6] =	wrdreg s20  }
0x19: {  	s1 =	smov.u32 @p0 s8;
	s25 =	sshll.u32 s5, $0x9;
	p0 =	sgt.u32 s3, $0x17  }
0x1a: {  	s19 =	simm.s32 $0x6000;
	s8 =	simm.s32 $0x3;
	s20 =	simm.s32 $0xB  }
0x1b: {  	s1 =	sadd.s32 s1, s6;
	[dreg:$0x3] =	wrdreg s25;
	s25 =	simm.s32 $0x7800  }
0x1c: {  	s6 =	simm.s32 $0x7;
	[dreg:$0xb] =	wrdreg s1;
	s1 =	simm.s32 $0x2  }
.LBB2_1:
.Ltmp0:
0x1d: {  	s3 =	rddreg [dreg:$0xb];
	(pc) =	sbr.rel @p0 .LBB2_4-.Ltmp0, $4  }
0x1e: {  	[spmem:s13], [sflag:s12] =	dma.local [hbm:s3], $0x500  }
0x1f: {  	_ =	swait.ge [sflag:s14], $0x500  }
0x20: {  	[sflag:s14] =	ssyncset.done $0x0  }
0x21: {  	s3 =	simm.s32 $0x0;
	[dreg:$0xe] =	wrdreg s30;
	[sflag:s14] =	ssyncadd.s32 $0xFFFFFB00  }
0x22: {  	s12 =	rddreg [dreg:$0x5]  }
0x23: {  	[tilespmem:s3], [sflag:$0x11] =	stream.linear.gather [hbm4b:s12+s3], $0x2800, $0x38;
	[tilespmem:$0xB800] =	vst v63  }
0x24: {  	_ =	swait.ge [sflag:s14], $0x2800  }
0x25: {  	s13 =	simm.s32 $0x2800;
	[sflag:s14] =	ssyncset.done $0x0  }
.Ltmp1:
0x26: {  	s30 =	rddreg [dreg:$0x6];
	[sflag:s14] =	ssyncadd.s32 $0xFFFFD800;
	(pc) =	sbr.rel .LBB2_3-.Ltmp1, $4  }
0x27: {  	[tilespmem:s13], [sflag:$0x11] =	stream.linear.gather [hbm4b:s30+s3], $0x2800, $0x38;
	[tilespmem:$0xB800] =	vst v63  }
0x28: {  	_ =	swait.ge [sflag:s14], $0x2800  }
0x29: {  	[sflag:s14] =	ssyncset.done $0x0  }
0x2a: {  	[sflag:s14] =	ssyncadd.s32 $0xFFFFD800  }
.LBB2_4:
0x2b: {  	s12 =	rddreg [dreg:$0x5]  }
0x2c: {  	[tilespmem:s3], [sflag:$0x11] =	stream.linear.gather [hbm4b:s12+s3], $0x2400, $0x38;
	[tilespmem:$0xB800] =	vst v63  }
0x2d: {  	_ =	swait.ge [sflag:s14], $0x2400  }
0x2e: {  	s13 =	simm.s32 $0x2800;
	[sflag:s14] =	ssyncset.done $0x0  }
.Ltmp2:
0x2f: {  	s30 =	rddreg [dreg:$0x6];
	[sflag:s14] =	ssyncadd.s32 $0xFFFFDC00;
	(pc) =	sbr.rel @p1 .LBB2_3-.Ltmp2, $4  }
0x30: {  	[tilespmem:s13], [sflag:$0x11] =	stream.linear.gather [hbm4b:s30+s3], $0x2400, $0x38;
	[tilespmem:$0xB800] =	vst v63  }
0x31: {  	_ =	swait.ge [sflag:s14], $0x2400  }
0x32: {  	[sflag:s14] =	ssyncset.done $0x0  }
0x33: {  	[sflag:s14] =	ssyncadd.s32 $0xFFFFDC00  }
0x34: {  	s3 =	simm.s32 $0x0;
	s12 =	rddreg [dreg:$0x7];
	s13 =	simm.s32 $0x2400  }
0x35: {  	[tilespmem:s13], [sflag:$0x11] =	stream.linear.gather [hbm4b:s12+s3], $0x200, $0x38;
	[tilespmem:$0xB800] =	vst v63  }
0x36: {  	_ =	swait.ge [sflag:s14], $0x200  }
0x37: {  	[sflag:s14] =	ssyncset.done $0x0  }
0x38: {  	s30 =	simm.s32 $0x4C00;
	s12 =	rddreg [dreg:$0x8];
	[sflag:s14] =	ssyncadd.s32 $0xFFFFFE00  }
0x39: {  	[tilespmem:s30], [sflag:$0x11] =	stream.linear.gather [hbm4b:s12+s3], $0x200, $0x38;
	[tilespmem:$0xB800] =	vst v63  }
0x3a: {  	_ =	swait.ge [sflag:s14], $0x200  }
0x3b: {  	[sflag:s14] =	ssyncset.done $0x0  }
0x3c: {  	[sflag:s14] =	ssyncadd.s32 $0xFFFFFE00  }
0x3d: {  	[bflag:$0x0] =	sbarrier.arrive $0xFFFF  }
0x3e: {  	[tilespmem:s28], [sflag:$0x1] =	stream.indirect.gather [hbm4b:s4+s17], $0x10, s13, s17, $0xb8;
	[tilespmem:$0xB800] =	vst v63  }
0x3f: {  	_ =	swait.ge [sflag:s31], $0x800  }
0x40: {  	[sflag:s31] =	ssyncset.done $0x0  }
0x41: {  	[sflag:s31] =	ssyncadd.s32 $0xFFFFF800  }
0x42: {  	[spmem:s2] =	stream.indirect.scatter.add.f32 [tilespmem:s28], [sflag:$0x11], $0x10, s30, s17, $0xb8;
	[tilespmem:$0xB800] =	vst v63  }
0x43: {  	_ =	swait.ge [sflag:s14], $0x800  }
0x44: {  	[sflag:s14] =	ssyncset.done $0x0  }
0x45: {  	s12 =	simm.s32 $0x2480;
	[sflag:s14] =	ssyncadd.s32 $0xFFFFF800  }
0x46: {  	[tilespmem:s28], [sflag:$0x1] =	stream.indirect.gather [hbm4b:s4+s17], $0x10, s12, s17, $0xb8;
	[tilespmem:$0xB800] =	vst v63  }
0x47: {  	_ =	swait.ge [sflag:s31], $0x800  }
0x48: {  	[sflag:s31] =	ssyncset.done $0x0  }
0x49: {  	s13 =	simm.s32 $0x4C80;
	[sflag:s31] =	ssyncadd.s32 $0xFFFFF800  }
0x4a: {  	[spmem:s2] =	stream.indirect.scatter.add.f32 [tilespmem:s28], [sflag:$0x11], $0x10, s13, s17, $0xb8;
	[tilespmem:$0xB800] =	vst v63  }
0x4b: {  	_ =	swait.ge [sflag:s14], $0x800  }
0x4c: {  	[sflag:s14] =	ssyncset.done $0x0  }
0x4d: {  	s30 =	simm.s32 $0x2500;
	[sflag:s14] =	ssyncadd.s32 $0xFFFFF800  }
0x4e: {  	[tilespmem:s28], [sflag:$0x1] =	stream.indirect.gather [hbm4b:s4+s17], $0x10, s30, s17, $0xb8;
	[tilespmem:$0xB800] =	vst v63  }
0x4f: {  	_ =	swait.ge [sflag:s31], $0x800  }
0x50: {  	[sflag:s31] =	ssyncset.done $0x0  }
0x51: {  	s12 =	simm.s32 $0x4D00;
	[sflag:s31] =	ssyncadd.s32 $0xFFFFF800  }
0x52: {  	[spmem:s2] =	stream.indirect.scatter.add.f32 [tilespmem:s28], [sflag:$0x11], $0x10, s12, s17, $0xb8;
	[tilespmem:$0xB800] =	vst v63  }
0x53: {  	_ =	swait.ge [sflag:s14], $0x800  }
0x54: {  	[sflag:s14] =	ssyncset.done $0x0  }
0x55: {  	s13 =	simm.s32 $0x2580;
	[sflag:s14] =	ssyncadd.s32 $0xFFFFF800  }
0x56: {  	[tilespmem:s28], [sflag:$0x1] =	stream.indirect.gather [hbm4b:s4+s17], $0x10, s13, s17, $0xb8;
	[tilespmem:$0xB800] =	vst v63  }
0x57: {  	_ =	swait.ge [sflag:s31], $0x800  }
0x58: {  	[sflag:s31] =	ssyncset.done $0x0  }
.Ltmp3:
0x59: {  	s30 =	simm.s32 $0x4D80;
	[sflag:s31] =	ssyncadd.s32 $0xFFFFF800;
	(pc) =	sbr.rel .LBB2_6-.Ltmp3, $4  }
0x5a: {  	[spmem:s2] =	stream.indirect.scatter.add.f32 [tilespmem:s28], [sflag:$0x11], $0x10, s30, s17, $0xb8;
	[tilespmem:$0xB800] =	vst v63  }
0x5b: {  	_ =	swait.ge [sflag:s14], $0x800  }
0x5c: {  	[sflag:s14] =	ssyncset.done $0x0  }
0x5d: {  	[sflag:s14] =	ssyncadd.s32 $0xFFFFF800  }
.LBB2_3:
0x5e: {  	[bflag:$0x0] =	sbarrier.arrive $0xFFFF  }
.LBB2_6:
0x5f: {  	s12 =	simm.s32 $0x0  }
0x60: {  	[tilespmem:s28], [sflag:$0x1] =	stream.indirect.gather [hbm4b:s4+s17], $0x10, s12, s17, $0xb8;
	[tilespmem:$0xB800] =	vst v63  }
0x61: {  	_ = 	snop  }
0x62: {  	[tilespmem:s15], [sflag:$0x2] =	stream.indirect.gather [hbm4b:s4+s17], $0x10, s17, s17, $0xb8;
	[tilespmem:$0xB800] =	vst v63  }
0x63: {  	s3 =	simm.s32 $0x100  }
0x64: {  	[tilespmem:s19], [sflag:$0x3] =	stream.indirect.gather [hbm4b:s4+s17], $0x10, s3, s17, $0xb8;
	[tilespmem:$0xB800] =	vst v63  }
0x65: {  	s19 =	simm.s32 $0x180  }
0x66: {  	[tilespmem:s21], [sflag:$0x4] =	stream.indirect.gather [hbm4b:s4+s17], $0x10, s19, s17, $0xb8;
	[tilespmem:$0xB800] =	vst v63  }
0x67: {  	s21 =	simm.s32 $0x200  }
0x68: {  	[tilespmem:s23], [sflag:$0x5] =	stream.indirect.gather [hbm4b:s4+s17], $0x10, s21, s17, $0xb8;
	[tilespmem:$0xB800] =	vst v63  }
0x69: {  	s13 =	simm.s32 $0x7;
	s30 =	simm.s32 $0x7800;
	s23 =	simm.s32 $0x280  }
0x6a: {  	[tilespmem:s25], [sflag:$0x6] =	stream.indirect.gather [hbm4b:s4+s17], $0x10, s23, s17, $0xb8;
	[tilespmem:$0xB800] =	vst v63  }
0x6b: {  	s28 =	simm.s32 $0x7000;
	s21 =	simm.s32 $0x5800;
	s25 =	simm.s32 $0x300  }
0x6c: {  	[tilespmem:s18], [sflag:$0x7] =	stream.indirect.gather [hbm4b:s4+s17], $0x10, s25, s17, $0xb8;
	[tilespmem:$0xB800] =	vst v63  }
0x6d: {  	s23 =	simm.s32 $0x6000;
	s18 =	simm.s32 $0x8000;
	s25 =	simm.s32 $0x5000  }
.LBB2_7:
0x6e: {  	_ =	swait.ge [sflag:s31], $0x800  }
0x6f: {  	s14 =	sshra.s32 s12, $0x2;
	[sflag:s31] =	ssyncset.done $0x0  }
0x70: {  	p2 =	seq.s32 s12, $0x0;
	s3 =	sadd.s32 $0x2800, s14;
	[sflag:s31] =	ssyncadd.s32 $0xFFFFF800  }
0x71: {  	[spmem:s2] =	stream.indirect.scatter.add.f32 [tilespmem:s25], [sflag:$0x9], $0x10, s3, s17, $0xb8;
	[tilespmem:$0xB800] =	vst v63  }
0x72: {  	s3 =	simm.s32 @!p2 $0x10  }
0x73: {  	_ =	swait.ge @!p2 [sflag:s3], $0x800  }
0x74: {  	p3 =	sge.u32 s13, s5;
	[sflag:s3] =	ssyncset.done @!p2 $0x0  }
0x75: {  	[sflag:s3] =	ssyncadd.s32 @!p2 $0xFFFFF800;
	s3 =	sshra.s32 @!p3 s12, $0x2  }
0x76: {  	s15 =	simm.s32 @!p3 $0x80;
	s19 =	simm.s32 @!p3 $0x8800;
	s3 =	sadd.s32 @!p3 $0x380, s3  }
0x77: {  	[tilespmem:s19], [sflag:$0x8] =	stream.indirect.gather @!p3 [hbm4b:s4+s15], $0x10, s3, s15, $0xb8;
	[tilespmem:$0xB800] =	vst v63  }
0x78: {  	_ =	swait.ge [sflag:s1], $0x800  }
0x79: {  	[sflag:s1] =	ssyncset.done $0x0  }
0x7a: {  	s15 =	sadd.s32 $0x2880, s14;
	s19 =	sadd.s32 $0x1, s13;
	[sflag:s1] =	ssyncadd.s32 $0xFFFFF800  }
0x7b: {  	[spmem:s2] =	stream.indirect.scatter.add.f32 [tilespmem:s21], [sflag:$0xA], $0x10, s15, s17, $0xb8;
	[tilespmem:$0xB800] =	vst v63  }
0x7c: {  	p2 =	sge.u32 s19, s5;
	_ =	swait.ge [sflag:s0], $0x800  }
0x7d: {  	s3 =	sshra.s32 @!p2 s12, $0x2;
	s19 =	simm.s32 @!p2 $0x5000;
	[sflag:s0] =	ssyncset.done $0x0  }
0x7e: {  	s3 =	sadd.s32 @!p2 $0x400, s3;
	s15 =	simm.s32 @!p2 $0x80;
	[sflag:s0] =	ssyncadd.s32 $0xFFFFF800  }
0x7f: {  	[tilespmem:s19], [sflag:$0x1] =	stream.indirect.gather @!p2 [hbm4b:s4+s15], $0x10, s3, s15, $0xb8;
	[tilespmem:$0xB800] =	vst v63  }
0x80: {  	_ =	swait.ge [sflag:s8], $0x800  }
0x81: {  	[sflag:s8] =	ssyncset.done $0x0  }
0x82: {  	s15 =	sadd.s32 $0x2900, s14;
	s19 =	sadd.s32 $0x2, s13;
	[sflag:s8] =	ssyncadd.s32 $0xFFFFF800  }
0x83: {  	[spmem:s2] =	stream.indirect.scatter.add.f32 [tilespmem:s23], [sflag:$0xB], $0x10, s15, s17, $0xb8;
	[tilespmem:$0xB800] =	vst v63  }
0x84: {  	p2 =	sge.u32 s19, s5;
	_ =	swait.ge [sflag:s9], $0x800  }
0x85: {  	s3 =	sshra.s32 @!p2 s12, $0x2;
	s19 =	simm.s32 @!p2 $0x5800;
	[sflag:s9] =	ssyncset.done $0x0  }
0x86: {  	s3 =	sadd.s32 @!p2 $0x480, s3;
	s15 =	simm.s32 @!p2 $0x80;
	[sflag:s9] =	ssyncadd.s32 $0xFFFFF800  }
0x87: {  	[tilespmem:s19], [sflag:$0x2] =	stream.indirect.gather @!p2 [hbm4b:s4+s15], $0x10, s3, s15, $0xb8;
	[tilespmem:$0xB800] =	vst v63  }
0x88: {  	_ =	swait.ge [sflag:s16], $0x800  }
0x89: {  	[sflag:s16] =	ssyncset.done $0x0  }
0x8a: {  	s15 =	sadd.s32 $0x2980, s14;
	s19 =	simm.s32 $0x6800;
	[sflag:s16] =	ssyncadd.s32 $0xFFFFF800  }
0x8b: {  	[spmem:s2] =	stream.indirect.scatter.add.f32 [tilespmem:s19], [sflag:$0xC], $0x10, s15, s17, $0xb8;
	[tilespmem:$0xB800] =	vst v63  }
0x8c: {  	s19 =	sadd.s32 $0x3, s13  }
0x8d: {  	_ =	swait.ge [sflag:s20], $0x800;
	p2 =	sge.u32 s19, s5  }
0x8e: {  	[sflag:s20] =	ssyncset.done $0x0;
	s3 =	sshra.s32 @!p2 s12, $0x2;
	s15 =	simm.s32 @!p2 $0x80  }
0x8f: {  	s19 =	simm.s32 @!p2 $0x6000;
	[sflag:s20] =	ssyncadd.s32 $0xFFFFF800;
	s3 =	sadd.s32 @!p2 $0x500, s3  }
0x90: {  	[tilespmem:s19], [sflag:$0x3] =	stream.indirect.gather @!p2 [hbm4b:s4+s15], $0x10, s3, s15, $0xb8;
	[tilespmem:$0xB800] =	vst v63  }
0x91: {  	_ =	swait.ge [sflag:s22], $0x800  }
0x92: {  	[sflag:s22] =	ssyncset.done $0x0  }
0x93: {  	s15 =	sadd.s32 $0x2A00, s14;
	s19 =	sadd.s32 $0x4, s13;
	[sflag:s22] =	ssyncadd.s32 $0xFFFFF800  }
0x94: {  	[spmem:s2] =	stream.indirect.scatter.add.f32 [tilespmem:s28], [sflag:$0xD], $0x10, s15, s17, $0xb8;
	[tilespmem:$0xB800] =	vst v63  }
0x95: {  	p2 =	sge.u32 s19, s5;
	_ =	swait.ge [sflag:s24], $0x800  }
0x96: {  	s3 =	sshra.s32 @!p2 s12, $0x2;
	s19 =	simm.s32 @!p2 $0x6800;
	[sflag:s24] =	ssyncset.done $0x0  }
0x97: {  	s3 =	sadd.s32 @!p2 $0x580, s3;
	s15 =	simm.s32 @!p2 $0x80;
	[sflag:s24] =	ssyncadd.s32 $0xFFFFF800  }
0x98: {  	[tilespmem:s19], [sflag:$0x4] =	stream.indirect.gather @!p2 [hbm4b:s4+s15], $0x10, s3, s15, $0xb8;
	[tilespmem:$0xB800] =	vst v63  }
0x99: {  	_ =	swait.ge [sflag:s26], $0x800  }
0x9a: {  	[sflag:s26] =	ssyncset.done $0x0  }
0x9b: {  	s15 =	sadd.s32 $0x2A80, s14;
	s19 =	sadd.s32 $0x5, s13;
	[sflag:s26] =	ssyncadd.s32 $0xFFFFF800  }
0x9c: {  	[spmem:s2] =	stream.indirect.scatter.add.f32 [tilespmem:s30], [sflag:$0xE], $0x10, s15, s17, $0xb8;
	[tilespmem:$0xB800] =	vst v63  }
0x9d: {  	p2 =	sge.u32 s19, s5;
	_ =	swait.ge [sflag:s29], $0x800  }
0x9e: {  	s3 =	sshra.s32 @!p2 s12, $0x2;
	s19 =	simm.s32 @!p2 $0x7000;
	[sflag:s29] =	ssyncset.done $0x0  }
0x9f: {  	s3 =	sadd.s32 @!p2 $0x600, s3;
	s15 =	simm.s32 @!p2 $0x80;
	[sflag:s29] =	ssyncadd.s32 $0xFFFFF800  }
0xa0: {  	[tilespmem:s19], [sflag:$0x5] =	stream.indirect.gather @!p2 [hbm4b:s4+s15], $0x10, s3, s15, $0xb8;
	[tilespmem:$0xB800] =	vst v63  }
0xa1: {  	_ =	swait.ge [sflag:s6], $0x800  }
0xa2: {  	[sflag:s6] =	ssyncset.done $0x0  }
0xa3: {  	s15 =	sadd.s32 $0x2B00, s14;
	s19 =	sadd.s32 $0x6, s13;
	[sflag:s6] =	ssyncadd.s32 $0xFFFFF800  }
0xa4: {  	[spmem:s2] =	stream.indirect.scatter.add.f32 [tilespmem:s18], [sflag:$0xF], $0x10, s15, s17, $0xb8;
	[tilespmem:$0xB800] =	vst v63  }
0xa5: {  	p2 =	sge.u32 s19, s5;
	_ =	swait.ge [sflag:s7], $0x800  }
0xa6: {  	s3 =	sshra.s32 @!p2 s12, $0x2;
	s19 =	simm.s32 @!p2 $0x7800;
	[sflag:s7] =	ssyncset.done $0x0  }
0xa7: {  	s3 =	sadd.s32 @!p2 $0x680, s3;
	s15 =	simm.s32 @!p2 $0x80;
	[sflag:s7] =	ssyncadd.s32 $0xFFFFF800  }
0xa8: {  	[tilespmem:s19], [sflag:$0x6] =	stream.indirect.gather @!p2 [hbm4b:s4+s15], $0x10, s3, s15, $0xb8;
	[tilespmem:$0xB800] =	vst v63  }
0xa9: {  	_ =	swait.ge [sflag:s10], $0x800  }
0xaa: {  	s14 =	sadd.s32 $0x2B80, s14;
	s19 =	sadd.s32 $0x7, s13;
	[sflag:s10] =	ssyncset.done $0x0  }
0xab: {  	p2 =	sge.u32 s19, s5;
	s15 =	rddreg [dreg:$0x4];
	[sflag:s10] =	ssyncadd.s32 $0xFFFFF800  }
0xac: {  	[spmem:s2] =	stream.indirect.scatter.add.f32 [tilespmem:s15], [sflag:$0x10], $0x10, s14, s17, $0xb8;
	[tilespmem:$0xB800] =	vst v63  }
0xad: {  	s3 =	sshra.s32 @!p2 s12, $0x2;
	s12 =	sadd.s32 $0x1000, s12;
	_ =	swait.ge [sflag:s11], $0x800  }
0xae: {  	s3 =	sadd.s32 @!p2 $0x700, s3;
	s14 =	simm.s32 @!p2 $0x80;
	[sflag:s11] =	ssyncset.done $0x0  }
0xaf: {  	s15 =	simm.s32 @!p2 $0x8000;
	s19 =	rddreg [dreg:$0x3];
	[sflag:s11] =	ssyncadd.s32 $0xFFFFF800  }
0xb0: {  	[tilespmem:s15], [sflag:$0x7] =	stream.indirect.gather @!p2 [hbm4b:s4+s14], $0x10, s3, s14, $0xb8;
	[tilespmem:$0xB800] =	vst v63  }
0xb1: {  	p2 =	sne.s32 s19, s12  }
.Ltmp4:
0xb2: {  	_ = 	snop;
	(pc) =	sbr.rel @p2 .LBB2_7-.Ltmp4, $2  }
0xb3: {  	_ =	sdelay $0x2  }
0xb4: {  	s13 =	sadd.s32 $0x8, s13  }
0xb5: {  	s3 =	simm.s32 $0x10  }
0xb6: {  	_ =	swait.ge [sflag:s3], $0x800  }
0xb7: {  	[sflag:s3] =	ssyncset.done $0x0  }
0xb8: {  	[sflag:s3] =	ssyncadd.s32 $0xFFFFF800  }
0xb9: {  	[bflag:$0x0] =	sbarrier.arrive $0xFFFF  }
0xba: {  	s23 =	rddreg [dreg:$0x9]  }
0xbb: {  	s12 =	rddreg [dreg:$0xc]  }
0xbc: {  	s14 =	simm.s32 $0x11;
	s13 =	rddreg [dreg:$0xd]  }
0xbd: {  	[hbm:s23], [sflag:s12] =	dma.local [spmem:s13], $0x500  }
0xbe: {  	_ =	swait.ge [sflag:s14], $0x500  }
0xbf: {  	s30 =	rddreg [dreg:$0xe]  }
0xc0: {  	s25 =	rddreg [dreg:$0xa];
	s30 =	sadd.s32 $0x1, s30  }
0xc1: {  	p2 =	sne.s32 s30, s25  }
.Ltmp5:
0xc2: {  	_ = 	snop;
	(pc) =	sbr.rel @p2 .LBB2_1-.Ltmp5, $4  }
0xc3: {  	_ = 	snop  }
0xc4: {  	s15 =	simm.s32 $0x5800;
	s19 =	simm.s32 $0x6000;
	s21 =	simm.s32 $0x6800  }
0xc5: {  	s18 =	simm.s32 $0x8000;
	s28 =	simm.s32 $0x5000;
	[sflag:s14] =	ssyncset.done $0x0  }
0xc6: {  	s23 =	simm.s32 $0x7000;
	[sflag:s14] =	ssyncadd.s32 $0xFFFFFB00;
	s25 =	simm.s32 $0x7800  }
0xc7: {  	_ =	sfence.sel $0x180000  }
0xc8: {  	[bflag:$0x0] =	sbarrier.arrive $0xFFFF  }
0xc9: {  	_ =	strace $0x90000047  }
0xca: {  	s0 =	stileid.u32;
	[bflag:$0x2] =	sbarrier.arrive $0xFFFF  }
0xcb: {  	p0 =	sne.s32 s0, $0x0;
	s0 =	rddreg [dreg:$0x2]  }
0xcc: {  	s0 =	sadd.s32 @!p0 $0x100000, s0  }
0xcd: {  	[sflag:s0] =	ssyncadd.tile.s32 @!p0 $0x1;
	_ =	shalt  }
.Lfunc_end2:
_tile_overlayer_lowered:
.L_overlay_start_2:
0xce: {  	(tag) =	ssettag $0x2  }
0xcf: {  	s0 =	rddreg [dreg:$0x0];
	s2 =	stileid.u32  }
0xd0: {  	s1 =	rddreg [dreg:$0x1];
	p0 =	sne.s32 s2, $0x0  }
0xd1: {  	s3 =	rddreg [dreg:$0x2];
	[bflag:$0x3] =	sbarrier.arrive $0xFFFF;
	s2 =	simm.s32 @!p0 $0x1C11  }
0xd2: {  	[timem:s3], [sflag:s2] =	dma.local @!p0 [hbm:s0], s1  }
0xd3: {  	s0 =	simm.s32 @!p0 $0x11  }
0xd4: {  	_ =	swait.ge @!p0 [sflag:s0], s1  }
0xd5: {  	s1 =	ssub.s32 @!p0 $0x0, s1;
	[sflag:s0] =	ssyncset.done @!p0 $0x0  }
0xd6: {  	[sflag:s0] =	ssyncadd.s32 @!p0 s1  }
0xd7: {  	[bflag:$0x3] =	sbarrier.arrive $0xFFFF  }
0xd8: {  	_ =	shalt  }

</sc_bundles>
